<compile_context>
chip_gen: v7x
topology: tpu7x:2x2x1
jax: 0.10.2.dev20260603
libtpu: 0.0.44.dev20260713+nightly
codegen_flags: <defaults>
</compile_context>

<pallas_src>
import functools

import jax
import jax.numpy as jnp
from jax import lax
from jax.experimental import pallas as pl
from jax.experimental.pallas import tpu as pltpu
from jax.experimental.pallas import tpu_sc as plsc

N = 50000
H = 128
E = 120000

BM = 10000
GRID = N // BM
NT = 16
E2 = 122880
EPT = E2 // NT
NCH = 120
G = EPT // NCH
NPAD = 50176
RR = NPAD // 4
TRASH = 256
ZC = 28

_f32 = jnp.float32


HCH = NCH // 3


def _sc_aggr_body(h_hbm, ed_hbm, aggr, acc, ed_v, idxm, ga, gb,
                  sga, sgb, ssa, ssb):
    cid = lax.axis_index("c")
    tid = lax.axis_index("s")
    zrow0 = tid * (RR // NT)

    def _wait(sem, buf):
        pltpu.make_async_copy(h_hbm.at[pl.ds(0, G)], buf, sem).wait()

    def _remap(j, b, base):
        @pl.loop(0, G // 16)
        def _g(g):
            d = ed_v[j, pl.ds(G + g * 16, 16)]
            m = (d >= base) & (d < base + RR)
            t = RR + ((j * G + g * 16 + lax.iota(jnp.int32, 16)) & (TRASH - 1))
            idxm[b, pl.ds(g * 16, 16)] = jnp.where(m, d - base, t)

    for p in range(2):
        base = (2 * cid + p) * RR

        @pl.loop(0, ZC)
        def _zfill(r):
            for k in range(8):
                ga[r, pl.ds(k * 16, 16)] = jnp.zeros((16,), _f32)

        @pl.loop(0, RR // NT // ZC)
        def _zero(z):
            pltpu.sync_copy(ga.at[pl.ds(0, ZC)],
                            acc.at[pl.ds(zrow0 + z * ZC, ZC)])

        plsc.subcore_barrier()

        for half in range(3):
            pltpu.sync_copy(ed_hbm.at[tid, pl.ds(half * HCH, HCH)], ed_v)
            pltpu.async_copy(h_hbm.at[ed_v.at[0, pl.ds(0, G)]], ga, sga)

            @pl.loop(0, HCH // 2)
            def _pair(q):
                j0 = 2 * q
                j1 = 2 * q + 1
                _remap(j0, 0, base)

                @pl.when(q > 0)
                def _():
                    _wait(ssb, gb)

                pltpu.async_copy(h_hbm.at[ed_v.at[j1, pl.ds(0, G)]], gb, sgb)
                _wait(sga, ga)
                pltpu.async_copy(ga, acc.at[idxm.at[0]], ssa, add=True)
                _remap(j1, 1, base)
                _wait(ssa, ga)

                @pl.when(q < HCH // 2 - 1)
                def _():
                    pltpu.async_copy(
                        h_hbm.at[ed_v.at[j0 + 2, pl.ds(0, G)]], ga, sga)

                _wait(sgb, gb)
                pltpu.async_copy(gb, acc.at[idxm.at[1]], ssb, add=True)

            _wait(ssb, gb)

        plsc.subcore_barrier()
        pltpu.sync_copy(acc.at[pl.ds(tid * (RR // NT), RR // NT)],
                        aggr.at[pl.ds(base + tid * (RR // NT), RR // NT)])
        plsc.subcore_barrier()


def _sc_aggr(h, ed):
    mesh = plsc.VectorSubcoreMesh(core_axis_name="c", subcore_axis_name="s",
                                  num_cores=2, num_subcores=NT)
    fn = pl.kernel(
        _sc_aggr_body,
        out_type=jax.ShapeDtypeStruct((NPAD, H), _f32),
        mesh=mesh,
        scratch_types=[
            pltpu.VMEM_SHARED((RR + TRASH, H), _f32),
            pltpu.VMEM((HCH, 2 * G), jnp.int32),
            pltpu.VMEM((2, G), jnp.int32),
            pltpu.VMEM((G, H), _f32),
            pltpu.VMEM((G, H), _f32),
            pltpu.SemaphoreType.DMA,
            pltpu.SemaphoreType.DMA,
            pltpu.SemaphoreType.DMA,
            pltpu.SemaphoreType.DMA,
        ],
    )
    return fn(h, ed)


_CP = pltpu.CompilerParams(dimension_semantics=("arbitrary",))


def _proj_body(x_ref, w_ref, b_ref, o_ref):
    o_ref[...] = (jnp.dot(x_ref[...], w_ref[...], preferred_element_type=_f32)
                  + b_ref[0:1, :])


def _proj(x, wpt, bp):
    return pl.pallas_call(
        _proj_body,
        grid=(GRID,),
        in_specs=[
            pl.BlockSpec((BM, H), lambda i: (i, 0)),
            pl.BlockSpec((H, H), lambda i: (0, 0)),
            pl.BlockSpec((8, H), lambda i: (0, 0)),
        ],
        out_specs=pl.BlockSpec((BM, H), lambda i: (i, 0)),
        out_shape=jax.ShapeDtypeStruct((NPAD, H), _f32),
        compiler_params=_CP,
    )(x, wpt, bp)


def _p1_body(e_ref, h_ref, a_ref, w_ref, u_ref, st_ref):
    i = pl.program_id(0)
    comb = e_ref[0, 0] * h_ref[...] + a_ref[...]
    u = jnp.dot(comb, w_ref[...], preferred_element_type=_f32)
    u_ref[...] = u
    s = jnp.sum(u, axis=0, keepdims=True)
    q = jnp.sum(u * u, axis=0, keepdims=True)
    st = jnp.concatenate([s, q, jnp.zeros((6, H), _f32)], axis=0)

    @pl.when(i == 0)
    def _():
        st_ref[...] = st

    @pl.when(i > 0)
    def _():
        st_ref[...] = st_ref[...] + st


def _p1(one_eps, h, aggr, w1t):
    return pl.pallas_call(
        _p1_body,
        grid=(GRID,),
        in_specs=[
            pl.BlockSpec(memory_space=pltpu.SMEM),
            pl.BlockSpec((BM, H), lambda i: (i, 0)),
            pl.BlockSpec((BM, H), lambda i: (i, 0)),
            pl.BlockSpec((H, H), lambda i: (0, 0)),
        ],
        out_specs=[
            pl.BlockSpec((BM, H), lambda i: (i, 0)),
            pl.BlockSpec((8, H), lambda i: (0, 0)),
        ],
        out_shape=[
            jax.ShapeDtypeStruct((N, H), _f32),
            jax.ShapeDtypeStruct((8, H), _f32),
        ],
        compiler_params=_CP,
    )(one_eps, h, aggr, w1t)


def _p2_body(u_ref, st1_ref, g_ref, be_ref, w_ref, o_ref, st_ref):
    i = pl.program_id(0)
    m = st1_ref[0:1, :] * (1.0 / N)
    v = st1_ref[1:2, :] * (1.0 / N) - m * m
    scale = g_ref[0:1, :] * lax.rsqrt(v + 1e-5)
    shift = be_ref[0:1, :] - m * scale
    r = jnp.maximum(u_ref[...] * scale + shift, 0.0)
    u2 = jnp.dot(r, w_ref[...], preferred_element_type=_f32)
    o_ref[...] = u2
    s = jnp.sum(u2, axis=0, keepdims=True)
    q = jnp.sum(u2 * u2, axis=0, keepdims=True)
    st = jnp.concatenate([s, q, jnp.zeros((6, H), _f32)], axis=0)

    @pl.when(i == 0)
    def _():
        st_ref[...] = st

    @pl.when(i > 0)
    def _():
        st_ref[...] = st_ref[...] + st


def _p2(u1, st1, g1b, be1b, w2t):
    return pl.pallas_call(
        _p2_body,
        grid=(GRID,),
        in_specs=[
            pl.BlockSpec((BM, H), lambda i: (i, 0)),
            pl.BlockSpec((8, H), lambda i: (0, 0)),
            pl.BlockSpec((8, H), lambda i: (0, 0)),
            pl.BlockSpec((8, H), lambda i: (0, 0)),
            pl.BlockSpec((H, H), lambda i: (0, 0)),
        ],
        out_specs=[
            pl.BlockSpec((BM, H), lambda i: (i, 0)),
            pl.BlockSpec((8, H), lambda i: (0, 0)),
        ],
        out_shape=[
            jax.ShapeDtypeStruct((N, H), _f32),
            jax.ShapeDtypeStruct((8, H), _f32),
        ],
        compiler_params=_CP,
    )(u1, st1, g1b, be1b, w2t)


def _combine_body(pa_ref, h_ref, v_ref, st2_ref, g_ref, be_ref, o_ref, *,
                  prelu):
    m = st2_ref[0:1, :] * (1.0 / N)
    v = st2_ref[1:2, :] * (1.0 / N) - m * m
    scale = g_ref[0:1, :] * lax.rsqrt(v + 1e-5)
    shift = be_ref[0:1, :] - m * scale
    x = h_ref[...] + v_ref[...] * scale + shift
    if prelu:
        x = jnp.where(x > 0, x, pa_ref[0, 0] * x)
    o_ref[...] = x


def _combine(pa, h, u2, st2, g2b, be2b, prelu):
    return pl.pallas_call(
        functools.partial(_combine_body, prelu=prelu),
        grid=(GRID,),
        in_specs=[pl.BlockSpec(memory_space=pltpu.SMEM)]
        + [pl.BlockSpec((BM, H), lambda i: (i, 0)) for _ in range(2)]
        + [pl.BlockSpec((8, H), lambda i: (0, 0)) for _ in range(3)],
        out_specs=pl.BlockSpec((BM, H), lambda i: (i, 0)),
        out_shape=jax.ShapeDtypeStruct((NPAD, H), _f32),
        compiler_params=_CP,
    )(pa, h, u2, st2, g2b, be2b)


def _out_body(h_ref, w1_ref, b1_ref, w2_ref, b2_ref, o_ref):
    t = jnp.dot(h_ref[...], w1_ref[...], preferred_element_type=_f32)
    t = jnp.maximum(t + b1_ref[0:1, :], 0.0)
    o_ref[...] = jnp.dot(t, w2_ref[...], preferred_element_type=_f32) + b2_ref[0:1, :]


def _outmlp(h, o1t, ob1, o2t, ob2):
    return pl.pallas_call(
        _out_body,
        grid=(GRID,),
        in_specs=[
            pl.BlockSpec((BM, H), lambda i: (i, 0)),
            pl.BlockSpec((H, H), lambda i: (0, 0)),
            pl.BlockSpec((8, H), lambda i: (0, 0)),
            pl.BlockSpec((H, H), lambda i: (0, 0)),
            pl.BlockSpec((8, H), lambda i: (0, 0)),
        ],
        out_specs=pl.BlockSpec((BM, H), lambda i: (i, 0)),
        out_shape=jax.ShapeDtypeStruct((N, H), _f32),
        compiler_params=_CP,
    )(h, o1t, ob1, o2t, ob2)


def kernel(x_user, x_question, x_answer, ei_asks, ei_answers, ei_contains,
           ei_rates, ei_similar, Wp_user, bp_user, Wp_question, bp_question,
           Wp_answer, bp_answer, mlp_W1, mlp_b1, mlp_g1, mlp_be1, mlp_W2,
           mlp_b2, mlp_g2, mlp_be2, epsilon, prelu_a, out_W1, out_b1,
           out_W2, out_b2):
    one_eps = (1.0 + epsilon).astype(_f32).reshape(1, 1)
    pa = prelu_a.astype(_f32).reshape(1, 1)

    wpt = Wp_user.T
    bp = jnp.broadcast_to(bp_user[None, :], (8, H))
    w1t = mlp_W1[4].T
    w2t = mlp_W2[4].T
    g1b = jnp.broadcast_to(mlp_g1[4][None, :], (8, H))
    be1b = jnp.broadcast_to(mlp_be1[4][None, :], (8, H))
    g2b = jnp.broadcast_to(mlp_g2[4][None, :], (8, H))
    be2b = jnp.broadcast_to(mlp_be2[4][None, :], (8, H))
    o1t = out_W1.T
    ob1 = jnp.broadcast_to(out_b1[None, :], (8, H))
    o2t = out_W2.T
    ob2 = jnp.broadcast_to(out_b2[None, :], (8, H))

    pad = E2 - E
    src_p = jnp.concatenate([ei_similar[0], jnp.arange(pad, dtype=jnp.int32)])
    dst_p = jnp.concatenate(
        [ei_similar[1], jnp.full((pad,), NPAD, jnp.int32)])
    ed = jnp.concatenate([src_p.reshape(NT, NCH, G),
                          dst_p.reshape(NT, NCH, G)], axis=-1)

    h = _proj(x_user, wpt, bp)

    for layer in range(2):
        aggr = _sc_aggr(h, ed)
        u1, st1 = _p1(one_eps, h, aggr, w1t)
        u2, st2 = _p2(u1, st1, g1b, be1b, w2t)
        h = _combine(pa, h, u2, st2, g2b, be2b, prelu=(layer == 0))

    return _outmlp(h, o1t, ob1, o2t, ob2)

# --- scband reference (transcript-rebuilt; emitter-appended) ---
"""Pipeline reference for scband-contrastive-hetero-model-12996571038509 (READ-ONLY COPY).

The authoritative reference and input builder live on the scoring server;
editing this copy changes nothing except your own understanding.
"""

import jax, jax.numpy as jnp
import numpy as np

N = 50000
D = 128
H = 128
O = 128
E = 120000


def setup_inputs(seed: int = 0):
    key = jax.random.key(seed)
    ks = iter(jax.random.split(key, 48))
    def nrm(shape, s=0.05):
        return jax.random.normal(next(ks), shape, dtype=jnp.float32) * s
    inp = {}
    inp["x_user"] = jax.random.normal(next(ks), (N, D), dtype=jnp.float32)
    inp["x_question"] = jax.random.normal(next(ks), (N, D), dtype=jnp.float32)
    inp["x_answer"] = jax.random.normal(next(ks), (N, D), dtype=jnp.float32)
    for name in ["ei_asks", "ei_answers", "ei_contains", "ei_rates", "ei_similar"]:
        inp[name] = jax.random.randint(next(ks), (2, E), 0, N, dtype=jnp.int32)
    for nt in ["user", "question", "answer"]:
        inp["Wp_" + nt] = nrm((H, D))
        inp["bp_" + nt] = jnp.zeros((H,), jnp.float32)
    inp["mlp_W1"] = nrm((5, H, H))
    inp["mlp_b1"] = jnp.zeros((5, H), jnp.float32)
    inp["mlp_g1"] = jnp.ones((5, H), jnp.float32)
    inp["mlp_be1"] = jnp.zeros((5, H), jnp.float32)
    inp["mlp_W2"] = nrm((5, H, H))
    inp["mlp_b2"] = jnp.zeros((5, H), jnp.float32)
    inp["mlp_g2"] = jnp.ones((5, H), jnp.float32)
    inp["mlp_be2"] = jnp.zeros((5, H), jnp.float32)
    inp["epsilon"] = jnp.array(0.1, jnp.float32)
    inp["prelu_a"] = jnp.array(0.25, jnp.float32)
    inp["out_W1"] = nrm((H, H))
    inp["out_b1"] = jnp.zeros((H,), jnp.float32)
    inp["out_W2"] = nrm((O, H))
    inp["out_b2"] = jnp.zeros((O,), jnp.float32)
    return inp


def _bn(x, g, b):
    # BatchNorm1d in training mode: batch mean / biased batch variance
    m = jnp.mean(x, axis=0)
    v = jnp.mean((x - m) ** 2, axis=0)
    return (x - m) / jnp.sqrt(v + 1e-5) * g + b


def _forward(x_user, x_question, x_answer, Wp_user, bp_user, Wp_question, bp_question, Wp_answer, bp_answer, mlp_W1, mlp_b1, mlp_g1, mlp_be1, mlp_W2, mlp_b2, mlp_g2, mlp_be2, epsilon, prelu_a, out_W1, out_b1, out_W2, out_b2, edges):
    h = {"user": x_user @ Wp_user.T + bp_user,
         "question": x_question @ Wp_question.T + bp_question,
         "answer": x_answer @ Wp_answer.T + bp_answer}
    et = [("user", "question"), ("user", "question"), ("question", "answer"), ("user", "answer"), ("user", "user")]
    for layer in range(2):
        new_h = {t: h[t] for t in h}
        for i, (st, dt) in enumerate(et):
            src = edges[i][0]
            dst = edges[i][1]
            aggr = jnp.zeros_like(h[dt]).at[dst].add(h[st][src])
            comb = (1.0 + epsilon) * h[dt] + aggr
            u = comb @ mlp_W1[i].T + mlp_b1[i]
            u = jax.nn.relu(_bn(u, mlp_g1[i], mlp_be1[i]))
            u = u @ mlp_W2[i].T + mlp_b2[i]
            u = _bn(u, mlp_g2[i], mlp_be2[i])
            new_h[dt] = new_h[dt] + u
        if layer < 1:
            new_h = {t: jnp.where(v > 0, v, prelu_a * v) for t, v in new_h.items()}
        h = new_h
    hu = h["user"]
    return jax.nn.relu(hu @ out_W1.T + out_b1) @ out_W2.T + out_b2


def reference(x_user, x_question, x_answer, ei_asks, ei_answers, ei_contains, ei_rates, ei_similar, Wp_user, bp_user, Wp_question, bp_question, Wp_answer, bp_answer, mlp_W1, mlp_b1, mlp_g1, mlp_be1, mlp_W2, mlp_b2, mlp_g2, mlp_be2, epsilon, prelu_a, out_W1, out_b1, out_W2, out_b2):
    edges = [ei_asks, ei_answers, ei_contains, ei_rates, ei_similar]
    return _forward(x_user, x_question, x_answer, Wp_user, bp_user, Wp_question, bp_question, Wp_answer, bp_answer, mlp_W1, mlp_b1, mlp_g1, mlp_be1, mlp_W2, mlp_b2, mlp_g2, mlp_be2, epsilon, prelu_a, out_W1, out_b1, out_W2, out_b2, edges)

if __name__ == "__main__":
    import jax
    _d = setup_inputs()
    print(jax.jit(kernel)(*tuple(_d.values())))

</pallas_src>

<mosaic_0001>
#map = affine_map<(d0, d1) -> (0, 0)>
#map1 = affine_map<(d0, d1) -> (0, 0, 0)>
module attributes {stable_mosaic.version = 14 : i64} {
  func.func @_sc_aggr_body(%arg0: i32, %arg1: i32, %arg2: memref<50176x128xf32, #tpu.memory_space<hbm>>, %arg3: memref<16x120x128xi32, #tpu.memory_space<hbm>>, %arg4: memref<50176x128xf32, #tpu.memory_space<hbm>>, %arg5: memref<12800x128xf32, #tpu.memory_space<vmem_shared>>, %arg6: memref<40x128xi32, #tpu.memory_space<vmem>>, %arg7: memref<2x64xi32, #tpu.memory_space<vmem>>, %arg8: memref<64x128xf32, #tpu.memory_space<vmem>>, %arg9: memref<64x128xf32, #tpu.memory_space<vmem>>, %arg10: memref<!tpu.dma_semaphore, #tpu.memory_space<semaphore_mem>>, %arg11: memref<!tpu.dma_semaphore, #tpu.memory_space<semaphore_mem>>, %arg12: memref<!tpu.dma_semaphore, #tpu.memory_space<semaphore_mem>>, %arg13: memref<!tpu.dma_semaphore, #tpu.memory_space<semaphore_mem>>) attributes {dimension_semantics = [#tpu.dimension_semantics<core_parallel>, #tpu.dimension_semantics<subcore_parallel>], iteration_bounds = array<i64: 2, 16>, scalar_prefetch = 0 : i64, scratch_operands = 9 : i64, tpu.core_type = #tpu.core_type<sc_vector_subcore>, window_params = [{transform_indices = #map}, {transform_indices = #map1}, {transform_indices = #map}]} {
    %mul3A = arith.constant 784 : i32
    %mul3A_0 = arith.muli %arg1, %mul3A : i32
    %mul3A_1 = arith.constant 2 : i32
    %mul3A_2 = arith.muli %mul3A_1, %arg0 : i32
    %add3A = arith.constant 0 : i32
    %add3A_3 = arith.addi %mul3A_2, %add3A : i32
    %mul3A_4 = arith.constant 12544 : i32
    %mul3A_5 = arith.muli %add3A_3, %mul3A_4 : i32
    %scan3A = arith.constant 0 : i32
    %scan3A_6 = arith.constant 28 : i32
    %scan3A_7 = arith.addi %scan3A, %scan3A_6 : i32
    %scan3A_8 = arith.constant 1 : i32
    scf.for %scan3A_152 = %scan3A to %scan3A_7 step %scan3A_8  : i32 {
      %mul3A_153 = arith.constant 1 : i32
      %mul3A_154 = arith.muli %scan3A_152, %mul3A_153 : i32
      %add3A_155 = arith.constant 0 : i32
      %add3A_156 = arith.addi %add3A_155, %mul3A_154 : i32
      %broadcast_in_dim3A = arith.constant 0.000000e+00 : f32
      %broadcast_in_dim3A_157 = vector.broadcast %broadcast_in_dim3A : f32 to vector<16xf32>
      %swap3A = arith.index_cast %add3A_156 : i32 to index
      %swap3A_158 = arith.constant 0 : index
      %swap3A_159 = tpu.vector_load %arg8[%swap3A, %swap3A_158] {strides = array<i32>} : memref<64x128xf32, #tpu.memory_space<vmem>>, vector<1x16xf32>,
      %swap3A_160 = vector.shape_cast %swap3A_159 : vector<1x16xf32> to vector<16xf32>
      %swap3A_161 = vector.shape_cast %broadcast_in_dim3A_157 : vector<16xf32> to vector<1x16xf32>
      tpu.vector_store %arg8[%swap3A, %swap3A_158], %swap3A_161 {strides = array<i32>} : memref<64x128xf32, #tpu.memory_space<vmem>>, vector<1x16xf32>,
      %broadcast_in_dim3A_162 = arith.constant 0.000000e+00 : f32
      %broadcast_in_dim3A_163 = vector.broadcast %broadcast_in_dim3A_162 : f32 to vector<16xf32>
      %swap3A_164 = arith.index_cast %add3A_156 : i32 to index
      %swap3A_165 = arith.constant 16 : index
      %swap3A_166 = tpu.vector_load %arg8[%swap3A_164, %swap3A_165] {strides = array<i32>} : memref<64x128xf32, #tpu.memory_space<vmem>>, vector<1x16xf32>,
      %swap3A_167 = vector.shape_cast %swap3A_166 : vector<1x16xf32> to vector<16xf32>
      %swap3A_168 = vector.shape_cast %broadcast_in_dim3A_163 : vector<16xf32> to vector<1x16xf32>
      tpu.vector_store %arg8[%swap3A_164, %swap3A_165], %swap3A_168 {strides = array<i32>} : memref<64x128xf32, #tpu.memory_space<vmem>>, vector<1x16xf32>,
      %broadcast_in_dim3A_169 = arith.constant 0.000000e+00 : f32
      %broadcast_in_dim3A_170 = vector.broadcast %broadcast_in_dim3A_169 : f32 to vector<16xf32>
      %swap3A_171 = arith.index_cast %add3A_156 : i32 to index
      %swap3A_172 = arith.constant 32 : index
      %swap3A_173 = tpu.vector_load %arg8[%swap3A_171, %swap3A_172] {strides = array<i32>} : memref<64x128xf32, #tpu.memory_space<vmem>>, vector<1x16xf32>,
      %swap3A_174 = vector.shape_cast %swap3A_173 : vector<1x16xf32> to vector<16xf32>
      %swap3A_175 = vector.shape_cast %broadcast_in_dim3A_170 : vector<16xf32> to vector<1x16xf32>
      tpu.vector_store %arg8[%swap3A_171, %swap3A_172], %swap3A_175 {strides = array<i32>} : memref<64x128xf32, #tpu.memory_space<vmem>>, vector<1x16xf32>,
      %broadcast_in_dim3A_176 = arith.constant 0.000000e+00 : f32
      %broadcast_in_dim3A_177 = vector.broadcast %broadcast_in_dim3A_176 : f32 to vector<16xf32>
      %swap3A_178 = arith.index_cast %add3A_156 : i32 to index
      %swap3A_179 = arith.constant 48 : index
      %swap3A_180 = tpu.vector_load %arg8[%swap3A_178, %swap3A_179] {strides = array<i32>} : memref<64x128xf32, #tpu.memory_space<vmem>>, vector<1x16xf32>,
      %swap3A_181 = vector.shape_cast %swap3A_180 : vector<1x16xf32> to vector<16xf32>
      %swap3A_182 = vector.shape_cast %broadcast_in_dim3A_177 : vector<16xf32> to vector<1x16xf32>
      tpu.vector_store %arg8[%swap3A_178, %swap3A_179], %swap3A_182 {strides = array<i32>} : memref<64x128xf32, #tpu.memory_space<vmem>>, vector<1x16xf32>,
      %broadcast_in_dim3A_183 = arith.constant 0.000000e+00 : f32
      %broadcast_in_dim3A_184 = vector.broadcast %broadcast_in_dim3A_183 : f32 to vector<16xf32>
      %swap3A_185 = arith.index_cast %add3A_156 : i32 to index
      %swap3A_186 = arith.constant 64 : index
      %swap3A_187 = tpu.vector_load %arg8[%swap3A_185, %swap3A_186] {strides = array<i32>} : memref<64x128xf32, #tpu.memory_space<vmem>>, vector<1x16xf32>,
      %swap3A_188 = vector.shape_cast %swap3A_187 : vector<1x16xf32> to vector<16xf32>
      %swap3A_189 = vector.shape_cast %broadcast_in_dim3A_184 : vector<16xf32> to vector<1x16xf32>
      tpu.vector_store %arg8[%swap3A_185, %swap3A_186], %swap3A_189 {strides = array<i32>} : memref<64x128xf32, #tpu.memory_space<vmem>>, vector<1x16xf32>,
      %broadcast_in_dim3A_190 = arith.constant 0.000000e+00 : f32
      %broadcast_in_dim3A_191 = vector.broadcast %broadcast_in_dim3A_190 : f32 to vector<16xf32>
      %swap3A_192 = arith.index_cast %add3A_156 : i32 to index
      %swap3A_193 = arith.constant 80 : index
      %swap3A_194 = tpu.vector_load %arg8[%swap3A_192, %swap3A_193] {strides = array<i32>} : memref<64x128xf32, #tpu.memory_space<vmem>>, vector<1x16xf32>,
      %swap3A_195 = vector.shape_cast %swap3A_194 : vector<1x16xf32> to vector<16xf32>
      %swap3A_196 = vector.shape_cast %broadcast_in_dim3A_191 : vector<16xf32> to vector<1x16xf32>
      tpu.vector_store %arg8[%swap3A_192, %swap3A_193], %swap3A_196 {strides = array<i32>} : memref<64x128xf32, #tpu.memory_space<vmem>>, vector<1x16xf32>,
      %broadcast_in_dim3A_197 = arith.constant 0.000000e+00 : f32
      %broadcast_in_dim3A_198 = vector.broadcast %broadcast_in_dim3A_197 : f32 to vector<16xf32>
      %swap3A_199 = arith.index_cast %add3A_156 : i32 to index
      %swap3A_200 = arith.constant 96 : index
      %swap3A_201 = tpu.vector_load %arg8[%swap3A_199, %swap3A_200] {strides = array<i32>} : memref<64x128xf32, #tpu.memory_space<vmem>>, vector<1x16xf32>,
      %swap3A_202 = vector.shape_cast %swap3A_201 : vector<1x16xf32> to vector<16xf32>
      %swap3A_203 = vector.shape_cast %broadcast_in_dim3A_198 : vector<16xf32> to vector<1x16xf32>
      tpu.vector_store %arg8[%swap3A_199, %swap3A_200], %swap3A_203 {strides = array<i32>} : memref<64x128xf32, #tpu.memory_space<vmem>>, vector<1x16xf32>,
      %broadcast_in_dim3A_204 = arith.constant 0.000000e+00 : f32
      %broadcast_in_dim3A_205 = vector.broadcast %broadcast_in_dim3A_204 : f32 to vector<16xf32>
      %swap3A_206 = arith.index_cast %add3A_156 : i32 to index
      %swap3A_207 = arith.constant 112 : index
      %swap3A_208 = tpu.vector_load %arg8[%swap3A_206, %swap3A_207] {strides = array<i32>} : memref<64x128xf32, #tpu.memory_space<vmem>>, vector<1x16xf32>,
      %swap3A_209 = vector.shape_cast %swap3A_208 : vector<1x16xf32> to vector<16xf32>
      %swap3A_210 = vector.shape_cast %broadcast_in_dim3A_205 : vector<16xf32> to vector<1x16xf32>
      tpu.vector_store %arg8[%swap3A_206, %swap3A_207], %swap3A_210 {strides = array<i32>} : memref<64x128xf32, #tpu.memory_space<vmem>>, vector<1x16xf32>,
    }
    %scan3A_9 = arith.constant 28 : i32
    %scan3A_10 = arith.constant 0 : i32
    %scan3A_11 = arith.constant 28 : i32
    %scan3A_12 = arith.addi %scan3A_10, %scan3A_11 : i32
    %scan3A_13 = arith.constant 1 : i32
    scf.for %scan3A_152 = %scan3A_10 to %scan3A_12 step %scan3A_13  : i32 {
      %mul3A_153 = arith.constant 1 : i32
      %mul3A_154 = arith.muli %scan3A_152, %mul3A_153 : i32
      %add3A_155 = arith.constant 0 : i32
      %add3A_156 = arith.addi %add3A_155, %mul3A_154 : i32
      %mul3A_157 = arith.constant 28 : i32
      %mul3A_158 = arith.muli %add3A_156, %mul3A_157 : i32
      %add3A_159 = arith.addi %mul3A_0, %mul3A_158 : i32
      "tpu.region"() ({
        %run_scoped3A = tpu.sem_alloc : memref<!tpu.dma_semaphore, #tpu.memory_space<semaphore_mem>>
        %dma_start3A_160 = arith.constant 0 : i32
        %dma_start3A_161 = arith.constant 0 : i32
        %dma_start3A_162 = tpu.memref_slice %arg8[%dma_start3A_160, %dma_start3A_161] : memref<64x128xf32, #tpu.memory_space<vmem>> -> memref<28x128xf32, #tpu.memory_space<vmem>>
        %dma_start3A_163 = arith.constant 0 : i32
        %dma_start3A_164 = tpu.memref_slice %arg5[%add3A_159, %dma_start3A_163] : memref<12800x128xf32, #tpu.memory_space<vmem_shared>> -> memref<28x128xf32, #tpu.memory_space<vmem_shared>>
        %dma_start3A_165 = arith.constant 0 : i32
        %dma_start3A_166 = tpu.memref_slice %arg5[%add3A_159, %dma_start3A_165] : memref<12800x128xf32, #tpu.memory_space<vmem_shared>> -> memref<28x128xf32, #tpu.memory_space<vmem_shared>>
        %dma_start3A_167 = arith.constant 0 : i32
        %dma_start3A_168 = arith.constant 0 : i32
        %dma_start3A_169 = tpu.memref_slice %arg8[%dma_start3A_167, %dma_start3A_168] : memref<64x128xf32, #tpu.memory_space<vmem>> -> memref<28x128xf32, #tpu.memory_space<vmem>>
        tpu.enqueue_dma source(%dma_start3A_169 : memref<28x128xf32, #tpu.memory_space<vmem>>) target(%dma_start3A_166 : memref<28x128xf32, #tpu.memory_space<vmem_shared>>) target_semaphore(%run_scoped3A : memref<!tpu.dma_semaphore, #tpu.memory_space<semaphore_mem>>)
        %dma_wait3A_170 = arith.constant 0 : i32
        %dma_wait3A_171 = arith.constant 0 : i32
        %dma_wait3A_172 = tpu.memref_slice %arg8[%dma_wait3A_170, %dma_wait3A_171] : memref<64x128xf32, #tpu.memory_space<vmem>> -> memref<28x128xf32, #tpu.memory_space<vmem>>
        %dma_wait3A_173 = arith.constant 0 : i32
        %dma_wait3A_174 = tpu.memref_slice %arg5[%add3A_159, %dma_wait3A_173] : memref<12800x128xf32, #tpu.memory_space<vmem_shared>> -> memref<28x128xf32, #tpu.memory_space<vmem_shared>>
        %dma_wait3A_175 = arith.constant 0 : i32
        %dma_wait3A_176 = tpu.memref_slice %arg5[%add3A_159, %dma_wait3A_175] : memref<12800x128xf32, #tpu.memory_space<vmem_shared>> -> memref<28x128xf32, #tpu.memory_space<vmem_shared>>
        %dma_wait3A_177 = arith.constant 0 : i32
        %dma_wait3A_178 = arith.constant 0 : i32
        %dma_wait3A_179 = tpu.memref_slice %arg8[%dma_wait3A_177, %dma_wait3A_178] : memref<64x128xf32, #tpu.memory_space<vmem>> -> memref<28x128xf32, #tpu.memory_space<vmem>>
        tpu.wait_dma2 semaphore(%run_scoped3A : memref<!tpu.dma_semaphore, #tpu.memory_space<semaphore_mem>>) src(%dma_wait3A_179 : memref<28x128xf32, #tpu.memory_space<vmem>>) dst(%dma_wait3A_176 : memref<28x128xf32, #tpu.memory_space<vmem_shared>>)
        tpu.yield
      }) : () -> ()
    }
    %scan3A_14 = arith.constant 28 : i32
    %barrier3A = arith.constant 0 : index
    tpu.barrier barrier_id(%barrier3A)
    "tpu.region"() ({
      %run_scoped3A = tpu.sem_alloc : memref<!tpu.dma_semaphore, #tpu.memory_space<semaphore_mem>>
      %dma_start3A_152 = arith.constant 0 : i32
      %dma_start3A_153 = arith.constant 0 : i32
      %dma_start3A_154 = tpu.memref_slice %arg3[%arg1, %dma_start3A_152, %dma_start3A_153] : memref<16x120x128xi32, #tpu.memory_space<hbm>> -> memref<1x40x128xi32, #tpu.memory_space<hbm>>
      %dma_start3A_155 = tpu.memref_squeeze %dma_start3A_154 : memref<1x40x128xi32, #tpu.memory_space<hbm>> -> memref<40x128xi32, #tpu.memory_space<hbm>>
      %dma_start3A_156 = arith.constant 0 : i32
      %dma_start3A_157 = arith.constant 0 : i32
      %dma_start3A_158 = tpu.memref_slice %arg3[%arg1, %dma_start3A_156, %dma_start3A_157] : memref<16x120x128xi32, #tpu.memory_space<hbm>> -> memref<1x40x128xi32, #tpu.memory_space<hbm>>
      %dma_start3A_159 = tpu.memref_squeeze %dma_start3A_158 : memref<1x40x128xi32, #tpu.memory_space<hbm>> -> memref<40x128xi32, #tpu.memory_space<hbm>>
      tpu.enqueue_dma source(%dma_start3A_159 : memref<40x128xi32, #tpu.memory_space<hbm>>) target(%arg6 : memref<40x128xi32, #tpu.memory_space<vmem>>) target_semaphore(%run_scoped3A : memref<!tpu.dma_semaphore, #tpu.memory_space<semaphore_mem>>)
      %dma_wait3A_160 = arith.constant 0 : i32
      %dma_wait3A_161 = arith.constant 0 : i32
      %dma_wait3A_162 = tpu.memref_slice %arg3[%arg1, %dma_wait3A_160, %dma_wait3A_161] : memref<16x120x128xi32, #tpu.memory_space<hbm>> -> memref<1x40x128xi32, #tpu.memory_space<hbm>>
      %dma_wait3A_163 = tpu.memref_squeeze %dma_wait3A_162 : memref<1x40x128xi32, #tpu.memory_space<hbm>> -> memref<40x128xi32, #tpu.memory_space<hbm>>
      %dma_wait3A_164 = arith.constant 0 : i32
      %dma_wait3A_165 = arith.constant 0 : i32
      %dma_wait3A_166 = tpu.memref_slice %arg3[%arg1, %dma_wait3A_164, %dma_wait3A_165] : memref<16x120x128xi32, #tpu.memory_space<hbm>> -> memref<1x40x128xi32, #tpu.memory_space<hbm>>
      %dma_wait3A_167 = tpu.memref_squeeze %dma_wait3A_166 : memref<1x40x128xi32, #tpu.memory_space<hbm>> -> memref<40x128xi32, #tpu.memory_space<hbm>>
      tpu.wait_dma2 semaphore(%run_scoped3A : memref<!tpu.dma_semaphore, #tpu.memory_space<semaphore_mem>>) src(%dma_wait3A_167 : memref<40x128xi32, #tpu.memory_space<hbm>>) dst(%arg6 : memref<40x128xi32, #tpu.memory_space<vmem>>)
      tpu.yield
    }) : () -> ()
    %dma_start3A = arith.constant 0 : i32
    %dma_start3A_15 = arith.constant 0 : i32
    %dma_start3A_16 = tpu.memref_slice %arg6[%dma_start3A, %dma_start3A_15] : memref<40x128xi32, #tpu.memory_space<vmem>> -> memref<1x64xi32, #tpu.memory_space<vmem>>
    %dma_start3A_17 = tpu.memref_squeeze %dma_start3A_16 : memref<1x64xi32, #tpu.memory_space<vmem>> -> memref<64xi32, #tpu.memory_space<vmem>>
    %dma_start3A_18 = arith.constant 0 : i32
    %dma_start3A_19 = arith.constant 0 : i32
    %dma_start3A_20 = tpu.memref_slice %arg2[%dma_start3A_18, %dma_start3A_19] : memref<50176x128xf32, #tpu.memory_space<hbm>> -> memref<50176x128xf32, #tpu.memory_space<hbm>>
    tpu.enqueue_indirect_dma source(%dma_start3A_20 : memref<50176x128xf32, #tpu.memory_space<hbm>>) target(%arg8 : memref<64x128xf32, #tpu.memory_space<vmem>>) offsets(%dma_start3A_17 : memref<64xi32, #tpu.memory_space<vmem>>) semaphore(%arg10 : memref<!tpu.dma_semaphore, #tpu.memory_space<semaphore_mem>>)
    %scan3A_21 = arith.constant 0 : i32
    %scan3A_22 = arith.constant 20 : i32
    %scan3A_23 = arith.addi %scan3A_21, %scan3A_22 : i32
    %scan3A_24 = arith.constant 1 : i32
    scf.for %scan3A_152 = %scan3A_21 to %scan3A_23 step %scan3A_24  : i32 {
      %mul3A_153 = arith.constant 1 : i32
      %mul3A_154 = arith.muli %scan3A_152, %mul3A_153 : i32
      %add3A_155 = arith.constant 0 : i32
      %add3A_156 = arith.addi %add3A_155, %mul3A_154 : i32
      %mul3A_157 = arith.constant 2 : i32
      %mul3A_158 = arith.muli %mul3A_157, %add3A_156 : i32
      %mul3A_159 = arith.constant 2 : i32
      %mul3A_160 = arith.muli %mul3A_159, %add3A_156 : i32
      %add3A_161 = arith.constant 1 : i32
      %add3A_162 = arith.addi %mul3A_160, %add3A_161 : i32
      %scan3A_163 = arith.constant 0 : i32
      %scan3A_164 = arith.constant 4 : i32
      %scan3A_165 = arith.addi %scan3A_163, %scan3A_164 : i32
      %scan3A_166 = arith.constant 1 : i32
      scf.for %scan3A_217 = %scan3A_163 to %scan3A_165 step %scan3A_166  : i32 {
        %mul3A_218 = arith.constant 1 : i32
        %mul3A_219 = arith.muli %scan3A_217, %mul3A_218 : i32
        %add3A_220 = arith.constant 0 : i32
        %add3A_221 = arith.addi %add3A_220, %mul3A_219 : i32
        %mul3A_222 = arith.constant 16 : i32
        %mul3A_223 = arith.muli %add3A_221, %mul3A_222 : i32
        %add3A_224 = arith.constant 64 : i32
        %add3A_225 = arith.addi %add3A_224, %mul3A_223 : i32
        %get3A = arith.index_cast %mul3A_158 : i32 to index
        %get3A_226 = arith.index_cast %add3A_225 : i32 to index
        %get3A_227 = tpu.vector_load %arg6[%get3A, %get3A_226] {strides = array<i32>} : memref<40x128xi32, #tpu.memory_space<vmem>>, vector<1x16xi32>,
        %get3A_228 = vector.shape_cast %get3A_227 : vector<1x16xi32> to vector<16xi32>
        %ge3A = vector.broadcast %mul3A_5 : i32 to vector<16xi32>
        %ge3A_229 = arith.cmpi sge, %get3A_228, %ge3A : vector<16xi32>
        %add3A_230 = arith.constant 12544 : i32
        %add3A_231 = arith.addi %mul3A_5, %add3A_230 : i32
        %lt3A_232 = vector.broadcast %add3A_231 : i32 to vector<16xi32>
        %lt3A_233 = arith.cmpi slt, %get3A_228, %lt3A_232 : vector<16xi32>
        %and3A = arith.andi %ge3A_229, %lt3A_233 : vector<16xi1>
        %mul3A_234 = arith.constant 64 : i32
        %mul3A_235 = arith.muli %mul3A_158, %mul3A_234 : i32
        %mul3A_236 = arith.constant 16 : i32
        %mul3A_237 = arith.muli %add3A_221, %mul3A_236 : i32
        %add3A_238 = arith.addi %mul3A_235, %mul3A_237 : i32
        %iota3A = tpu.iota {dimensions = array<i32: 0>} : vector<16xi32>
        %add3A_239 = vector.broadcast %add3A_238 : i32 to vector<16xi32>
        %add3A_240 = arith.addi %add3A_239, %iota3A : vector<16xi32>
        %and3A_241 = arith.constant 255 : i32
        %and3A_242 = vector.broadcast %and3A_241 : i32 to vector<16xi32>
        %and3A_243 = arith.andi %add3A_240, %and3A_242 : vector<16xi32>
        %add3A_244 = arith.constant 12544 : i32
        %add3A_245 = vector.broadcast %add3A_244 : i32 to vector<16xi32>
        %add3A_246 = arith.addi %add3A_245, %and3A_243 : vector<16xi32>
        %sub3A = vector.broadcast %mul3A_5 : i32 to vector<16xi32>
        %sub3A_247 = arith.subi %get3A_228, %sub3A : vector<16xi32>
        %select_n3A = arith.select %and3A, %sub3A_247, %add3A_246 : vector<16xi1>, vector<16xi32>
        %mul3A_248 = arith.constant 16 : i32
        %mul3A_249 = arith.muli %add3A_221, %mul3A_248 : i32
        %swap3A = arith.constant 0 : i32
        %swap3A_250 = arith.index_cast %swap3A : i32 to index
        %swap3A_251 = arith.index_cast %mul3A_249 : i32 to index
        %swap3A_252 = tpu.vector_load %arg7[%swap3A_250, %swap3A_251] {strides = array<i32>} : memref<2x64xi32, #tpu.memory_space<vmem>>, vector<1x16xi32>,
        %swap3A_253 = vector.shape_cast %swap3A_252 : vector<1x16xi32> to vector<16xi32>
        %swap3A_254 = vector.shape_cast %select_n3A : vector<16xi32> to vector<1x16xi32>
        tpu.vector_store %arg7[%swap3A_250, %swap3A_251], %swap3A_254 {strides = array<i32>} : memref<2x64xi32, #tpu.memory_space<vmem>>, vector<1x16xi32>,
      }
      %scan3A_167 = arith.constant 4 : i32
      %gt3A = arith.constant 0 : i32
      %gt3A_168 = arith.cmpi sgt, %add3A_156, %gt3A : i32
      %convert_element_type3A = arith.extui %gt3A_168 : i1 to i32
      %cond3A = arith.constant 0 : i32
      %cond3A_169 = arith.cmpi ne, %convert_element_type3A, %cond3A : i32
      scf.if %cond3A_169 {
        %dma_wait3A_217 = arith.constant 0 : i32
        %dma_wait3A_218 = arith.constant 0 : i32
        %dma_wait3A_219 = tpu.memref_slice %arg2[%dma_wait3A_217, %dma_wait3A_218] : memref<50176x128xf32, #tpu.memory_space<hbm>> -> memref<64x128xf32, #tpu.memory_space<hbm>>
        %dma_wait3A_220 = arith.constant 0 : i32
        %dma_wait3A_221 = arith.constant 0 : i32
        %dma_wait3A_222 = tpu.memref_slice %arg2[%dma_wait3A_220, %dma_wait3A_221] : memref<50176x128xf32, #tpu.memory_space<hbm>> -> memref<64x128xf32, #tpu.memory_space<hbm>>
        tpu.wait_dma2 semaphore(%arg13 : memref<!tpu.dma_semaphore, #tpu.memory_space<semaphore_mem>>) src(%dma_wait3A_222 : memref<64x128xf32, #tpu.memory_space<hbm>>) dst(%arg9 : memref<64x128xf32, #tpu.memory_space<vmem>>)
      } else {
      }
      %dma_start3A_170 = arith.constant 0 : i32
      %dma_start3A_171 = tpu.memref_slice %arg6[%add3A_162, %dma_start3A_170] : memref<40x128xi32, #tpu.memory_space<vmem>> -> memref<1x64xi32, #tpu.memory_space<vmem>>
      %dma_start3A_172 = tpu.memref_squeeze %dma_start3A_171 : memref<1x64xi32, #tpu.memory_space<vmem>> -> memref<64xi32, #tpu.memory_space<vmem>>
      %dma_start3A_173 = arith.constant 0 : i32
      %dma_start3A_174 = arith.constant 0 : i32
      %dma_start3A_175 = tpu.memref_slice %arg2[%dma_start3A_173, %dma_start3A_174] : memref<50176x128xf32, #tpu.memory_space<hbm>> -> memref<50176x128xf32, #tpu.memory_space<hbm>>
      tpu.enqueue_indirect_dma source(%dma_start3A_175 : memref<50176x128xf32, #tpu.memory_space<hbm>>) target(%arg9 : memref<64x128xf32, #tpu.memory_space<vmem>>) offsets(%dma_start3A_172 : memref<64xi32, #tpu.memory_space<vmem>>) semaphore(%arg11 : memref<!tpu.dma_semaphore, #tpu.memory_space<semaphore_mem>>)
      %dma_wait3A_176 = arith.constant 0 : i32
      %dma_wait3A_177 = arith.constant 0 : i32
      %dma_wait3A_178 = tpu.memref_slice %arg2[%dma_wait3A_176, %dma_wait3A_177] : memref<50176x128xf32, #tpu.memory_space<hbm>> -> memref<64x128xf32, #tpu.memory_space<hbm>>
      %dma_wait3A_179 = arith.constant 0 : i32
      %dma_wait3A_180 = arith.constant 0 : i32
      %dma_wait3A_181 = tpu.memref_slice %arg2[%dma_wait3A_179, %dma_wait3A_180] : memref<50176x128xf32, #tpu.memory_space<hbm>> -> memref<64x128xf32, #tpu.memory_space<hbm>>
      tpu.wait_dma2 semaphore(%arg10 : memref<!tpu.dma_semaphore, #tpu.memory_space<semaphore_mem>>) src(%dma_wait3A_181 : memref<64x128xf32, #tpu.memory_space<hbm>>) dst(%arg8 : memref<64x128xf32, #tpu.memory_space<vmem>>)
      %dma_start3A_182 = arith.constant 0 : i32
      %dma_start3A_183 = arith.constant 0 : i32
      %dma_start3A_184 = tpu.memref_slice %arg7[%dma_start3A_182, %dma_start3A_183] : memref<2x64xi32, #tpu.memory_space<vmem>> -> memref<1x64xi32, #tpu.memory_space<vmem>>
      %dma_start3A_185 = tpu.memref_squeeze %dma_start3A_184 : memref<1x64xi32, #tpu.memory_space<vmem>> -> memref<64xi32, #tpu.memory_space<vmem>>
      %dma_start3A_186 = arith.constant 0 : i32
      %dma_start3A_187 = arith.constant 0 : i32
      %dma_start3A_188 = tpu.memref_slice %arg5[%dma_start3A_186, %dma_start3A_187] : memref<12800x128xf32, #tpu.memory_space<vmem_shared>> -> memref<12800x128xf32, #tpu.memory_space<vmem_shared>>
      tpu.enqueue_indirect_dma source(%arg8 : memref<64x128xf32, #tpu.memory_space<vmem>>) target(%dma_start3A_188 : memref<12800x128xf32, #tpu.memory_space<vmem_shared>>) offsets(%dma_start3A_185 : memref<64xi32, #tpu.memory_space<vmem>>) semaphore(%arg12 : memref<!tpu.dma_semaphore, #tpu.memory_space<semaphore_mem>>) {add = true}
      %scan3A_189 = arith.constant 0 : i32
      %scan3A_190 = arith.constant 4 : i32
      %scan3A_191 = arith.addi %scan3A_189, %scan3A_190 : i32
      %scan3A_192 = arith.constant 1 : i32
      scf.for %scan3A_217 = %scan3A_189 to %scan3A_191 step %scan3A_192  : i32 {
        %mul3A_218 = arith.constant 1 : i32
        %mul3A_219 = arith.muli %scan3A_217, %mul3A_218 : i32
        %add3A_220 = arith.constant 0 : i32
        %add3A_221 = arith.addi %add3A_220, %mul3A_219 : i32
        %mul3A_222 = arith.constant 16 : i32
        %mul3A_223 = arith.muli %add3A_221, %mul3A_222 : i32
        %add3A_224 = arith.constant 64 : i32
        %add3A_225 = arith.addi %add3A_224, %mul3A_223 : i32
        %get3A = arith.index_cast %add3A_162 : i32 to index
        %get3A_226 = arith.index_cast %add3A_225 : i32 to index
        %get3A_227 = tpu.vector_load %arg6[%get3A, %get3A_226] {strides = array<i32>} : memref<40x128xi32, #tpu.memory_space<vmem>>, vector<1x16xi32>,
        %get3A_228 = vector.shape_cast %get3A_227 : vector<1x16xi32> to vector<16xi32>
        %ge3A = vector.broadcast %mul3A_5 : i32 to vector<16xi32>
        %ge3A_229 = arith.cmpi sge, %get3A_228, %ge3A : vector<16xi32>
        %add3A_230 = arith.constant 12544 : i32
        %add3A_231 = arith.addi %mul3A_5, %add3A_230 : i32
        %lt3A_232 = vector.broadcast %add3A_231 : i32 to vector<16xi32>
        %lt3A_233 = arith.cmpi slt, %get3A_228, %lt3A_232 : vector<16xi32>
        %and3A = arith.andi %ge3A_229, %lt3A_233 : vector<16xi1>
        %mul3A_234 = arith.constant 64 : i32
        %mul3A_235 = arith.muli %add3A_162, %mul3A_234 : i32
        %mul3A_236 = arith.constant 16 : i32
        %mul3A_237 = arith.muli %add3A_221, %mul3A_236 : i32
        %add3A_238 = arith.addi %mul3A_235, %mul3A_237 : i32
        %iota3A = tpu.iota {dimensions = array<i32: 0>} : vector<16xi32>
        %add3A_239 = vector.broadcast %add3A_238 : i32 to vector<16xi32>
        %add3A_240 = arith.addi %add3A_239, %iota3A : vector<16xi32>
        %and3A_241 = arith.constant 255 : i32
        %and3A_242 = vector.broadcast %and3A_241 : i32 to vector<16xi32>
        %and3A_243 = arith.andi %add3A_240, %and3A_242 : vector<16xi32>
        %add3A_244 = arith.constant 12544 : i32
        %add3A_245 = vector.broadcast %add3A_244 : i32 to vector<16xi32>
        %add3A_246 = arith.addi %add3A_245, %and3A_243 : vector<16xi32>
        %sub3A = vector.broadcast %mul3A_5 : i32 to vector<16xi32>
        %sub3A_247 = arith.subi %get3A_228, %sub3A : vector<16xi32>
        %select_n3A = arith.select %and3A, %sub3A_247, %add3A_246 : vector<16xi1>, vector<16xi32>
        %mul3A_248 = arith.constant 16 : i32
        %mul3A_249 = arith.muli %add3A_221, %mul3A_248 : i32
        %swap3A = arith.constant 1 : i32
        %swap3A_250 = arith.index_cast %swap3A : i32 to index
        %swap3A_251 = arith.index_cast %mul3A_249 : i32 to index
        %swap3A_252 = tpu.vector_load %arg7[%swap3A_250, %swap3A_251] {strides = array<i32>} : memref<2x64xi32, #tpu.memory_space<vmem>>, vector<1x16xi32>,
        %swap3A_253 = vector.shape_cast %swap3A_252 : vector<1x16xi32> to vector<16xi32>
        %swap3A_254 = vector.shape_cast %select_n3A : vector<16xi32> to vector<1x16xi32>
        tpu.vector_store %arg7[%swap3A_250, %swap3A_251], %swap3A_254 {strides = array<i32>} : memref<2x64xi32, #tpu.memory_space<vmem>>, vector<1x16xi32>,
      }
      %scan3A_193 = arith.constant 4 : i32
      %dma_wait3A_194 = arith.constant 0 : i32
      %dma_wait3A_195 = arith.constant 0 : i32
      %dma_wait3A_196 = tpu.memref_slice %arg2[%dma_wait3A_194, %dma_wait3A_195] : memref<50176x128xf32, #tpu.memory_space<hbm>> -> memref<64x128xf32, #tpu.memory_space<hbm>>
      %dma_wait3A_197 = arith.constant 0 : i32
      %dma_wait3A_198 = arith.constant 0 : i32
      %dma_wait3A_199 = tpu.memref_slice %arg2[%dma_wait3A_197, %dma_wait3A_198] : memref<50176x128xf32, #tpu.memory_space<hbm>> -> memref<64x128xf32, #tpu.memory_space<hbm>>
      tpu.wait_dma2 semaphore(%arg12 : memref<!tpu.dma_semaphore, #tpu.memory_space<semaphore_mem>>) src(%dma_wait3A_199 : memref<64x128xf32, #tpu.memory_space<hbm>>) dst(%arg8 : memref<64x128xf32, #tpu.memory_space<vmem>>)
      %lt3A = arith.constant 19 : i32
      %lt3A_200 = arith.cmpi slt, %add3A_156, %lt3A : i32
      %convert_element_type3A_201 = arith.extui %lt3A_200 : i1 to i32
      %cond3A_202 = arith.constant 0 : i32
      %cond3A_203 = arith.cmpi ne, %convert_element_type3A_201, %cond3A_202 : i32
      scf.if %cond3A_203 {
        %add3A_217 = arith.constant 2 : i32
        %add3A_218 = arith.addi %mul3A_158, %add3A_217 : i32
        %dma_start3A_219 = arith.constant 0 : i32
        %dma_start3A_220 = tpu.memref_slice %arg6[%add3A_218, %dma_start3A_219] : memref<40x128xi32, #tpu.memory_space<vmem>> -> memref<1x64xi32, #tpu.memory_space<vmem>>
        %dma_start3A_221 = tpu.memref_squeeze %dma_start3A_220 : memref<1x64xi32, #tpu.memory_space<vmem>> -> memref<64xi32, #tpu.memory_space<vmem>>
        %dma_start3A_222 = arith.constant 0 : i32
        %dma_start3A_223 = arith.constant 0 : i32
        %dma_start3A_224 = tpu.memref_slice %arg2[%dma_start3A_222, %dma_start3A_223] : memref<50176x128xf32, #tpu.memory_space<hbm>> -> memref<50176x128xf32, #tpu.memory_space<hbm>>
        tpu.enqueue_indirect_dma source(%dma_start3A_224 : memref<50176x128xf32, #tpu.memory_space<hbm>>) target(%arg8 : memref<64x128xf32, #tpu.memory_space<vmem>>) offsets(%dma_start3A_221 : memref<64xi32, #tpu.memory_space<vmem>>) semaphore(%arg10 : memref<!tpu.dma_semaphore, #tpu.memory_space<semaphore_mem>>)
      } else {
      }
      %dma_wait3A_204 = arith.constant 0 : i32
      %dma_wait3A_205 = arith.constant 0 : i32
      %dma_wait3A_206 = tpu.memref_slice %arg2[%dma_wait3A_204, %dma_wait3A_205] : memref<50176x128xf32, #tpu.memory_space<hbm>> -> memref<64x128xf32, #tpu.memory_space<hbm>>
      %dma_wait3A_207 = arith.constant 0 : i32
      %dma_wait3A_208 = arith.constant 0 : i32
      %dma_wait3A_209 = tpu.memref_slice %arg2[%dma_wait3A_207, %dma_wait3A_208] : memref<50176x128xf32, #tpu.memory_space<hbm>> -> memref<64x128xf32, #tpu.memory_space<hbm>>
      tpu.wait_dma2 semaphore(%arg11 : memref<!tpu.dma_semaphore, #tpu.memory_space<semaphore_mem>>) src(%dma_wait3A_209 : memref<64x128xf32, #tpu.memory_space<hbm>>) dst(%arg9 : memref<64x128xf32, #tpu.memory_space<vmem>>)
      %dma_start3A_210 = arith.constant 1 : i32
      %dma_start3A_211 = arith.constant 0 : i32
      %dma_start3A_212 = tpu.memref_slice %arg7[%dma_start3A_210, %dma_start3A_211] : memref<2x64xi32, #tpu.memory_space<vmem>> -> memref<1x64xi32, #tpu.memory_space<vmem>>
      %dma_start3A_213 = tpu.memref_squeeze %dma_start3A_212 : memref<1x64xi32, #tpu.memory_space<vmem>> -> memref<64xi32, #tpu.memory_space<vmem>>
      %dma_start3A_214 = arith.constant 0 : i32
      %dma_start3A_215 = arith.constant 0 : i32
      %dma_start3A_216 = tpu.memref_slice %arg5[%dma_start3A_214, %dma_start3A_215] : memref<12800x128xf32, #tpu.memory_space<vmem_shared>> -> memref<12800x128xf32, #tpu.memory_space<vmem_shared>>
      tpu.enqueue_indirect_dma source(%arg9 : memref<64x128xf32, #tpu.memory_space<vmem>>) target(%dma_start3A_216 : memref<12800x128xf32, #tpu.memory_space<vmem_shared>>) offsets(%dma_start3A_213 : memref<64xi32, #tpu.memory_space<vmem>>) semaphore(%arg13 : memref<!tpu.dma_semaphore, #tpu.memory_space<semaphore_mem>>) {add = true}
    }
    %scan3A_25 = arith.constant 20 : i32
    %dma_wait3A = arith.constant 0 : i32
    %dma_wait3A_26 = arith.constant 0 : i32
    %dma_wait3A_27 = tpu.memref_slice %arg2[%dma_wait3A, %dma_wait3A_26] : memref<50176x128xf32, #tpu.memory_space<hbm>> -> memref<64x128xf32, #tpu.memory_space<hbm>>
    %dma_wait3A_28 = arith.constant 0 : i32
    %dma_wait3A_29 = arith.constant 0 : i32
    %dma_wait3A_30 = tpu.memref_slice %arg2[%dma_wait3A_28, %dma_wait3A_29] : memref<50176x128xf32, #tpu.memory_space<hbm>> -> memref<64x128xf32, #tpu.memory_space<hbm>>
    tpu.wait_dma2 semaphore(%arg13 : memref<!tpu.dma_semaphore, #tpu.memory_space<semaphore_mem>>) src(%dma_wait3A_30 : memref<64x128xf32, #tpu.memory_space<hbm>>) dst(%arg9 : memref<64x128xf32, #tpu.memory_space<vmem>>)
    "tpu.region"() ({
      %run_scoped3A = tpu.sem_alloc : memref<!tpu.dma_semaphore, #tpu.memory_space<semaphore_mem>>
      %dma_start3A_152 = arith.constant 40 : i32
      %dma_start3A_153 = arith.constant 0 : i32
      %dma_start3A_154 = tpu.memref_slice %arg3[%arg1, %dma_start3A_152, %dma_start3A_153] : memref<16x120x128xi32, #tpu.memory_space<hbm>> -> memref<1x40x128xi32, #tpu.memory_space<hbm>>
      %dma_start3A_155 = tpu.memref_squeeze %dma_start3A_154 : memref<1x40x128xi32, #tpu.memory_space<hbm>> -> memref<40x128xi32, #tpu.memory_space<hbm>>
      %dma_start3A_156 = arith.constant 40 : i32
      %dma_start3A_157 = arith.constant 0 : i32
      %dma_start3A_158 = tpu.memref_slice %arg3[%arg1, %dma_start3A_156, %dma_start3A_157] : memref<16x120x128xi32, #tpu.memory_space<hbm>> -> memref<1x40x128xi32, #tpu.memory_space<hbm>>
      %dma_start3A_159 = tpu.memref_squeeze %dma_start3A_158 : memref<1x40x128xi32, #tpu.memory_space<hbm>> -> memref<40x128xi32, #tpu.memory_space<hbm>>
      tpu.enqueue_dma source(%dma_start3A_159 : memref<40x128xi32, #tpu.memory_space<hbm>>) target(%arg6 : memref<40x128xi32, #tpu.memory_space<vmem>>) target_semaphore(%run_scoped3A : memref<!tpu.dma_semaphore, #tpu.memory_space<semaphore_mem>>)
      %dma_wait3A_160 = arith.constant 40 : i32
      %dma_wait3A_161 = arith.constant 0 : i32
      %dma_wait3A_162 = tpu.memref_slice %arg3[%arg1, %dma_wait3A_160, %dma_wait3A_161] : memref<16x120x128xi32, #tpu.memory_space<hbm>> -> memref<1x40x128xi32, #tpu.memory_space<hbm>>
      %dma_wait3A_163 = tpu.memref_squeeze %dma_wait3A_162 : memref<1x40x128xi32, #tpu.memory_space<hbm>> -> memref<40x128xi32, #tpu.memory_space<hbm>>
      %dma_wait3A_164 = arith.constant 40 : i32
      %dma_wait3A_165 = arith.constant 0 : i32
      %dma_wait3A_166 = tpu.memref_slice %arg3[%arg1, %dma_wait3A_164, %dma_wait3A_165] : memref<16x120x128xi32, #tpu.memory_space<hbm>> -> memref<1x40x128xi32, #tpu.memory_space<hbm>>
      %dma_wait3A_167 = tpu.memref_squeeze %dma_wait3A_166 : memref<1x40x128xi32, #tpu.memory_space<hbm>> -> memref<40x128xi32, #tpu.memory_space<hbm>>
      tpu.wait_dma2 semaphore(%run_scoped3A : memref<!tpu.dma_semaphore, #tpu.memory_space<semaphore_mem>>) src(%dma_wait3A_167 : memref<40x128xi32, #tpu.memory_space<hbm>>) dst(%arg6 : memref<40x128xi32, #tpu.memory_space<vmem>>)
      tpu.yield
    }) : () -> ()
    %dma_start3A_31 = arith.constant 0 : i32
    %dma_start3A_32 = arith.constant 0 : i32
    %dma_start3A_33 = tpu.memref_slice %arg6[%dma_start3A_31, %dma_start3A_32] : memref<40x128xi32, #tpu.memory_space<vmem>> -> memref<1x64xi32, #tpu.memory_space<vmem>>
    %dma_start3A_34 = tpu.memref_squeeze %dma_start3A_33 : memref<1x64xi32, #tpu.memory_space<vmem>> -> memref<64xi32, #tpu.memory_space<vmem>>
    %dma_start3A_35 = arith.constant 0 : i32
    %dma_start3A_36 = arith.constant 0 : i32
    %dma_start3A_37 = tpu.memref_slice %arg2[%dma_start3A_35, %dma_start3A_36] : memref<50176x128xf32, #tpu.memory_space<hbm>> -> memref<50176x128xf32, #tpu.memory_space<hbm>>
    tpu.enqueue_indirect_dma source(%dma_start3A_37 : memref<50176x128xf32, #tpu.memory_space<hbm>>) target(%arg8 : memref<64x128xf32, #tpu.memory_space<vmem>>) offsets(%dma_start3A_34 : memref<64xi32, #tpu.memory_space<vmem>>) semaphore(%arg10 : memref<!tpu.dma_semaphore, #tpu.memory_space<semaphore_mem>>)
    %scan3A_38 = arith.constant 0 : i32
    %scan3A_39 = arith.constant 20 : i32
    %scan3A_40 = arith.addi %scan3A_38, %scan3A_39 : i32
    %scan3A_41 = arith.constant 1 : i32
    scf.for %scan3A_152 = %scan3A_38 to %scan3A_40 step %scan3A_41  : i32 {
      %mul3A_153 = arith.constant 1 : i32
      %mul3A_154 = arith.muli %scan3A_152, %mul3A_153 : i32
      %add3A_155 = arith.constant 0 : i32
      %add3A_156 = arith.addi %add3A_155, %mul3A_154 : i32
      %mul3A_157 = arith.constant 2 : i32
      %mul3A_158 = arith.muli %mul3A_157, %add3A_156 : i32
      %mul3A_159 = arith.constant 2 : i32
      %mul3A_160 = arith.muli %mul3A_159, %add3A_156 : i32
      %add3A_161 = arith.constant 1 : i32
      %add3A_162 = arith.addi %mul3A_160, %add3A_161 : i32
      %scan3A_163 = arith.constant 0 : i32
      %scan3A_164 = arith.constant 4 : i32
      %scan3A_165 = arith.addi %scan3A_163, %scan3A_164 : i32
      %scan3A_166 = arith.constant 1 : i32
      scf.for %scan3A_217 = %scan3A_163 to %scan3A_165 step %scan3A_166  : i32 {
        %mul3A_218 = arith.constant 1 : i32
        %mul3A_219 = arith.muli %scan3A_217, %mul3A_218 : i32
        %add3A_220 = arith.constant 0 : i32
        %add3A_221 = arith.addi %add3A_220, %mul3A_219 : i32
        %mul3A_222 = arith.constant 16 : i32
        %mul3A_223 = arith.muli %add3A_221, %mul3A_222 : i32
        %add3A_224 = arith.constant 64 : i32
        %add3A_225 = arith.addi %add3A_224, %mul3A_223 : i32
        %get3A = arith.index_cast %mul3A_158 : i32 to index
        %get3A_226 = arith.index_cast %add3A_225 : i32 to index
        %get3A_227 = tpu.vector_load %arg6[%get3A, %get3A_226] {strides = array<i32>} : memref<40x128xi32, #tpu.memory_space<vmem>>, vector<1x16xi32>,
        %get3A_228 = vector.shape_cast %get3A_227 : vector<1x16xi32> to vector<16xi32>
        %ge3A = vector.broadcast %mul3A_5 : i32 to vector<16xi32>
        %ge3A_229 = arith.cmpi sge, %get3A_228, %ge3A : vector<16xi32>
        %add3A_230 = arith.constant 12544 : i32
        %add3A_231 = arith.addi %mul3A_5, %add3A_230 : i32
        %lt3A_232 = vector.broadcast %add3A_231 : i32 to vector<16xi32>
        %lt3A_233 = arith.cmpi slt, %get3A_228, %lt3A_232 : vector<16xi32>
        %and3A = arith.andi %ge3A_229, %lt3A_233 : vector<16xi1>
        %mul3A_234 = arith.constant 64 : i32
        %mul3A_235 = arith.muli %mul3A_158, %mul3A_234 : i32
        %mul3A_236 = arith.constant 16 : i32
        %mul3A_237 = arith.muli %add3A_221, %mul3A_236 : i32
        %add3A_238 = arith.addi %mul3A_235, %mul3A_237 : i32
        %iota3A = tpu.iota {dimensions = array<i32: 0>} : vector<16xi32>
        %add3A_239 = vector.broadcast %add3A_238 : i32 to vector<16xi32>
        %add3A_240 = arith.addi %add3A_239, %iota3A : vector<16xi32>
        %and3A_241 = arith.constant 255 : i32
        %and3A_242 = vector.broadcast %and3A_241 : i32 to vector<16xi32>
        %and3A_243 = arith.andi %add3A_240, %and3A_242 : vector<16xi32>
        %add3A_244 = arith.constant 12544 : i32
        %add3A_245 = vector.broadcast %add3A_244 : i32 to vector<16xi32>
        %add3A_246 = arith.addi %add3A_245, %and3A_243 : vector<16xi32>
        %sub3A = vector.broadcast %mul3A_5 : i32 to vector<16xi32>
        %sub3A_247 = arith.subi %get3A_228, %sub3A : vector<16xi32>
        %select_n3A = arith.select %and3A, %sub3A_247, %add3A_246 : vector<16xi1>, vector<16xi32>
        %mul3A_248 = arith.constant 16 : i32
        %mul3A_249 = arith.muli %add3A_221, %mul3A_248 : i32
        %swap3A = arith.constant 0 : i32
        %swap3A_250 = arith.index_cast %swap3A : i32 to index
        %swap3A_251 = arith.index_cast %mul3A_249 : i32 to index
        %swap3A_252 = tpu.vector_load %arg7[%swap3A_250, %swap3A_251] {strides = array<i32>} : memref<2x64xi32, #tpu.memory_space<vmem>>, vector<1x16xi32>,
        %swap3A_253 = vector.shape_cast %swap3A_252 : vector<1x16xi32> to vector<16xi32>
        %swap3A_254 = vector.shape_cast %select_n3A : vector<16xi32> to vector<1x16xi32>
        tpu.vector_store %arg7[%swap3A_250, %swap3A_251], %swap3A_254 {strides = array<i32>} : memref<2x64xi32, #tpu.memory_space<vmem>>, vector<1x16xi32>,
      }
      %scan3A_167 = arith.constant 4 : i32
      %gt3A = arith.constant 0 : i32
      %gt3A_168 = arith.cmpi sgt, %add3A_156, %gt3A : i32
      %convert_element_type3A = arith.extui %gt3A_168 : i1 to i32
      %cond3A = arith.constant 0 : i32
      %cond3A_169 = arith.cmpi ne, %convert_element_type3A, %cond3A : i32
      scf.if %cond3A_169 {
        %dma_wait3A_217 = arith.constant 0 : i32
        %dma_wait3A_218 = arith.constant 0 : i32
        %dma_wait3A_219 = tpu.memref_slice %arg2[%dma_wait3A_217, %dma_wait3A_218] : memref<50176x128xf32, #tpu.memory_space<hbm>> -> memref<64x128xf32, #tpu.memory_space<hbm>>
        %dma_wait3A_220 = arith.constant 0 : i32
        %dma_wait3A_221 = arith.constant 0 : i32
        %dma_wait3A_222 = tpu.memref_slice %arg2[%dma_wait3A_220, %dma_wait3A_221] : memref<50176x128xf32, #tpu.memory_space<hbm>> -> memref<64x128xf32, #tpu.memory_space<hbm>>
        tpu.wait_dma2 semaphore(%arg13 : memref<!tpu.dma_semaphore, #tpu.memory_space<semaphore_mem>>) src(%dma_wait3A_222 : memref<64x128xf32, #tpu.memory_space<hbm>>) dst(%arg9 : memref<64x128xf32, #tpu.memory_space<vmem>>)
      } else {
      }
      %dma_start3A_170 = arith.constant 0 : i32
      %dma_start3A_171 = tpu.memref_slice %arg6[%add3A_162, %dma_start3A_170] : memref<40x128xi32, #tpu.memory_space<vmem>> -> memref<1x64xi32, #tpu.memory_space<vmem>>
      %dma_start3A_172 = tpu.memref_squeeze %dma_start3A_171 : memref<1x64xi32, #tpu.memory_space<vmem>> -> memref<64xi32, #tpu.memory_space<vmem>>
      %dma_start3A_173 = arith.constant 0 : i32
      %dma_start3A_174 = arith.constant 0 : i32
      %dma_start3A_175 = tpu.memref_slice %arg2[%dma_start3A_173, %dma_start3A_174] : memref<50176x128xf32, #tpu.memory_space<hbm>> -> memref<50176x128xf32, #tpu.memory_space<hbm>>
      tpu.enqueue_indirect_dma source(%dma_start3A_175 : memref<50176x128xf32, #tpu.memory_space<hbm>>) target(%arg9 : memref<64x128xf32, #tpu.memory_space<vmem>>) offsets(%dma_start3A_172 : memref<64xi32, #tpu.memory_space<vmem>>) semaphore(%arg11 : memref<!tpu.dma_semaphore, #tpu.memory_space<semaphore_mem>>)
      %dma_wait3A_176 = arith.constant 0 : i32
      %dma_wait3A_177 = arith.constant 0 : i32
      %dma_wait3A_178 = tpu.memref_slice %arg2[%dma_wait3A_176, %dma_wait3A_177] : memref<50176x128xf32, #tpu.memory_space<hbm>> -> memref<64x128xf32, #tpu.memory_space<hbm>>
      %dma_wait3A_179 = arith.constant 0 : i32
      %dma_wait3A_180 = arith.constant 0 : i32
      %dma_wait3A_181 = tpu.memref_slice %arg2[%dma_wait3A_179, %dma_wait3A_180] : memref<50176x128xf32, #tpu.memory_space<hbm>> -> memref<64x128xf32, #tpu.memory_space<hbm>>
      tpu.wait_dma2 semaphore(%arg10 : memref<!tpu.dma_semaphore, #tpu.memory_space<semaphore_mem>>) src(%dma_wait3A_181 : memref<64x128xf32, #tpu.memory_space<hbm>>) dst(%arg8 : memref<64x128xf32, #tpu.memory_space<vmem>>)
      %dma_start3A_182 = arith.constant 0 : i32
      %dma_start3A_183 = arith.constant 0 : i32
      %dma_start3A_184 = tpu.memref_slice %arg7[%dma_start3A_182, %dma_start3A_183] : memref<2x64xi32, #tpu.memory_space<vmem>> -> memref<1x64xi32, #tpu.memory_space<vmem>>
      %dma_start3A_185 = tpu.memref_squeeze %dma_start3A_184 : memref<1x64xi32, #tpu.memory_space<vmem>> -> memref<64xi32, #tpu.memory_space<vmem>>
      %dma_start3A_186 = arith.constant 0 : i32
      %dma_start3A_187 = arith.constant 0 : i32
      %dma_start3A_188 = tpu.memref_slice %arg5[%dma_start3A_186, %dma_start3A_187] : memref<12800x128xf32, #tpu.memory_space<vmem_shared>> -> memref<12800x128xf32, #tpu.memory_space<vmem_shared>>
      tpu.enqueue_indirect_dma source(%arg8 : memref<64x128xf32, #tpu.memory_space<vmem>>) target(%dma_start3A_188 : memref<12800x128xf32, #tpu.memory_space<vmem_shared>>) offsets(%dma_start3A_185 : memref<64xi32, #tpu.memory_space<vmem>>) semaphore(%arg12 : memref<!tpu.dma_semaphore, #tpu.memory_space<semaphore_mem>>) {add = true}
      %scan3A_189 = arith.constant 0 : i32
      %scan3A_190 = arith.constant 4 : i32
      %scan3A_191 = arith.addi %scan3A_189, %scan3A_190 : i32
      %scan3A_192 = arith.constant 1 : i32
      scf.for %scan3A_217 = %scan3A_189 to %scan3A_191 step %scan3A_192  : i32 {
        %mul3A_218 = arith.constant 1 : i32
        %mul3A_219 = arith.muli %scan3A_217, %mul3A_218 : i32
        %add3A_220 = arith.constant 0 : i32
        %add3A_221 = arith.addi %add3A_220, %mul3A_219 : i32
        %mul3A_222 = arith.constant 16 : i32
        %mul3A_223 = arith.muli %add3A_221, %mul3A_222 : i32
        %add3A_224 = arith.constant 64 : i32
        %add3A_225 = arith.addi %add3A_224, %mul3A_223 : i32
        %get3A = arith.index_cast %add3A_162 : i32 to index
        %get3A_226 = arith.index_cast %add3A_225 : i32 to index
        %get3A_227 = tpu.vector_load %arg6[%get3A, %get3A_226] {strides = array<i32>} : memref<40x128xi32, #tpu.memory_space<vmem>>, vector<1x16xi32>,
        %get3A_228 = vector.shape_cast %get3A_227 : vector<1x16xi32> to vector<16xi32>
        %ge3A = vector.broadcast %mul3A_5 : i32 to vector<16xi32>
        %ge3A_229 = arith.cmpi sge, %get3A_228, %ge3A : vector<16xi32>
        %add3A_230 = arith.constant 12544 : i32
        %add3A_231 = arith.addi %mul3A_5, %add3A_230 : i32
        %lt3A_232 = vector.broadcast %add3A_231 : i32 to vector<16xi32>
        %lt3A_233 = arith.cmpi slt, %get3A_228, %lt3A_232 : vector<16xi32>
        %and3A = arith.andi %ge3A_229, %lt3A_233 : vector<16xi1>
        %mul3A_234 = arith.constant 64 : i32
        %mul3A_235 = arith.muli %add3A_162, %mul3A_234 : i32
        %mul3A_236 = arith.constant 16 : i32
        %mul3A_237 = arith.muli %add3A_221, %mul3A_236 : i32
        %add3A_238 = arith.addi %mul3A_235, %mul3A_237 : i32
        %iota3A = tpu.iota {dimensions = array<i32: 0>} : vector<16xi32>
        %add3A_239 = vector.broadcast %add3A_238 : i32 to vector<16xi32>
        %add3A_240 = arith.addi %add3A_239, %iota3A : vector<16xi32>
        %and3A_241 = arith.constant 255 : i32
        %and3A_242 = vector.broadcast %and3A_241 : i32 to vector<16xi32>
        %and3A_243 = arith.andi %add3A_240, %and3A_242 : vector<16xi32>
        %add3A_244 = arith.constant 12544 : i32
        %add3A_245 = vector.broadcast %add3A_244 : i32 to vector<16xi32>
        %add3A_246 = arith.addi %add3A_245, %and3A_243 : vector<16xi32>
        %sub3A = vector.broadcast %mul3A_5 : i32 to vector<16xi32>
        %sub3A_247 = arith.subi %get3A_228, %sub3A : vector<16xi32>
        %select_n3A = arith.select %and3A, %sub3A_247, %add3A_246 : vector<16xi1>, vector<16xi32>
        %mul3A_248 = arith.constant 16 : i32
        %mul3A_249 = arith.muli %add3A_221, %mul3A_248 : i32
        %swap3A = arith.constant 1 : i32
        %swap3A_250 = arith.index_cast %swap3A : i32 to index
        %swap3A_251 = arith.index_cast %mul3A_249 : i32 to index
        %swap3A_252 = tpu.vector_load %arg7[%swap3A_250, %swap3A_251] {strides = array<i32>} : memref<2x64xi32, #tpu.memory_space<vmem>>, vector<1x16xi32>,
        %swap3A_253 = vector.shape_cast %swap3A_252 : vector<1x16xi32> to vector<16xi32>
        %swap3A_254 = vector.shape_cast %select_n3A : vector<16xi32> to vector<1x16xi32>
        tpu.vector_store %arg7[%swap3A_250, %swap3A_251], %swap3A_254 {strides = array<i32>} : memref<2x64xi32, #tpu.memory_space<vmem>>, vector<1x16xi32>,
      }
      %scan3A_193 = arith.constant 4 : i32
      %dma_wait3A_194 = arith.constant 0 : i32
      %dma_wait3A_195 = arith.constant 0 : i32
      %dma_wait3A_196 = tpu.memref_slice %arg2[%dma_wait3A_194, %dma_wait3A_195] : memref<50176x128xf32, #tpu.memory_space<hbm>> -> memref<64x128xf32, #tpu.memory_space<hbm>>
      %dma_wait3A_197 = arith.constant 0 : i32
      %dma_wait3A_198 = arith.constant 0 : i32
      %dma_wait3A_199 = tpu.memref_slice %arg2[%dma_wait3A_197, %dma_wait3A_198] : memref<50176x128xf32, #tpu.memory_space<hbm>> -> memref<64x128xf32, #tpu.memory_space<hbm>>
      tpu.wait_dma2 semaphore(%arg12 : memref<!tpu.dma_semaphore, #tpu.memory_space<semaphore_mem>>) src(%dma_wait3A_199 : memref<64x128xf32, #tpu.memory_space<hbm>>) dst(%arg8 : memref<64x128xf32, #tpu.memory_space<vmem>>)
      %lt3A = arith.constant 19 : i32
      %lt3A_200 = arith.cmpi slt, %add3A_156, %lt3A : i32
      %convert_element_type3A_201 = arith.extui %lt3A_200 : i1 to i32
      %cond3A_202 = arith.constant 0 : i32
      %cond3A_203 = arith.cmpi ne, %convert_element_type3A_201, %cond3A_202 : i32
      scf.if %cond3A_203 {
        %add3A_217 = arith.constant 2 : i32
        %add3A_218 = arith.addi %mul3A_158, %add3A_217 : i32
        %dma_start3A_219 = arith.constant 0 : i32
        %dma_start3A_220 = tpu.memref_slice %arg6[%add3A_218, %dma_start3A_219] : memref<40x128xi32, #tpu.memory_space<vmem>> -> memref<1x64xi32, #tpu.memory_space<vmem>>
        %dma_start3A_221 = tpu.memref_squeeze %dma_start3A_220 : memref<1x64xi32, #tpu.memory_space<vmem>> -> memref<64xi32, #tpu.memory_space<vmem>>
        %dma_start3A_222 = arith.constant 0 : i32
        %dma_start3A_223 = arith.constant 0 : i32
        %dma_start3A_224 = tpu.memref_slice %arg2[%dma_start3A_222, %dma_start3A_223] : memref<50176x128xf32, #tpu.memory_space<hbm>> -> memref<50176x128xf32, #tpu.memory_space<hbm>>
        tpu.enqueue_indirect_dma source(%dma_start3A_224 : memref<50176x128xf32, #tpu.memory_space<hbm>>) target(%arg8 : memref<64x128xf32, #tpu.memory_space<vmem>>) offsets(%dma_start3A_221 : memref<64xi32, #tpu.memory_space<vmem>>) semaphore(%arg10 : memref<!tpu.dma_semaphore, #tpu.memory_space<semaphore_mem>>)
      } else {
      }
      %dma_wait3A_204 = arith.constant 0 : i32
      %dma_wait3A_205 = arith.constant 0 : i32
      %dma_wait3A_206 = tpu.memref_slice %arg2[%dma_wait3A_204, %dma_wait3A_205] : memref<50176x128xf32, #tpu.memory_space<hbm>> -> memref<64x128xf32, #tpu.memory_space<hbm>>
      %dma_wait3A_207 = arith.constant 0 : i32
      %dma_wait3A_208 = arith.constant 0 : i32
      %dma_wait3A_209 = tpu.memref_slice %arg2[%dma_wait3A_207, %dma_wait3A_208] : memref<50176x128xf32, #tpu.memory_space<hbm>> -> memref<64x128xf32, #tpu.memory_space<hbm>>
      tpu.wait_dma2 semaphore(%arg11 : memref<!tpu.dma_semaphore, #tpu.memory_space<semaphore_mem>>) src(%dma_wait3A_209 : memref<64x128xf32, #tpu.memory_space<hbm>>) dst(%arg9 : memref<64x128xf32, #tpu.memory_space<vmem>>)
      %dma_start3A_210 = arith.constant 1 : i32
      %dma_start3A_211 = arith.constant 0 : i32
      %dma_start3A_212 = tpu.memref_slice %arg7[%dma_start3A_210, %dma_start3A_211] : memref<2x64xi32, #tpu.memory_space<vmem>> -> memref<1x64xi32, #tpu.memory_space<vmem>>
      %dma_start3A_213 = tpu.memref_squeeze %dma_start3A_212 : memref<1x64xi32, #tpu.memory_space<vmem>> -> memref<64xi32, #tpu.memory_space<vmem>>
      %dma_start3A_214 = arith.constant 0 : i32
      %dma_start3A_215 = arith.constant 0 : i32
      %dma_start3A_216 = tpu.memref_slice %arg5[%dma_start3A_214, %dma_start3A_215] : memref<12800x128xf32, #tpu.memory_space<vmem_shared>> -> memref<12800x128xf32, #tpu.memory_space<vmem_shared>>
      tpu.enqueue_indirect_dma source(%arg9 : memref<64x128xf32, #tpu.memory_space<vmem>>) target(%dma_start3A_216 : memref<12800x128xf32, #tpu.memory_space<vmem_shared>>) offsets(%dma_start3A_213 : memref<64xi32, #tpu.memory_space<vmem>>) semaphore(%arg13 : memref<!tpu.dma_semaphore, #tpu.memory_space<semaphore_mem>>) {add = true}
    }
    %scan3A_42 = arith.constant 20 : i32
    %dma_wait3A_43 = arith.constant 0 : i32
    %dma_wait3A_44 = arith.constant 0 : i32
    %dma_wait3A_45 = tpu.memref_slice %arg2[%dma_wait3A_43, %dma_wait3A_44] : memref<50176x128xf32, #tpu.memory_space<hbm>> -> memref<64x128xf32, #tpu.memory_space<hbm>>
    %dma_wait3A_46 = arith.constant 0 : i32
    %dma_wait3A_47 = arith.constant 0 : i32
    %dma_wait3A_48 = tpu.memref_slice %arg2[%dma_wait3A_46, %dma_wait3A_47] : memref<50176x128xf32, #tpu.memory_space<hbm>> -> memref<64x128xf32, #tpu.memory_space<hbm>>
    tpu.wait_dma2 semaphore(%arg13 : memref<!tpu.dma_semaphore, #tpu.memory_space<semaphore_mem>>) src(%dma_wait3A_48 : memref<64x128xf32, #tpu.memory_space<hbm>>) dst(%arg9 : memref<64x128xf32, #tpu.memory_space<vmem>>)
    "tpu.region"() ({
      %run_scoped3A = tpu.sem_alloc : memref<!tpu.dma_semaphore, #tpu.memory_space<semaphore_mem>>
      %dma_start3A_152 = arith.constant 80 : i32
      %dma_start3A_153 = arith.constant 0 : i32
      %dma_start3A_154 = tpu.memref_slice %arg3[%arg1, %dma_start3A_152, %dma_start3A_153] : memref<16x120x128xi32, #tpu.memory_space<hbm>> -> memref<1x40x128xi32, #tpu.memory_space<hbm>>
      %dma_start3A_155 = tpu.memref_squeeze %dma_start3A_154 : memref<1x40x128xi32, #tpu.memory_space<hbm>> -> memref<40x128xi32, #tpu.memory_space<hbm>>
      %dma_start3A_156 = arith.constant 80 : i32
      %dma_start3A_157 = arith.constant 0 : i32
      %dma_start3A_158 = tpu.memref_slice %arg3[%arg1, %dma_start3A_156, %dma_start3A_157] : memref<16x120x128xi32, #tpu.memory_space<hbm>> -> memref<1x40x128xi32, #tpu.memory_space<hbm>>
      %dma_start3A_159 = tpu.memref_squeeze %dma_start3A_158 : memref<1x40x128xi32, #tpu.memory_space<hbm>> -> memref<40x128xi32, #tpu.memory_space<hbm>>
      tpu.enqueue_dma source(%dma_start3A_159 : memref<40x128xi32, #tpu.memory_space<hbm>>) target(%arg6 : memref<40x128xi32, #tpu.memory_space<vmem>>) target_semaphore(%run_scoped3A : memref<!tpu.dma_semaphore, #tpu.memory_space<semaphore_mem>>)
      %dma_wait3A_160 = arith.constant 80 : i32
      %dma_wait3A_161 = arith.constant 0 : i32
      %dma_wait3A_162 = tpu.memref_slice %arg3[%arg1, %dma_wait3A_160, %dma_wait3A_161] : memref<16x120x128xi32, #tpu.memory_space<hbm>> -> memref<1x40x128xi32, #tpu.memory_space<hbm>>
      %dma_wait3A_163 = tpu.memref_squeeze %dma_wait3A_162 : memref<1x40x128xi32, #tpu.memory_space<hbm>> -> memref<40x128xi32, #tpu.memory_space<hbm>>
      %dma_wait3A_164 = arith.constant 80 : i32
      %dma_wait3A_165 = arith.constant 0 : i32
      %dma_wait3A_166 = tpu.memref_slice %arg3[%arg1, %dma_wait3A_164, %dma_wait3A_165] : memref<16x120x128xi32, #tpu.memory_space<hbm>> -> memref<1x40x128xi32, #tpu.memory_space<hbm>>
      %dma_wait3A_167 = tpu.memref_squeeze %dma_wait3A_166 : memref<1x40x128xi32, #tpu.memory_space<hbm>> -> memref<40x128xi32, #tpu.memory_space<hbm>>
      tpu.wait_dma2 semaphore(%run_scoped3A : memref<!tpu.dma_semaphore, #tpu.memory_space<semaphore_mem>>) src(%dma_wait3A_167 : memref<40x128xi32, #tpu.memory_space<hbm>>) dst(%arg6 : memref<40x128xi32, #tpu.memory_space<vmem>>)
      tpu.yield
    }) : () -> ()
    %dma_start3A_49 = arith.constant 0 : i32
    %dma_start3A_50 = arith.constant 0 : i32
    %dma_start3A_51 = tpu.memref_slice %arg6[%dma_start3A_49, %dma_start3A_50] : memref<40x128xi32, #tpu.memory_space<vmem>> -> memref<1x64xi32, #tpu.memory_space<vmem>>
    %dma_start3A_52 = tpu.memref_squeeze %dma_start3A_51 : memref<1x64xi32, #tpu.memory_space<vmem>> -> memref<64xi32, #tpu.memory_space<vmem>>
    %dma_start3A_53 = arith.constant 0 : i32
    %dma_start3A_54 = arith.constant 0 : i32
    %dma_start3A_55 = tpu.memref_slice %arg2[%dma_start3A_53, %dma_start3A_54] : memref<50176x128xf32, #tpu.memory_space<hbm>> -> memref<50176x128xf32, #tpu.memory_space<hbm>>
    tpu.enqueue_indirect_dma source(%dma_start3A_55 : memref<50176x128xf32, #tpu.memory_space<hbm>>) target(%arg8 : memref<64x128xf32, #tpu.memory_space<vmem>>) offsets(%dma_start3A_52 : memref<64xi32, #tpu.memory_space<vmem>>) semaphore(%arg10 : memref<!tpu.dma_semaphore, #tpu.memory_space<semaphore_mem>>)
    %scan3A_56 = arith.constant 0 : i32
    %scan3A_57 = arith.constant 20 : i32
    %scan3A_58 = arith.addi %scan3A_56, %scan3A_57 : i32
    %scan3A_59 = arith.constant 1 : i32
    scf.for %scan3A_152 = %scan3A_56 to %scan3A_58 step %scan3A_59  : i32 {
      %mul3A_153 = arith.constant 1 : i32
      %mul3A_154 = arith.muli %scan3A_152, %mul3A_153 : i32
      %add3A_155 = arith.constant 0 : i32
      %add3A_156 = arith.addi %add3A_155, %mul3A_154 : i32
      %mul3A_157 = arith.constant 2 : i32
      %mul3A_158 = arith.muli %mul3A_157, %add3A_156 : i32
      %mul3A_159 = arith.constant 2 : i32
      %mul3A_160 = arith.muli %mul3A_159, %add3A_156 : i32
      %add3A_161 = arith.constant 1 : i32
      %add3A_162 = arith.addi %mul3A_160, %add3A_161 : i32
      %scan3A_163 = arith.constant 0 : i32
      %scan3A_164 = arith.constant 4 : i32
      %scan3A_165 = arith.addi %scan3A_163, %scan3A_164 : i32
      %scan3A_166 = arith.constant 1 : i32
      scf.for %scan3A_217 = %scan3A_163 to %scan3A_165 step %scan3A_166  : i32 {
        %mul3A_218 = arith.constant 1 : i32
        %mul3A_219 = arith.muli %scan3A_217, %mul3A_218 : i32
        %add3A_220 = arith.constant 0 : i32
        %add3A_221 = arith.addi %add3A_220, %mul3A_219 : i32
        %mul3A_222 = arith.constant 16 : i32
        %mul3A_223 = arith.muli %add3A_221, %mul3A_222 : i32
        %add3A_224 = arith.constant 64 : i32
        %add3A_225 = arith.addi %add3A_224, %mul3A_223 : i32
        %get3A = arith.index_cast %mul3A_158 : i32 to index
        %get3A_226 = arith.index_cast %add3A_225 : i32 to index
        %get3A_227 = tpu.vector_load %arg6[%get3A, %get3A_226] {strides = array<i32>} : memref<40x128xi32, #tpu.memory_space<vmem>>, vector<1x16xi32>,
        %get3A_228 = vector.shape_cast %get3A_227 : vector<1x16xi32> to vector<16xi32>
        %ge3A = vector.broadcast %mul3A_5 : i32 to vector<16xi32>
        %ge3A_229 = arith.cmpi sge, %get3A_228, %ge3A : vector<16xi32>
        %add3A_230 = arith.constant 12544 : i32
        %add3A_231 = arith.addi %mul3A_5, %add3A_230 : i32
        %lt3A_232 = vector.broadcast %add3A_231 : i32 to vector<16xi32>
        %lt3A_233 = arith.cmpi slt, %get3A_228, %lt3A_232 : vector<16xi32>
        %and3A = arith.andi %ge3A_229, %lt3A_233 : vector<16xi1>
        %mul3A_234 = arith.constant 64 : i32
        %mul3A_235 = arith.muli %mul3A_158, %mul3A_234 : i32
        %mul3A_236 = arith.constant 16 : i32
        %mul3A_237 = arith.muli %add3A_221, %mul3A_236 : i32
        %add3A_238 = arith.addi %mul3A_235, %mul3A_237 : i32
        %iota3A = tpu.iota {dimensions = array<i32: 0>} : vector<16xi32>
        %add3A_239 = vector.broadcast %add3A_238 : i32 to vector<16xi32>
        %add3A_240 = arith.addi %add3A_239, %iota3A : vector<16xi32>
        %and3A_241 = arith.constant 255 : i32
        %and3A_242 = vector.broadcast %and3A_241 : i32 to vector<16xi32>
        %and3A_243 = arith.andi %add3A_240, %and3A_242 : vector<16xi32>
        %add3A_244 = arith.constant 12544 : i32
        %add3A_245 = vector.broadcast %add3A_244 : i32 to vector<16xi32>
        %add3A_246 = arith.addi %add3A_245, %and3A_243 : vector<16xi32>
        %sub3A = vector.broadcast %mul3A_5 : i32 to vector<16xi32>
        %sub3A_247 = arith.subi %get3A_228, %sub3A : vector<16xi32>
        %select_n3A = arith.select %and3A, %sub3A_247, %add3A_246 : vector<16xi1>, vector<16xi32>
        %mul3A_248 = arith.constant 16 : i32
        %mul3A_249 = arith.muli %add3A_221, %mul3A_248 : i32
        %swap3A = arith.constant 0 : i32
        %swap3A_250 = arith.index_cast %swap3A : i32 to index
        %swap3A_251 = arith.index_cast %mul3A_249 : i32 to index
        %swap3A_252 = tpu.vector_load %arg7[%swap3A_250, %swap3A_251] {strides = array<i32>} : memref<2x64xi32, #tpu.memory_space<vmem>>, vector<1x16xi32>,
        %swap3A_253 = vector.shape_cast %swap3A_252 : vector<1x16xi32> to vector<16xi32>
        %swap3A_254 = vector.shape_cast %select_n3A : vector<16xi32> to vector<1x16xi32>
        tpu.vector_store %arg7[%swap3A_250, %swap3A_251], %swap3A_254 {strides = array<i32>} : memref<2x64xi32, #tpu.memory_space<vmem>>, vector<1x16xi32>,
      }
      %scan3A_167 = arith.constant 4 : i32
      %gt3A = arith.constant 0 : i32
      %gt3A_168 = arith.cmpi sgt, %add3A_156, %gt3A : i32
      %convert_element_type3A = arith.extui %gt3A_168 : i1 to i32
      %cond3A = arith.constant 0 : i32
      %cond3A_169 = arith.cmpi ne, %convert_element_type3A, %cond3A : i32
      scf.if %cond3A_169 {
        %dma_wait3A_217 = arith.constant 0 : i32
        %dma_wait3A_218 = arith.constant 0 : i32
        %dma_wait3A_219 = tpu.memref_slice %arg2[%dma_wait3A_217, %dma_wait3A_218] : memref<50176x128xf32, #tpu.memory_space<hbm>> -> memref<64x128xf32, #tpu.memory_space<hbm>>
        %dma_wait3A_220 = arith.constant 0 : i32
        %dma_wait3A_221 = arith.constant 0 : i32
        %dma_wait3A_222 = tpu.memref_slice %arg2[%dma_wait3A_220, %dma_wait3A_221] : memref<50176x128xf32, #tpu.memory_space<hbm>> -> memref<64x128xf32, #tpu.memory_space<hbm>>
        tpu.wait_dma2 semaphore(%arg13 : memref<!tpu.dma_semaphore, #tpu.memory_space<semaphore_mem>>) src(%dma_wait3A_222 : memref<64x128xf32, #tpu.memory_space<hbm>>) dst(%arg9 : memref<64x128xf32, #tpu.memory_space<vmem>>)
      } else {
      }
      %dma_start3A_170 = arith.constant 0 : i32
      %dma_start3A_171 = tpu.memref_slice %arg6[%add3A_162, %dma_start3A_170] : memref<40x128xi32, #tpu.memory_space<vmem>> -> memref<1x64xi32, #tpu.memory_space<vmem>>
      %dma_start3A_172 = tpu.memref_squeeze %dma_start3A_171 : memref<1x64xi32, #tpu.memory_space<vmem>> -> memref<64xi32, #tpu.memory_space<vmem>>
      %dma_start3A_173 = arith.constant 0 : i32
      %dma_start3A_174 = arith.constant 0 : i32
      %dma_start3A_175 = tpu.memref_slice %arg2[%dma_start3A_173, %dma_start3A_174] : memref<50176x128xf32, #tpu.memory_space<hbm>> -> memref<50176x128xf32, #tpu.memory_space<hbm>>
      tpu.enqueue_indirect_dma source(%dma_start3A_175 : memref<50176x128xf32, #tpu.memory_space<hbm>>) target(%arg9 : memref<64x128xf32, #tpu.memory_space<vmem>>) offsets(%dma_start3A_172 : memref<64xi32, #tpu.memory_space<vmem>>) semaphore(%arg11 : memref<!tpu.dma_semaphore, #tpu.memory_space<semaphore_mem>>)
      %dma_wait3A_176 = arith.constant 0 : i32
      %dma_wait3A_177 = arith.constant 0 : i32
      %dma_wait3A_178 = tpu.memref_slice %arg2[%dma_wait3A_176, %dma_wait3A_177] : memref<50176x128xf32, #tpu.memory_space<hbm>> -> memref<64x128xf32, #tpu.memory_space<hbm>>
      %dma_wait3A_179 = arith.constant 0 : i32
      %dma_wait3A_180 = arith.constant 0 : i32
      %dma_wait3A_181 = tpu.memref_slice %arg2[%dma_wait3A_179, %dma_wait3A_180] : memref<50176x128xf32, #tpu.memory_space<hbm>> -> memref<64x128xf32, #tpu.memory_space<hbm>>
      tpu.wait_dma2 semaphore(%arg10 : memref<!tpu.dma_semaphore, #tpu.memory_space<semaphore_mem>>) src(%dma_wait3A_181 : memref<64x128xf32, #tpu.memory_space<hbm>>) dst(%arg8 : memref<64x128xf32, #tpu.memory_space<vmem>>)
      %dma_start3A_182 = arith.constant 0 : i32
      %dma_start3A_183 = arith.constant 0 : i32
      %dma_start3A_184 = tpu.memref_slice %arg7[%dma_start3A_182, %dma_start3A_183] : memref<2x64xi32, #tpu.memory_space<vmem>> -> memref<1x64xi32, #tpu.memory_space<vmem>>
      %dma_start3A_185 = tpu.memref_squeeze %dma_start3A_184 : memref<1x64xi32, #tpu.memory_space<vmem>> -> memref<64xi32, #tpu.memory_space<vmem>>
      %dma_start3A_186 = arith.constant 0 : i32
      %dma_start3A_187 = arith.constant 0 : i32
      %dma_start3A_188 = tpu.memref_slice %arg5[%dma_start3A_186, %dma_start3A_187] : memref<12800x128xf32, #tpu.memory_space<vmem_shared>> -> memref<12800x128xf32, #tpu.memory_space<vmem_shared>>
      tpu.enqueue_indirect_dma source(%arg8 : memref<64x128xf32, #tpu.memory_space<vmem>>) target(%dma_start3A_188 : memref<12800x128xf32, #tpu.memory_space<vmem_shared>>) offsets(%dma_start3A_185 : memref<64xi32, #tpu.memory_space<vmem>>) semaphore(%arg12 : memref<!tpu.dma_semaphore, #tpu.memory_space<semaphore_mem>>) {add = true}
      %scan3A_189 = arith.constant 0 : i32
      %scan3A_190 = arith.constant 4 : i32
      %scan3A_191 = arith.addi %scan3A_189, %scan3A_190 : i32
      %scan3A_192 = arith.constant 1 : i32
      scf.for %scan3A_217 = %scan3A_189 to %scan3A_191 step %scan3A_192  : i32 {
        %mul3A_218 = arith.constant 1 : i32
        %mul3A_219 = arith.muli %scan3A_217, %mul3A_218 : i32
        %add3A_220 = arith.constant 0 : i32
        %add3A_221 = arith.addi %add3A_220, %mul3A_219 : i32
        %mul3A_222 = arith.constant 16 : i32
        %mul3A_223 = arith.muli %add3A_221, %mul3A_222 : i32
        %add3A_224 = arith.constant 64 : i32
        %add3A_225 = arith.addi %add3A_224, %mul3A_223 : i32
        %get3A = arith.index_cast %add3A_162 : i32 to index
        %get3A_226 = arith.index_cast %add3A_225 : i32 to index
        %get3A_227 = tpu.vector_load %arg6[%get3A, %get3A_226] {strides = array<i32>} : memref<40x128xi32, #tpu.memory_space<vmem>>, vector<1x16xi32>,
        %get3A_228 = vector.shape_cast %get3A_227 : vector<1x16xi32> to vector<16xi32>
        %ge3A = vector.broadcast %mul3A_5 : i32 to vector<16xi32>
        %ge3A_229 = arith.cmpi sge, %get3A_228, %ge3A : vector<16xi32>
        %add3A_230 = arith.constant 12544 : i32
        %add3A_231 = arith.addi %mul3A_5, %add3A_230 : i32
        %lt3A_232 = vector.broadcast %add3A_231 : i32 to vector<16xi32>
        %lt3A_233 = arith.cmpi slt, %get3A_228, %lt3A_232 : vector<16xi32>
        %and3A = arith.andi %ge3A_229, %lt3A_233 : vector<16xi1>
        %mul3A_234 = arith.constant 64 : i32
        %mul3A_235 = arith.muli %add3A_162, %mul3A_234 : i32
        %mul3A_236 = arith.constant 16 : i32
        %mul3A_237 = arith.muli %add3A_221, %mul3A_236 : i32
        %add3A_238 = arith.addi %mul3A_235, %mul3A_237 : i32
        %iota3A = tpu.iota {dimensions = array<i32: 0>} : vector<16xi32>
        %add3A_239 = vector.broadcast %add3A_238 : i32 to vector<16xi32>
        %add3A_240 = arith.addi %add3A_239, %iota3A : vector<16xi32>
        %and3A_241 = arith.constant 255 : i32
        %and3A_242 = vector.broadcast %and3A_241 : i32 to vector<16xi32>
        %and3A_243 = arith.andi %add3A_240, %and3A_242 : vector<16xi32>
        %add3A_244 = arith.constant 12544 : i32
        %add3A_245 = vector.broadcast %add3A_244 : i32 to vector<16xi32>
        %add3A_246 = arith.addi %add3A_245, %and3A_243 : vector<16xi32>
        %sub3A = vector.broadcast %mul3A_5 : i32 to vector<16xi32>
        %sub3A_247 = arith.subi %get3A_228, %sub3A : vector<16xi32>
        %select_n3A = arith.select %and3A, %sub3A_247, %add3A_246 : vector<16xi1>, vector<16xi32>
        %mul3A_248 = arith.constant 16 : i32
        %mul3A_249 = arith.muli %add3A_221, %mul3A_248 : i32
        %swap3A = arith.constant 1 : i32
        %swap3A_250 = arith.index_cast %swap3A : i32 to index
        %swap3A_251 = arith.index_cast %mul3A_249 : i32 to index
        %swap3A_252 = tpu.vector_load %arg7[%swap3A_250, %swap3A_251] {strides = array<i32>} : memref<2x64xi32, #tpu.memory_space<vmem>>, vector<1x16xi32>,
        %swap3A_253 = vector.shape_cast %swap3A_252 : vector<1x16xi32> to vector<16xi32>
        %swap3A_254 = vector.shape_cast %select_n3A : vector<16xi32> to vector<1x16xi32>
        tpu.vector_store %arg7[%swap3A_250, %swap3A_251], %swap3A_254 {strides = array<i32>} : memref<2x64xi32, #tpu.memory_space<vmem>>, vector<1x16xi32>,
      }
      %scan3A_193 = arith.constant 4 : i32
      %dma_wait3A_194 = arith.constant 0 : i32
      %dma_wait3A_195 = arith.constant 0 : i32
      %dma_wait3A_196 = tpu.memref_slice %arg2[%dma_wait3A_194, %dma_wait3A_195] : memref<50176x128xf32, #tpu.memory_space<hbm>> -> memref<64x128xf32, #tpu.memory_space<hbm>>
      %dma_wait3A_197 = arith.constant 0 : i32
      %dma_wait3A_198 = arith.constant 0 : i32
      %dma_wait3A_199 = tpu.memref_slice %arg2[%dma_wait3A_197, %dma_wait3A_198] : memref<50176x128xf32, #tpu.memory_space<hbm>> -> memref<64x128xf32, #tpu.memory_space<hbm>>
      tpu.wait_dma2 semaphore(%arg12 : memref<!tpu.dma_semaphore, #tpu.memory_space<semaphore_mem>>) src(%dma_wait3A_199 : memref<64x128xf32, #tpu.memory_space<hbm>>) dst(%arg8 : memref<64x128xf32, #tpu.memory_space<vmem>>)
      %lt3A = arith.constant 19 : i32
      %lt3A_200 = arith.cmpi slt, %add3A_156, %lt3A : i32
      %convert_element_type3A_201 = arith.extui %lt3A_200 : i1 to i32
      %cond3A_202 = arith.constant 0 : i32
      %cond3A_203 = arith.cmpi ne, %convert_element_type3A_201, %cond3A_202 : i32
      scf.if %cond3A_203 {
        %add3A_217 = arith.constant 2 : i32
        %add3A_218 = arith.addi %mul3A_158, %add3A_217 : i32
        %dma_start3A_219 = arith.constant 0 : i32
        %dma_start3A_220 = tpu.memref_slice %arg6[%add3A_218, %dma_start3A_219] : memref<40x128xi32, #tpu.memory_space<vmem>> -> memref<1x64xi32, #tpu.memory_space<vmem>>
        %dma_start3A_221 = tpu.memref_squeeze %dma_start3A_220 : memref<1x64xi32, #tpu.memory_space<vmem>> -> memref<64xi32, #tpu.memory_space<vmem>>
        %dma_start3A_222 = arith.constant 0 : i32
        %dma_start3A_223 = arith.constant 0 : i32
        %dma_start3A_224 = tpu.memref_slice %arg2[%dma_start3A_222, %dma_start3A_223] : memref<50176x128xf32, #tpu.memory_space<hbm>> -> memref<50176x128xf32, #tpu.memory_space<hbm>>
        tpu.enqueue_indirect_dma source(%dma_start3A_224 : memref<50176x128xf32, #tpu.memory_space<hbm>>) target(%arg8 : memref<64x128xf32, #tpu.memory_space<vmem>>) offsets(%dma_start3A_221 : memref<64xi32, #tpu.memory_space<vmem>>) semaphore(%arg10 : memref<!tpu.dma_semaphore, #tpu.memory_space<semaphore_mem>>)
      } else {
      }
      %dma_wait3A_204 = arith.constant 0 : i32
      %dma_wait3A_205 = arith.constant 0 : i32
      %dma_wait3A_206 = tpu.memref_slice %arg2[%dma_wait3A_204, %dma_wait3A_205] : memref<50176x128xf32, #tpu.memory_space<hbm>> -> memref<64x128xf32, #tpu.memory_space<hbm>>
      %dma_wait3A_207 = arith.constant 0 : i32
      %dma_wait3A_208 = arith.constant 0 : i32
      %dma_wait3A_209 = tpu.memref_slice %arg2[%dma_wait3A_207, %dma_wait3A_208] : memref<50176x128xf32, #tpu.memory_space<hbm>> -> memref<64x128xf32, #tpu.memory_space<hbm>>
      tpu.wait_dma2 semaphore(%arg11 : memref<!tpu.dma_semaphore, #tpu.memory_space<semaphore_mem>>) src(%dma_wait3A_209 : memref<64x128xf32, #tpu.memory_space<hbm>>) dst(%arg9 : memref<64x128xf32, #tpu.memory_space<vmem>>)
      %dma_start3A_210 = arith.constant 1 : i32
      %dma_start3A_211 = arith.constant 0 : i32
      %dma_start3A_212 = tpu.memref_slice %arg7[%dma_start3A_210, %dma_start3A_211] : memref<2x64xi32, #tpu.memory_space<vmem>> -> memref<1x64xi32, #tpu.memory_space<vmem>>
      %dma_start3A_213 = tpu.memref_squeeze %dma_start3A_212 : memref<1x64xi32, #tpu.memory_space<vmem>> -> memref<64xi32, #tpu.memory_space<vmem>>
      %dma_start3A_214 = arith.constant 0 : i32
      %dma_start3A_215 = arith.constant 0 : i32
      %dma_start3A_216 = tpu.memref_slice %arg5[%dma_start3A_214, %dma_start3A_215] : memref<12800x128xf32, #tpu.memory_space<vmem_shared>> -> memref<12800x128xf32, #tpu.memory_space<vmem_shared>>
      tpu.enqueue_indirect_dma source(%arg9 : memref<64x128xf32, #tpu.memory_space<vmem>>) target(%dma_start3A_216 : memref<12800x128xf32, #tpu.memory_space<vmem_shared>>) offsets(%dma_start3A_213 : memref<64xi32, #tpu.memory_space<vmem>>) semaphore(%arg13 : memref<!tpu.dma_semaphore, #tpu.memory_space<semaphore_mem>>) {add = true}
    }
    %scan3A_60 = arith.constant 20 : i32
    %dma_wait3A_61 = arith.constant 0 : i32
    %dma_wait3A_62 = arith.constant 0 : i32
    %dma_wait3A_63 = tpu.memref_slice %arg2[%dma_wait3A_61, %dma_wait3A_62] : memref<50176x128xf32, #tpu.memory_space<hbm>> -> memref<64x128xf32, #tpu.memory_space<hbm>>
    %dma_wait3A_64 = arith.constant 0 : i32
    %dma_wait3A_65 = arith.constant 0 : i32
    %dma_wait3A_66 = tpu.memref_slice %arg2[%dma_wait3A_64, %dma_wait3A_65] : memref<50176x128xf32, #tpu.memory_space<hbm>> -> memref<64x128xf32, #tpu.memory_space<hbm>>
    tpu.wait_dma2 semaphore(%arg13 : memref<!tpu.dma_semaphore, #tpu.memory_space<semaphore_mem>>) src(%dma_wait3A_66 : memref<64x128xf32, #tpu.memory_space<hbm>>) dst(%arg9 : memref<64x128xf32, #tpu.memory_space<vmem>>)
    %barrier3A_67 = arith.constant 0 : index
    tpu.barrier barrier_id(%barrier3A_67)
    %mul3A_68 = arith.constant 784 : i32
    %mul3A_69 = arith.muli %arg1, %mul3A_68 : i32
    %mul3A_70 = arith.constant 784 : i32
    %mul3A_71 = arith.muli %arg1, %mul3A_70 : i32
    %add3A_72 = arith.addi %mul3A_5, %mul3A_71 : i32
    "tpu.region"() ({
      %run_scoped3A = tpu.sem_alloc : memref<!tpu.dma_semaphore, #tpu.memory_space<semaphore_mem>>
      %dma_start3A_152 = arith.constant 0 : i32
      %dma_start3A_153 = tpu.memref_slice %arg4[%add3A_72, %dma_start3A_152] : memref<50176x128xf32, #tpu.memory_space<hbm>> -> memref<784x128xf32, #tpu.memory_space<hbm>>
      %dma_start3A_154 = arith.constant 0 : i32
      %dma_start3A_155 = tpu.memref_slice %arg5[%mul3A_69, %dma_start3A_154] : memref<12800x128xf32, #tpu.memory_space<vmem_shared>> -> memref<784x128xf32, #tpu.memory_space<vmem_shared>>
      tpu.enqueue_dma source(%dma_start3A_155 : memref<784x128xf32, #tpu.memory_space<vmem_shared>>) target(%dma_start3A_153 : memref<784x128xf32, #tpu.memory_space<hbm>>) target_semaphore(%run_scoped3A : memref<!tpu.dma_semaphore, #tpu.memory_space<semaphore_mem>>)
      %dma_wait3A_156 = arith.constant 0 : i32
      %dma_wait3A_157 = tpu.memref_slice %arg4[%add3A_72, %dma_wait3A_156] : memref<50176x128xf32, #tpu.memory_space<hbm>> -> memref<784x128xf32, #tpu.memory_space<hbm>>
      %dma_wait3A_158 = arith.constant 0 : i32
      %dma_wait3A_159 = tpu.memref_slice %arg5[%mul3A_69, %dma_wait3A_158] : memref<12800x128xf32, #tpu.memory_space<vmem_shared>> -> memref<784x128xf32, #tpu.memory_space<vmem_shared>>
      tpu.wait_dma2 semaphore(%run_scoped3A : memref<!tpu.dma_semaphore, #tpu.memory_space<semaphore_mem>>) src(%dma_wait3A_159 : memref<784x128xf32, #tpu.memory_space<vmem_shared>>) dst(%dma_wait3A_157 : memref<784x128xf32, #tpu.memory_space<hbm>>)
      tpu.yield
    }) : () -> ()
    %barrier3A_73 = arith.constant 0 : index
    tpu.barrier barrier_id(%barrier3A_73)
    %mul3A_74 = arith.constant 2 : i32
    %mul3A_75 = arith.muli %mul3A_74, %arg0 : i32
    %add3A_76 = arith.constant 1 : i32
    %add3A_77 = arith.addi %mul3A_75, %add3A_76 : i32
    %mul3A_78 = arith.constant 12544 : i32
    %mul3A_79 = arith.muli %add3A_77, %mul3A_78 : i32
    %scan3A_80 = arith.constant 0 : i32
    %scan3A_81 = arith.constant 28 : i32
    %scan3A_82 = arith.addi %scan3A_80, %scan3A_81 : i32
    %scan3A_83 = arith.constant 1 : i32
    scf.for %scan3A_152 = %scan3A_80 to %scan3A_82 step %scan3A_83  : i32 {
      %mul3A_153 = arith.constant 1 : i32
      %mul3A_154 = arith.muli %scan3A_152, %mul3A_153 : i32
      %add3A_155 = arith.constant 0 : i32
      %add3A_156 = arith.addi %add3A_155, %mul3A_154 : i32
      %broadcast_in_dim3A = arith.constant 0.000000e+00 : f32
      %broadcast_in_dim3A_157 = vector.broadcast %broadcast_in_dim3A : f32 to vector<16xf32>
      %swap3A = arith.index_cast %add3A_156 : i32 to index
      %swap3A_158 = arith.constant 0 : index
      %swap3A_159 = tpu.vector_load %arg8[%swap3A, %swap3A_158] {strides = array<i32>} : memref<64x128xf32, #tpu.memory_space<vmem>>, vector<1x16xf32>,
      %swap3A_160 = vector.shape_cast %swap3A_159 : vector<1x16xf32> to vector<16xf32>
      %swap3A_161 = vector.shape_cast %broadcast_in_dim3A_157 : vector<16xf32> to vector<1x16xf32>
      tpu.vector_store %arg8[%swap3A, %swap3A_158], %swap3A_161 {strides = array<i32>} : memref<64x128xf32, #tpu.memory_space<vmem>>, vector<1x16xf32>,
      %broadcast_in_dim3A_162 = arith.constant 0.000000e+00 : f32
      %broadcast_in_dim3A_163 = vector.broadcast %broadcast_in_dim3A_162 : f32 to vector<16xf32>
      %swap3A_164 = arith.index_cast %add3A_156 : i32 to index
      %swap3A_165 = arith.constant 16 : index
      %swap3A_166 = tpu.vector_load %arg8[%swap3A_164, %swap3A_165] {strides = array<i32>} : memref<64x128xf32, #tpu.memory_space<vmem>>, vector<1x16xf32>,
      %swap3A_167 = vector.shape_cast %swap3A_166 : vector<1x16xf32> to vector<16xf32>
      %swap3A_168 = vector.shape_cast %broadcast_in_dim3A_163 : vector<16xf32> to vector<1x16xf32>
      tpu.vector_store %arg8[%swap3A_164, %swap3A_165], %swap3A_168 {strides = array<i32>} : memref<64x128xf32, #tpu.memory_space<vmem>>, vector<1x16xf32>,
      %broadcast_in_dim3A_169 = arith.constant 0.000000e+00 : f32
      %broadcast_in_dim3A_170 = vector.broadcast %broadcast_in_dim3A_169 : f32 to vector<16xf32>
      %swap3A_171 = arith.index_cast %add3A_156 : i32 to index
      %swap3A_172 = arith.constant 32 : index
      %swap3A_173 = tpu.vector_load %arg8[%swap3A_171, %swap3A_172] {strides = array<i32>} : memref<64x128xf32, #tpu.memory_space<vmem>>, vector<1x16xf32>,
      %swap3A_174 = vector.shape_cast %swap3A_173 : vector<1x16xf32> to vector<16xf32>
      %swap3A_175 = vector.shape_cast %broadcast_in_dim3A_170 : vector<16xf32> to vector<1x16xf32>
      tpu.vector_store %arg8[%swap3A_171, %swap3A_172], %swap3A_175 {strides = array<i32>} : memref<64x128xf32, #tpu.memory_space<vmem>>, vector<1x16xf32>,
      %broadcast_in_dim3A_176 = arith.constant 0.000000e+00 : f32
      %broadcast_in_dim3A_177 = vector.broadcast %broadcast_in_dim3A_176 : f32 to vector<16xf32>
      %swap3A_178 = arith.index_cast %add3A_156 : i32 to index
      %swap3A_179 = arith.constant 48 : index
      %swap3A_180 = tpu.vector_load %arg8[%swap3A_178, %swap3A_179] {strides = array<i32>} : memref<64x128xf32, #tpu.memory_space<vmem>>, vector<1x16xf32>,
      %swap3A_181 = vector.shape_cast %swap3A_180 : vector<1x16xf32> to vector<16xf32>
      %swap3A_182 = vector.shape_cast %broadcast_in_dim3A_177 : vector<16xf32> to vector<1x16xf32>
      tpu.vector_store %arg8[%swap3A_178, %swap3A_179], %swap3A_182 {strides = array<i32>} : memref<64x128xf32, #tpu.memory_space<vmem>>, vector<1x16xf32>,
      %broadcast_in_dim3A_183 = arith.constant 0.000000e+00 : f32
      %broadcast_in_dim3A_184 = vector.broadcast %broadcast_in_dim3A_183 : f32 to vector<16xf32>
      %swap3A_185 = arith.index_cast %add3A_156 : i32 to index
      %swap3A_186 = arith.constant 64 : index
      %swap3A_187 = tpu.vector_load %arg8[%swap3A_185, %swap3A_186] {strides = array<i32>} : memref<64x128xf32, #tpu.memory_space<vmem>>, vector<1x16xf32>,
      %swap3A_188 = vector.shape_cast %swap3A_187 : vector<1x16xf32> to vector<16xf32>
      %swap3A_189 = vector.shape_cast %broadcast_in_dim3A_184 : vector<16xf32> to vector<1x16xf32>
      tpu.vector_store %arg8[%swap3A_185, %swap3A_186], %swap3A_189 {strides = array<i32>} : memref<64x128xf32, #tpu.memory_space<vmem>>, vector<1x16xf32>,
      %broadcast_in_dim3A_190 = arith.constant 0.000000e+00 : f32
      %broadcast_in_dim3A_191 = vector.broadcast %broadcast_in_dim3A_190 : f32 to vector<16xf32>
      %swap3A_192 = arith.index_cast %add3A_156 : i32 to index
      %swap3A_193 = arith.constant 80 : index
      %swap3A_194 = tpu.vector_load %arg8[%swap3A_192, %swap3A_193] {strides = array<i32>} : memref<64x128xf32, #tpu.memory_space<vmem>>, vector<1x16xf32>,
      %swap3A_195 = vector.shape_cast %swap3A_194 : vector<1x16xf32> to vector<16xf32>
      %swap3A_196 = vector.shape_cast %broadcast_in_dim3A_191 : vector<16xf32> to vector<1x16xf32>
      tpu.vector_store %arg8[%swap3A_192, %swap3A_193], %swap3A_196 {strides = array<i32>} : memref<64x128xf32, #tpu.memory_space<vmem>>, vector<1x16xf32>,
      %broadcast_in_dim3A_197 = arith.constant 0.000000e+00 : f32
      %broadcast_in_dim3A_198 = vector.broadcast %broadcast_in_dim3A_197 : f32 to vector<16xf32>
      %swap3A_199 = arith.index_cast %add3A_156 : i32 to index
      %swap3A_200 = arith.constant 96 : index
      %swap3A_201 = tpu.vector_load %arg8[%swap3A_199, %swap3A_200] {strides = array<i32>} : memref<64x128xf32, #tpu.memory_space<vmem>>, vector<1x16xf32>,
      %swap3A_202 = vector.shape_cast %swap3A_201 : vector<1x16xf32> to vector<16xf32>
      %swap3A_203 = vector.shape_cast %broadcast_in_dim3A_198 : vector<16xf32> to vector<1x16xf32>
      tpu.vector_store %arg8[%swap3A_199, %swap3A_200], %swap3A_203 {strides = array<i32>} : memref<64x128xf32, #tpu.memory_space<vmem>>, vector<1x16xf32>,
      %broadcast_in_dim3A_204 = arith.constant 0.000000e+00 : f32
      %broadcast_in_dim3A_205 = vector.broadcast %broadcast_in_dim3A_204 : f32 to vector<16xf32>
      %swap3A_206 = arith.index_cast %add3A_156 : i32 to index
      %swap3A_207 = arith.constant 112 : index
      %swap3A_208 = tpu.vector_load %arg8[%swap3A_206, %swap3A_207] {strides = array<i32>} : memref<64x128xf32, #tpu.memory_space<vmem>>, vector<1x16xf32>,
      %swap3A_209 = vector.shape_cast %swap3A_208 : vector<1x16xf32> to vector<16xf32>
      %swap3A_210 = vector.shape_cast %broadcast_in_dim3A_205 : vector<16xf32> to vector<1x16xf32>
      tpu.vector_store %arg8[%swap3A_206, %swap3A_207], %swap3A_210 {strides = array<i32>} : memref<64x128xf32, #tpu.memory_space<vmem>>, vector<1x16xf32>,
    }
    %scan3A_84 = arith.constant 28 : i32
    %scan3A_85 = arith.constant 0 : i32
    %scan3A_86 = arith.constant 28 : i32
    %scan3A_87 = arith.addi %scan3A_85, %scan3A_86 : i32
    %scan3A_88 = arith.constant 1 : i32
    scf.for %scan3A_152 = %scan3A_85 to %scan3A_87 step %scan3A_88  : i32 {
      %mul3A_153 = arith.constant 1 : i32
      %mul3A_154 = arith.muli %scan3A_152, %mul3A_153 : i32
      %add3A_155 = arith.constant 0 : i32
      %add3A_156 = arith.addi %add3A_155, %mul3A_154 : i32
      %mul3A_157 = arith.constant 28 : i32
      %mul3A_158 = arith.muli %add3A_156, %mul3A_157 : i32
      %add3A_159 = arith.addi %mul3A_0, %mul3A_158 : i32
      "tpu.region"() ({
        %run_scoped3A = tpu.sem_alloc : memref<!tpu.dma_semaphore, #tpu.memory_space<semaphore_mem>>
        %dma_start3A_160 = arith.constant 0 : i32
        %dma_start3A_161 = arith.constant 0 : i32
        %dma_start3A_162 = tpu.memref_slice %arg8[%dma_start3A_160, %dma_start3A_161] : memref<64x128xf32, #tpu.memory_space<vmem>> -> memref<28x128xf32, #tpu.memory_space<vmem>>
        %dma_start3A_163 = arith.constant 0 : i32
        %dma_start3A_164 = tpu.memref_slice %arg5[%add3A_159, %dma_start3A_163] : memref<12800x128xf32, #tpu.memory_space<vmem_shared>> -> memref<28x128xf32, #tpu.memory_space<vmem_shared>>
        %dma_start3A_165 = arith.constant 0 : i32
        %dma_start3A_166 = tpu.memref_slice %arg5[%add3A_159, %dma_start3A_165] : memref<12800x128xf32, #tpu.memory_space<vmem_shared>> -> memref<28x128xf32, #tpu.memory_space<vmem_shared>>
        %dma_start3A_167 = arith.constant 0 : i32
        %dma_start3A_168 = arith.constant 0 : i32
        %dma_start3A_169 = tpu.memref_slice %arg8[%dma_start3A_167, %dma_start3A_168] : memref<64x128xf32, #tpu.memory_space<vmem>> -> memref<28x128xf32, #tpu.memory_space<vmem>>
        tpu.enqueue_dma source(%dma_start3A_169 : memref<28x128xf32, #tpu.memory_space<vmem>>) target(%dma_start3A_166 : memref<28x128xf32, #tpu.memory_space<vmem_shared>>) target_semaphore(%run_scoped3A : memref<!tpu.dma_semaphore, #tpu.memory_space<semaphore_mem>>)
        %dma_wait3A_170 = arith.constant 0 : i32
        %dma_wait3A_171 = arith.constant 0 : i32
        %dma_wait3A_172 = tpu.memref_slice %arg8[%dma_wait3A_170, %dma_wait3A_171] : memref<64x128xf32, #tpu.memory_space<vmem>> -> memref<28x128xf32, #tpu.memory_space<vmem>>
        %dma_wait3A_173 = arith.constant 0 : i32
        %dma_wait3A_174 = tpu.memref_slice %arg5[%add3A_159, %dma_wait3A_173] : memref<12800x128xf32, #tpu.memory_space<vmem_shared>> -> memref<28x128xf32, #tpu.memory_space<vmem_shared>>
        %dma_wait3A_175 = arith.constant 0 : i32
        %dma_wait3A_176 = tpu.memref_slice %arg5[%add3A_159, %dma_wait3A_175] : memref<12800x128xf32, #tpu.memory_space<vmem_shared>> -> memref<28x128xf32, #tpu.memory_space<vmem_shared>>
        %dma_wait3A_177 = arith.constant 0 : i32
        %dma_wait3A_178 = arith.constant 0 : i32
        %dma_wait3A_179 = tpu.memref_slice %arg8[%dma_wait3A_177, %dma_wait3A_178] : memref<64x128xf32, #tpu.memory_space<vmem>> -> memref<28x128xf32, #tpu.memory_space<vmem>>
        tpu.wait_dma2 semaphore(%run_scoped3A : memref<!tpu.dma_semaphore, #tpu.memory_space<semaphore_mem>>) src(%dma_wait3A_179 : memref<28x128xf32, #tpu.memory_space<vmem>>) dst(%dma_wait3A_176 : memref<28x128xf32, #tpu.memory_space<vmem_shared>>)
        tpu.yield
      }) : () -> ()
    }
    %scan3A_89 = arith.constant 28 : i32
    %barrier3A_90 = arith.constant 0 : index
    tpu.barrier barrier_id(%barrier3A_90)
    "tpu.region"() ({
      %run_scoped3A = tpu.sem_alloc : memref<!tpu.dma_semaphore, #tpu.memory_space<semaphore_mem>>
      %dma_start3A_152 = arith.constant 0 : i32
      %dma_start3A_153 = arith.constant 0 : i32
      %dma_start3A_154 = tpu.memref_slice %arg3[%arg1, %dma_start3A_152, %dma_start3A_153] : memref<16x120x128xi32, #tpu.memory_space<hbm>> -> memref<1x40x128xi32, #tpu.memory_space<hbm>>
      %dma_start3A_155 = tpu.memref_squeeze %dma_start3A_154 : memref<1x40x128xi32, #tpu.memory_space<hbm>> -> memref<40x128xi32, #tpu.memory_space<hbm>>
      %dma_start3A_156 = arith.constant 0 : i32
      %dma_start3A_157 = arith.constant 0 : i32
      %dma_start3A_158 = tpu.memref_slice %arg3[%arg1, %dma_start3A_156, %dma_start3A_157] : memref<16x120x128xi32, #tpu.memory_space<hbm>> -> memref<1x40x128xi32, #tpu.memory_space<hbm>>
      %dma_start3A_159 = tpu.memref_squeeze %dma_start3A_158 : memref<1x40x128xi32, #tpu.memory_space<hbm>> -> memref<40x128xi32, #tpu.memory_space<hbm>>
      tpu.enqueue_dma source(%dma_start3A_159 : memref<40x128xi32, #tpu.memory_space<hbm>>) target(%arg6 : memref<40x128xi32, #tpu.memory_space<vmem>>) target_semaphore(%run_scoped3A : memref<!tpu.dma_semaphore, #tpu.memory_space<semaphore_mem>>)
      %dma_wait3A_160 = arith.constant 0 : i32
      %dma_wait3A_161 = arith.constant 0 : i32
      %dma_wait3A_162 = tpu.memref_slice %arg3[%arg1, %dma_wait3A_160, %dma_wait3A_161] : memref<16x120x128xi32, #tpu.memory_space<hbm>> -> memref<1x40x128xi32, #tpu.memory_space<hbm>>
      %dma_wait3A_163 = tpu.memref_squeeze %dma_wait3A_162 : memref<1x40x128xi32, #tpu.memory_space<hbm>> -> memref<40x128xi32, #tpu.memory_space<hbm>>
      %dma_wait3A_164 = arith.constant 0 : i32
      %dma_wait3A_165 = arith.constant 0 : i32
      %dma_wait3A_166 = tpu.memref_slice %arg3[%arg1, %dma_wait3A_164, %dma_wait3A_165] : memref<16x120x128xi32, #tpu.memory_space<hbm>> -> memref<1x40x128xi32, #tpu.memory_space<hbm>>
      %dma_wait3A_167 = tpu.memref_squeeze %dma_wait3A_166 : memref<1x40x128xi32, #tpu.memory_space<hbm>> -> memref<40x128xi32, #tpu.memory_space<hbm>>
      tpu.wait_dma2 semaphore(%run_scoped3A : memref<!tpu.dma_semaphore, #tpu.memory_space<semaphore_mem>>) src(%dma_wait3A_167 : memref<40x128xi32, #tpu.memory_space<hbm>>) dst(%arg6 : memref<40x128xi32, #tpu.memory_space<vmem>>)
      tpu.yield
    }) : () -> ()
    %dma_start3A_91 = arith.constant 0 : i32
    %dma_start3A_92 = arith.constant 0 : i32
    %dma_start3A_93 = tpu.memref_slice %arg6[%dma_start3A_91, %dma_start3A_92] : memref<40x128xi32, #tpu.memory_space<vmem>> -> memref<1x64xi32, #tpu.memory_space<vmem>>
    %dma_start3A_94 = tpu.memref_squeeze %dma_start3A_93 : memref<1x64xi32, #tpu.memory_space<vmem>> -> memref<64xi32, #tpu.memory_space<vmem>>
    %dma_start3A_95 = arith.constant 0 : i32
    %dma_start3A_96 = arith.constant 0 : i32
    %dma_start3A_97 = tpu.memref_slice %arg2[%dma_start3A_95, %dma_start3A_96] : memref<50176x128xf32, #tpu.memory_space<hbm>> -> memref<50176x128xf32, #tpu.memory_space<hbm>>
    tpu.enqueue_indirect_dma source(%dma_start3A_97 : memref<50176x128xf32, #tpu.memory_space<hbm>>) target(%arg8 : memref<64x128xf32, #tpu.memory_space<vmem>>) offsets(%dma_start3A_94 : memref<64xi32, #tpu.memory_space<vmem>>) semaphore(%arg10 : memref<!tpu.dma_semaphore, #tpu.memory_space<semaphore_mem>>)
    %scan3A_98 = arith.constant 0 : i32
    %scan3A_99 = arith.constant 20 : i32
    %scan3A_100 = arith.addi %scan3A_98, %scan3A_99 : i32
    %scan3A_101 = arith.constant 1 : i32
    scf.for %scan3A_152 = %scan3A_98 to %scan3A_100 step %scan3A_101  : i32 {
      %mul3A_153 = arith.constant 1 : i32
      %mul3A_154 = arith.muli %scan3A_152, %mul3A_153 : i32
      %add3A_155 = arith.constant 0 : i32
      %add3A_156 = arith.addi %add3A_155, %mul3A_154 : i32
      %mul3A_157 = arith.constant 2 : i32
      %mul3A_158 = arith.muli %mul3A_157, %add3A_156 : i32
      %mul3A_159 = arith.constant 2 : i32
      %mul3A_160 = arith.muli %mul3A_159, %add3A_156 : i32
      %add3A_161 = arith.constant 1 : i32
      %add3A_162 = arith.addi %mul3A_160, %add3A_161 : i32
      %scan3A_163 = arith.constant 0 : i32
      %scan3A_164 = arith.constant 4 : i32
      %scan3A_165 = arith.addi %scan3A_163, %scan3A_164 : i32
      %scan3A_166 = arith.constant 1 : i32
      scf.for %scan3A_217 = %scan3A_163 to %scan3A_165 step %scan3A_166  : i32 {
        %mul3A_218 = arith.constant 1 : i32
        %mul3A_219 = arith.muli %scan3A_217, %mul3A_218 : i32
        %add3A_220 = arith.constant 0 : i32
        %add3A_221 = arith.addi %add3A_220, %mul3A_219 : i32
        %mul3A_222 = arith.constant 16 : i32
        %mul3A_223 = arith.muli %add3A_221, %mul3A_222 : i32
        %add3A_224 = arith.constant 64 : i32
        %add3A_225 = arith.addi %add3A_224, %mul3A_223 : i32
        %get3A = arith.index_cast %mul3A_158 : i32 to index
        %get3A_226 = arith.index_cast %add3A_225 : i32 to index
        %get3A_227 = tpu.vector_load %arg6[%get3A, %get3A_226] {strides = array<i32>} : memref<40x128xi32, #tpu.memory_space<vmem>>, vector<1x16xi32>,
        %get3A_228 = vector.shape_cast %get3A_227 : vector<1x16xi32> to vector<16xi32>
        %ge3A = vector.broadcast %mul3A_79 : i32 to vector<16xi32>
        %ge3A_229 = arith.cmpi sge, %get3A_228, %ge3A : vector<16xi32>
        %add3A_230 = arith.constant 12544 : i32
        %add3A_231 = arith.addi %mul3A_79, %add3A_230 : i32
        %lt3A_232 = vector.broadcast %add3A_231 : i32 to vector<16xi32>
        %lt3A_233 = arith.cmpi slt, %get3A_228, %lt3A_232 : vector<16xi32>
        %and3A = arith.andi %ge3A_229, %lt3A_233 : vector<16xi1>
        %mul3A_234 = arith.constant 64 : i32
        %mul3A_235 = arith.muli %mul3A_158, %mul3A_234 : i32
        %mul3A_236 = arith.constant 16 : i32
        %mul3A_237 = arith.muli %add3A_221, %mul3A_236 : i32
        %add3A_238 = arith.addi %mul3A_235, %mul3A_237 : i32
        %iota3A = tpu.iota {dimensions = array<i32: 0>} : vector<16xi32>
        %add3A_239 = vector.broadcast %add3A_238 : i32 to vector<16xi32>
        %add3A_240 = arith.addi %add3A_239, %iota3A : vector<16xi32>
        %and3A_241 = arith.constant 255 : i32
        %and3A_242 = vector.broadcast %and3A_241 : i32 to vector<16xi32>
        %and3A_243 = arith.andi %add3A_240, %and3A_242 : vector<16xi32>
        %add3A_244 = arith.constant 12544 : i32
        %add3A_245 = vector.broadcast %add3A_244 : i32 to vector<16xi32>
        %add3A_246 = arith.addi %add3A_245, %and3A_243 : vector<16xi32>
        %sub3A = vector.broadcast %mul3A_79 : i32 to vector<16xi32>
        %sub3A_247 = arith.subi %get3A_228, %sub3A : vector<16xi32>
        %select_n3A = arith.select %and3A, %sub3A_247, %add3A_246 : vector<16xi1>, vector<16xi32>
        %mul3A_248 = arith.constant 16 : i32
        %mul3A_249 = arith.muli %add3A_221, %mul3A_248 : i32
        %swap3A = arith.constant 0 : i32
        %swap3A_250 = arith.index_cast %swap3A : i32 to index
        %swap3A_251 = arith.index_cast %mul3A_249 : i32 to index
        %swap3A_252 = tpu.vector_load %arg7[%swap3A_250, %swap3A_251] {strides = array<i32>} : memref<2x64xi32, #tpu.memory_space<vmem>>, vector<1x16xi32>,
        %swap3A_253 = vector.shape_cast %swap3A_252 : vector<1x16xi32> to vector<16xi32>
        %swap3A_254 = vector.shape_cast %select_n3A : vector<16xi32> to vector<1x16xi32>
        tpu.vector_store %arg7[%swap3A_250, %swap3A_251], %swap3A_254 {strides = array<i32>} : memref<2x64xi32, #tpu.memory_space<vmem>>, vector<1x16xi32>,
      }
      %scan3A_167 = arith.constant 4 : i32
      %gt3A = arith.constant 0 : i32
      %gt3A_168 = arith.cmpi sgt, %add3A_156, %gt3A : i32
      %convert_element_type3A = arith.extui %gt3A_168 : i1 to i32
      %cond3A = arith.constant 0 : i32
      %cond3A_169 = arith.cmpi ne, %convert_element_type3A, %cond3A : i32
      scf.if %cond3A_169 {
        %dma_wait3A_217 = arith.constant 0 : i32
        %dma_wait3A_218 = arith.constant 0 : i32
        %dma_wait3A_219 = tpu.memref_slice %arg2[%dma_wait3A_217, %dma_wait3A_218] : memref<50176x128xf32, #tpu.memory_space<hbm>> -> memref<64x128xf32, #tpu.memory_space<hbm>>
        %dma_wait3A_220 = arith.constant 0 : i32
        %dma_wait3A_221 = arith.constant 0 : i32
        %dma_wait3A_222 = tpu.memref_slice %arg2[%dma_wait3A_220, %dma_wait3A_221] : memref<50176x128xf32, #tpu.memory_space<hbm>> -> memref<64x128xf32, #tpu.memory_space<hbm>>
        tpu.wait_dma2 semaphore(%arg13 : memref<!tpu.dma_semaphore, #tpu.memory_space<semaphore_mem>>) src(%dma_wait3A_222 : memref<64x128xf32, #tpu.memory_space<hbm>>) dst(%arg9 : memref<64x128xf32, #tpu.memory_space<vmem>>)
      } else {
      }
      %dma_start3A_170 = arith.constant 0 : i32
      %dma_start3A_171 = tpu.memref_slice %arg6[%add3A_162, %dma_start3A_170] : memref<40x128xi32, #tpu.memory_space<vmem>> -> memref<1x64xi32, #tpu.memory_space<vmem>>
      %dma_start3A_172 = tpu.memref_squeeze %dma_start3A_171 : memref<1x64xi32, #tpu.memory_space<vmem>> -> memref<64xi32, #tpu.memory_space<vmem>>
      %dma_start3A_173 = arith.constant 0 : i32
      %dma_start3A_174 = arith.constant 0 : i32
      %dma_start3A_175 = tpu.memref_slice %arg2[%dma_start3A_173, %dma_start3A_174] : memref<50176x128xf32, #tpu.memory_space<hbm>> -> memref<50176x128xf32, #tpu.memory_space<hbm>>
      tpu.enqueue_indirect_dma source(%dma_start3A_175 : memref<50176x128xf32, #tpu.memory_space<hbm>>) target(%arg9 : memref<64x128xf32, #tpu.memory_space<vmem>>) offsets(%dma_start3A_172 : memref<64xi32, #tpu.memory_space<vmem>>) semaphore(%arg11 : memref<!tpu.dma_semaphore, #tpu.memory_space<semaphore_mem>>)
      %dma_wait3A_176 = arith.constant 0 : i32
      %dma_wait3A_177 = arith.constant 0 : i32
      %dma_wait3A_178 = tpu.memref_slice %arg2[%dma_wait3A_176, %dma_wait3A_177] : memref<50176x128xf32, #tpu.memory_space<hbm>> -> memref<64x128xf32, #tpu.memory_space<hbm>>
      %dma_wait3A_179 = arith.constant 0 : i32
      %dma_wait3A_180 = arith.constant 0 : i32
      %dma_wait3A_181 = tpu.memref_slice %arg2[%dma_wait3A_179, %dma_wait3A_180] : memref<50176x128xf32, #tpu.memory_space<hbm>> -> memref<64x128xf32, #tpu.memory_space<hbm>>
      tpu.wait_dma2 semaphore(%arg10 : memref<!tpu.dma_semaphore, #tpu.memory_space<semaphore_mem>>) src(%dma_wait3A_181 : memref<64x128xf32, #tpu.memory_space<hbm>>) dst(%arg8 : memref<64x128xf32, #tpu.memory_space<vmem>>)
      %dma_start3A_182 = arith.constant 0 : i32
      %dma_start3A_183 = arith.constant 0 : i32
      %dma_start3A_184 = tpu.memref_slice %arg7[%dma_start3A_182, %dma_start3A_183] : memref<2x64xi32, #tpu.memory_space<vmem>> -> memref<1x64xi32, #tpu.memory_space<vmem>>
      %dma_start3A_185 = tpu.memref_squeeze %dma_start3A_184 : memref<1x64xi32, #tpu.memory_space<vmem>> -> memref<64xi32, #tpu.memory_space<vmem>>
      %dma_start3A_186 = arith.constant 0 : i32
      %dma_start3A_187 = arith.constant 0 : i32
      %dma_start3A_188 = tpu.memref_slice %arg5[%dma_start3A_186, %dma_start3A_187] : memref<12800x128xf32, #tpu.memory_space<vmem_shared>> -> memref<12800x128xf32, #tpu.memory_space<vmem_shared>>
      tpu.enqueue_indirect_dma source(%arg8 : memref<64x128xf32, #tpu.memory_space<vmem>>) target(%dma_start3A_188 : memref<12800x128xf32, #tpu.memory_space<vmem_shared>>) offsets(%dma_start3A_185 : memref<64xi32, #tpu.memory_space<vmem>>) semaphore(%arg12 : memref<!tpu.dma_semaphore, #tpu.memory_space<semaphore_mem>>) {add = true}
      %scan3A_189 = arith.constant 0 : i32
      %scan3A_190 = arith.constant 4 : i32
      %scan3A_191 = arith.addi %scan3A_189, %scan3A_190 : i32
      %scan3A_192 = arith.constant 1 : i32
      scf.for %scan3A_217 = %scan3A_189 to %scan3A_191 step %scan3A_192  : i32 {
        %mul3A_218 = arith.constant 1 : i32
        %mul3A_219 = arith.muli %scan3A_217, %mul3A_218 : i32
        %add3A_220 = arith.constant 0 : i32
        %add3A_221 = arith.addi %add3A_220, %mul3A_219 : i32
        %mul3A_222 = arith.constant 16 : i32
        %mul3A_223 = arith.muli %add3A_221, %mul3A_222 : i32
        %add3A_224 = arith.constant 64 : i32
        %add3A_225 = arith.addi %add3A_224, %mul3A_223 : i32
        %get3A = arith.index_cast %add3A_162 : i32 to index
        %get3A_226 = arith.index_cast %add3A_225 : i32 to index
        %get3A_227 = tpu.vector_load %arg6[%get3A, %get3A_226] {strides = array<i32>} : memref<40x128xi32, #tpu.memory_space<vmem>>, vector<1x16xi32>,
        %get3A_228 = vector.shape_cast %get3A_227 : vector<1x16xi32> to vector<16xi32>
        %ge3A = vector.broadcast %mul3A_79 : i32 to vector<16xi32>
        %ge3A_229 = arith.cmpi sge, %get3A_228, %ge3A : vector<16xi32>
        %add3A_230 = arith.constant 12544 : i32
        %add3A_231 = arith.addi %mul3A_79, %add3A_230 : i32
        %lt3A_232 = vector.broadcast %add3A_231 : i32 to vector<16xi32>
        %lt3A_233 = arith.cmpi slt, %get3A_228, %lt3A_232 : vector<16xi32>
        %and3A = arith.andi %ge3A_229, %lt3A_233 : vector<16xi1>
        %mul3A_234 = arith.constant 64 : i32
        %mul3A_235 = arith.muli %add3A_162, %mul3A_234 : i32
        %mul3A_236 = arith.constant 16 : i32
        %mul3A_237 = arith.muli %add3A_221, %mul3A_236 : i32
        %add3A_238 = arith.addi %mul3A_235, %mul3A_237 : i32
        %iota3A = tpu.iota {dimensions = array<i32: 0>} : vector<16xi32>
        %add3A_239 = vector.broadcast %add3A_238 : i32 to vector<16xi32>
        %add3A_240 = arith.addi %add3A_239, %iota3A : vector<16xi32>
        %and3A_241 = arith.constant 255 : i32
        %and3A_242 = vector.broadcast %and3A_241 : i32 to vector<16xi32>
        %and3A_243 = arith.andi %add3A_240, %and3A_242 : vector<16xi32>
        %add3A_244 = arith.constant 12544 : i32
        %add3A_245 = vector.broadcast %add3A_244 : i32 to vector<16xi32>
        %add3A_246 = arith.addi %add3A_245, %and3A_243 : vector<16xi32>
        %sub3A = vector.broadcast %mul3A_79 : i32 to vector<16xi32>
        %sub3A_247 = arith.subi %get3A_228, %sub3A : vector<16xi32>
        %select_n3A = arith.select %and3A, %sub3A_247, %add3A_246 : vector<16xi1>, vector<16xi32>
        %mul3A_248 = arith.constant 16 : i32
        %mul3A_249 = arith.muli %add3A_221, %mul3A_248 : i32
        %swap3A = arith.constant 1 : i32
        %swap3A_250 = arith.index_cast %swap3A : i32 to index
        %swap3A_251 = arith.index_cast %mul3A_249 : i32 to index
        %swap3A_252 = tpu.vector_load %arg7[%swap3A_250, %swap3A_251] {strides = array<i32>} : memref<2x64xi32, #tpu.memory_space<vmem>>, vector<1x16xi32>,
        %swap3A_253 = vector.shape_cast %swap3A_252 : vector<1x16xi32> to vector<16xi32>
        %swap3A_254 = vector.shape_cast %select_n3A : vector<16xi32> to vector<1x16xi32>
        tpu.vector_store %arg7[%swap3A_250, %swap3A_251], %swap3A_254 {strides = array<i32>} : memref<2x64xi32, #tpu.memory_space<vmem>>, vector<1x16xi32>,
      }
      %scan3A_193 = arith.constant 4 : i32
      %dma_wait3A_194 = arith.constant 0 : i32
      %dma_wait3A_195 = arith.constant 0 : i32
      %dma_wait3A_196 = tpu.memref_slice %arg2[%dma_wait3A_194, %dma_wait3A_195] : memref<50176x128xf32, #tpu.memory_space<hbm>> -> memref<64x128xf32, #tpu.memory_space<hbm>>
      %dma_wait3A_197 = arith.constant 0 : i32
      %dma_wait3A_198 = arith.constant 0 : i32
      %dma_wait3A_199 = tpu.memref_slice %arg2[%dma_wait3A_197, %dma_wait3A_198] : memref<50176x128xf32, #tpu.memory_space<hbm>> -> memref<64x128xf32, #tpu.memory_space<hbm>>
      tpu.wait_dma2 semaphore(%arg12 : memref<!tpu.dma_semaphore, #tpu.memory_space<semaphore_mem>>) src(%dma_wait3A_199 : memref<64x128xf32, #tpu.memory_space<hbm>>) dst(%arg8 : memref<64x128xf32, #tpu.memory_space<vmem>>)
      %lt3A = arith.constant 19 : i32
      %lt3A_200 = arith.cmpi slt, %add3A_156, %lt3A : i32
      %convert_element_type3A_201 = arith.extui %lt3A_200 : i1 to i32
      %cond3A_202 = arith.constant 0 : i32
      %cond3A_203 = arith.cmpi ne, %convert_element_type3A_201, %cond3A_202 : i32
      scf.if %cond3A_203 {
        %add3A_217 = arith.constant 2 : i32
        %add3A_218 = arith.addi %mul3A_158, %add3A_217 : i32
        %dma_start3A_219 = arith.constant 0 : i32
        %dma_start3A_220 = tpu.memref_slice %arg6[%add3A_218, %dma_start3A_219] : memref<40x128xi32, #tpu.memory_space<vmem>> -> memref<1x64xi32, #tpu.memory_space<vmem>>
        %dma_start3A_221 = tpu.memref_squeeze %dma_start3A_220 : memref<1x64xi32, #tpu.memory_space<vmem>> -> memref<64xi32, #tpu.memory_space<vmem>>
        %dma_start3A_222 = arith.constant 0 : i32
        %dma_start3A_223 = arith.constant 0 : i32
        %dma_start3A_224 = tpu.memref_slice %arg2[%dma_start3A_222, %dma_start3A_223] : memref<50176x128xf32, #tpu.memory_space<hbm>> -> memref<50176x128xf32, #tpu.memory_space<hbm>>
        tpu.enqueue_indirect_dma source(%dma_start3A_224 : memref<50176x128xf32, #tpu.memory_space<hbm>>) target(%arg8 : memref<64x128xf32, #tpu.memory_space<vmem>>) offsets(%dma_start3A_221 : memref<64xi32, #tpu.memory_space<vmem>>) semaphore(%arg10 : memref<!tpu.dma_semaphore, #tpu.memory_space<semaphore_mem>>)
      } else {
      }
      %dma_wait3A_204 = arith.constant 0 : i32
      %dma_wait3A_205 = arith.constant 0 : i32
      %dma_wait3A_206 = tpu.memref_slice %arg2[%dma_wait3A_204, %dma_wait3A_205] : memref<50176x128xf32, #tpu.memory_space<hbm>> -> memref<64x128xf32, #tpu.memory_space<hbm>>
      %dma_wait3A_207 = arith.constant 0 : i32
      %dma_wait3A_208 = arith.constant 0 : i32
      %dma_wait3A_209 = tpu.memref_slice %arg2[%dma_wait3A_207, %dma_wait3A_208] : memref<50176x128xf32, #tpu.memory_space<hbm>> -> memref<64x128xf32, #tpu.memory_space<hbm>>
      tpu.wait_dma2 semaphore(%arg11 : memref<!tpu.dma_semaphore, #tpu.memory_space<semaphore_mem>>) src(%dma_wait3A_209 : memref<64x128xf32, #tpu.memory_space<hbm>>) dst(%arg9 : memref<64x128xf32, #tpu.memory_space<vmem>>)
      %dma_start3A_210 = arith.constant 1 : i32
      %dma_start3A_211 = arith.constant 0 : i32
      %dma_start3A_212 = tpu.memref_slice %arg7[%dma_start3A_210, %dma_start3A_211] : memref<2x64xi32, #tpu.memory_space<vmem>> -> memref<1x64xi32, #tpu.memory_space<vmem>>
      %dma_start3A_213 = tpu.memref_squeeze %dma_start3A_212 : memref<1x64xi32, #tpu.memory_space<vmem>> -> memref<64xi32, #tpu.memory_space<vmem>>
      %dma_start3A_214 = arith.constant 0 : i32
      %dma_start3A_215 = arith.constant 0 : i32
      %dma_start3A_216 = tpu.memref_slice %arg5[%dma_start3A_214, %dma_start3A_215] : memref<12800x128xf32, #tpu.memory_space<vmem_shared>> -> memref<12800x128xf32, #tpu.memory_space<vmem_shared>>
      tpu.enqueue_indirect_dma source(%arg9 : memref<64x128xf32, #tpu.memory_space<vmem>>) target(%dma_start3A_216 : memref<12800x128xf32, #tpu.memory_space<vmem_shared>>) offsets(%dma_start3A_213 : memref<64xi32, #tpu.memory_space<vmem>>) semaphore(%arg13 : memref<!tpu.dma_semaphore, #tpu.memory_space<semaphore_mem>>) {add = true}
    }
    %scan3A_102 = arith.constant 20 : i32
    %dma_wait3A_103 = arith.constant 0 : i32
    %dma_wait3A_104 = arith.constant 0 : i32
    %dma_wait3A_105 = tpu.memref_slice %arg2[%dma_wait3A_103, %dma_wait3A_104] : memref<50176x128xf32, #tpu.memory_space<hbm>> -> memref<64x128xf32, #tpu.memory_space<hbm>>
    %dma_wait3A_106 = arith.constant 0 : i32
    %dma_wait3A_107 = arith.constant 0 : i32
    %dma_wait3A_108 = tpu.memref_slice %arg2[%dma_wait3A_106, %dma_wait3A_107] : memref<50176x128xf32, #tpu.memory_space<hbm>> -> memref<64x128xf32, #tpu.memory_space<hbm>>
    tpu.wait_dma2 semaphore(%arg13 : memref<!tpu.dma_semaphore, #tpu.memory_space<semaphore_mem>>) src(%dma_wait3A_108 : memref<64x128xf32, #tpu.memory_space<hbm>>) dst(%arg9 : memref<64x128xf32, #tpu.memory_space<vmem>>)
    "tpu.region"() ({
      %run_scoped3A = tpu.sem_alloc : memref<!tpu.dma_semaphore, #tpu.memory_space<semaphore_mem>>
      %dma_start3A_152 = arith.constant 40 : i32
      %dma_start3A_153 = arith.constant 0 : i32
      %dma_start3A_154 = tpu.memref_slice %arg3[%arg1, %dma_start3A_152, %dma_start3A_153] : memref<16x120x128xi32, #tpu.memory_space<hbm>> -> memref<1x40x128xi32, #tpu.memory_space<hbm>>
      %dma_start3A_155 = tpu.memref_squeeze %dma_start3A_154 : memref<1x40x128xi32, #tpu.memory_space<hbm>> -> memref<40x128xi32, #tpu.memory_space<hbm>>
      %dma_start3A_156 = arith.constant 40 : i32
      %dma_start3A_157 = arith.constant 0 : i32
      %dma_start3A_158 = tpu.memref_slice %arg3[%arg1, %dma_start3A_156, %dma_start3A_157] : memref<16x120x128xi32, #tpu.memory_space<hbm>> -> memref<1x40x128xi32, #tpu.memory_space<hbm>>
      %dma_start3A_159 = tpu.memref_squeeze %dma_start3A_158 : memref<1x40x128xi32, #tpu.memory_space<hbm>> -> memref<40x128xi32, #tpu.memory_space<hbm>>
      tpu.enqueue_dma source(%dma_start3A_159 : memref<40x128xi32, #tpu.memory_space<hbm>>) target(%arg6 : memref<40x128xi32, #tpu.memory_space<vmem>>) target_semaphore(%run_scoped3A : memref<!tpu.dma_semaphore, #tpu.memory_space<semaphore_mem>>)
      %dma_wait3A_160 = arith.constant 40 : i32
      %dma_wait3A_161 = arith.constant 0 : i32
      %dma_wait3A_162 = tpu.memref_slice %arg3[%arg1, %dma_wait3A_160, %dma_wait3A_161] : memref<16x120x128xi32, #tpu.memory_space<hbm>> -> memref<1x40x128xi32, #tpu.memory_space<hbm>>
      %dma_wait3A_163 = tpu.memref_squeeze %dma_wait3A_162 : memref<1x40x128xi32, #tpu.memory_space<hbm>> -> memref<40x128xi32, #tpu.memory_space<hbm>>
      %dma_wait3A_164 = arith.constant 40 : i32
      %dma_wait3A_165 = arith.constant 0 : i32
      %dma_wait3A_166 = tpu.memref_slice %arg3[%arg1, %dma_wait3A_164, %dma_wait3A_165] : memref<16x120x128xi32, #tpu.memory_space<hbm>> -> memref<1x40x128xi32, #tpu.memory_space<hbm>>
      %dma_wait3A_167 = tpu.memref_squeeze %dma_wait3A_166 : memref<1x40x128xi32, #tpu.memory_space<hbm>> -> memref<40x128xi32, #tpu.memory_space<hbm>>
      tpu.wait_dma2 semaphore(%run_scoped3A : memref<!tpu.dma_semaphore, #tpu.memory_space<semaphore_mem>>) src(%dma_wait3A_167 : memref<40x128xi32, #tpu.memory_space<hbm>>) dst(%arg6 : memref<40x128xi32, #tpu.memory_space<vmem>>)
      tpu.yield
    }) : () -> ()
    %dma_start3A_109 = arith.constant 0 : i32
    %dma_start3A_110 = arith.constant 0 : i32
    %dma_start3A_111 = tpu.memref_slice %arg6[%dma_start3A_109, %dma_start3A_110] : memref<40x128xi32, #tpu.memory_space<vmem>> -> memref<1x64xi32, #tpu.memory_space<vmem>>
    %dma_start3A_112 = tpu.memref_squeeze %dma_start3A_111 : memref<1x64xi32, #tpu.memory_space<vmem>> -> memref<64xi32, #tpu.memory_space<vmem>>
    %dma_start3A_113 = arith.constant 0 : i32
    %dma_start3A_114 = arith.constant 0 : i32
    %dma_start3A_115 = tpu.memref_slice %arg2[%dma_start3A_113, %dma_start3A_114] : memref<50176x128xf32, #tpu.memory_space<hbm>> -> memref<50176x128xf32, #tpu.memory_space<hbm>>
    tpu.enqueue_indirect_dma source(%dma_start3A_115 : memref<50176x128xf32, #tpu.memory_space<hbm>>) target(%arg8 : memref<64x128xf32, #tpu.memory_space<vmem>>) offsets(%dma_start3A_112 : memref<64xi32, #tpu.memory_space<vmem>>) semaphore(%arg10 : memref<!tpu.dma_semaphore, #tpu.memory_space<semaphore_mem>>)
    %scan3A_116 = arith.constant 0 : i32
    %scan3A_117 = arith.constant 20 : i32
    %scan3A_118 = arith.addi %scan3A_116, %scan3A_117 : i32
    %scan3A_119 = arith.constant 1 : i32
    scf.for %scan3A_152 = %scan3A_116 to %scan3A_118 step %scan3A_119  : i32 {
      %mul3A_153 = arith.constant 1 : i32
      %mul3A_154 = arith.muli %scan3A_152, %mul3A_153 : i32
      %add3A_155 = arith.constant 0 : i32
      %add3A_156 = arith.addi %add3A_155, %mul3A_154 : i32
      %mul3A_157 = arith.constant 2 : i32
      %mul3A_158 = arith.muli %mul3A_157, %add3A_156 : i32
      %mul3A_159 = arith.constant 2 : i32
      %mul3A_160 = arith.muli %mul3A_159, %add3A_156 : i32
      %add3A_161 = arith.constant 1 : i32
      %add3A_162 = arith.addi %mul3A_160, %add3A_161 : i32
      %scan3A_163 = arith.constant 0 : i32
      %scan3A_164 = arith.constant 4 : i32
      %scan3A_165 = arith.addi %scan3A_163, %scan3A_164 : i32
      %scan3A_166 = arith.constant 1 : i32
      scf.for %scan3A_217 = %scan3A_163 to %scan3A_165 step %scan3A_166  : i32 {
        %mul3A_218 = arith.constant 1 : i32
        %mul3A_219 = arith.muli %scan3A_217, %mul3A_218 : i32
        %add3A_220 = arith.constant 0 : i32
        %add3A_221 = arith.addi %add3A_220, %mul3A_219 : i32
        %mul3A_222 = arith.constant 16 : i32
        %mul3A_223 = arith.muli %add3A_221, %mul3A_222 : i32
        %add3A_224 = arith.constant 64 : i32
        %add3A_225 = arith.addi %add3A_224, %mul3A_223 : i32
        %get3A = arith.index_cast %mul3A_158 : i32 to index
        %get3A_226 = arith.index_cast %add3A_225 : i32 to index
        %get3A_227 = tpu.vector_load %arg6[%get3A, %get3A_226] {strides = array<i32>} : memref<40x128xi32, #tpu.memory_space<vmem>>, vector<1x16xi32>,
        %get3A_228 = vector.shape_cast %get3A_227 : vector<1x16xi32> to vector<16xi32>
        %ge3A = vector.broadcast %mul3A_79 : i32 to vector<16xi32>
        %ge3A_229 = arith.cmpi sge, %get3A_228, %ge3A : vector<16xi32>
        %add3A_230 = arith.constant 12544 : i32
        %add3A_231 = arith.addi %mul3A_79, %add3A_230 : i32
        %lt3A_232 = vector.broadcast %add3A_231 : i32 to vector<16xi32>
        %lt3A_233 = arith.cmpi slt, %get3A_228, %lt3A_232 : vector<16xi32>
        %and3A = arith.andi %ge3A_229, %lt3A_233 : vector<16xi1>
        %mul3A_234 = arith.constant 64 : i32
        %mul3A_235 = arith.muli %mul3A_158, %mul3A_234 : i32
        %mul3A_236 = arith.constant 16 : i32
        %mul3A_237 = arith.muli %add3A_221, %mul3A_236 : i32
        %add3A_238 = arith.addi %mul3A_235, %mul3A_237 : i32
        %iota3A = tpu.iota {dimensions = array<i32: 0>} : vector<16xi32>
        %add3A_239 = vector.broadcast %add3A_238 : i32 to vector<16xi32>
        %add3A_240 = arith.addi %add3A_239, %iota3A : vector<16xi32>
        %and3A_241 = arith.constant 255 : i32
        %and3A_242 = vector.broadcast %and3A_241 : i32 to vector<16xi32>
        %and3A_243 = arith.andi %add3A_240, %and3A_242 : vector<16xi32>
        %add3A_244 = arith.constant 12544 : i32
        %add3A_245 = vector.broadcast %add3A_244 : i32 to vector<16xi32>
        %add3A_246 = arith.addi %add3A_245, %and3A_243 : vector<16xi32>
        %sub3A = vector.broadcast %mul3A_79 : i32 to vector<16xi32>
        %sub3A_247 = arith.subi %get3A_228, %sub3A : vector<16xi32>
        %select_n3A = arith.select %and3A, %sub3A_247, %add3A_246 : vector<16xi1>, vector<16xi32>
        %mul3A_248 = arith.constant 16 : i32
        %mul3A_249 = arith.muli %add3A_221, %mul3A_248 : i32
        %swap3A = arith.constant 0 : i32
        %swap3A_250 = arith.index_cast %swap3A : i32 to index
        %swap3A_251 = arith.index_cast %mul3A_249 : i32 to index
        %swap3A_252 = tpu.vector_load %arg7[%swap3A_250, %swap3A_251] {strides = array<i32>} : memref<2x64xi32, #tpu.memory_space<vmem>>, vector<1x16xi32>,
        %swap3A_253 = vector.shape_cast %swap3A_252 : vector<1x16xi32> to vector<16xi32>
        %swap3A_254 = vector.shape_cast %select_n3A : vector<16xi32> to vector<1x16xi32>
        tpu.vector_store %arg7[%swap3A_250, %swap3A_251], %swap3A_254 {strides = array<i32>} : memref<2x64xi32, #tpu.memory_space<vmem>>, vector<1x16xi32>,
      }
      %scan3A_167 = arith.constant 4 : i32
      %gt3A = arith.constant 0 : i32
      %gt3A_168 = arith.cmpi sgt, %add3A_156, %gt3A : i32
      %convert_element_type3A = arith.extui %gt3A_168 : i1 to i32
      %cond3A = arith.constant 0 : i32
      %cond3A_169 = arith.cmpi ne, %convert_element_type3A, %cond3A : i32
      scf.if %cond3A_169 {
        %dma_wait3A_217 = arith.constant 0 : i32
        %dma_wait3A_218 = arith.constant 0 : i32
        %dma_wait3A_219 = tpu.memref_slice %arg2[%dma_wait3A_217, %dma_wait3A_218] : memref<50176x128xf32, #tpu.memory_space<hbm>> -> memref<64x128xf32, #tpu.memory_space<hbm>>
        %dma_wait3A_220 = arith.constant 0 : i32
        %dma_wait3A_221 = arith.constant 0 : i32
        %dma_wait3A_222 = tpu.memref_slice %arg2[%dma_wait3A_220, %dma_wait3A_221] : memref<50176x128xf32, #tpu.memory_space<hbm>> -> memref<64x128xf32, #tpu.memory_space<hbm>>
        tpu.wait_dma2 semaphore(%arg13 : memref<!tpu.dma_semaphore, #tpu.memory_space<semaphore_mem>>) src(%dma_wait3A_222 : memref<64x128xf32, #tpu.memory_space<hbm>>) dst(%arg9 : memref<64x128xf32, #tpu.memory_space<vmem>>)
      } else {
      }
      %dma_start3A_170 = arith.constant 0 : i32
      %dma_start3A_171 = tpu.memref_slice %arg6[%add3A_162, %dma_start3A_170] : memref<40x128xi32, #tpu.memory_space<vmem>> -> memref<1x64xi32, #tpu.memory_space<vmem>>
      %dma_start3A_172 = tpu.memref_squeeze %dma_start3A_171 : memref<1x64xi32, #tpu.memory_space<vmem>> -> memref<64xi32, #tpu.memory_space<vmem>>
      %dma_start3A_173 = arith.constant 0 : i32
      %dma_start3A_174 = arith.constant 0 : i32
      %dma_start3A_175 = tpu.memref_slice %arg2[%dma_start3A_173, %dma_start3A_174] : memref<50176x128xf32, #tpu.memory_space<hbm>> -> memref<50176x128xf32, #tpu.memory_space<hbm>>
      tpu.enqueue_indirect_dma source(%dma_start3A_175 : memref<50176x128xf32, #tpu.memory_space<hbm>>) target(%arg9 : memref<64x128xf32, #tpu.memory_space<vmem>>) offsets(%dma_start3A_172 : memref<64xi32, #tpu.memory_space<vmem>>) semaphore(%arg11 : memref<!tpu.dma_semaphore, #tpu.memory_space<semaphore_mem>>)
      %dma_wait3A_176 = arith.constant 0 : i32
      %dma_wait3A_177 = arith.constant 0 : i32
      %dma_wait3A_178 = tpu.memref_slice %arg2[%dma_wait3A_176, %dma_wait3A_177] : memref<50176x128xf32, #tpu.memory_space<hbm>> -> memref<64x128xf32, #tpu.memory_space<hbm>>
      %dma_wait3A_179 = arith.constant 0 : i32
      %dma_wait3A_180 = arith.constant 0 : i32
      %dma_wait3A_181 = tpu.memref_slice %arg2[%dma_wait3A_179, %dma_wait3A_180] : memref<50176x128xf32, #tpu.memory_space<hbm>> -> memref<64x128xf32, #tpu.memory_space<hbm>>
      tpu.wait_dma2 semaphore(%arg10 : memref<!tpu.dma_semaphore, #tpu.memory_space<semaphore_mem>>) src(%dma_wait3A_181 : memref<64x128xf32, #tpu.memory_space<hbm>>) dst(%arg8 : memref<64x128xf32, #tpu.memory_space<vmem>>)
      %dma_start3A_182 = arith.constant 0 : i32
      %dma_start3A_183 = arith.constant 0 : i32
      %dma_start3A_184 = tpu.memref_slice %arg7[%dma_start3A_182, %dma_start3A_183] : memref<2x64xi32, #tpu.memory_space<vmem>> -> memref<1x64xi32, #tpu.memory_space<vmem>>
      %dma_start3A_185 = tpu.memref_squeeze %dma_start3A_184 : memref<1x64xi32, #tpu.memory_space<vmem>> -> memref<64xi32, #tpu.memory_space<vmem>>
      %dma_start3A_186 = arith.constant 0 : i32
      %dma_start3A_187 = arith.constant 0 : i32
      %dma_start3A_188 = tpu.memref_slice %arg5[%dma_start3A_186, %dma_start3A_187] : memref<12800x128xf32, #tpu.memory_space<vmem_shared>> -> memref<12800x128xf32, #tpu.memory_space<vmem_shared>>
      tpu.enqueue_indirect_dma source(%arg8 : memref<64x128xf32, #tpu.memory_space<vmem>>) target(%dma_start3A_188 : memref<12800x128xf32, #tpu.memory_space<vmem_shared>>) offsets(%dma_start3A_185 : memref<64xi32, #tpu.memory_space<vmem>>) semaphore(%arg12 : memref<!tpu.dma_semaphore, #tpu.memory_space<semaphore_mem>>) {add = true}
      %scan3A_189 = arith.constant 0 : i32
      %scan3A_190 = arith.constant 4 : i32
      %scan3A_191 = arith.addi %scan3A_189, %scan3A_190 : i32
      %scan3A_192 = arith.constant 1 : i32
      scf.for %scan3A_217 = %scan3A_189 to %scan3A_191 step %scan3A_192  : i32 {
        %mul3A_218 = arith.constant 1 : i32
        %mul3A_219 = arith.muli %scan3A_217, %mul3A_218 : i32
        %add3A_220 = arith.constant 0 : i32
        %add3A_221 = arith.addi %add3A_220, %mul3A_219 : i32
        %mul3A_222 = arith.constant 16 : i32
        %mul3A_223 = arith.muli %add3A_221, %mul3A_222 : i32
        %add3A_224 = arith.constant 64 : i32
        %add3A_225 = arith.addi %add3A_224, %mul3A_223 : i32
        %get3A = arith.index_cast %add3A_162 : i32 to index
        %get3A_226 = arith.index_cast %add3A_225 : i32 to index
        %get3A_227 = tpu.vector_load %arg6[%get3A, %get3A_226] {strides = array<i32>} : memref<40x128xi32, #tpu.memory_space<vmem>>, vector<1x16xi32>,
        %get3A_228 = vector.shape_cast %get3A_227 : vector<1x16xi32> to vector<16xi32>
        %ge3A = vector.broadcast %mul3A_79 : i32 to vector<16xi32>
        %ge3A_229 = arith.cmpi sge, %get3A_228, %ge3A : vector<16xi32>
        %add3A_230 = arith.constant 12544 : i32
        %add3A_231 = arith.addi %mul3A_79, %add3A_230 : i32
        %lt3A_232 = vector.broadcast %add3A_231 : i32 to vector<16xi32>
        %lt3A_233 = arith.cmpi slt, %get3A_228, %lt3A_232 : vector<16xi32>
        %and3A = arith.andi %ge3A_229, %lt3A_233 : vector<16xi1>
        %mul3A_234 = arith.constant 64 : i32
        %mul3A_235 = arith.muli %add3A_162, %mul3A_234 : i32
        %mul3A_236 = arith.constant 16 : i32
        %mul3A_237 = arith.muli %add3A_221, %mul3A_236 : i32
        %add3A_238 = arith.addi %mul3A_235, %mul3A_237 : i32
        %iota3A = tpu.iota {dimensions = array<i32: 0>} : vector<16xi32>
        %add3A_239 = vector.broadcast %add3A_238 : i32 to vector<16xi32>
        %add3A_240 = arith.addi %add3A_239, %iota3A : vector<16xi32>
        %and3A_241 = arith.constant 255 : i32
        %and3A_242 = vector.broadcast %and3A_241 : i32 to vector<16xi32>
        %and3A_243 = arith.andi %add3A_240, %and3A_242 : vector<16xi32>
        %add3A_244 = arith.constant 12544 : i32
        %add3A_245 = vector.broadcast %add3A_244 : i32 to vector<16xi32>
        %add3A_246 = arith.addi %add3A_245, %and3A_243 : vector<16xi32>
        %sub3A = vector.broadcast %mul3A_79 : i32 to vector<16xi32>
        %sub3A_247 = arith.subi %get3A_228, %sub3A : vector<16xi32>
        %select_n3A = arith.select %and3A, %sub3A_247, %add3A_246 : vector<16xi1>, vector<16xi32>
        %mul3A_248 = arith.constant 16 : i32
        %mul3A_249 = arith.muli %add3A_221, %mul3A_248 : i32
        %swap3A = arith.constant 1 : i32
        %swap3A_250 = arith.index_cast %swap3A : i32 to index
        %swap3A_251 = arith.index_cast %mul3A_249 : i32 to index
        %swap3A_252 = tpu.vector_load %arg7[%swap3A_250, %swap3A_251] {strides = array<i32>} : memref<2x64xi32, #tpu.memory_space<vmem>>, vector<1x16xi32>,
        %swap3A_253 = vector.shape_cast %swap3A_252 : vector<1x16xi32> to vector<16xi32>
        %swap3A_254 = vector.shape_cast %select_n3A : vector<16xi32> to vector<1x16xi32>
        tpu.vector_store %arg7[%swap3A_250, %swap3A_251], %swap3A_254 {strides = array<i32>} : memref<2x64xi32, #tpu.memory_space<vmem>>, vector<1x16xi32>,
      }
      %scan3A_193 = arith.constant 4 : i32
      %dma_wait3A_194 = arith.constant 0 : i32
      %dma_wait3A_195 = arith.constant 0 : i32
      %dma_wait3A_196 = tpu.memref_slice %arg2[%dma_wait3A_194, %dma_wait3A_195] : memref<50176x128xf32, #tpu.memory_space<hbm>> -> memref<64x128xf32, #tpu.memory_space<hbm>>
      %dma_wait3A_197 = arith.constant 0 : i32
      %dma_wait3A_198 = arith.constant 0 : i32
      %dma_wait3A_199 = tpu.memref_slice %arg2[%dma_wait3A_197, %dma_wait3A_198] : memref<50176x128xf32, #tpu.memory_space<hbm>> -> memref<64x128xf32, #tpu.memory_space<hbm>>
      tpu.wait_dma2 semaphore(%arg12 : memref<!tpu.dma_semaphore, #tpu.memory_space<semaphore_mem>>) src(%dma_wait3A_199 : memref<64x128xf32, #tpu.memory_space<hbm>>) dst(%arg8 : memref<64x128xf32, #tpu.memory_space<vmem>>)
      %lt3A = arith.constant 19 : i32
      %lt3A_200 = arith.cmpi slt, %add3A_156, %lt3A : i32
      %convert_element_type3A_201 = arith.extui %lt3A_200 : i1 to i32
      %cond3A_202 = arith.constant 0 : i32
      %cond3A_203 = arith.cmpi ne, %convert_element_type3A_201, %cond3A_202 : i32
      scf.if %cond3A_203 {
        %add3A_217 = arith.constant 2 : i32
        %add3A_218 = arith.addi %mul3A_158, %add3A_217 : i32
        %dma_start3A_219 = arith.constant 0 : i32
        %dma_start3A_220 = tpu.memref_slice %arg6[%add3A_218, %dma_start3A_219] : memref<40x128xi32, #tpu.memory_space<vmem>> -> memref<1x64xi32, #tpu.memory_space<vmem>>
        %dma_start3A_221 = tpu.memref_squeeze %dma_start3A_220 : memref<1x64xi32, #tpu.memory_space<vmem>> -> memref<64xi32, #tpu.memory_space<vmem>>
        %dma_start3A_222 = arith.constant 0 : i32
        %dma_start3A_223 = arith.constant 0 : i32
        %dma_start3A_224 = tpu.memref_slice %arg2[%dma_start3A_222, %dma_start3A_223] : memref<50176x128xf32, #tpu.memory_space<hbm>> -> memref<50176x128xf32, #tpu.memory_space<hbm>>
        tpu.enqueue_indirect_dma source(%dma_start3A_224 : memref<50176x128xf32, #tpu.memory_space<hbm>>) target(%arg8 : memref<64x128xf32, #tpu.memory_space<vmem>>) offsets(%dma_start3A_221 : memref<64xi32, #tpu.memory_space<vmem>>) semaphore(%arg10 : memref<!tpu.dma_semaphore, #tpu.memory_space<semaphore_mem>>)
      } else {
      }
      %dma_wait3A_204 = arith.constant 0 : i32
      %dma_wait3A_205 = arith.constant 0 : i32
      %dma_wait3A_206 = tpu.memref_slice %arg2[%dma_wait3A_204, %dma_wait3A_205] : memref<50176x128xf32, #tpu.memory_space<hbm>> -> memref<64x128xf32, #tpu.memory_space<hbm>>
      %dma_wait3A_207 = arith.constant 0 : i32
      %dma_wait3A_208 = arith.constant 0 : i32
      %dma_wait3A_209 = tpu.memref_slice %arg2[%dma_wait3A_207, %dma_wait3A_208] : memref<50176x128xf32, #tpu.memory_space<hbm>> -> memref<64x128xf32, #tpu.memory_space<hbm>>
      tpu.wait_dma2 semaphore(%arg11 : memref<!tpu.dma_semaphore, #tpu.memory_space<semaphore_mem>>) src(%dma_wait3A_209 : memref<64x128xf32, #tpu.memory_space<hbm>>) dst(%arg9 : memref<64x128xf32, #tpu.memory_space<vmem>>)
      %dma_start3A_210 = arith.constant 1 : i32
      %dma_start3A_211 = arith.constant 0 : i32
      %dma_start3A_212 = tpu.memref_slice %arg7[%dma_start3A_210, %dma_start3A_211] : memref<2x64xi32, #tpu.memory_space<vmem>> -> memref<1x64xi32, #tpu.memory_space<vmem>>
      %dma_start3A_213 = tpu.memref_squeeze %dma_start3A_212 : memref<1x64xi32, #tpu.memory_space<vmem>> -> memref<64xi32, #tpu.memory_space<vmem>>
      %dma_start3A_214 = arith.constant 0 : i32
      %dma_start3A_215 = arith.constant 0 : i32
      %dma_start3A_216 = tpu.memref_slice %arg5[%dma_start3A_214, %dma_start3A_215] : memref<12800x128xf32, #tpu.memory_space<vmem_shared>> -> memref<12800x128xf32, #tpu.memory_space<vmem_shared>>
      tpu.enqueue_indirect_dma source(%arg9 : memref<64x128xf32, #tpu.memory_space<vmem>>) target(%dma_start3A_216 : memref<12800x128xf32, #tpu.memory_space<vmem_shared>>) offsets(%dma_start3A_213 : memref<64xi32, #tpu.memory_space<vmem>>) semaphore(%arg13 : memref<!tpu.dma_semaphore, #tpu.memory_space<semaphore_mem>>) {add = true}
    }
    %scan3A_120 = arith.constant 20 : i32
    %dma_wait3A_121 = arith.constant 0 : i32
    %dma_wait3A_122 = arith.constant 0 : i32
    %dma_wait3A_123 = tpu.memref_slice %arg2[%dma_wait3A_121, %dma_wait3A_122] : memref<50176x128xf32, #tpu.memory_space<hbm>> -> memref<64x128xf32, #tpu.memory_space<hbm>>
    %dma_wait3A_124 = arith.constant 0 : i32
    %dma_wait3A_125 = arith.constant 0 : i32
    %dma_wait3A_126 = tpu.memref_slice %arg2[%dma_wait3A_124, %dma_wait3A_125] : memref<50176x128xf32, #tpu.memory_space<hbm>> -> memref<64x128xf32, #tpu.memory_space<hbm>>
    tpu.wait_dma2 semaphore(%arg13 : memref<!tpu.dma_semaphore, #tpu.memory_space<semaphore_mem>>) src(%dma_wait3A_126 : memref<64x128xf32, #tpu.memory_space<hbm>>) dst(%arg9 : memref<64x128xf32, #tpu.memory_space<vmem>>)
    "tpu.region"() ({
      %run_scoped3A = tpu.sem_alloc : memref<!tpu.dma_semaphore, #tpu.memory_space<semaphore_mem>>
      %dma_start3A_152 = arith.constant 80 : i32
      %dma_start3A_153 = arith.constant 0 : i32
      %dma_start3A_154 = tpu.memref_slice %arg3[%arg1, %dma_start3A_152, %dma_start3A_153] : memref<16x120x128xi32, #tpu.memory_space<hbm>> -> memref<1x40x128xi32, #tpu.memory_space<hbm>>
      %dma_start3A_155 = tpu.memref_squeeze %dma_start3A_154 : memref<1x40x128xi32, #tpu.memory_space<hbm>> -> memref<40x128xi32, #tpu.memory_space<hbm>>
      %dma_start3A_156 = arith.constant 80 : i32
      %dma_start3A_157 = arith.constant 0 : i32
      %dma_start3A_158 = tpu.memref_slice %arg3[%arg1, %dma_start3A_156, %dma_start3A_157] : memref<16x120x128xi32, #tpu.memory_space<hbm>> -> memref<1x40x128xi32, #tpu.memory_space<hbm>>
      %dma_start3A_159 = tpu.memref_squeeze %dma_start3A_158 : memref<1x40x128xi32, #tpu.memory_space<hbm>> -> memref<40x128xi32, #tpu.memory_space<hbm>>
      tpu.enqueue_dma source(%dma_start3A_159 : memref<40x128xi32, #tpu.memory_space<hbm>>) target(%arg6 : memref<40x128xi32, #tpu.memory_space<vmem>>) target_semaphore(%run_scoped3A : memref<!tpu.dma_semaphore, #tpu.memory_space<semaphore_mem>>)
      %dma_wait3A_160 = arith.constant 80 : i32
      %dma_wait3A_161 = arith.constant 0 : i32
      %dma_wait3A_162 = tpu.memref_slice %arg3[%arg1, %dma_wait3A_160, %dma_wait3A_161] : memref<16x120x128xi32, #tpu.memory_space<hbm>> -> memref<1x40x128xi32, #tpu.memory_space<hbm>>
      %dma_wait3A_163 = tpu.memref_squeeze %dma_wait3A_162 : memref<1x40x128xi32, #tpu.memory_space<hbm>> -> memref<40x128xi32, #tpu.memory_space<hbm>>
      %dma_wait3A_164 = arith.constant 80 : i32
      %dma_wait3A_165 = arith.constant 0 : i32
      %dma_wait3A_166 = tpu.memref_slice %arg3[%arg1, %dma_wait3A_164, %dma_wait3A_165] : memref<16x120x128xi32, #tpu.memory_space<hbm>> -> memref<1x40x128xi32, #tpu.memory_space<hbm>>
      %dma_wait3A_167 = tpu.memref_squeeze %dma_wait3A_166 : memref<1x40x128xi32, #tpu.memory_space<hbm>> -> memref<40x128xi32, #tpu.memory_space<hbm>>
      tpu.wait_dma2 semaphore(%run_scoped3A : memref<!tpu.dma_semaphore, #tpu.memory_space<semaphore_mem>>) src(%dma_wait3A_167 : memref<40x128xi32, #tpu.memory_space<hbm>>) dst(%arg6 : memref<40x128xi32, #tpu.memory_space<vmem>>)
      tpu.yield
    }) : () -> ()
    %dma_start3A_127 = arith.constant 0 : i32
    %dma_start3A_128 = arith.constant 0 : i32
    %dma_start3A_129 = tpu.memref_slice %arg6[%dma_start3A_127, %dma_start3A_128] : memref<40x128xi32, #tpu.memory_space<vmem>> -> memref<1x64xi32, #tpu.memory_space<vmem>>
    %dma_start3A_130 = tpu.memref_squeeze %dma_start3A_129 : memref<1x64xi32, #tpu.memory_space<vmem>> -> memref<64xi32, #tpu.memory_space<vmem>>
    %dma_start3A_131 = arith.constant 0 : i32
    %dma_start3A_132 = arith.constant 0 : i32
    %dma_start3A_133 = tpu.memref_slice %arg2[%dma_start3A_131, %dma_start3A_132] : memref<50176x128xf32, #tpu.memory_space<hbm>> -> memref<50176x128xf32, #tpu.memory_space<hbm>>
    tpu.enqueue_indirect_dma source(%dma_start3A_133 : memref<50176x128xf32, #tpu.memory_space<hbm>>) target(%arg8 : memref<64x128xf32, #tpu.memory_space<vmem>>) offsets(%dma_start3A_130 : memref<64xi32, #tpu.memory_space<vmem>>) semaphore(%arg10 : memref<!tpu.dma_semaphore, #tpu.memory_space<semaphore_mem>>)
    %scan3A_134 = arith.constant 0 : i32
    %scan3A_135 = arith.constant 20 : i32
    %scan3A_136 = arith.addi %scan3A_134, %scan3A_135 : i32
    %scan3A_137 = arith.constant 1 : i32
    scf.for %scan3A_152 = %scan3A_134 to %scan3A_136 step %scan3A_137  : i32 {
      %mul3A_153 = arith.constant 1 : i32
      %mul3A_154 = arith.muli %scan3A_152, %mul3A_153 : i32
      %add3A_155 = arith.constant 0 : i32
      %add3A_156 = arith.addi %add3A_155, %mul3A_154 : i32
      %mul3A_157 = arith.constant 2 : i32
      %mul3A_158 = arith.muli %mul3A_157, %add3A_156 : i32
      %mul3A_159 = arith.constant 2 : i32
      %mul3A_160 = arith.muli %mul3A_159, %add3A_156 : i32
      %add3A_161 = arith.constant 1 : i32
      %add3A_162 = arith.addi %mul3A_160, %add3A_161 : i32
      %scan3A_163 = arith.constant 0 : i32
      %scan3A_164 = arith.constant 4 : i32
      %scan3A_165 = arith.addi %scan3A_163, %scan3A_164 : i32
      %scan3A_166 = arith.constant 1 : i32
      scf.for %scan3A_217 = %scan3A_163 to %scan3A_165 step %scan3A_166  : i32 {
        %mul3A_218 = arith.constant 1 : i32
        %mul3A_219 = arith.muli %scan3A_217, %mul3A_218 : i32
        %add3A_220 = arith.constant 0 : i32
        %add3A_221 = arith.addi %add3A_220, %mul3A_219 : i32
        %mul3A_222 = arith.constant 16 : i32
        %mul3A_223 = arith.muli %add3A_221, %mul3A_222 : i32
        %add3A_224 = arith.constant 64 : i32
        %add3A_225 = arith.addi %add3A_224, %mul3A_223 : i32
        %get3A = arith.index_cast %mul3A_158 : i32 to index
        %get3A_226 = arith.index_cast %add3A_225 : i32 to index
        %get3A_227 = tpu.vector_load %arg6[%get3A, %get3A_226] {strides = array<i32>} : memref<40x128xi32, #tpu.memory_space<vmem>>, vector<1x16xi32>,
        %get3A_228 = vector.shape_cast %get3A_227 : vector<1x16xi32> to vector<16xi32>
        %ge3A = vector.broadcast %mul3A_79 : i32 to vector<16xi32>
        %ge3A_229 = arith.cmpi sge, %get3A_228, %ge3A : vector<16xi32>
        %add3A_230 = arith.constant 12544 : i32
        %add3A_231 = arith.addi %mul3A_79, %add3A_230 : i32
        %lt3A_232 = vector.broadcast %add3A_231 : i32 to vector<16xi32>
        %lt3A_233 = arith.cmpi slt, %get3A_228, %lt3A_232 : vector<16xi32>
        %and3A = arith.andi %ge3A_229, %lt3A_233 : vector<16xi1>
        %mul3A_234 = arith.constant 64 : i32
        %mul3A_235 = arith.muli %mul3A_158, %mul3A_234 : i32
        %mul3A_236 = arith.constant 16 : i32
        %mul3A_237 = arith.muli %add3A_221, %mul3A_236 : i32
        %add3A_238 = arith.addi %mul3A_235, %mul3A_237 : i32
        %iota3A = tpu.iota {dimensions = array<i32: 0>} : vector<16xi32>
        %add3A_239 = vector.broadcast %add3A_238 : i32 to vector<16xi32>
        %add3A_240 = arith.addi %add3A_239, %iota3A : vector<16xi32>
        %and3A_241 = arith.constant 255 : i32
        %and3A_242 = vector.broadcast %and3A_241 : i32 to vector<16xi32>
        %and3A_243 = arith.andi %add3A_240, %and3A_242 : vector<16xi32>
        %add3A_244 = arith.constant 12544 : i32
        %add3A_245 = vector.broadcast %add3A_244 : i32 to vector<16xi32>
        %add3A_246 = arith.addi %add3A_245, %and3A_243 : vector<16xi32>
        %sub3A = vector.broadcast %mul3A_79 : i32 to vector<16xi32>
        %sub3A_247 = arith.subi %get3A_228, %sub3A : vector<16xi32>
        %select_n3A = arith.select %and3A, %sub3A_247, %add3A_246 : vector<16xi1>, vector<16xi32>
        %mul3A_248 = arith.constant 16 : i32
        %mul3A_249 = arith.muli %add3A_221, %mul3A_248 : i32
        %swap3A = arith.constant 0 : i32
        %swap3A_250 = arith.index_cast %swap3A : i32 to index
        %swap3A_251 = arith.index_cast %mul3A_249 : i32 to index
        %swap3A_252 = tpu.vector_load %arg7[%swap3A_250, %swap3A_251] {strides = array<i32>} : memref<2x64xi32, #tpu.memory_space<vmem>>, vector<1x16xi32>,
        %swap3A_253 = vector.shape_cast %swap3A_252 : vector<1x16xi32> to vector<16xi32>
        %swap3A_254 = vector.shape_cast %select_n3A : vector<16xi32> to vector<1x16xi32>
        tpu.vector_store %arg7[%swap3A_250, %swap3A_251], %swap3A_254 {strides = array<i32>} : memref<2x64xi32, #tpu.memory_space<vmem>>, vector<1x16xi32>,
      }
      %scan3A_167 = arith.constant 4 : i32
      %gt3A = arith.constant 0 : i32
      %gt3A_168 = arith.cmpi sgt, %add3A_156, %gt3A : i32
      %convert_element_type3A = arith.extui %gt3A_168 : i1 to i32
      %cond3A = arith.constant 0 : i32
      %cond3A_169 = arith.cmpi ne, %convert_element_type3A, %cond3A : i32
      scf.if %cond3A_169 {
        %dma_wait3A_217 = arith.constant 0 : i32
        %dma_wait3A_218 = arith.constant 0 : i32
        %dma_wait3A_219 = tpu.memref_slice %arg2[%dma_wait3A_217, %dma_wait3A_218] : memref<50176x128xf32, #tpu.memory_space<hbm>> -> memref<64x128xf32, #tpu.memory_space<hbm>>
        %dma_wait3A_220 = arith.constant 0 : i32
        %dma_wait3A_221 = arith.constant 0 : i32
        %dma_wait3A_222 = tpu.memref_slice %arg2[%dma_wait3A_220, %dma_wait3A_221] : memref<50176x128xf32, #tpu.memory_space<hbm>> -> memref<64x128xf32, #tpu.memory_space<hbm>>
        tpu.wait_dma2 semaphore(%arg13 : memref<!tpu.dma_semaphore, #tpu.memory_space<semaphore_mem>>) src(%dma_wait3A_222 : memref<64x128xf32, #tpu.memory_space<hbm>>) dst(%arg9 : memref<64x128xf32, #tpu.memory_space<vmem>>)
      } else {
      }
      %dma_start3A_170 = arith.constant 0 : i32
      %dma_start3A_171 = tpu.memref_slice %arg6[%add3A_162, %dma_start3A_170] : memref<40x128xi32, #tpu.memory_space<vmem>> -> memref<1x64xi32, #tpu.memory_space<vmem>>
      %dma_start3A_172 = tpu.memref_squeeze %dma_start3A_171 : memref<1x64xi32, #tpu.memory_space<vmem>> -> memref<64xi32, #tpu.memory_space<vmem>>
      %dma_start3A_173 = arith.constant 0 : i32
      %dma_start3A_174 = arith.constant 0 : i32
      %dma_start3A_175 = tpu.memref_slice %arg2[%dma_start3A_173, %dma_start3A_174] : memref<50176x128xf32, #tpu.memory_space<hbm>> -> memref<50176x128xf32, #tpu.memory_space<hbm>>
      tpu.enqueue_indirect_dma source(%dma_start3A_175 : memref<50176x128xf32, #tpu.memory_space<hbm>>) target(%arg9 : memref<64x128xf32, #tpu.memory_space<vmem>>) offsets(%dma_start3A_172 : memref<64xi32, #tpu.memory_space<vmem>>) semaphore(%arg11 : memref<!tpu.dma_semaphore, #tpu.memory_space<semaphore_mem>>)
      %dma_wait3A_176 = arith.constant 0 : i32
      %dma_wait3A_177 = arith.constant 0 : i32
      %dma_wait3A_178 = tpu.memref_slice %arg2[%dma_wait3A_176, %dma_wait3A_177] : memref<50176x128xf32, #tpu.memory_space<hbm>> -> memref<64x128xf32, #tpu.memory_space<hbm>>
      %dma_wait3A_179 = arith.constant 0 : i32
      %dma_wait3A_180 = arith.constant 0 : i32
      %dma_wait3A_181 = tpu.memref_slice %arg2[%dma_wait3A_179, %dma_wait3A_180] : memref<50176x128xf32, #tpu.memory_space<hbm>> -> memref<64x128xf32, #tpu.memory_space<hbm>>
      tpu.wait_dma2 semaphore(%arg10 : memref<!tpu.dma_semaphore, #tpu.memory_space<semaphore_mem>>) src(%dma_wait3A_181 : memref<64x128xf32, #tpu.memory_space<hbm>>) dst(%arg8 : memref<64x128xf32, #tpu.memory_space<vmem>>)
      %dma_start3A_182 = arith.constant 0 : i32
      %dma_start3A_183 = arith.constant 0 : i32
      %dma_start3A_184 = tpu.memref_slice %arg7[%dma_start3A_182, %dma_start3A_183] : memref<2x64xi32, #tpu.memory_space<vmem>> -> memref<1x64xi32, #tpu.memory_space<vmem>>
      %dma_start3A_185 = tpu.memref_squeeze %dma_start3A_184 : memref<1x64xi32, #tpu.memory_space<vmem>> -> memref<64xi32, #tpu.memory_space<vmem>>
      %dma_start3A_186 = arith.constant 0 : i32
      %dma_start3A_187 = arith.constant 0 : i32
      %dma_start3A_188 = tpu.memref_slice %arg5[%dma_start3A_186, %dma_start3A_187] : memref<12800x128xf32, #tpu.memory_space<vmem_shared>> -> memref<12800x128xf32, #tpu.memory_space<vmem_shared>>
      tpu.enqueue_indirect_dma source(%arg8 : memref<64x128xf32, #tpu.memory_space<vmem>>) target(%dma_start3A_188 : memref<12800x128xf32, #tpu.memory_space<vmem_shared>>) offsets(%dma_start3A_185 : memref<64xi32, #tpu.memory_space<vmem>>) semaphore(%arg12 : memref<!tpu.dma_semaphore, #tpu.memory_space<semaphore_mem>>) {add = true}
      %scan3A_189 = arith.constant 0 : i32
      %scan3A_190 = arith.constant 4 : i32
      %scan3A_191 = arith.addi %scan3A_189, %scan3A_190 : i32
      %scan3A_192 = arith.constant 1 : i32
      scf.for %scan3A_217 = %scan3A_189 to %scan3A_191 step %scan3A_192  : i32 {
        %mul3A_218 = arith.constant 1 : i32
        %mul3A_219 = arith.muli %scan3A_217, %mul3A_218 : i32
        %add3A_220 = arith.constant 0 : i32
        %add3A_221 = arith.addi %add3A_220, %mul3A_219 : i32
        %mul3A_222 = arith.constant 16 : i32
        %mul3A_223 = arith.muli %add3A_221, %mul3A_222 : i32
        %add3A_224 = arith.constant 64 : i32
        %add3A_225 = arith.addi %add3A_224, %mul3A_223 : i32
        %get3A = arith.index_cast %add3A_162 : i32 to index
        %get3A_226 = arith.index_cast %add3A_225 : i32 to index
        %get3A_227 = tpu.vector_load %arg6[%get3A, %get3A_226] {strides = array<i32>} : memref<40x128xi32, #tpu.memory_space<vmem>>, vector<1x16xi32>,
        %get3A_228 = vector.shape_cast %get3A_227 : vector<1x16xi32> to vector<16xi32>
        %ge3A = vector.broadcast %mul3A_79 : i32 to vector<16xi32>
        %ge3A_229 = arith.cmpi sge, %get3A_228, %ge3A : vector<16xi32>
        %add3A_230 = arith.constant 12544 : i32
        %add3A_231 = arith.addi %mul3A_79, %add3A_230 : i32
        %lt3A_232 = vector.broadcast %add3A_231 : i32 to vector<16xi32>
        %lt3A_233 = arith.cmpi slt, %get3A_228, %lt3A_232 : vector<16xi32>
        %and3A = arith.andi %ge3A_229, %lt3A_233 : vector<16xi1>
        %mul3A_234 = arith.constant 64 : i32
        %mul3A_235 = arith.muli %add3A_162, %mul3A_234 : i32
        %mul3A_236 = arith.constant 16 : i32
        %mul3A_237 = arith.muli %add3A_221, %mul3A_236 : i32
        %add3A_238 = arith.addi %mul3A_235, %mul3A_237 : i32
        %iota3A = tpu.iota {dimensions = array<i32: 0>} : vector<16xi32>
        %add3A_239 = vector.broadcast %add3A_238 : i32 to vector<16xi32>
        %add3A_240 = arith.addi %add3A_239, %iota3A : vector<16xi32>
        %and3A_241 = arith.constant 255 : i32
        %and3A_242 = vector.broadcast %and3A_241 : i32 to vector<16xi32>
        %and3A_243 = arith.andi %add3A_240, %and3A_242 : vector<16xi32>
        %add3A_244 = arith.constant 12544 : i32
        %add3A_245 = vector.broadcast %add3A_244 : i32 to vector<16xi32>
        %add3A_246 = arith.addi %add3A_245, %and3A_243 : vector<16xi32>
        %sub3A = vector.broadcast %mul3A_79 : i32 to vector<16xi32>
        %sub3A_247 = arith.subi %get3A_228, %sub3A : vector<16xi32>
        %select_n3A = arith.select %and3A, %sub3A_247, %add3A_246 : vector<16xi1>, vector<16xi32>
        %mul3A_248 = arith.constant 16 : i32
        %mul3A_249 = arith.muli %add3A_221, %mul3A_248 : i32
        %swap3A = arith.constant 1 : i32
        %swap3A_250 = arith.index_cast %swap3A : i32 to index
        %swap3A_251 = arith.index_cast %mul3A_249 : i32 to index
        %swap3A_252 = tpu.vector_load %arg7[%swap3A_250, %swap3A_251] {strides = array<i32>} : memref<2x64xi32, #tpu.memory_space<vmem>>, vector<1x16xi32>,
        %swap3A_253 = vector.shape_cast %swap3A_252 : vector<1x16xi32> to vector<16xi32>
        %swap3A_254 = vector.shape_cast %select_n3A : vector<16xi32> to vector<1x16xi32>
        tpu.vector_store %arg7[%swap3A_250, %swap3A_251], %swap3A_254 {strides = array<i32>} : memref<2x64xi32, #tpu.memory_space<vmem>>, vector<1x16xi32>,
      }
      %scan3A_193 = arith.constant 4 : i32
      %dma_wait3A_194 = arith.constant 0 : i32
      %dma_wait3A_195 = arith.constant 0 : i32
      %dma_wait3A_196 = tpu.memref_slice %arg2[%dma_wait3A_194, %dma_wait3A_195] : memref<50176x128xf32, #tpu.memory_space<hbm>> -> memref<64x128xf32, #tpu.memory_space<hbm>>
      %dma_wait3A_197 = arith.constant 0 : i32
      %dma_wait3A_198 = arith.constant 0 : i32
      %dma_wait3A_199 = tpu.memref_slice %arg2[%dma_wait3A_197, %dma_wait3A_198] : memref<50176x128xf32, #tpu.memory_space<hbm>> -> memref<64x128xf32, #tpu.memory_space<hbm>>
      tpu.wait_dma2 semaphore(%arg12 : memref<!tpu.dma_semaphore, #tpu.memory_space<semaphore_mem>>) src(%dma_wait3A_199 : memref<64x128xf32, #tpu.memory_space<hbm>>) dst(%arg8 : memref<64x128xf32, #tpu.memory_space<vmem>>)
      %lt3A = arith.constant 19 : i32
      %lt3A_200 = arith.cmpi slt, %add3A_156, %lt3A : i32
      %convert_element_type3A_201 = arith.extui %lt3A_200 : i1 to i32
      %cond3A_202 = arith.constant 0 : i32
      %cond3A_203 = arith.cmpi ne, %convert_element_type3A_201, %cond3A_202 : i32
      scf.if %cond3A_203 {
        %add3A_217 = arith.constant 2 : i32
        %add3A_218 = arith.addi %mul3A_158, %add3A_217 : i32
        %dma_start3A_219 = arith.constant 0 : i32
        %dma_start3A_220 = tpu.memref_slice %arg6[%add3A_218, %dma_start3A_219] : memref<40x128xi32, #tpu.memory_space<vmem>> -> memref<1x64xi32, #tpu.memory_space<vmem>>
        %dma_start3A_221 = tpu.memref_squeeze %dma_start3A_220 : memref<1x64xi32, #tpu.memory_space<vmem>> -> memref<64xi32, #tpu.memory_space<vmem>>
        %dma_start3A_222 = arith.constant 0 : i32
        %dma_start3A_223 = arith.constant 0 : i32
        %dma_start3A_224 = tpu.memref_slice %arg2[%dma_start3A_222, %dma_start3A_223] : memref<50176x128xf32, #tpu.memory_space<hbm>> -> memref<50176x128xf32, #tpu.memory_space<hbm>>
        tpu.enqueue_indirect_dma source(%dma_start3A_224 : memref<50176x128xf32, #tpu.memory_space<hbm>>) target(%arg8 : memref<64x128xf32, #tpu.memory_space<vmem>>) offsets(%dma_start3A_221 : memref<64xi32, #tpu.memory_space<vmem>>) semaphore(%arg10 : memref<!tpu.dma_semaphore, #tpu.memory_space<semaphore_mem>>)
      } else {
      }
      %dma_wait3A_204 = arith.constant 0 : i32
      %dma_wait3A_205 = arith.constant 0 : i32
      %dma_wait3A_206 = tpu.memref_slice %arg2[%dma_wait3A_204, %dma_wait3A_205] : memref<50176x128xf32, #tpu.memory_space<hbm>> -> memref<64x128xf32, #tpu.memory_space<hbm>>
      %dma_wait3A_207 = arith.constant 0 : i32
      %dma_wait3A_208 = arith.constant 0 : i32
      %dma_wait3A_209 = tpu.memref_slice %arg2[%dma_wait3A_207, %dma_wait3A_208] : memref<50176x128xf32, #tpu.memory_space<hbm>> -> memref<64x128xf32, #tpu.memory_space<hbm>>
      tpu.wait_dma2 semaphore(%arg11 : memref<!tpu.dma_semaphore, #tpu.memory_space<semaphore_mem>>) src(%dma_wait3A_209 : memref<64x128xf32, #tpu.memory_space<hbm>>) dst(%arg9 : memref<64x128xf32, #tpu.memory_space<vmem>>)
      %dma_start3A_210 = arith.constant 1 : i32
      %dma_start3A_211 = arith.constant 0 : i32
      %dma_start3A_212 = tpu.memref_slice %arg7[%dma_start3A_210, %dma_start3A_211] : memref<2x64xi32, #tpu.memory_space<vmem>> -> memref<1x64xi32, #tpu.memory_space<vmem>>
      %dma_start3A_213 = tpu.memref_squeeze %dma_start3A_212 : memref<1x64xi32, #tpu.memory_space<vmem>> -> memref<64xi32, #tpu.memory_space<vmem>>
      %dma_start3A_214 = arith.constant 0 : i32
      %dma_start3A_215 = arith.constant 0 : i32
      %dma_start3A_216 = tpu.memref_slice %arg5[%dma_start3A_214, %dma_start3A_215] : memref<12800x128xf32, #tpu.memory_space<vmem_shared>> -> memref<12800x128xf32, #tpu.memory_space<vmem_shared>>
      tpu.enqueue_indirect_dma source(%arg9 : memref<64x128xf32, #tpu.memory_space<vmem>>) target(%dma_start3A_216 : memref<12800x128xf32, #tpu.memory_space<vmem_shared>>) offsets(%dma_start3A_213 : memref<64xi32, #tpu.memory_space<vmem>>) semaphore(%arg13 : memref<!tpu.dma_semaphore, #tpu.memory_space<semaphore_mem>>) {add = true}
    }
    %scan3A_138 = arith.constant 20 : i32
    %dma_wait3A_139 = arith.constant 0 : i32
    %dma_wait3A_140 = arith.constant 0 : i32
    %dma_wait3A_141 = tpu.memref_slice %arg2[%dma_wait3A_139, %dma_wait3A_140] : memref<50176x128xf32, #tpu.memory_space<hbm>> -> memref<64x128xf32, #tpu.memory_space<hbm>>
    %dma_wait3A_142 = arith.constant 0 : i32
    %dma_wait3A_143 = arith.constant 0 : i32
    %dma_wait3A_144 = tpu.memref_slice %arg2[%dma_wait3A_142, %dma_wait3A_143] : memref<50176x128xf32, #tpu.memory_space<hbm>> -> memref<64x128xf32, #tpu.memory_space<hbm>>
    tpu.wait_dma2 semaphore(%arg13 : memref<!tpu.dma_semaphore, #tpu.memory_space<semaphore_mem>>) src(%dma_wait3A_144 : memref<64x128xf32, #tpu.memory_space<hbm>>) dst(%arg9 : memref<64x128xf32, #tpu.memory_space<vmem>>)
    %barrier3A_145 = arith.constant 0 : index
    tpu.barrier barrier_id(%barrier3A_145)
    %mul3A_146 = arith.constant 784 : i32
    %mul3A_147 = arith.muli %arg1, %mul3A_146 : i32
    %mul3A_148 = arith.constant 784 : i32
    %mul3A_149 = arith.muli %arg1, %mul3A_148 : i32
    %add3A_150 = arith.addi %mul3A_79, %mul3A_149 : i32
    "tpu.region"() ({
      %run_scoped3A = tpu.sem_alloc : memref<!tpu.dma_semaphore, #tpu.memory_space<semaphore_mem>>
      %dma_start3A_152 = arith.constant 0 : i32
      %dma_start3A_153 = tpu.memref_slice %arg4[%add3A_150, %dma_start3A_152] : memref<50176x128xf32, #tpu.memory_space<hbm>> -> memref<784x128xf32, #tpu.memory_space<hbm>>
      %dma_start3A_154 = arith.constant 0 : i32
      %dma_start3A_155 = tpu.memref_slice %arg5[%mul3A_147, %dma_start3A_154] : memref<12800x128xf32, #tpu.memory_space<vmem_shared>> -> memref<784x128xf32, #tpu.memory_space<vmem_shared>>
      tpu.enqueue_dma source(%dma_start3A_155 : memref<784x128xf32, #tpu.memory_space<vmem_shared>>) target(%dma_start3A_153 : memref<784x128xf32, #tpu.memory_space<hbm>>) target_semaphore(%run_scoped3A : memref<!tpu.dma_semaphore, #tpu.memory_space<semaphore_mem>>)
      %dma_wait3A_156 = arith.constant 0 : i32
      %dma_wait3A_157 = tpu.memref_slice %arg4[%add3A_150, %dma_wait3A_156] : memref<50176x128xf32, #tpu.memory_space<hbm>> -> memref<784x128xf32, #tpu.memory_space<hbm>>
      %dma_wait3A_158 = arith.constant 0 : i32
      %dma_wait3A_159 = tpu.memref_slice %arg5[%mul3A_147, %dma_wait3A_158] : memref<12800x128xf32, #tpu.memory_space<vmem_shared>> -> memref<784x128xf32, #tpu.memory_space<vmem_shared>>
      tpu.wait_dma2 semaphore(%run_scoped3A : memref<!tpu.dma_semaphore, #tpu.memory_space<semaphore_mem>>) src(%dma_wait3A_159 : memref<784x128xf32, #tpu.memory_space<vmem_shared>>) dst(%dma_wait3A_157 : memref<784x128xf32, #tpu.memory_space<hbm>>)
      tpu.yield
    }) : () -> ()
    %barrier3A_151 = arith.constant 0 : index
    tpu.barrier barrier_id(%barrier3A_151)
    return
  }
}

#map = affine_map<(d0, d1) -> (0, 0)>
#map1 = affine_map<(d0, d1) -> (0, 0, 0)>
module attributes {stable_mosaic.version = 14 : i64} {
  func.func @_sc_aggr_body(%arg0: i32, %arg1: i32, %arg2: memref<50176x128xf32, #tpu.memory_space<hbm>>, %arg3: memref<16x120x128xi32, #tpu.memory_space<hbm>>, %arg4: memref<50176x128xf32, #tpu.memory_space<hbm>>, %arg5: memref<12800x128xf32, #tpu.memory_space<vmem_shared>>, %arg6: memref<40x128xi32, #tpu.memory_space<vmem>>, %arg7: memref<2x64xi32, #tpu.memory_space<vmem>>, %arg8: memref<64x128xf32, #tpu.memory_space<vmem>>, %arg9: memref<64x128xf32, #tpu.memory_space<vmem>>, %arg10: memref<!tpu.dma_semaphore, #tpu.memory_space<semaphore_mem>>, %arg11: memref<!tpu.dma_semaphore, #tpu.memory_space<semaphore_mem>>, %arg12: memref<!tpu.dma_semaphore, #tpu.memory_space<semaphore_mem>>, %arg13: memref<!tpu.dma_semaphore, #tpu.memory_space<semaphore_mem>>) attributes {dimension_semantics = [#tpu.dimension_semantics<core_parallel>, #tpu.dimension_semantics<subcore_parallel>], iteration_bounds = array<i64: 2, 16>, scalar_prefetch = 0 : i64, scratch_operands = 9 : i64, tpu.core_type = #tpu.core_type<sc_vector_subcore>, window_params = [{transform_indices = #map}, {transform_indices = #map1}, {transform_indices = #map}]} {
    %mul3A = arith.constant 784 : i32
    %mul3A_0 = arith.muli %arg1, %mul3A : i32
    %mul3A_1 = arith.constant 2 : i32
    %mul3A_2 = arith.muli %mul3A_1, %arg0 : i32
    %add3A = arith.constant 0 : i32
    %add3A_3 = arith.addi %mul3A_2, %add3A : i32
    %mul3A_4 = arith.constant 12544 : i32
    %mul3A_5 = arith.muli %add3A_3, %mul3A_4 : i32
    %scan3A = arith.constant 0 : i32
    %scan3A_6 = arith.constant 28 : i32
    %scan3A_7 = arith.addi %scan3A, %scan3A_6 : i32
    %scan3A_8 = arith.constant 1 : i32
    scf.for %scan3A_152 = %scan3A to %scan3A_7 step %scan3A_8  : i32 {
      %mul3A_153 = arith.constant 1 : i32
      %mul3A_154 = arith.muli %scan3A_152, %mul3A_153 : i32
      %add3A_155 = arith.constant 0 : i32
      %add3A_156 = arith.addi %add3A_155, %mul3A_154 : i32
      %broadcast_in_dim3A = arith.constant 0.000000e+00 : f32
      %broadcast_in_dim3A_157 = vector.broadcast %broadcast_in_dim3A : f32 to vector<16xf32>
      %swap3A = arith.index_cast %add3A_156 : i32 to index
      %swap3A_158 = arith.constant 0 : index
      %swap3A_159 = tpu.vector_load %arg8[%swap3A, %swap3A_158] {strides = array<i32>} : memref<64x128xf32, #tpu.memory_space<vmem>>, vector<1x16xf32>,
      %swap3A_160 = vector.shape_cast %swap3A_159 : vector<1x16xf32> to vector<16xf32>
      %swap3A_161 = vector.shape_cast %broadcast_in_dim3A_157 : vector<16xf32> to vector<1x16xf32>
      tpu.vector_store %arg8[%swap3A, %swap3A_158], %swap3A_161 {strides = array<i32>} : memref<64x128xf32, #tpu.memory_space<vmem>>, vector<1x16xf32>,
      %broadcast_in_dim3A_162 = arith.constant 0.000000e+00 : f32
      %broadcast_in_dim3A_163 = vector.broadcast %broadcast_in_dim3A_162 : f32 to vector<16xf32>
      %swap3A_164 = arith.index_cast %add3A_156 : i32 to index
      %swap3A_165 = arith.constant 16 : index
      %swap3A_166 = tpu.vector_load %arg8[%swap3A_164, %swap3A_165] {strides = array<i32>} : memref<64x128xf32, #tpu.memory_space<vmem>>, vector<1x16xf32>,
      %swap3A_167 = vector.shape_cast %swap3A_166 : vector<1x16xf32> to vector<16xf32>
      %swap3A_168 = vector.shape_cast %broadcast_in_dim3A_163 : vector<16xf32> to vector<1x16xf32>
      tpu.vector_store %arg8[%swap3A_164, %swap3A_165], %swap3A_168 {strides = array<i32>} : memref<64x128xf32, #tpu.memory_space<vmem>>, vector<1x16xf32>,
      %broadcast_in_dim3A_169 = arith.constant 0.000000e+00 : f32
      %broadcast_in_dim3A_170 = vector.broadcast %broadcast_in_dim3A_169 : f32 to vector<16xf32>
      %swap3A_171 = arith.index_cast %add3A_156 : i32 to index
      %swap3A_172 = arith.constant 32 : index
      %swap3A_173 = tpu.vector_load %arg8[%swap3A_171, %swap3A_172] {strides = array<i32>} : memref<64x128xf32, #tpu.memory_space<vmem>>, vector<1x16xf32>,
      %swap3A_174 = vector.shape_cast %swap3A_173 : vector<1x16xf32> to vector<16xf32>
      %swap3A_175 = vector.shape_cast %broadcast_in_dim3A_170 : vector<16xf32> to vector<1x16xf32>
      tpu.vector_store %arg8[%swap3A_171, %swap3A_172], %swap3A_175 {strides = array<i32>} : memref<64x128xf32, #tpu.memory_space<vmem>>, vector<1x16xf32>,
      %broadcast_in_dim3A_176 = arith.constant 0.000000e+00 : f32
      %broadcast_in_dim3A_177 = vector.broadcast %broadcast_in_dim3A_176 : f32 to vector<16xf32>
      %swap3A_178 = arith.index_cast %add3A_156 : i32 to index
      %swap3A_179 = arith.constant 48 : index
      %swap3A_180 = tpu.vector_load %arg8[%swap3A_178, %swap3A_179] {strides = array<i32>} : memref<64x128xf32, #tpu.memory_space<vmem>>, vector<1x16xf32>,
      %swap3A_181 = vector.shape_cast %swap3A_180 : vector<1x16xf32> to vector<16xf32>
      %swap3A_182 = vector.shape_cast %broadcast_in_dim3A_177 : vector<16xf32> to vector<1x16xf32>
      tpu.vector_store %arg8[%swap3A_178, %swap3A_179], %swap3A_182 {strides = array<i32>} : memref<64x128xf32, #tpu.memory_space<vmem>>, vector<1x16xf32>,
      %broadcast_in_dim3A_183 = arith.constant 0.000000e+00 : f32
      %broadcast_in_dim3A_184 = vector.broadcast %broadcast_in_dim3A_183 : f32 to vector<16xf32>
      %swap3A_185 = arith.index_cast %add3A_156 : i32 to index
      %swap3A_186 = arith.constant 64 : index
      %swap3A_187 = tpu.vector_load %arg8[%swap3A_185, %swap3A_186] {strides = array<i32>} : memref<64x128xf32, #tpu.memory_space<vmem>>, vector<1x16xf32>,
      %swap3A_188 = vector.shape_cast %swap3A_187 : vector<1x16xf32> to vector<16xf32>
      %swap3A_189 = vector.shape_cast %broadcast_in_dim3A_184 : vector<16xf32> to vector<1x16xf32>
      tpu.vector_store %arg8[%swap3A_185, %swap3A_186], %swap3A_189 {strides = array<i32>} : memref<64x128xf32, #tpu.memory_space<vmem>>, vector<1x16xf32>,
      %broadcast_in_dim3A_190 = arith.constant 0.000000e+00 : f32
      %broadcast_in_dim3A_191 = vector.broadcast %broadcast_in_dim3A_190 : f32 to vector<16xf32>
      %swap3A_192 = arith.index_cast %add3A_156 : i32 to index
      %swap3A_193 = arith.constant 80 : index
      %swap3A_194 = tpu.vector_load %arg8[%swap3A_192, %swap3A_193] {strides = array<i32>} : memref<64x128xf32, #tpu.memory_space<vmem>>, vector<1x16xf32>,
      %swap3A_195 = vector.shape_cast %swap3A_194 : vector<1x16xf32> to vector<16xf32>
      %swap3A_196 = vector.shape_cast %broadcast_in_dim3A_191 : vector<16xf32> to vector<1x16xf32>
      tpu.vector_store %arg8[%swap3A_192, %swap3A_193], %swap3A_196 {strides = array<i32>} : memref<64x128xf32, #tpu.memory_space<vmem>>, vector<1x16xf32>,
      %broadcast_in_dim3A_197 = arith.constant 0.000000e+00 : f32
      %broadcast_in_dim3A_198 = vector.broadcast %broadcast_in_dim3A_197 : f32 to vector<16xf32>
      %swap3A_199 = arith.index_cast %add3A_156 : i32 to index
      %swap3A_200 = arith.constant 96 : index
      %swap3A_201 = tpu.vector_load %arg8[%swap3A_199, %swap3A_200] {strides = array<i32>} : memref<64x128xf32, #tpu.memory_space<vmem>>, vector<1x16xf32>,
      %swap3A_202 = vector.shape_cast %swap3A_201 : vector<1x16xf32> to vector<16xf32>
      %swap3A_203 = vector.shape_cast %broadcast_in_dim3A_198 : vector<16xf32> to vector<1x16xf32>
      tpu.vector_store %arg8[%swap3A_199, %swap3A_200], %swap3A_203 {strides = array<i32>} : memref<64x128xf32, #tpu.memory_space<vmem>>, vector<1x16xf32>,
      %broadcast_in_dim3A_204 = arith.constant 0.000000e+00 : f32
      %broadcast_in_dim3A_205 = vector.broadcast %broadcast_in_dim3A_204 : f32 to vector<16xf32>
      %swap3A_206 = arith.index_cast %add3A_156 : i32 to index
      %swap3A_207 = arith.constant 112 : index
      %swap3A_208 = tpu.vector_load %arg8[%swap3A_206, %swap3A_207] {strides = array<i32>} : memref<64x128xf32, #tpu.memory_space<vmem>>, vector<1x16xf32>,
      %swap3A_209 = vector.shape_cast %swap3A_208 : vector<1x16xf32> to vector<16xf32>
      %swap3A_210 = vector.shape_cast %broadcast_in_dim3A_205 : vector<16xf32> to vector<1x16xf32>
      tpu.vector_store %arg8[%swap3A_206, %swap3A_207], %swap3A_210 {strides = array<i32>} : memref<64x128xf32, #tpu.memory_space<vmem>>, vector<1x16xf32>,
    }
    %scan3A_9 = arith.constant 28 : i32
    %scan3A_10 = arith.constant 0 : i32
    %scan3A_11 = arith.constant 28 : i32
    %scan3A_12 = arith.addi %scan3A_10, %scan3A_11 : i32
    %scan3A_13 = arith.constant 1 : i32
    scf.for %scan3A_152 = %scan3A_10 to %scan3A_12 step %scan3A_13  : i32 {
      %mul3A_153 = arith.constant 1 : i32
      %mul3A_154 = arith.muli %scan3A_152, %mul3A_153 : i32
      %add3A_155 = arith.constant 0 : i32
      %add3A_156 = arith.addi %add3A_155, %mul3A_154 : i32
      %mul3A_157 = arith.constant 28 : i32
      %mul3A_158 = arith.muli %add3A_156, %mul3A_157 : i32
      %add3A_159 = arith.addi %mul3A_0, %mul3A_158 : i32
      "tpu.region"() ({
        %run_scoped3A = tpu.sem_alloc : memref<!tpu.dma_semaphore, #tpu.memory_space<semaphore_mem>>
        %dma_start3A_160 = arith.constant 0 : i32
        %dma_start3A_161 = arith.constant 0 : i32
        %dma_start3A_162 = tpu.memref_slice %arg8[%dma_start3A_160, %dma_start3A_161] : memref<64x128xf32, #tpu.memory_space<vmem>> -> memref<28x128xf32, #tpu.memory_space<vmem>>
        %dma_start3A_163 = arith.constant 0 : i32
        %dma_start3A_164 = tpu.memref_slice %arg5[%add3A_159, %dma_start3A_163] : memref<12800x128xf32, #tpu.memory_space<vmem_shared>> -> memref<28x128xf32, #tpu.memory_space<vmem_shared>>
        %dma_start3A_165 = arith.constant 0 : i32
        %dma_start3A_166 = tpu.memref_slice %arg5[%add3A_159, %dma_start3A_165] : memref<12800x128xf32, #tpu.memory_space<vmem_shared>> -> memref<28x128xf32, #tpu.memory_space<vmem_shared>>
        %dma_start3A_167 = arith.constant 0 : i32
        %dma_start3A_168 = arith.constant 0 : i32
        %dma_start3A_169 = tpu.memref_slice %arg8[%dma_start3A_167, %dma_start3A_168] : memref<64x128xf32, #tpu.memory_space<vmem>> -> memref<28x128xf32, #tpu.memory_space<vmem>>
        tpu.enqueue_dma source(%dma_start3A_169 : memref<28x128xf32, #tpu.memory_space<vmem>>) target(%dma_start3A_166 : memref<28x128xf32, #tpu.memory_space<vmem_shared>>) target_semaphore(%run_scoped3A : memref<!tpu.dma_semaphore, #tpu.memory_space<semaphore_mem>>)
        %dma_wait3A_170 = arith.constant 0 : i32
        %dma_wait3A_171 = arith.constant 0 : i32
        %dma_wait3A_172 = tpu.memref_slice %arg8[%dma_wait3A_170, %dma_wait3A_171] : memref<64x128xf32, #tpu.memory_space<vmem>> -> memref<28x128xf32, #tpu.memory_space<vmem>>
        %dma_wait3A_173 = arith.constant 0 : i32
        %dma_wait3A_174 = tpu.memref_slice %arg5[%add3A_159, %dma_wait3A_173] : memref<12800x128xf32, #tpu.memory_space<vmem_shared>> -> memref<28x128xf32, #tpu.memory_space<vmem_shared>>
        %dma_wait3A_175 = arith.constant 0 : i32
        %dma_wait3A_176 = tpu.memref_slice %arg5[%add3A_159, %dma_wait3A_175] : memref<12800x128xf32, #tpu.memory_space<vmem_shared>> -> memref<28x128xf32, #tpu.memory_space<vmem_shared>>
        %dma_wait3A_177 = arith.constant 0 : i32
        %dma_wait3A_178 = arith.constant 0 : i32
        %dma_wait3A_179 = tpu.memref_slice %arg8[%dma_wait3A_177, %dma_wait3A_178] : memref<64x128xf32, #tpu.memory_space<vmem>> -> memref<28x128xf32, #tpu.memory_space<vmem>>
        tpu.wait_dma2 semaphore(%run_scoped3A : memref<!tpu.dma_semaphore, #tpu.memory_space<semaphore_mem>>) src(%dma_wait3A_179 : memref<28x128xf32, #tpu.memory_space<vmem>>) dst(%dma_wait3A_176 : memref<28x128xf32, #tpu.memory_space<vmem_shared>>)
        tpu.yield
      }) : () -> ()
    }
    %scan3A_14 = arith.constant 28 : i32
    %barrier3A = arith.constant 0 : index
    tpu.barrier barrier_id(%barrier3A)
    "tpu.region"() ({
      %run_scoped3A = tpu.sem_alloc : memref<!tpu.dma_semaphore, #tpu.memory_space<semaphore_mem>>
      %dma_start3A_152 = arith.constant 0 : i32
      %dma_start3A_153 = arith.constant 0 : i32
      %dma_start3A_154 = tpu.memref_slice %arg3[%arg1, %dma_start3A_152, %dma_start3A_153] : memref<16x120x128xi32, #tpu.memory_space<hbm>> -> memref<1x40x128xi32, #tpu.memory_space<hbm>>
      %dma_start3A_155 = tpu.memref_squeeze %dma_start3A_154 : memref<1x40x128xi32, #tpu.memory_space<hbm>> -> memref<40x128xi32, #tpu.memory_space<hbm>>
      %dma_start3A_156 = arith.constant 0 : i32
      %dma_start3A_157 = arith.constant 0 : i32
      %dma_start3A_158 = tpu.memref_slice %arg3[%arg1, %dma_start3A_156, %dma_start3A_157] : memref<16x120x128xi32, #tpu.memory_space<hbm>> -> memref<1x40x128xi32, #tpu.memory_space<hbm>>
      %dma_start3A_159 = tpu.memref_squeeze %dma_start3A_158 : memref<1x40x128xi32, #tpu.memory_space<hbm>> -> memref<40x128xi32, #tpu.memory_space<hbm>>
      tpu.enqueue_dma source(%dma_start3A_159 : memref<40x128xi32, #tpu.memory_space<hbm>>) target(%arg6 : memref<40x128xi32, #tpu.memory_space<vmem>>) target_semaphore(%run_scoped3A : memref<!tpu.dma_semaphore, #tpu.memory_space<semaphore_mem>>)
      %dma_wait3A_160 = arith.constant 0 : i32
      %dma_wait3A_161 = arith.constant 0 : i32
      %dma_wait3A_162 = tpu.memref_slice %arg3[%arg1, %dma_wait3A_160, %dma_wait3A_161] : memref<16x120x128xi32, #tpu.memory_space<hbm>> -> memref<1x40x128xi32, #tpu.memory_space<hbm>>
      %dma_wait3A_163 = tpu.memref_squeeze %dma_wait3A_162 : memref<1x40x128xi32, #tpu.memory_space<hbm>> -> memref<40x128xi32, #tpu.memory_space<hbm>>
      %dma_wait3A_164 = arith.constant 0 : i32
      %dma_wait3A_165 = arith.constant 0 : i32
      %dma_wait3A_166 = tpu.memref_slice %arg3[%arg1, %dma_wait3A_164, %dma_wait3A_165] : memref<16x120x128xi32, #tpu.memory_space<hbm>> -> memref<1x40x128xi32, #tpu.memory_space<hbm>>
      %dma_wait3A_167 = tpu.memref_squeeze %dma_wait3A_166 : memref<1x40x128xi32, #tpu.memory_space<hbm>> -> memref<40x128xi32, #tpu.memory_space<hbm>>
      tpu.wait_dma2 semaphore(%run_scoped3A : memref<!tpu.dma_semaphore, #tpu.memory_space<semaphore_mem>>) src(%dma_wait3A_167 : memref<40x128xi32, #tpu.memory_space<hbm>>) dst(%arg6 : memref<40x128xi32, #tpu.memory_space<vmem>>)
      tpu.yield
    }) : () -> ()
    %dma_start3A = arith.constant 0 : i32
    %dma_start3A_15 = arith.constant 0 : i32
    %dma_start3A_16 = tpu.memref_slice %arg6[%dma_start3A, %dma_start3A_15] : memref<40x128xi32, #tpu.memory_space<vmem>> -> memref<1x64xi32, #tpu.memory_space<vmem>>
    %dma_start3A_17 = tpu.memref_squeeze %dma_start3A_16 : memref<1x64xi32, #tpu.memory_space<vmem>> -> memref<64xi32, #tpu.memory_space<vmem>>
    %dma_start3A_18 = arith.constant 0 : i32
    %dma_start3A_19 = arith.constant 0 : i32
    %dma_start3A_20 = tpu.memref_slice %arg2[%dma_start3A_18, %dma_start3A_19] : memref<50176x128xf32, #tpu.memory_space<hbm>> -> memref<50176x128xf32, #tpu.memory_space<hbm>>
    tpu.enqueue_indirect_dma source(%dma_start3A_20 : memref<50176x128xf32, #tpu.memory_space<hbm>>) target(%arg8 : memref<64x128xf32, #tpu.memory_space<vmem>>) offsets(%dma_start3A_17 : memref<64xi32, #tpu.memory_space<vmem>>) semaphore(%arg10 : memref<!tpu.dma_semaphore, #tpu.memory_space<semaphore_mem>>)
    %scan3A_21 = arith.constant 0 : i32
    %scan3A_22 = arith.constant 20 : i32
    %scan3A_23 = arith.addi %scan3A_21, %scan3A_22 : i32
    %scan3A_24 = arith.constant 1 : i32
    scf.for %scan3A_152 = %scan3A_21 to %scan3A_23 step %scan3A_24  : i32 {
      %mul3A_153 = arith.constant 1 : i32
      %mul3A_154 = arith.muli %scan3A_152, %mul3A_153 : i32
      %add3A_155 = arith.constant 0 : i32
      %add3A_156 = arith.addi %add3A_155, %mul3A_154 : i32
      %mul3A_157 = arith.constant 2 : i32
      %mul3A_158 = arith.muli %mul3A_157, %add3A_156 : i32
      %mul3A_159 = arith.constant 2 : i32
      %mul3A_160 = arith.muli %mul3A_159, %add3A_156 : i32
      %add3A_161 = arith.constant 1 : i32
      %add3A_162 = arith.addi %mul3A_160, %add3A_161 : i32
      %scan3A_163 = arith.constant 0 : i32
      %scan3A_164 = arith.constant 4 : i32
      %scan3A_165 = arith.addi %scan3A_163, %scan3A_164 : i32
      %scan3A_166 = arith.constant 1 : i32
      scf.for %scan3A_217 = %scan3A_163 to %scan3A_165 step %scan3A_166  : i32 {
        %mul3A_218 = arith.constant 1 : i32
        %mul3A_219 = arith.muli %scan3A_217, %mul3A_218 : i32
        %add3A_220 = arith.constant 0 : i32
        %add3A_221 = arith.addi %add3A_220, %mul3A_219 : i32
        %mul3A_222 = arith.constant 16 : i32
        %mul3A_223 = arith.muli %add3A_221, %mul3A_222 : i32
        %add3A_224 = arith.constant 64 : i32
        %add3A_225 = arith.addi %add3A_224, %mul3A_223 : i32
        %get3A = arith.index_cast %mul3A_158 : i32 to index
        %get3A_226 = arith.index_cast %add3A_225 : i32 to index
        %get3A_227 = tpu.vector_load %arg6[%get3A, %get3A_226] {strides = array<i32>} : memref<40x128xi32, #tpu.memory_space<vmem>>, vector<1x16xi32>,
        %get3A_228 = vector.shape_cast %get3A_227 : vector<1x16xi32> to vector<16xi32>
        %ge3A = vector.broadcast %mul3A_5 : i32 to vector<16xi32>
        %ge3A_229 = arith.cmpi sge, %get3A_228, %ge3A : vector<16xi32>
        %add3A_230 = arith.constant 12544 : i32
        %add3A_231 = arith.addi %mul3A_5, %add3A_230 : i32
        %lt3A_232 = vector.broadcast %add3A_231 : i32 to vector<16xi32>
        %lt3A_233 = arith.cmpi slt, %get3A_228, %lt3A_232 : vector<16xi32>
        %and3A = arith.andi %ge3A_229, %lt3A_233 : vector<16xi1>
        %mul3A_234 = arith.constant 64 : i32
        %mul3A_235 = arith.muli %mul3A_158, %mul3A_234 : i32
        %mul3A_236 = arith.constant 16 : i32
        %mul3A_237 = arith.muli %add3A_221, %mul3A_236 : i32
        %add3A_238 = arith.addi %mul3A_235, %mul3A_237 : i32
        %iota3A = tpu.iota {dimensions = array<i32: 0>} : vector<16xi32>
        %add3A_239 = vector.broadcast %add3A_238 : i32 to vector<16xi32>
        %add3A_240 = arith.addi %add3A_239, %iota3A : vector<16xi32>
        %and3A_241 = arith.constant 255 : i32
        %and3A_242 = vector.broadcast %and3A_241 : i32 to vector<16xi32>
        %and3A_243 = arith.andi %add3A_240, %and3A_242 : vector<16xi32>
        %add3A_244 = arith.constant 12544 : i32
        %add3A_245 = vector.broadcast %add3A_244 : i32 to vector<16xi32>
        %add3A_246 = arith.addi %add3A_245, %and3A_243 : vector<16xi32>
        %sub3A = vector.broadcast %mul3A_5 : i32 to vector<16xi32>
        %sub3A_247 = arith.subi %get3A_228, %sub3A : vector<16xi32>
        %select_n3A = arith.select %and3A, %sub3A_247, %add3A_246 : vector<16xi1>, vector<16xi32>
        %mul3A_248 = arith.constant 16 : i32
        %mul3A_249 = arith.muli %add3A_221, %mul3A_248 : i32
        %swap3A = arith.constant 0 : i32
        %swap3A_250 = arith.index_cast %swap3A : i32 to index
        %swap3A_251 = arith.index_cast %mul3A_249 : i32 to index
        %swap3A_252 = tpu.vector_load %arg7[%swap3A_250, %swap3A_251] {strides = array<i32>} : memref<2x64xi32, #tpu.memory_space<vmem>>, vector<1x16xi32>,
        %swap3A_253 = vector.shape_cast %swap3A_252 : vector<1x16xi32> to vector<16xi32>
        %swap3A_254 = vector.shape_cast %select_n3A : vector<16xi32> to vector<1x16xi32>
        tpu.vector_store %arg7[%swap3A_250, %swap3A_251], %swap3A_254 {strides = array<i32>} : memref<2x64xi32, #tpu.memory_space<vmem>>, vector<1x16xi32>,
      }
      %scan3A_167 = arith.constant 4 : i32
      %gt3A = arith.constant 0 : i32
      %gt3A_168 = arith.cmpi sgt, %add3A_156, %gt3A : i32
      %convert_element_type3A = arith.extui %gt3A_168 : i1 to i32
      %cond3A = arith.constant 0 : i32
      %cond3A_169 = arith.cmpi ne, %convert_element_type3A, %cond3A : i32
      scf.if %cond3A_169 {
        %dma_wait3A_217 = arith.constant 0 : i32
        %dma_wait3A_218 = arith.constant 0 : i32
        %dma_wait3A_219 = tpu.memref_slice %arg2[%dma_wait3A_217, %dma_wait3A_218] : memref<50176x128xf32, #tpu.memory_space<hbm>> -> memref<64x128xf32, #tpu.memory_space<hbm>>
        %dma_wait3A_220 = arith.constant 0 : i32
        %dma_wait3A_221 = arith.constant 0 : i32
        %dma_wait3A_222 = tpu.memref_slice %arg2[%dma_wait3A_220, %dma_wait3A_221] : memref<50176x128xf32, #tpu.memory_space<hbm>> -> memref<64x128xf32, #tpu.memory_space<hbm>>
        tpu.wait_dma2 semaphore(%arg13 : memref<!tpu.dma_semaphore, #tpu.memory_space<semaphore_mem>>) src(%dma_wait3A_222 : memref<64x128xf32, #tpu.memory_space<hbm>>) dst(%arg9 : memref<64x128xf32, #tpu.memory_space<vmem>>)
      } else {
      }
      %dma_start3A_170 = arith.constant 0 : i32
      %dma_start3A_171 = tpu.memref_slice %arg6[%add3A_162, %dma_start3A_170] : memref<40x128xi32, #tpu.memory_space<vmem>> -> memref<1x64xi32, #tpu.memory_space<vmem>>
      %dma_start3A_172 = tpu.memref_squeeze %dma_start3A_171 : memref<1x64xi32, #tpu.memory_space<vmem>> -> memref<64xi32, #tpu.memory_space<vmem>>
      %dma_start3A_173 = arith.constant 0 : i32
      %dma_start3A_174 = arith.constant 0 : i32
      %dma_start3A_175 = tpu.memref_slice %arg2[%dma_start3A_173, %dma_start3A_174] : memref<50176x128xf32, #tpu.memory_space<hbm>> -> memref<50176x128xf32, #tpu.memory_space<hbm>>
      tpu.enqueue_indirect_dma source(%dma_start3A_175 : memref<50176x128xf32, #tpu.memory_space<hbm>>) target(%arg9 : memref<64x128xf32, #tpu.memory_space<vmem>>) offsets(%dma_start3A_172 : memref<64xi32, #tpu.memory_space<vmem>>) semaphore(%arg11 : memref<!tpu.dma_semaphore, #tpu.memory_space<semaphore_mem>>)
      %dma_wait3A_176 = arith.constant 0 : i32
      %dma_wait3A_177 = arith.constant 0 : i32
      %dma_wait3A_178 = tpu.memref_slice %arg2[%dma_wait3A_176, %dma_wait3A_177] : memref<50176x128xf32, #tpu.memory_space<hbm>> -> memref<64x128xf32, #tpu.memory_space<hbm>>
      %dma_wait3A_179 = arith.constant 0 : i32
      %dma_wait3A_180 = arith.constant 0 : i32
      %dma_wait3A_181 = tpu.memref_slice %arg2[%dma_wait3A_179, %dma_wait3A_180] : memref<50176x128xf32, #tpu.memory_space<hbm>> -> memref<64x128xf32, #tpu.memory_space<hbm>>
      tpu.wait_dma2 semaphore(%arg10 : memref<!tpu.dma_semaphore, #tpu.memory_space<semaphore_mem>>) src(%dma_wait3A_181 : memref<64x128xf32, #tpu.memory_space<hbm>>) dst(%arg8 : memref<64x128xf32, #tpu.memory_space<vmem>>)
      %dma_start3A_182 = arith.constant 0 : i32
      %dma_start3A_183 = arith.constant 0 : i32
      %dma_start3A_184 = tpu.memref_slice %arg7[%dma_start3A_182, %dma_start3A_183] : memref<2x64xi32, #tpu.memory_space<vmem>> -> memref<1x64xi32, #tpu.memory_space<vmem>>
      %dma_start3A_185 = tpu.memref_squeeze %dma_start3A_184 : memref<1x64xi32, #tpu.memory_space<vmem>> -> memref<64xi32, #tpu.memory_space<vmem>>
      %dma_start3A_186 = arith.constant 0 : i32
      %dma_start3A_187 = arith.constant 0 : i32
      %dma_start3A_188 = tpu.memref_slice %arg5[%dma_start3A_186, %dma_start3A_187] : memref<12800x128xf32, #tpu.memory_space<vmem_shared>> -> memref<12800x128xf32, #tpu.memory_space<vmem_shared>>
      tpu.enqueue_indirect_dma source(%arg8 : memref<64x128xf32, #tpu.memory_space<vmem>>) target(%dma_start3A_188 : memref<12800x128xf32, #tpu.memory_space<vmem_shared>>) offsets(%dma_start3A_185 : memref<64xi32, #tpu.memory_space<vmem>>) semaphore(%arg12 : memref<!tpu.dma_semaphore, #tpu.memory_space<semaphore_mem>>) {add = true}
      %scan3A_189 = arith.constant 0 : i32
      %scan3A_190 = arith.constant 4 : i32
      %scan3A_191 = arith.addi %scan3A_189, %scan3A_190 : i32
      %scan3A_192 = arith.constant 1 : i32
      scf.for %scan3A_217 = %scan3A_189 to %scan3A_191 step %scan3A_192  : i32 {
        %mul3A_218 = arith.constant 1 : i32
        %mul3A_219 = arith.muli %scan3A_217, %mul3A_218 : i32
        %add3A_220 = arith.constant 0 : i32
        %add3A_221 = arith.addi %add3A_220, %mul3A_219 : i32
        %mul3A_222 = arith.constant 16 : i32
        %mul3A_223 = arith.muli %add3A_221, %mul3A_222 : i32
        %add3A_224 = arith.constant 64 : i32
        %add3A_225 = arith.addi %add3A_224, %mul3A_223 : i32
        %get3A = arith.index_cast %add3A_162 : i32 to index
        %get3A_226 = arith.index_cast %add3A_225 : i32 to index
        %get3A_227 = tpu.vector_load %arg6[%get3A, %get3A_226] {strides = array<i32>} : memref<40x128xi32, #tpu.memory_space<vmem>>, vector<1x16xi32>,
        %get3A_228 = vector.shape_cast %get3A_227 : vector<1x16xi32> to vector<16xi32>
        %ge3A = vector.broadcast %mul3A_5 : i32 to vector<16xi32>
        %ge3A_229 = arith.cmpi sge, %get3A_228, %ge3A : vector<16xi32>
        %add3A_230 = arith.constant 12544 : i32
        %add3A_231 = arith.addi %mul3A_5, %add3A_230 : i32
        %lt3A_232 = vector.broadcast %add3A_231 : i32 to vector<16xi32>
        %lt3A_233 = arith.cmpi slt, %get3A_228, %lt3A_232 : vector<16xi32>
        %and3A = arith.andi %ge3A_229, %lt3A_233 : vector<16xi1>
        %mul3A_234 = arith.constant 64 : i32
        %mul3A_235 = arith.muli %add3A_162, %mul3A_234 : i32
        %mul3A_236 = arith.constant 16 : i32
        %mul3A_237 = arith.muli %add3A_221, %mul3A_236 : i32
        %add3A_238 = arith.addi %mul3A_235, %mul3A_237 : i32
        %iota3A = tpu.iota {dimensions = array<i32: 0>} : vector<16xi32>
        %add3A_239 = vector.broadcast %add3A_238 : i32 to vector<16xi32>
        %add3A_240 = arith.addi %add3A_239, %iota3A : vector<16xi32>
        %and3A_241 = arith.constant 255 : i32
        %and3A_242 = vector.broadcast %and3A_241 : i32 to vector<16xi32>
        %and3A_243 = arith.andi %add3A_240, %and3A_242 : vector<16xi32>
        %add3A_244 = arith.constant 12544 : i32
        %add3A_245 = vector.broadcast %add3A_244 : i32 to vector<16xi32>
        %add3A_246 = arith.addi %add3A_245, %and3A_243 : vector<16xi32>
        %sub3A = vector.broadcast %mul3A_5 : i32 to vector<16xi32>
        %sub3A_247 = arith.subi %get3A_228, %sub3A : vector<16xi32>
        %select_n3A = arith.select %and3A, %sub3A_247, %add3A_246 : vector<16xi1>, vector<16xi32>
        %mul3A_248 = arith.constant 16 : i32
        %mul3A_249 = arith.muli %add3A_221, %mul3A_248 : i32
        %swap3A = arith.constant 1 : i32
        %swap3A_250 = arith.index_cast %swap3A : i32 to index
        %swap3A_251 = arith.index_cast %mul3A_249 : i32 to index
        %swap3A_252 = tpu.vector_load %arg7[%swap3A_250, %swap3A_251] {strides = array<i32>} : memref<2x64xi32, #tpu.memory_space<vmem>>, vector<1x16xi32>,
        %swap3A_253 = vector.shape_cast %swap3A_252 : vector<1x16xi32> to vector<16xi32>
        %swap3A_254 = vector.shape_cast %select_n3A : vector<16xi32> to vector<1x16xi32>
        tpu.vector_store %arg7[%swap3A_250, %swap3A_251], %swap3A_254 {strides = array<i32>} : memref<2x64xi32, #tpu.memory_space<vmem>>, vector<1x16xi32>,
      }
      %scan3A_193 = arith.constant 4 : i32
      %dma_wait3A_194 = arith.constant 0 : i32
      %dma_wait3A_195 = arith.constant 0 : i32
      %dma_wait3A_196 = tpu.memref_slice %arg2[%dma_wait3A_194, %dma_wait3A_195] : memref<50176x128xf32, #tpu.memory_space<hbm>> -> memref<64x128xf32, #tpu.memory_space<hbm>>
      %dma_wait3A_197 = arith.constant 0 : i32
      %dma_wait3A_198 = arith.constant 0 : i32
      %dma_wait3A_199 = tpu.memref_slice %arg2[%dma_wait3A_197, %dma_wait3A_198] : memref<50176x128xf32, #tpu.memory_space<hbm>> -> memref<64x128xf32, #tpu.memory_space<hbm>>
      tpu.wait_dma2 semaphore(%arg12 : memref<!tpu.dma_semaphore, #tpu.memory_space<semaphore_mem>>) src(%dma_wait3A_199 : memref<64x128xf32, #tpu.memory_space<hbm>>) dst(%arg8 : memref<64x128xf32, #tpu.memory_space<vmem>>)
      %lt3A = arith.constant 19 : i32
      %lt3A_200 = arith.cmpi slt, %add3A_156, %lt3A : i32
      %convert_element_type3A_201 = arith.extui %lt3A_200 : i1 to i32
      %cond3A_202 = arith.constant 0 : i32
      %cond3A_203 = arith.cmpi ne, %convert_element_type3A_201, %cond3A_202 : i32
      scf.if %cond3A_203 {
        %add3A_217 = arith.constant 2 : i32
        %add3A_218 = arith.addi %mul3A_158, %add3A_217 : i32
        %dma_start3A_219 = arith.constant 0 : i32
        %dma_start3A_220 = tpu.memref_slice %arg6[%add3A_218, %dma_start3A_219] : memref<40x128xi32, #tpu.memory_space<vmem>> -> memref<1x64xi32, #tpu.memory_space<vmem>>
        %dma_start3A_221 = tpu.memref_squeeze %dma_start3A_220 : memref<1x64xi32, #tpu.memory_space<vmem>> -> memref<64xi32, #tpu.memory_space<vmem>>
        %dma_start3A_222 = arith.constant 0 : i32
        %dma_start3A_223 = arith.constant 0 : i32
        %dma_start3A_224 = tpu.memref_slice %arg2[%dma_start3A_222, %dma_start3A_223] : memref<50176x128xf32, #tpu.memory_space<hbm>> -> memref<50176x128xf32, #tpu.memory_space<hbm>>
        tpu.enqueue_indirect_dma source(%dma_start3A_224 : memref<50176x128xf32, #tpu.memory_space<hbm>>) target(%arg8 : memref<64x128xf32, #tpu.memory_space<vmem>>) offsets(%dma_start3A_221 : memref<64xi32, #tpu.memory_space<vmem>>) semaphore(%arg10 : memref<!tpu.dma_semaphore, #tpu.memory_space<semaphore_mem>>)
      } else {
      }
      %dma_wait3A_204 = arith.constant 0 : i32
      %dma_wait3A_205 = arith.constant 0 : i32
      %dma_wait3A_206 = tpu.memref_slice %arg2[%dma_wait3A_204, %dma_wait3A_205] : memref<50176x128xf32, #tpu.memory_space<hbm>> -> memref<64x128xf32, #tpu.memory_space<hbm>>
      %dma_wait3A_207 = arith.constant 0 : i32
      %dma_wait3A_208 = arith.constant 0 : i32
      %dma_wait3A_209 = tpu.memref_slice %arg2[%dma_wait3A_207, %dma_wait3A_208] : memref<50176x128xf32, #tpu.memory_space<hbm>> -> memref<64x128xf32, #tpu.memory_space<hbm>>
      tpu.wait_dma2 semaphore(%arg11 : memref<!tpu.dma_semaphore, #tpu.memory_space<semaphore_mem>>) src(%dma_wait3A_209 : memref<64x128xf32, #tpu.memory_space<hbm>>) dst(%arg9 : memref<64x128xf32, #tpu.memory_space<vmem>>)
      %dma_start3A_210 = arith.constant 1 : i32
      %dma_start3A_211 = arith.constant 0 : i32
      %dma_start3A_212 = tpu.memref_slice %arg7[%dma_start3A_210, %dma_start3A_211] : memref<2x64xi32, #tpu.memory_space<vmem>> -> memref<1x64xi32, #tpu.memory_space<vmem>>
      %dma_start3A_213 = tpu.memref_squeeze %dma_start3A_212 : memref<1x64xi32, #tpu.memory_space<vmem>> -> memref<64xi32, #tpu.memory_space<vmem>>
      %dma_start3A_214 = arith.constant 0 : i32
      %dma_start3A_215 = arith.constant 0 : i32
      %dma_start3A_216 = tpu.memref_slice %arg5[%dma_start3A_214, %dma_start3A_215] : memref<12800x128xf32, #tpu.memory_space<vmem_shared>> -> memref<12800x128xf32, #tpu.memory_space<vmem_shared>>
      tpu.enqueue_indirect_dma source(%arg9 : memref<64x128xf32, #tpu.memory_space<vmem>>) target(%dma_start3A_216 : memref<12800x128xf32, #tpu.memory_space<vmem_shared>>) offsets(%dma_start3A_213 : memref<64xi32, #tpu.memory_space<vmem>>) semaphore(%arg13 : memref<!tpu.dma_semaphore, #tpu.memory_space<semaphore_mem>>) {add = true}
    }
    %scan3A_25 = arith.constant 20 : i32
    %dma_wait3A = arith.constant 0 : i32
    %dma_wait3A_26 = arith.constant 0 : i32
    %dma_wait3A_27 = tpu.memref_slice %arg2[%dma_wait3A, %dma_wait3A_26] : memref<50176x128xf32, #tpu.memory_space<hbm>> -> memref<64x128xf32, #tpu.memory_space<hbm>>
    %dma_wait3A_28 = arith.constant 0 : i32
    %dma_wait3A_29 = arith.constant 0 : i32
    %dma_wait3A_30 = tpu.memref_slice %arg2[%dma_wait3A_28, %dma_wait3A_29] : memref<50176x128xf32, #tpu.memory_space<hbm>> -> memref<64x128xf32, #tpu.memory_space<hbm>>
    tpu.wait_dma2 semaphore(%arg13 : memref<!tpu.dma_semaphore, #tpu.memory_space<semaphore_mem>>) src(%dma_wait3A_30 : memref<64x128xf32, #tpu.memory_space<hbm>>) dst(%arg9 : memref<64x128xf32, #tpu.memory_space<vmem>>)
    "tpu.region"() ({
      %run_scoped3A = tpu.sem_alloc : memref<!tpu.dma_semaphore, #tpu.memory_space<semaphore_mem>>
      %dma_start3A_152 = arith.constant 40 : i32
      %dma_start3A_153 = arith.constant 0 : i32
      %dma_start3A_154 = tpu.memref_slice %arg3[%arg1, %dma_start3A_152, %dma_start3A_153] : memref<16x120x128xi32, #tpu.memory_space<hbm>> -> memref<1x40x128xi32, #tpu.memory_space<hbm>>
      %dma_start3A_155 = tpu.memref_squeeze %dma_start3A_154 : memref<1x40x128xi32, #tpu.memory_space<hbm>> -> memref<40x128xi32, #tpu.memory_space<hbm>>
      %dma_start3A_156 = arith.constant 40 : i32
      %dma_start3A_157 = arith.constant 0 : i32
      %dma_start3A_158 = tpu.memref_slice %arg3[%arg1, %dma_start3A_156, %dma_start3A_157] : memref<16x120x128xi32, #tpu.memory_space<hbm>> -> memref<1x40x128xi32, #tpu.memory_space<hbm>>
      %dma_start3A_159 = tpu.memref_squeeze %dma_start3A_158 : memref<1x40x128xi32, #tpu.memory_space<hbm>> -> memref<40x128xi32, #tpu.memory_space<hbm>>
      tpu.enqueue_dma source(%dma_start3A_159 : memref<40x128xi32, #tpu.memory_space<hbm>>) target(%arg6 : memref<40x128xi32, #tpu.memory_space<vmem>>) target_semaphore(%run_scoped3A : memref<!tpu.dma_semaphore, #tpu.memory_space<semaphore_mem>>)
      %dma_wait3A_160 = arith.constant 40 : i32
      %dma_wait3A_161 = arith.constant 0 : i32
      %dma_wait3A_162 = tpu.memref_slice %arg3[%arg1, %dma_wait3A_160, %dma_wait3A_161] : memref<16x120x128xi32, #tpu.memory_space<hbm>> -> memref<1x40x128xi32, #tpu.memory_space<hbm>>
      %dma_wait3A_163 = tpu.memref_squeeze %dma_wait3A_162 : memref<1x40x128xi32, #tpu.memory_space<hbm>> -> memref<40x128xi32, #tpu.memory_space<hbm>>
      %dma_wait3A_164 = arith.constant 40 : i32
      %dma_wait3A_165 = arith.constant 0 : i32
      %dma_wait3A_166 = tpu.memref_slice %arg3[%arg1, %dma_wait3A_164, %dma_wait3A_165] : memref<16x120x128xi32, #tpu.memory_space<hbm>> -> memref<1x40x128xi32, #tpu.memory_space<hbm>>
      %dma_wait3A_167 = tpu.memref_squeeze %dma_wait3A_166 : memref<1x40x128xi32, #tpu.memory_space<hbm>> -> memref<40x128xi32, #tpu.memory_space<hbm>>
      tpu.wait_dma2 semaphore(%run_scoped3A : memref<!tpu.dma_semaphore, #tpu.memory_space<semaphore_mem>>) src(%dma_wait3A_167 : memref<40x128xi32, #tpu.memory_space<hbm>>) dst(%arg6 : memref<40x128xi32, #tpu.memory_space<vmem>>)
      tpu.yield
    }) : () -> ()
    %dma_start3A_31 = arith.constant 0 : i32
    %dma_start3A_32 = arith.constant 0 : i32
    %dma_start3A_33 = tpu.memref_slice %arg6[%dma_start3A_31, %dma_start3A_32] : memref<40x128xi32, #tpu.memory_space<vmem>> -> memref<1x64xi32, #tpu.memory_space<vmem>>
    %dma_start3A_34 = tpu.memref_squeeze %dma_start3A_33 : memref<1x64xi32, #tpu.memory_space<vmem>> -> memref<64xi32, #tpu.memory_space<vmem>>
    %dma_start3A_35 = arith.constant 0 : i32
    %dma_start3A_36 = arith.constant 0 : i32
    %dma_start3A_37 = tpu.memref_slice %arg2[%dma_start3A_35, %dma_start3A_36] : memref<50176x128xf32, #tpu.memory_space<hbm>> -> memref<50176x128xf32, #tpu.memory_space<hbm>>
    tpu.enqueue_indirect_dma source(%dma_start3A_37 : memref<50176x128xf32, #tpu.memory_space<hbm>>) target(%arg8 : memref<64x128xf32, #tpu.memory_space<vmem>>) offsets(%dma_start3A_34 : memref<64xi32, #tpu.memory_space<vmem>>) semaphore(%arg10 : memref<!tpu.dma_semaphore, #tpu.memory_space<semaphore_mem>>)
    %scan3A_38 = arith.constant 0 : i32
    %scan3A_39 = arith.constant 20 : i32
    %scan3A_40 = arith.addi %scan3A_38, %scan3A_39 : i32
    %scan3A_41 = arith.constant 1 : i32
    scf.for %scan3A_152 = %scan3A_38 to %scan3A_40 step %scan3A_41  : i32 {
      %mul3A_153 = arith.constant 1 : i32
      %mul3A_154 = arith.muli %scan3A_152, %mul3A_153 : i32
      %add3A_155 = arith.constant 0 : i32
      %add3A_156 = arith.addi %add3A_155, %mul3A_154 : i32
      %mul3A_157 = arith.constant 2 : i32
      %mul3A_158 = arith.muli %mul3A_157, %add3A_156 : i32
      %mul3A_159 = arith.constant 2 : i32
      %mul3A_160 = arith.muli %mul3A_159, %add3A_156 : i32
      %add3A_161 = arith.constant 1 : i32
      %add3A_162 = arith.addi %mul3A_160, %add3A_161 : i32
      %scan3A_163 = arith.constant 0 : i32
      %scan3A_164 = arith.constant 4 : i32
      %scan3A_165 = arith.addi %scan3A_163, %scan3A_164 : i32
      %scan3A_166 = arith.constant 1 : i32
      scf.for %scan3A_217 = %scan3A_163 to %scan3A_165 step %scan3A_166  : i32 {
        %mul3A_218 = arith.constant 1 : i32
        %mul3A_219 = arith.muli %scan3A_217, %mul3A_218 : i32
        %add3A_220 = arith.constant 0 : i32
        %add3A_221 = arith.addi %add3A_220, %mul3A_219 : i32
        %mul3A_222 = arith.constant 16 : i32
        %mul3A_223 = arith.muli %add3A_221, %mul3A_222 : i32
        %add3A_224 = arith.constant 64 : i32
        %add3A_225 = arith.addi %add3A_224, %mul3A_223 : i32
        %get3A = arith.index_cast %mul3A_158 : i32 to index
        %get3A_226 = arith.index_cast %add3A_225 : i32 to index
        %get3A_227 = tpu.vector_load %arg6[%get3A, %get3A_226] {strides = array<i32>} : memref<40x128xi32, #tpu.memory_space<vmem>>, vector<1x16xi32>,
        %get3A_228 = vector.shape_cast %get3A_227 : vector<1x16xi32> to vector<16xi32>
        %ge3A = vector.broadcast %mul3A_5 : i32 to vector<16xi32>
        %ge3A_229 = arith.cmpi sge, %get3A_228, %ge3A : vector<16xi32>
        %add3A_230 = arith.constant 12544 : i32
        %add3A_231 = arith.addi %mul3A_5, %add3A_230 : i32
        %lt3A_232 = vector.broadcast %add3A_231 : i32 to vector<16xi32>
        %lt3A_233 = arith.cmpi slt, %get3A_228, %lt3A_232 : vector<16xi32>
        %and3A = arith.andi %ge3A_229, %lt3A_233 : vector<16xi1>
        %mul3A_234 = arith.constant 64 : i32
        %mul3A_235 = arith.muli %mul3A_158, %mul3A_234 : i32
        %mul3A_236 = arith.constant 16 : i32
        %mul3A_237 = arith.muli %add3A_221, %mul3A_236 : i32
        %add3A_238 = arith.addi %mul3A_235, %mul3A_237 : i32
        %iota3A = tpu.iota {dimensions = array<i32: 0>} : vector<16xi32>
        %add3A_239 = vector.broadcast %add3A_238 : i32 to vector<16xi32>
        %add3A_240 = arith.addi %add3A_239, %iota3A : vector<16xi32>
        %and3A_241 = arith.constant 255 : i32
        %and3A_242 = vector.broadcast %and3A_241 : i32 to vector<16xi32>
        %and3A_243 = arith.andi %add3A_240, %and3A_242 : vector<16xi32>
        %add3A_244 = arith.constant 12544 : i32
        %add3A_245 = vector.broadcast %add3A_244 : i32 to vector<16xi32>
        %add3A_246 = arith.addi %add3A_245, %and3A_243 : vector<16xi32>
        %sub3A = vector.broadcast %mul3A_5 : i32 to vector<16xi32>
        %sub3A_247 = arith.subi %get3A_228, %sub3A : vector<16xi32>
        %select_n3A = arith.select %and3A, %sub3A_247, %add3A_246 : vector<16xi1>, vector<16xi32>
        %mul3A_248 = arith.constant 16 : i32
        %mul3A_249 = arith.muli %add3A_221, %mul3A_248 : i32
        %swap3A = arith.constant 0 : i32
        %swap3A_250 = arith.index_cast %swap3A : i32 to index
        %swap3A_251 = arith.index_cast %mul3A_249 : i32 to index
        %swap3A_252 = tpu.vector_load %arg7[%swap3A_250, %swap3A_251] {strides = array<i32>} : memref<2x64xi32, #tpu.memory_space<vmem>>, vector<1x16xi32>,
        %swap3A_253 = vector.shape_cast %swap3A_252 : vector<1x16xi32> to vector<16xi32>
        %swap3A_254 = vector.shape_cast %select_n3A : vector<16xi32> to vector<1x16xi32>
        tpu.vector_store %arg7[%swap3A_250, %swap3A_251], %swap3A_254 {strides = array<i32>} : memref<2x64xi32, #tpu.memory_space<vmem>>, vector<1x16xi32>,
      }
      %scan3A_167 = arith.constant 4 : i32
      %gt3A = arith.constant 0 : i32
      %gt3A_168 = arith.cmpi sgt, %add3A_156, %gt3A : i32
      %convert_element_type3A = arith.extui %gt3A_168 : i1 to i32
      %cond3A = arith.constant 0 : i32
      %cond3A_169 = arith.cmpi ne, %convert_element_type3A, %cond3A : i32
      scf.if %cond3A_169 {
        %dma_wait3A_217 = arith.constant 0 : i32
        %dma_wait3A_218 = arith.constant 0 : i32
        %dma_wait3A_219 = tpu.memref_slice %arg2[%dma_wait3A_217, %dma_wait3A_218] : memref<50176x128xf32, #tpu.memory_space<hbm>> -> memref<64x128xf32, #tpu.memory_space<hbm>>
        %dma_wait3A_220 = arith.constant 0 : i32
        %dma_wait3A_221 = arith.constant 0 : i32
        %dma_wait3A_222 = tpu.memref_slice %arg2[%dma_wait3A_220, %dma_wait3A_221] : memref<50176x128xf32, #tpu.memory_space<hbm>> -> memref<64x128xf32, #tpu.memory_space<hbm>>
        tpu.wait_dma2 semaphore(%arg13 : memref<!tpu.dma_semaphore, #tpu.memory_space<semaphore_mem>>) src(%dma_wait3A_222 : memref<64x128xf32, #tpu.memory_space<hbm>>) dst(%arg9 : memref<64x128xf32, #tpu.memory_space<vmem>>)
      } else {
      }
      %dma_start3A_170 = arith.constant 0 : i32
      %dma_start3A_171 = tpu.memref_slice %arg6[%add3A_162, %dma_start3A_170] : memref<40x128xi32, #tpu.memory_space<vmem>> -> memref<1x64xi32, #tpu.memory_space<vmem>>
      %dma_start3A_172 = tpu.memref_squeeze %dma_start3A_171 : memref<1x64xi32, #tpu.memory_space<vmem>> -> memref<64xi32, #tpu.memory_space<vmem>>
      %dma_start3A_173 = arith.constant 0 : i32
      %dma_start3A_174 = arith.constant 0 : i32
      %dma_start3A_175 = tpu.memref_slice %arg2[%dma_start3A_173, %dma_start3A_174] : memref<50176x128xf32, #tpu.memory_space<hbm>> -> memref<50176x128xf32, #tpu.memory_space<hbm>>
      tpu.enqueue_indirect_dma source(%dma_start3A_175 : memref<50176x128xf32, #tpu.memory_space<hbm>>) target(%arg9 : memref<64x128xf32, #tpu.memory_space<vmem>>) offsets(%dma_start3A_172 : memref<64xi32, #tpu.memory_space<vmem>>) semaphore(%arg11 : memref<!tpu.dma_semaphore, #tpu.memory_space<semaphore_mem>>)
      %dma_wait3A_176 = arith.constant 0 : i32
      %dma_wait3A_177 = arith.constant 0 : i32
      %dma_wait3A_178 = tpu.memref_slice %arg2[%dma_wait3A_176, %dma_wait3A_177] : memref<50176x128xf32, #tpu.memory_space<hbm>> -> memref<64x128xf32, #tpu.memory_space<hbm>>
      %dma_wait3A_179 = arith.constant 0 : i32
      %dma_wait3A_180 = arith.constant 0 : i32
      %dma_wait3A_181 = tpu.memref_slice %arg2[%dma_wait3A_179, %dma_wait3A_180] : memref<50176x128xf32, #tpu.memory_space<hbm>> -> memref<64x128xf32, #tpu.memory_space<hbm>>
      tpu.wait_dma2 semaphore(%arg10 : memref<!tpu.dma_semaphore, #tpu.memory_space<semaphore_mem>>) src(%dma_wait3A_181 : memref<64x128xf32, #tpu.memory_space<hbm>>) dst(%arg8 : memref<64x128xf32, #tpu.memory_space<vmem>>)
      %dma_start3A_182 = arith.constant 0 : i32
      %dma_start3A_183 = arith.constant 0 : i32
      %dma_start3A_184 = tpu.memref_slice %arg7[%dma_start3A_182, %dma_start3A_183] : memref<2x64xi32, #tpu.memory_space<vmem>> -> memref<1x64xi32, #tpu.memory_space<vmem>>
      %dma_start3A_185 = tpu.memref_squeeze %dma_start3A_184 : memref<1x64xi32, #tpu.memory_space<vmem>> -> memref<64xi32, #tpu.memory_space<vmem>>
      %dma_start3A_186 = arith.constant 0 : i32
      %dma_start3A_187 = arith.constant 0 : i32
      %dma_start3A_188 = tpu.memref_slice %arg5[%dma_start3A_186, %dma_start3A_187] : memref<12800x128xf32, #tpu.memory_space<vmem_shared>> -> memref<12800x128xf32, #tpu.memory_space<vmem_shared>>
      tpu.enqueue_indirect_dma source(%arg8 : memref<64x128xf32, #tpu.memory_space<vmem>>) target(%dma_start3A_188 : memref<12800x128xf32, #tpu.memory_space<vmem_shared>>) offsets(%dma_start3A_185 : memref<64xi32, #tpu.memory_space<vmem>>) semaphore(%arg12 : memref<!tpu.dma_semaphore, #tpu.memory_space<semaphore_mem>>) {add = true}
      %scan3A_189 = arith.constant 0 : i32
      %scan3A_190 = arith.constant 4 : i32
      %scan3A_191 = arith.addi %scan3A_189, %scan3A_190 : i32
      %scan3A_192 = arith.constant 1 : i32
      scf.for %scan3A_217 = %scan3A_189 to %scan3A_191 step %scan3A_192  : i32 {
        %mul3A_218 = arith.constant 1 : i32
        %mul3A_219 = arith.muli %scan3A_217, %mul3A_218 : i32
        %add3A_220 = arith.constant 0 : i32
        %add3A_221 = arith.addi %add3A_220, %mul3A_219 : i32
        %mul3A_222 = arith.constant 16 : i32
        %mul3A_223 = arith.muli %add3A_221, %mul3A_222 : i32
        %add3A_224 = arith.constant 64 : i32
        %add3A_225 = arith.addi %add3A_224, %mul3A_223 : i32
        %get3A = arith.index_cast %add3A_162 : i32 to index
        %get3A_226 = arith.index_cast %add3A_225 : i32 to index
        %get3A_227 = tpu.vector_load %arg6[%get3A, %get3A_226] {strides = array<i32>} : memref<40x128xi32, #tpu.memory_space<vmem>>, vector<1x16xi32>,
        %get3A_228 = vector.shape_cast %get3A_227 : vector<1x16xi32> to vector<16xi32>
        %ge3A = vector.broadcast %mul3A_5 : i32 to vector<16xi32>
        %ge3A_229 = arith.cmpi sge, %get3A_228, %ge3A : vector<16xi32>
        %add3A_230 = arith.constant 12544 : i32
        %add3A_231 = arith.addi %mul3A_5, %add3A_230 : i32
        %lt3A_232 = vector.broadcast %add3A_231 : i32 to vector<16xi32>
        %lt3A_233 = arith.cmpi slt, %get3A_228, %lt3A_232 : vector<16xi32>
        %and3A = arith.andi %ge3A_229, %lt3A_233 : vector<16xi1>
        %mul3A_234 = arith.constant 64 : i32
        %mul3A_235 = arith.muli %add3A_162, %mul3A_234 : i32
        %mul3A_236 = arith.constant 16 : i32
        %mul3A_237 = arith.muli %add3A_221, %mul3A_236 : i32
        %add3A_238 = arith.addi %mul3A_235, %mul3A_237 : i32
        %iota3A = tpu.iota {dimensions = array<i32: 0>} : vector<16xi32>
        %add3A_239 = vector.broadcast %add3A_238 : i32 to vector<16xi32>
        %add3A_240 = arith.addi %add3A_239, %iota3A : vector<16xi32>
        %and3A_241 = arith.constant 255 : i32
        %and3A_242 = vector.broadcast %and3A_241 : i32 to vector<16xi32>
        %and3A_243 = arith.andi %add3A_240, %and3A_242 : vector<16xi32>
        %add3A_244 = arith.constant 12544 : i32
        %add3A_245 = vector.broadcast %add3A_244 : i32 to vector<16xi32>
        %add3A_246 = arith.addi %add3A_245, %and3A_243 : vector<16xi32>
        %sub3A = vector.broadcast %mul3A_5 : i32 to vector<16xi32>
        %sub3A_247 = arith.subi %get3A_228, %sub3A : vector<16xi32>
        %select_n3A = arith.select %and3A, %sub3A_247, %add3A_246 : vector<16xi1>, vector<16xi32>
        %mul3A_248 = arith.constant 16 : i32
        %mul3A_249 = arith.muli %add3A_221, %mul3A_248 : i32
        %swap3A = arith.constant 1 : i32
        %swap3A_250 = arith.index_cast %swap3A : i32 to index
        %swap3A_251 = arith.index_cast %mul3A_249 : i32 to index
        %swap3A_252 = tpu.vector_load %arg7[%swap3A_250, %swap3A_251] {strides = array<i32>} : memref<2x64xi32, #tpu.memory_space<vmem>>, vector<1x16xi32>,
        %swap3A_253 = vector.shape_cast %swap3A_252 : vector<1x16xi32> to vector<16xi32>
        %swap3A_254 = vector.shape_cast %select_n3A : vector<16xi32> to vector<1x16xi32>
        tpu.vector_store %arg7[%swap3A_250, %swap3A_251], %swap3A_254 {strides = array<i32>} : memref<2x64xi32, #tpu.memory_space<vmem>>, vector<1x16xi32>,
      }
      %scan3A_193 = arith.constant 4 : i32
      %dma_wait3A_194 = arith.constant 0 : i32
      %dma_wait3A_195 = arith.constant 0 : i32
      %dma_wait3A_196 = tpu.memref_slice %arg2[%dma_wait3A_194, %dma_wait3A_195] : memref<50176x128xf32, #tpu.memory_space<hbm>> -> memref<64x128xf32, #tpu.memory_space<hbm>>
      %dma_wait3A_197 = arith.constant 0 : i32
      %dma_wait3A_198 = arith.constant 0 : i32
      %dma_wait3A_199 = tpu.memref_slice %arg2[%dma_wait3A_197, %dma_wait3A_198] : memref<50176x128xf32, #tpu.memory_space<hbm>> -> memref<64x128xf32, #tpu.memory_space<hbm>>
      tpu.wait_dma2 semaphore(%arg12 : memref<!tpu.dma_semaphore, #tpu.memory_space<semaphore_mem>>) src(%dma_wait3A_199 : memref<64x128xf32, #tpu.memory_space<hbm>>) dst(%arg8 : memref<64x128xf32, #tpu.memory_space<vmem>>)
      %lt3A = arith.constant 19 : i32
      %lt3A_200 = arith.cmpi slt, %add3A_156, %lt3A : i32
      %convert_element_type3A_201 = arith.extui %lt3A_200 : i1 to i32
      %cond3A_202 = arith.constant 0 : i32
      %cond3A_203 = arith.cmpi ne, %convert_element_type3A_201, %cond3A_202 : i32
      scf.if %cond3A_203 {
        %add3A_217 = arith.constant 2 : i32
        %add3A_218 = arith.addi %mul3A_158, %add3A_217 : i32
        %dma_start3A_219 = arith.constant 0 : i32
        %dma_start3A_220 = tpu.memref_slice %arg6[%add3A_218, %dma_start3A_219] : memref<40x128xi32, #tpu.memory_space<vmem>> -> memref<1x64xi32, #tpu.memory_space<vmem>>
        %dma_start3A_221 = tpu.memref_squeeze %dma_start3A_220 : memref<1x64xi32, #tpu.memory_space<vmem>> -> memref<64xi32, #tpu.memory_space<vmem>>
        %dma_start3A_222 = arith.constant 0 : i32
        %dma_start3A_223 = arith.constant 0 : i32
        %dma_start3A_224 = tpu.memref_slice %arg2[%dma_start3A_222, %dma_start3A_223] : memref<50176x128xf32, #tpu.memory_space<hbm>> -> memref<50176x128xf32, #tpu.memory_space<hbm>>
        tpu.enqueue_indirect_dma source(%dma_start3A_224 : memref<50176x128xf32, #tpu.memory_space<hbm>>) target(%arg8 : memref<64x128xf32, #tpu.memory_space<vmem>>) offsets(%dma_start3A_221 : memref<64xi32, #tpu.memory_space<vmem>>) semaphore(%arg10 : memref<!tpu.dma_semaphore, #tpu.memory_space<semaphore_mem>>)
      } else {
      }
      %dma_wait3A_204 = arith.constant 0 : i32
      %dma_wait3A_205 = arith.constant 0 : i32
      %dma_wait3A_206 = tpu.memref_slice %arg2[%dma_wait3A_204, %dma_wait3A_205] : memref<50176x128xf32, #tpu.memory_space<hbm>> -> memref<64x128xf32, #tpu.memory_space<hbm>>
      %dma_wait3A_207 = arith.constant 0 : i32
      %dma_wait3A_208 = arith.constant 0 : i32
      %dma_wait3A_209 = tpu.memref_slice %arg2[%dma_wait3A_207, %dma_wait3A_208] : memref<50176x128xf32, #tpu.memory_space<hbm>> -> memref<64x128xf32, #tpu.memory_space<hbm>>
      tpu.wait_dma2 semaphore(%arg11 : memref<!tpu.dma_semaphore, #tpu.memory_space<semaphore_mem>>) src(%dma_wait3A_209 : memref<64x128xf32, #tpu.memory_space<hbm>>) dst(%arg9 : memref<64x128xf32, #tpu.memory_space<vmem>>)
      %dma_start3A_210 = arith.constant 1 : i32
      %dma_start3A_211 = arith.constant 0 : i32
      %dma_start3A_212 = tpu.memref_slice %arg7[%dma_start3A_210, %dma_start3A_211] : memref<2x64xi32, #tpu.memory_space<vmem>> -> memref<1x64xi32, #tpu.memory_space<vmem>>
      %dma_start3A_213 = tpu.memref_squeeze %dma_start3A_212 : memref<1x64xi32, #tpu.memory_space<vmem>> -> memref<64xi32, #tpu.memory_space<vmem>>
      %dma_start3A_214 = arith.constant 0 : i32
      %dma_start3A_215 = arith.constant 0 : i32
      %dma_start3A_216 = tpu.memref_slice %arg5[%dma_start3A_214, %dma_start3A_215] : memref<12800x128xf32, #tpu.memory_space<vmem_shared>> -> memref<12800x128xf32, #tpu.memory_space<vmem_shared>>
      tpu.enqueue_indirect_dma source(%arg9 : memref<64x128xf32, #tpu.memory_space<vmem>>) target(%dma_start3A_216 : memref<12800x128xf32, #tpu.memory_space<vmem_shared>>) offsets(%dma_start3A_213 : memref<64xi32, #tpu.memory_space<vmem>>) semaphore(%arg13 : memref<!tpu.dma_semaphore, #tpu.memory_space<semaphore_mem>>) {add = true}
    }
    %scan3A_42 = arith.constant 20 : i32
    %dma_wait3A_43 = arith.constant 0 : i32
    %dma_wait3A_44 = arith.constant 0 : i32
    %dma_wait3A_45 = tpu.memref_slice %arg2[%dma_wait3A_43, %dma_wait3A_44] : memref<50176x128xf32, #tpu.memory_space<hbm>> -> memref<64x128xf32, #tpu.memory_space<hbm>>
    %dma_wait3A_46 = arith.constant 0 : i32
    %dma_wait3A_47 = arith.constant 0 : i32
    %dma_wait3A_48 = tpu.memref_slice %arg2[%dma_wait3A_46, %dma_wait3A_47] : memref<50176x128xf32, #tpu.memory_space<hbm>> -> memref<64x128xf32, #tpu.memory_space<hbm>>
    tpu.wait_dma2 semaphore(%arg13 : memref<!tpu.dma_semaphore, #tpu.memory_space<semaphore_mem>>) src(%dma_wait3A_48 : memref<64x128xf32, #tpu.memory_space<hbm>>) dst(%arg9 : memref<64x128xf32, #tpu.memory_space<vmem>>)
    "tpu.region"() ({
      %run_scoped3A = tpu.sem_alloc : memref<!tpu.dma_semaphore, #tpu.memory_space<semaphore_mem>>
      %dma_start3A_152 = arith.constant 80 : i32
      %dma_start3A_153 = arith.constant 0 : i32
      %dma_start3A_154 = tpu.memref_slice %arg3[%arg1, %dma_start3A_152, %dma_start3A_153] : memref<16x120x128xi32, #tpu.memory_space<hbm>> -> memref<1x40x128xi32, #tpu.memory_space<hbm>>
      %dma_start3A_155 = tpu.memref_squeeze %dma_start3A_154 : memref<1x40x128xi32, #tpu.memory_space<hbm>> -> memref<40x128xi32, #tpu.memory_space<hbm>>
      %dma_start3A_156 = arith.constant 80 : i32
      %dma_start3A_157 = arith.constant 0 : i32
      %dma_start3A_158 = tpu.memref_slice %arg3[%arg1, %dma_start3A_156, %dma_start3A_157] : memref<16x120x128xi32, #tpu.memory_space<hbm>> -> memref<1x40x128xi32, #tpu.memory_space<hbm>>
      %dma_start3A_159 = tpu.memref_squeeze %dma_start3A_158 : memref<1x40x128xi32, #tpu.memory_space<hbm>> -> memref<40x128xi32, #tpu.memory_space<hbm>>
      tpu.enqueue_dma source(%dma_start3A_159 : memref<40x128xi32, #tpu.memory_space<hbm>>) target(%arg6 : memref<40x128xi32, #tpu.memory_space<vmem>>) target_semaphore(%run_scoped3A : memref<!tpu.dma_semaphore, #tpu.memory_space<semaphore_mem>>)
      %dma_wait3A_160 = arith.constant 80 : i32
      %dma_wait3A_161 = arith.constant 0 : i32
      %dma_wait3A_162 = tpu.memref_slice %arg3[%arg1, %dma_wait3A_160, %dma_wait3A_161] : memref<16x120x128xi32, #tpu.memory_space<hbm>> -> memref<1x40x128xi32, #tpu.memory_space<hbm>>
      %dma_wait3A_163 = tpu.memref_squeeze %dma_wait3A_162 : memref<1x40x128xi32, #tpu.memory_space<hbm>> -> memref<40x128xi32, #tpu.memory_space<hbm>>
      %dma_wait3A_164 = arith.constant 80 : i32
      %dma_wait3A_165 = arith.constant 0 : i32
      %dma_wait3A_166 = tpu.memref_slice %arg3[%arg1, %dma_wait3A_164, %dma_wait3A_165] : memref<16x120x128xi32, #tpu.memory_space<hbm>> -> memref<1x40x128xi32, #tpu.memory_space<hbm>>
      %dma_wait3A_167 = tpu.memref_squeeze %dma_wait3A_166 : memref<1x40x128xi32, #tpu.memory_space<hbm>> -> memref<40x128xi32, #tpu.memory_space<hbm>>
      tpu.wait_dma2 semaphore(%run_scoped3A : memref<!tpu.dma_semaphore, #tpu.memory_space<semaphore_mem>>) src(%dma_wait3A_167 : memref<40x128xi32, #tpu.memory_space<hbm>>) dst(%arg6 : memref<40x128xi32, #tpu.memory_space<vmem>>)
      tpu.yield
    }) : () -> ()
    %dma_start3A_49 = arith.constant 0 : i32
    %dma_start3A_50 = arith.constant 0 : i32
    %dma_start3A_51 = tpu.memref_slice %arg6[%dma_start3A_49, %dma_start3A_50] : memref<40x128xi32, #tpu.memory_space<vmem>> -> memref<1x64xi32, #tpu.memory_space<vmem>>
    %dma_start3A_52 = tpu.memref_squeeze %dma_start3A_51 : memref<1x64xi32, #tpu.memory_space<vmem>> -> memref<64xi32, #tpu.memory_space<vmem>>
    %dma_start3A_53 = arith.constant 0 : i32
    %dma_start3A_54 = arith.constant 0 : i32
    %dma_start3A_55 = tpu.memref_slice %arg2[%dma_start3A_53, %dma_start3A_54] : memref<50176x128xf32, #tpu.memory_space<hbm>> -> memref<50176x128xf32, #tpu.memory_space<hbm>>
    tpu.enqueue_indirect_dma source(%dma_start3A_55 : memref<50176x128xf32, #tpu.memory_space<hbm>>) target(%arg8 : memref<64x128xf32, #tpu.memory_space<vmem>>) offsets(%dma_start3A_52 : memref<64xi32, #tpu.memory_space<vmem>>) semaphore(%arg10 : memref<!tpu.dma_semaphore, #tpu.memory_space<semaphore_mem>>)
    %scan3A_56 = arith.constant 0 : i32
    %scan3A_57 = arith.constant 20 : i32
    %scan3A_58 = arith.addi %scan3A_56, %scan3A_57 : i32
    %scan3A_59 = arith.constant 1 : i32
    scf.for %scan3A_152 = %scan3A_56 to %scan3A_58 step %scan3A_59  : i32 {
      %mul3A_153 = arith.constant 1 : i32
      %mul3A_154 = arith.muli %scan3A_152, %mul3A_153 : i32
      %add3A_155 = arith.constant 0 : i32
      %add3A_156 = arith.addi %add3A_155, %mul3A_154 : i32
      %mul3A_157 = arith.constant 2 : i32
      %mul3A_158 = arith.muli %mul3A_157, %add3A_156 : i32
      %mul3A_159 = arith.constant 2 : i32
      %mul3A_160 = arith.muli %mul3A_159, %add3A_156 : i32
      %add3A_161 = arith.constant 1 : i32
      %add3A_162 = arith.addi %mul3A_160, %add3A_161 : i32
      %scan3A_163 = arith.constant 0 : i32
      %scan3A_164 = arith.constant 4 : i32
      %scan3A_165 = arith.addi %scan3A_163, %scan3A_164 : i32
      %scan3A_166 = arith.constant 1 : i32
      scf.for %scan3A_217 = %scan3A_163 to %scan3A_165 step %scan3A_166  : i32 {
        %mul3A_218 = arith.constant 1 : i32
        %mul3A_219 = arith.muli %scan3A_217, %mul3A_218 : i32
        %add3A_220 = arith.constant 0 : i32
        %add3A_221 = arith.addi %add3A_220, %mul3A_219 : i32
        %mul3A_222 = arith.constant 16 : i32
        %mul3A_223 = arith.muli %add3A_221, %mul3A_222 : i32
        %add3A_224 = arith.constant 64 : i32
        %add3A_225 = arith.addi %add3A_224, %mul3A_223 : i32
        %get3A = arith.index_cast %mul3A_158 : i32 to index
        %get3A_226 = arith.index_cast %add3A_225 : i32 to index
        %get3A_227 = tpu.vector_load %arg6[%get3A, %get3A_226] {strides = array<i32>} : memref<40x128xi32, #tpu.memory_space<vmem>>, vector<1x16xi32>,
        %get3A_228 = vector.shape_cast %get3A_227 : vector<1x16xi32> to vector<16xi32>
        %ge3A = vector.broadcast %mul3A_5 : i32 to vector<16xi32>
        %ge3A_229 = arith.cmpi sge, %get3A_228, %ge3A : vector<16xi32>
        %add3A_230 = arith.constant 12544 : i32
        %add3A_231 = arith.addi %mul3A_5, %add3A_230 : i32
        %lt3A_232 = vector.broadcast %add3A_231 : i32 to vector<16xi32>
        %lt3A_233 = arith.cmpi slt, %get3A_228, %lt3A_232 : vector<16xi32>
        %and3A = arith.andi %ge3A_229, %lt3A_233 : vector<16xi1>
        %mul3A_234 = arith.constant 64 : i32
        %mul3A_235 = arith.muli %mul3A_158, %mul3A_234 : i32
        %mul3A_236 = arith.constant 16 : i32
        %mul3A_237 = arith.muli %add3A_221, %mul3A_236 : i32
        %add3A_238 = arith.addi %mul3A_235, %mul3A_237 : i32
        %iota3A = tpu.iota {dimensions = array<i32: 0>} : vector<16xi32>
        %add3A_239 = vector.broadcast %add3A_238 : i32 to vector<16xi32>
        %add3A_240 = arith.addi %add3A_239, %iota3A : vector<16xi32>
        %and3A_241 = arith.constant 255 : i32
        %and3A_242 = vector.broadcast %and3A_241 : i32 to vector<16xi32>
        %and3A_243 = arith.andi %add3A_240, %and3A_242 : vector<16xi32>
        %add3A_244 = arith.constant 12544 : i32
        %add3A_245 = vector.broadcast %add3A_244 : i32 to vector<16xi32>
        %add3A_246 = arith.addi %add3A_245, %and3A_243 : vector<16xi32>
        %sub3A = vector.broadcast %mul3A_5 : i32 to vector<16xi32>
        %sub3A_247 = arith.subi %get3A_228, %sub3A : vector<16xi32>
        %select_n3A = arith.select %and3A, %sub3A_247, %add3A_246 : vector<16xi1>, vector<16xi32>
        %mul3A_248 = arith.constant 16 : i32
        %mul3A_249 = arith.muli %add3A_221, %mul3A_248 : i32
        %swap3A = arith.constant 0 : i32
        %swap3A_250 = arith.index_cast %swap3A : i32 to index
        %swap3A_251 = arith.index_cast %mul3A_249 : i32 to index
        %swap3A_252 = tpu.vector_load %arg7[%swap3A_250, %swap3A_251] {strides = array<i32>} : memref<2x64xi32, #tpu.memory_space<vmem>>, vector<1x16xi32>,
        %swap3A_253 = vector.shape_cast %swap3A_252 : vector<1x16xi32> to vector<16xi32>
        %swap3A_254 = vector.shape_cast %select_n3A : vector<16xi32> to vector<1x16xi32>
        tpu.vector_store %arg7[%swap3A_250, %swap3A_251], %swap3A_254 {strides = array<i32>} : memref<2x64xi32, #tpu.memory_space<vmem>>, vector<1x16xi32>,
      }
      %scan3A_167 = arith.constant 4 : i32
      %gt3A = arith.constant 0 : i32
      %gt3A_168 = arith.cmpi sgt, %add3A_156, %gt3A : i32
      %convert_element_type3A = arith.extui %gt3A_168 : i1 to i32
      %cond3A = arith.constant 0 : i32
      %cond3A_169 = arith.cmpi ne, %convert_element_type3A, %cond3A : i32
      scf.if %cond3A_169 {
        %dma_wait3A_217 = arith.constant 0 : i32
        %dma_wait3A_218 = arith.constant 0 : i32
        %dma_wait3A_219 = tpu.memref_slice %arg2[%dma_wait3A_217, %dma_wait3A_218] : memref<50176x128xf32, #tpu.memory_space<hbm>> -> memref<64x128xf32, #tpu.memory_space<hbm>>
        %dma_wait3A_220 = arith.constant 0 : i32
        %dma_wait3A_221 = arith.constant 0 : i32
        %dma_wait3A_222 = tpu.memref_slice %arg2[%dma_wait3A_220, %dma_wait3A_221] : memref<50176x128xf32, #tpu.memory_space<hbm>> -> memref<64x128xf32, #tpu.memory_space<hbm>>
        tpu.wait_dma2 semaphore(%arg13 : memref<!tpu.dma_semaphore, #tpu.memory_space<semaphore_mem>>) src(%dma_wait3A_222 : memref<64x128xf32, #tpu.memory_space<hbm>>) dst(%arg9 : memref<64x128xf32, #tpu.memory_space<vmem>>)
      } else {
      }
      %dma_start3A_170 = arith.constant 0 : i32
      %dma_start3A_171 = tpu.memref_slice %arg6[%add3A_162, %dma_start3A_170] : memref<40x128xi32, #tpu.memory_space<vmem>> -> memref<1x64xi32, #tpu.memory_space<vmem>>
      %dma_start3A_172 = tpu.memref_squeeze %dma_start3A_171 : memref<1x64xi32, #tpu.memory_space<vmem>> -> memref<64xi32, #tpu.memory_space<vmem>>
      %dma_start3A_173 = arith.constant 0 : i32
      %dma_start3A_174 = arith.constant 0 : i32
      %dma_start3A_175 = tpu.memref_slice %arg2[%dma_start3A_173, %dma_start3A_174] : memref<50176x128xf32, #tpu.memory_space<hbm>> -> memref<50176x128xf32, #tpu.memory_space<hbm>>
      tpu.enqueue_indirect_dma source(%dma_start3A_175 : memref<50176x128xf32, #tpu.memory_space<hbm>>) target(%arg9 : memref<64x128xf32, #tpu.memory_space<vmem>>) offsets(%dma_start3A_172 : memref<64xi32, #tpu.memory_space<vmem>>) semaphore(%arg11 : memref<!tpu.dma_semaphore, #tpu.memory_space<semaphore_mem>>)
      %dma_wait3A_176 = arith.constant 0 : i32
      %dma_wait3A_177 = arith.constant 0 : i32
      %dma_wait3A_178 = tpu.memref_slice %arg2[%dma_wait3A_176, %dma_wait3A_177] : memref<50176x128xf32, #tpu.memory_space<hbm>> -> memref<64x128xf32, #tpu.memory_space<hbm>>
      %dma_wait3A_179 = arith.constant 0 : i32
      %dma_wait3A_180 = arith.constant 0 : i32
      %dma_wait3A_181 = tpu.memref_slice %arg2[%dma_wait3A_179, %dma_wait3A_180] : memref<50176x128xf32, #tpu.memory_space<hbm>> -> memref<64x128xf32, #tpu.memory_space<hbm>>
      tpu.wait_dma2 semaphore(%arg10 : memref<!tpu.dma_semaphore, #tpu.memory_space<semaphore_mem>>) src(%dma_wait3A_181 : memref<64x128xf32, #tpu.memory_space<hbm>>) dst(%arg8 : memref<64x128xf32, #tpu.memory_space<vmem>>)
      %dma_start3A_182 = arith.constant 0 : i32
      %dma_start3A_183 = arith.constant 0 : i32
      %dma_start3A_184 = tpu.memref_slice %arg7[%dma_start3A_182, %dma_start3A_183] : memref<2x64xi32, #tpu.memory_space<vmem>> -> memref<1x64xi32, #tpu.memory_space<vmem>>
      %dma_start3A_185 = tpu.memref_squeeze %dma_start3A_184 : memref<1x64xi32, #tpu.memory_space<vmem>> -> memref<64xi32, #tpu.memory_space<vmem>>
      %dma_start3A_186 = arith.constant 0 : i32
      %dma_start3A_187 = arith.constant 0 : i32
      %dma_start3A_188 = tpu.memref_slice %arg5[%dma_start3A_186, %dma_start3A_187] : memref<12800x128xf32, #tpu.memory_space<vmem_shared>> -> memref<12800x128xf32, #tpu.memory_space<vmem_shared>>
      tpu.enqueue_indirect_dma source(%arg8 : memref<64x128xf32, #tpu.memory_space<vmem>>) target(%dma_start3A_188 : memref<12800x128xf32, #tpu.memory_space<vmem_shared>>) offsets(%dma_start3A_185 : memref<64xi32, #tpu.memory_space<vmem>>) semaphore(%arg12 : memref<!tpu.dma_semaphore, #tpu.memory_space<semaphore_mem>>) {add = true}
      %scan3A_189 = arith.constant 0 : i32
      %scan3A_190 = arith.constant 4 : i32
      %scan3A_191 = arith.addi %scan3A_189, %scan3A_190 : i32
      %scan3A_192 = arith.constant 1 : i32
      scf.for %scan3A_217 = %scan3A_189 to %scan3A_191 step %scan3A_192  : i32 {
        %mul3A_218 = arith.constant 1 : i32
        %mul3A_219 = arith.muli %scan3A_217, %mul3A_218 : i32
        %add3A_220 = arith.constant 0 : i32
        %add3A_221 = arith.addi %add3A_220, %mul3A_219 : i32
        %mul3A_222 = arith.constant 16 : i32
        %mul3A_223 = arith.muli %add3A_221, %mul3A_222 : i32
        %add3A_224 = arith.constant 64 : i32
        %add3A_225 = arith.addi %add3A_224, %mul3A_223 : i32
        %get3A = arith.index_cast %add3A_162 : i32 to index
        %get3A_226 = arith.index_cast %add3A_225 : i32 to index
        %get3A_227 = tpu.vector_load %arg6[%get3A, %get3A_226] {strides = array<i32>} : memref<40x128xi32, #tpu.memory_space<vmem>>, vector<1x16xi32>,
        %get3A_228 = vector.shape_cast %get3A_227 : vector<1x16xi32> to vector<16xi32>
        %ge3A = vector.broadcast %mul3A_5 : i32 to vector<16xi32>
        %ge3A_229 = arith.cmpi sge, %get3A_228, %ge3A : vector<16xi32>
        %add3A_230 = arith.constant 12544 : i32
        %add3A_231 = arith.addi %mul3A_5, %add3A_230 : i32
        %lt3A_232 = vector.broadcast %add3A_231 : i32 to vector<16xi32>
        %lt3A_233 = arith.cmpi slt, %get3A_228, %lt3A_232 : vector<16xi32>
        %and3A = arith.andi %ge3A_229, %lt3A_233 : vector<16xi1>
        %mul3A_234 = arith.constant 64 : i32
        %mul3A_235 = arith.muli %add3A_162, %mul3A_234 : i32
        %mul3A_236 = arith.constant 16 : i32
        %mul3A_237 = arith.muli %add3A_221, %mul3A_236 : i32
        %add3A_238 = arith.addi %mul3A_235, %mul3A_237 : i32
        %iota3A = tpu.iota {dimensions = array<i32: 0>} : vector<16xi32>
        %add3A_239 = vector.broadcast %add3A_238 : i32 to vector<16xi32>
        %add3A_240 = arith.addi %add3A_239, %iota3A : vector<16xi32>
        %and3A_241 = arith.constant 255 : i32
        %and3A_242 = vector.broadcast %and3A_241 : i32 to vector<16xi32>
        %and3A_243 = arith.andi %add3A_240, %and3A_242 : vector<16xi32>
        %add3A_244 = arith.constant 12544 : i32
        %add3A_245 = vector.broadcast %add3A_244 : i32 to vector<16xi32>
        %add3A_246 = arith.addi %add3A_245, %and3A_243 : vector<16xi32>
        %sub3A = vector.broadcast %mul3A_5 : i32 to vector<16xi32>
        %sub3A_247 = arith.subi %get3A_228, %sub3A : vector<16xi32>
        %select_n3A = arith.select %and3A, %sub3A_247, %add3A_246 : vector<16xi1>, vector<16xi32>
        %mul3A_248 = arith.constant 16 : i32
        %mul3A_249 = arith.muli %add3A_221, %mul3A_248 : i32
        %swap3A = arith.constant 1 : i32
        %swap3A_250 = arith.index_cast %swap3A : i32 to index
        %swap3A_251 = arith.index_cast %mul3A_249 : i32 to index
        %swap3A_252 = tpu.vector_load %arg7[%swap3A_250, %swap3A_251] {strides = array<i32>} : memref<2x64xi32, #tpu.memory_space<vmem>>, vector<1x16xi32>,
        %swap3A_253 = vector.shape_cast %swap3A_252 : vector<1x16xi32> to vector<16xi32>
        %swap3A_254 = vector.shape_cast %select_n3A : vector<16xi32> to vector<1x16xi32>
        tpu.vector_store %arg7[%swap3A_250, %swap3A_251], %swap3A_254 {strides = array<i32>} : memref<2x64xi32, #tpu.memory_space<vmem>>, vector<1x16xi32>,
      }
      %scan3A_193 = arith.constant 4 : i32
      %dma_wait3A_194 = arith.constant 0 : i32
      %dma_wait3A_195 = arith.constant 0 : i32
      %dma_wait3A_196 = tpu.memref_slice %arg2[%dma_wait3A_194, %dma_wait3A_195] : memref<50176x128xf32, #tpu.memory_space<hbm>> -> memref<64x128xf32, #tpu.memory_space<hbm>>
      %dma_wait3A_197 = arith.constant 0 : i32
      %dma_wait3A_198 = arith.constant 0 : i32
      %dma_wait3A_199 = tpu.memref_slice %arg2[%dma_wait3A_197, %dma_wait3A_198] : memref<50176x128xf32, #tpu.memory_space<hbm>> -> memref<64x128xf32, #tpu.memory_space<hbm>>
      tpu.wait_dma2 semaphore(%arg12 : memref<!tpu.dma_semaphore, #tpu.memory_space<semaphore_mem>>) src(%dma_wait3A_199 : memref<64x128xf32, #tpu.memory_space<hbm>>) dst(%arg8 : memref<64x128xf32, #tpu.memory_space<vmem>>)
      %lt3A = arith.constant 19 : i32
      %lt3A_200 = arith.cmpi slt, %add3A_156, %lt3A : i32
      %convert_element_type3A_201 = arith.extui %lt3A_200 : i1 to i32
      %cond3A_202 = arith.constant 0 : i32
      %cond3A_203 = arith.cmpi ne, %convert_element_type3A_201, %cond3A_202 : i32
      scf.if %cond3A_203 {
        %add3A_217 = arith.constant 2 : i32
        %add3A_218 = arith.addi %mul3A_158, %add3A_217 : i32
        %dma_start3A_219 = arith.constant 0 : i32
        %dma_start3A_220 = tpu.memref_slice %arg6[%add3A_218, %dma_start3A_219] : memref<40x128xi32, #tpu.memory_space<vmem>> -> memref<1x64xi32, #tpu.memory_space<vmem>>
        %dma_start3A_221 = tpu.memref_squeeze %dma_start3A_220 : memref<1x64xi32, #tpu.memory_space<vmem>> -> memref<64xi32, #tpu.memory_space<vmem>>
        %dma_start3A_222 = arith.constant 0 : i32
        %dma_start3A_223 = arith.constant 0 : i32
        %dma_start3A_224 = tpu.memref_slice %arg2[%dma_start3A_222, %dma_start3A_223] : memref<50176x128xf32, #tpu.memory_space<hbm>> -> memref<50176x128xf32, #tpu.memory_space<hbm>>
        tpu.enqueue_indirect_dma source(%dma_start3A_224 : memref<50176x128xf32, #tpu.memory_space<hbm>>) target(%arg8 : memref<64x128xf32, #tpu.memory_space<vmem>>) offsets(%dma_start3A_221 : memref<64xi32, #tpu.memory_space<vmem>>) semaphore(%arg10 : memref<!tpu.dma_semaphore, #tpu.memory_space<semaphore_mem>>)
      } else {
      }
      %dma_wait3A_204 = arith.constant 0 : i32
      %dma_wait3A_205 = arith.constant 0 : i32
      %dma_wait3A_206 = tpu.memref_slice %arg2[%dma_wait3A_204, %dma_wait3A_205] : memref<50176x128xf32, #tpu.memory_space<hbm>> -> memref<64x128xf32, #tpu.memory_space<hbm>>
      %dma_wait3A_207 = arith.constant 0 : i32
      %dma_wait3A_208 = arith.constant 0 : i32
      %dma_wait3A_209 = tpu.memref_slice %arg2[%dma_wait3A_207, %dma_wait3A_208] : memref<50176x128xf32, #tpu.memory_space<hbm>> -> memref<64x128xf32, #tpu.memory_space<hbm>>
      tpu.wait_dma2 semaphore(%arg11 : memref<!tpu.dma_semaphore, #tpu.memory_space<semaphore_mem>>) src(%dma_wait3A_209 : memref<64x128xf32, #tpu.memory_space<hbm>>) dst(%arg9 : memref<64x128xf32, #tpu.memory_space<vmem>>)
      %dma_start3A_210 = arith.constant 1 : i32
      %dma_start3A_211 = arith.constant 0 : i32
      %dma_start3A_212 = tpu.memref_slice %arg7[%dma_start3A_210, %dma_start3A_211] : memref<2x64xi32, #tpu.memory_space<vmem>> -> memref<1x64xi32, #tpu.memory_space<vmem>>
      %dma_start3A_213 = tpu.memref_squeeze %dma_start3A_212 : memref<1x64xi32, #tpu.memory_space<vmem>> -> memref<64xi32, #tpu.memory_space<vmem>>
      %dma_start3A_214 = arith.constant 0 : i32
      %dma_start3A_215 = arith.constant 0 : i32
      %dma_start3A_216 = tpu.memref_slice %arg5[%dma_start3A_214, %dma_start3A_215] : memref<12800x128xf32, #tpu.memory_space<vmem_shared>> -> memref<12800x128xf32, #tpu.memory_space<vmem_shared>>
      tpu.enqueue_indirect_dma source(%arg9 : memref<64x128xf32, #tpu.memory_space<vmem>>) target(%dma_start3A_216 : memref<12800x128xf32, #tpu.memory_space<vmem_shared>>) offsets(%dma_start3A_213 : memref<64xi32, #tpu.memory_space<vmem>>) semaphore(%arg13 : memref<!tpu.dma_semaphore, #tpu.memory_space<semaphore_mem>>) {add = true}
    }
    %scan3A_60 = arith.constant 20 : i32
    %dma_wait3A_61 = arith.constant 0 : i32
    %dma_wait3A_62 = arith.constant 0 : i32
    %dma_wait3A_63 = tpu.memref_slice %arg2[%dma_wait3A_61, %dma_wait3A_62] : memref<50176x128xf32, #tpu.memory_space<hbm>> -> memref<64x128xf32, #tpu.memory_space<hbm>>
    %dma_wait3A_64 = arith.constant 0 : i32
    %dma_wait3A_65 = arith.constant 0 : i32
    %dma_wait3A_66 = tpu.memref_slice %arg2[%dma_wait3A_64, %dma_wait3A_65] : memref<50176x128xf32, #tpu.memory_space<hbm>> -> memref<64x128xf32, #tpu.memory_space<hbm>>
    tpu.wait_dma2 semaphore(%arg13 : memref<!tpu.dma_semaphore, #tpu.memory_space<semaphore_mem>>) src(%dma_wait3A_66 : memref<64x128xf32, #tpu.memory_space<hbm>>) dst(%arg9 : memref<64x128xf32, #tpu.memory_space<vmem>>)
    %barrier3A_67 = arith.constant 0 : index
    tpu.barrier barrier_id(%barrier3A_67)
    %mul3A_68 = arith.constant 784 : i32
    %mul3A_69 = arith.muli %arg1, %mul3A_68 : i32
    %mul3A_70 = arith.constant 784 : i32
    %mul3A_71 = arith.muli %arg1, %mul3A_70 : i32
    %add3A_72 = arith.addi %mul3A_5, %mul3A_71 : i32
    "tpu.region"() ({
      %run_scoped3A = tpu.sem_alloc : memref<!tpu.dma_semaphore, #tpu.memory_space<semaphore_mem>>
      %dma_start3A_152 = arith.constant 0 : i32
      %dma_start3A_153 = tpu.memref_slice %arg4[%add3A_72, %dma_start3A_152] : memref<50176x128xf32, #tpu.memory_space<hbm>> -> memref<784x128xf32, #tpu.memory_space<hbm>>
      %dma_start3A_154 = arith.constant 0 : i32
      %dma_start3A_155 = tpu.memref_slice %arg5[%mul3A_69, %dma_start3A_154] : memref<12800x128xf32, #tpu.memory_space<vmem_shared>> -> memref<784x128xf32, #tpu.memory_space<vmem_shared>>
      tpu.enqueue_dma source(%dma_start3A_155 : memref<784x128xf32, #tpu.memory_space<vmem_shared>>) target(%dma_start3A_153 : memref<784x128xf32, #tpu.memory_space<hbm>>) target_semaphore(%run_scoped3A : memref<!tpu.dma_semaphore, #tpu.memory_space<semaphore_mem>>)
      %dma_wait3A_156 = arith.constant 0 : i32
      %dma_wait3A_157 = tpu.memref_slice %arg4[%add3A_72, %dma_wait3A_156] : memref<50176x128xf32, #tpu.memory_space<hbm>> -> memref<784x128xf32, #tpu.memory_space<hbm>>
      %dma_wait3A_158 = arith.constant 0 : i32
      %dma_wait3A_159 = tpu.memref_slice %arg5[%mul3A_69, %dma_wait3A_158] : memref<12800x128xf32, #tpu.memory_space<vmem_shared>> -> memref<784x128xf32, #tpu.memory_space<vmem_shared>>
      tpu.wait_dma2 semaphore(%run_scoped3A : memref<!tpu.dma_semaphore, #tpu.memory_space<semaphore_mem>>) src(%dma_wait3A_159 : memref<784x128xf32, #tpu.memory_space<vmem_shared>>) dst(%dma_wait3A_157 : memref<784x128xf32, #tpu.memory_space<hbm>>)
      tpu.yield
    }) : () -> ()
    %barrier3A_73 = arith.constant 0 : index
    tpu.barrier barrier_id(%barrier3A_73)
    %mul3A_74 = arith.constant 2 : i32
    %mul3A_75 = arith.muli %mul3A_74, %arg0 : i32
    %add3A_76 = arith.constant 1 : i32
    %add3A_77 = arith.addi %mul3A_75, %add3A_76 : i32
    %mul3A_78 = arith.constant 12544 : i32
    %mul3A_79 = arith.muli %add3A_77, %mul3A_78 : i32
    %scan3A_80 = arith.constant 0 : i32
    %scan3A_81 = arith.constant 28 : i32
    %scan3A_82 = arith.addi %scan3A_80, %scan3A_81 : i32
    %scan3A_83 = arith.constant 1 : i32
    scf.for %scan3A_152 = %scan3A_80 to %scan3A_82 step %scan3A_83  : i32 {
      %mul3A_153 = arith.constant 1 : i32
      %mul3A_154 = arith.muli %scan3A_152, %mul3A_153 : i32
      %add3A_155 = arith.constant 0 : i32
      %add3A_156 = arith.addi %add3A_155, %mul3A_154 : i32
      %broadcast_in_dim3A = arith.constant 0.000000e+00 : f32
      %broadcast_in_dim3A_157 = vector.broadcast %broadcast_in_dim3A : f32 to vector<16xf32>
      %swap3A = arith.index_cast %add3A_156 : i32 to index
      %swap3A_158 = arith.constant 0 : index
      %swap3A_159 = tpu.vector_load %arg8[%swap3A, %swap3A_158] {strides = array<i32>} : memref<64x128xf32, #tpu.memory_space<vmem>>, vector<1x16xf32>,
      %swap3A_160 = vector.shape_cast %swap3A_159 : vector<1x16xf32> to vector<16xf32>
      %swap3A_161 = vector.shape_cast %broadcast_in_dim3A_157 : vector<16xf32> to vector<1x16xf32>
      tpu.vector_store %arg8[%swap3A, %swap3A_158], %swap3A_161 {strides = array<i32>} : memref<64x128xf32, #tpu.memory_space<vmem>>, vector<1x16xf32>,
      %broadcast_in_dim3A_162 = arith.constant 0.000000e+00 : f32
      %broadcast_in_dim3A_163 = vector.broadcast %broadcast_in_dim3A_162 : f32 to vector<16xf32>
      %swap3A_164 = arith.index_cast %add3A_156 : i32 to index
      %swap3A_165 = arith.constant 16 : index
      %swap3A_166 = tpu.vector_load %arg8[%swap3A_164, %swap3A_165] {strides = array<i32>} : memref<64x128xf32, #tpu.memory_space<vmem>>, vector<1x16xf32>,
      %swap3A_167 = vector.shape_cast %swap3A_166 : vector<1x16xf32> to vector<16xf32>
      %swap3A_168 = vector.shape_cast %broadcast_in_dim3A_163 : vector<16xf32> to vector<1x16xf32>
      tpu.vector_store %arg8[%swap3A_164, %swap3A_165], %swap3A_168 {strides = array<i32>} : memref<64x128xf32, #tpu.memory_space<vmem>>, vector<1x16xf32>,
      %broadcast_in_dim3A_169 = arith.constant 0.000000e+00 : f32
      %broadcast_in_dim3A_170 = vector.broadcast %broadcast_in_dim3A_169 : f32 to vector<16xf32>
      %swap3A_171 = arith.index_cast %add3A_156 : i32 to index
      %swap3A_172 = arith.constant 32 : index
      %swap3A_173 = tpu.vector_load %arg8[%swap3A_171, %swap3A_172] {strides = array<i32>} : memref<64x128xf32, #tpu.memory_space<vmem>>, vector<1x16xf32>,
      %swap3A_174 = vector.shape_cast %swap3A_173 : vector<1x16xf32> to vector<16xf32>
      %swap3A_175 = vector.shape_cast %broadcast_in_dim3A_170 : vector<16xf32> to vector<1x16xf32>
      tpu.vector_store %arg8[%swap3A_171, %swap3A_172], %swap3A_175 {strides = array<i32>} : memref<64x128xf32, #tpu.memory_space<vmem>>, vector<1x16xf32>,
      %broadcast_in_dim3A_176 = arith.constant 0.000000e+00 : f32
      %broadcast_in_dim3A_177 = vector.broadcast %broadcast_in_dim3A_176 : f32 to vector<16xf32>
      %swap3A_178 = arith.index_cast %add3A_156 : i32 to index
      %swap3A_179 = arith.constant 48 : index
      %swap3A_180 = tpu.vector_load %arg8[%swap3A_178, %swap3A_179] {strides = array<i32>} : memref<64x128xf32, #tpu.memory_space<vmem>>, vector<1x16xf32>,
      %swap3A_181 = vector.shape_cast %swap3A_180 : vector<1x16xf32> to vector<16xf32>
      %swap3A_182 = vector.shape_cast %broadcast_in_dim3A_177 : vector<16xf32> to vector<1x16xf32>
      tpu.vector_store %arg8[%swap3A_178, %swap3A_179], %swap3A_182 {strides = array<i32>} : memref<64x128xf32, #tpu.memory_space<vmem>>, vector<1x16xf32>,
      %broadcast_in_dim3A_183 = arith.constant 0.000000e+00 : f32
      %broadcast_in_dim3A_184 = vector.broadcast %broadcast_in_dim3A_183 : f32 to vector<16xf32>
      %swap3A_185 = arith.index_cast %add3A_156 : i32 to index
      %swap3A_186 = arith.constant 64 : index
      %swap3A_187 = tpu.vector_load %arg8[%swap3A_185, %swap3A_186] {strides = array<i32>} : memref<64x128xf32, #tpu.memory_space<vmem>>, vector<1x16xf32>,
      %swap3A_188 = vector.shape_cast %swap3A_187 : vector<1x16xf32> to vector<16xf32>
      %swap3A_189 = vector.shape_cast %broadcast_in_dim3A_184 : vector<16xf32> to vector<1x16xf32>
      tpu.vector_store %arg8[%swap3A_185, %swap3A_186], %swap3A_189 {strides = array<i32>} : memref<64x128xf32, #tpu.memory_space<vmem>>, vector<1x16xf32>,
      %broadcast_in_dim3A_190 = arith.constant 0.000000e+00 : f32
      %broadcast_in_dim3A_191 = vector.broadcast %broadcast_in_dim3A_190 : f32 to vector<16xf32>
      %swap3A_192 = arith.index_cast %add3A_156 : i32 to index
      %swap3A_193 = arith.constant 80 : index
      %swap3A_194 = tpu.vector_load %arg8[%swap3A_192, %swap3A_193] {strides = array<i32>} : memref<64x128xf32, #tpu.memory_space<vmem>>, vector<1x16xf32>,
      %swap3A_195 = vector.shape_cast %swap3A_194 : vector<1x16xf32> to vector<16xf32>
      %swap3A_196 = vector.shape_cast %broadcast_in_dim3A_191 : vector<16xf32> to vector<1x16xf32>
      tpu.vector_store %arg8[%swap3A_192, %swap3A_193], %swap3A_196 {strides = array<i32>} : memref<64x128xf32, #tpu.memory_space<vmem>>, vector<1x16xf32>,
      %broadcast_in_dim3A_197 = arith.constant 0.000000e+00 : f32
      %broadcast_in_dim3A_198 = vector.broadcast %broadcast_in_dim3A_197 : f32 to vector<16xf32>
      %swap3A_199 = arith.index_cast %add3A_156 : i32 to index
      %swap3A_200 = arith.constant 96 : index
      %swap3A_201 = tpu.vector_load %arg8[%swap3A_199, %swap3A_200] {strides = array<i32>} : memref<64x128xf32, #tpu.memory_space<vmem>>, vector<1x16xf32>,
      %swap3A_202 = vector.shape_cast %swap3A_201 : vector<1x16xf32> to vector<16xf32>
      %swap3A_203 = vector.shape_cast %broadcast_in_dim3A_198 : vector<16xf32> to vector<1x16xf32>
      tpu.vector_store %arg8[%swap3A_199, %swap3A_200], %swap3A_203 {strides = array<i32>} : memref<64x128xf32, #tpu.memory_space<vmem>>, vector<1x16xf32>,
      %broadcast_in_dim3A_204 = arith.constant 0.000000e+00 : f32
      %broadcast_in_dim3A_205 = vector.broadcast %broadcast_in_dim3A_204 : f32 to vector<16xf32>
      %swap3A_206 = arith.index_cast %add3A_156 : i32 to index
      %swap3A_207 = arith.constant 112 : index
      %swap3A_208 = tpu.vector_load %arg8[%swap3A_206, %swap3A_207] {strides = array<i32>} : memref<64x128xf32, #tpu.memory_space<vmem>>, vector<1x16xf32>,
      %swap3A_209 = vector.shape_cast %swap3A_208 : vector<1x16xf32> to vector<16xf32>
      %swap3A_210 = vector.shape_cast %broadcast_in_dim3A_205 : vector<16xf32> to vector<1x16xf32>
      tpu.vector_store %arg8[%swap3A_206, %swap3A_207], %swap3A_210 {strides = array<i32>} : memref<64x128xf32, #tpu.memory_space<vmem>>, vector<1x16xf32>,
    }
    %scan3A_84 = arith.constant 28 : i32
    %scan3A_85 = arith.constant 0 : i32
    %scan3A_86 = arith.constant 28 : i32
    %scan3A_87 = arith.addi %scan3A_85, %scan3A_86 : i32
    %scan3A_88 = arith.constant 1 : i32
    scf.for %scan3A_152 = %scan3A_85 to %scan3A_87 step %scan3A_88  : i32 {
      %mul3A_153 = arith.constant 1 : i32
      %mul3A_154 = arith.muli %scan3A_152, %mul3A_153 : i32
      %add3A_155 = arith.constant 0 : i32
      %add3A_156 = arith.addi %add3A_155, %mul3A_154 : i32
      %mul3A_157 = arith.constant 28 : i32
      %mul3A_158 = arith.muli %add3A_156, %mul3A_157 : i32
      %add3A_159 = arith.addi %mul3A_0, %mul3A_158 : i32
      "tpu.region"() ({
        %run_scoped3A = tpu.sem_alloc : memref<!tpu.dma_semaphore, #tpu.memory_space<semaphore_mem>>
        %dma_start3A_160 = arith.constant 0 : i32
        %dma_start3A_161 = arith.constant 0 : i32
        %dma_start3A_162 = tpu.memref_slice %arg8[%dma_start3A_160, %dma_start3A_161] : memref<64x128xf32, #tpu.memory_space<vmem>> -> memref<28x128xf32, #tpu.memory_space<vmem>>
        %dma_start3A_163 = arith.constant 0 : i32
        %dma_start3A_164 = tpu.memref_slice %arg5[%add3A_159, %dma_start3A_163] : memref<12800x128xf32, #tpu.memory_space<vmem_shared>> -> memref<28x128xf32, #tpu.memory_space<vmem_shared>>
        %dma_start3A_165 = arith.constant 0 : i32
        %dma_start3A_166 = tpu.memref_slice %arg5[%add3A_159, %dma_start3A_165] : memref<12800x128xf32, #tpu.memory_space<vmem_shared>> -> memref<28x128xf32, #tpu.memory_space<vmem_shared>>
        %dma_start3A_167 = arith.constant 0 : i32
        %dma_start3A_168 = arith.constant 0 : i32
        %dma_start3A_169 = tpu.memref_slice %arg8[%dma_start3A_167, %dma_start3A_168] : memref<64x128xf32, #tpu.memory_space<vmem>> -> memref<28x128xf32, #tpu.memory_space<vmem>>
        tpu.enqueue_dma source(%dma_start3A_169 : memref<28x128xf32, #tpu.memory_space<vmem>>) target(%dma_start3A_166 : memref<28x128xf32, #tpu.memory_space<vmem_shared>>) target_semaphore(%run_scoped3A : memref<!tpu.dma_semaphore, #tpu.memory_space<semaphore_mem>>)
        %dma_wait3A_170 = arith.constant 0 : i32
        %dma_wait3A_171 = arith.constant 0 : i32
        %dma_wait3A_172 = tpu.memref_slice %arg8[%dma_wait3A_170, %dma_wait3A_171] : memref<64x128xf32, #tpu.memory_space<vmem>> -> memref<28x128xf32, #tpu.memory_space<vmem>>
        %dma_wait3A_173 = arith.constant 0 : i32
        %dma_wait3A_174 = tpu.memref_slice %arg5[%add3A_159, %dma_wait3A_173] : memref<12800x128xf32, #tpu.memory_space<vmem_shared>> -> memref<28x128xf32, #tpu.memory_space<vmem_shared>>
        %dma_wait3A_175 = arith.constant 0 : i32
        %dma_wait3A_176 = tpu.memref_slice %arg5[%add3A_159, %dma_wait3A_175] : memref<12800x128xf32, #tpu.memory_space<vmem_shared>> -> memref<28x128xf32, #tpu.memory_space<vmem_shared>>
        %dma_wait3A_177 = arith.constant 0 : i32
        %dma_wait3A_178 = arith.constant 0 : i32
        %dma_wait3A_179 = tpu.memref_slice %arg8[%dma_wait3A_177, %dma_wait3A_178] : memref<64x128xf32, #tpu.memory_space<vmem>> -> memref<28x128xf32, #tpu.memory_space<vmem>>
        tpu.wait_dma2 semaphore(%run_scoped3A : memref<!tpu.dma_semaphore, #tpu.memory_space<semaphore_mem>>) src(%dma_wait3A_179 : memref<28x128xf32, #tpu.memory_space<vmem>>) dst(%dma_wait3A_176 : memref<28x128xf32, #tpu.memory_space<vmem_shared>>)
        tpu.yield
      }) : () -> ()
    }
    %scan3A_89 = arith.constant 28 : i32
    %barrier3A_90 = arith.constant 0 : index
    tpu.barrier barrier_id(%barrier3A_90)
    "tpu.region"() ({
      %run_scoped3A = tpu.sem_alloc : memref<!tpu.dma_semaphore, #tpu.memory_space<semaphore_mem>>
      %dma_start3A_152 = arith.constant 0 : i32
      %dma_start3A_153 = arith.constant 0 : i32
      %dma_start3A_154 = tpu.memref_slice %arg3[%arg1, %dma_start3A_152, %dma_start3A_153] : memref<16x120x128xi32, #tpu.memory_space<hbm>> -> memref<1x40x128xi32, #tpu.memory_space<hbm>>
      %dma_start3A_155 = tpu.memref_squeeze %dma_start3A_154 : memref<1x40x128xi32, #tpu.memory_space<hbm>> -> memref<40x128xi32, #tpu.memory_space<hbm>>
      %dma_start3A_156 = arith.constant 0 : i32
      %dma_start3A_157 = arith.constant 0 : i32
      %dma_start3A_158 = tpu.memref_slice %arg3[%arg1, %dma_start3A_156, %dma_start3A_157] : memref<16x120x128xi32, #tpu.memory_space<hbm>> -> memref<1x40x128xi32, #tpu.memory_space<hbm>>
      %dma_start3A_159 = tpu.memref_squeeze %dma_start3A_158 : memref<1x40x128xi32, #tpu.memory_space<hbm>> -> memref<40x128xi32, #tpu.memory_space<hbm>>
      tpu.enqueue_dma source(%dma_start3A_159 : memref<40x128xi32, #tpu.memory_space<hbm>>) target(%arg6 : memref<40x128xi32, #tpu.memory_space<vmem>>) target_semaphore(%run_scoped3A : memref<!tpu.dma_semaphore, #tpu.memory_space<semaphore_mem>>)
      %dma_wait3A_160 = arith.constant 0 : i32
      %dma_wait3A_161 = arith.constant 0 : i32
      %dma_wait3A_162 = tpu.memref_slice %arg3[%arg1, %dma_wait3A_160, %dma_wait3A_161] : memref<16x120x128xi32, #tpu.memory_space<hbm>> -> memref<1x40x128xi32, #tpu.memory_space<hbm>>
      %dma_wait3A_163 = tpu.memref_squeeze %dma_wait3A_162 : memref<1x40x128xi32, #tpu.memory_space<hbm>> -> memref<40x128xi32, #tpu.memory_space<hbm>>
      %dma_wait3A_164 = arith.constant 0 : i32
      %dma_wait3A_165 = arith.constant 0 : i32
      %dma_wait3A_166 = tpu.memref_slice %arg3[%arg1, %dma_wait3A_164, %dma_wait3A_165] : memref<16x120x128xi32, #tpu.memory_space<hbm>> -> memref<1x40x128xi32, #tpu.memory_space<hbm>>
      %dma_wait3A_167 = tpu.memref_squeeze %dma_wait3A_166 : memref<1x40x128xi32, #tpu.memory_space<hbm>> -> memref<40x128xi32, #tpu.memory_space<hbm>>
      tpu.wait_dma2 semaphore(%run_scoped3A : memref<!tpu.dma_semaphore, #tpu.memory_space<semaphore_mem>>) src(%dma_wait3A_167 : memref<40x128xi32, #tpu.memory_space<hbm>>) dst(%arg6 : memref<40x128xi32, #tpu.memory_space<vmem>>)
      tpu.yield
    }) : () -> ()
    %dma_start3A_91 = arith.constant 0 : i32
    %dma_start3A_92 = arith.constant 0 : i32
    %dma_start3A_93 = tpu.memref_slice %arg6[%dma_start3A_91, %dma_start3A_92] : memref<40x128xi32, #tpu.memory_space<vmem>> -> memref<1x64xi32, #tpu.memory_space<vmem>>
    %dma_start3A_94 = tpu.memref_squeeze %dma_start3A_93 : memref<1x64xi32, #tpu.memory_space<vmem>> -> memref<64xi32, #tpu.memory_space<vmem>>
    %dma_start3A_95 = arith.constant 0 : i32
    %dma_start3A_96 = arith.constant 0 : i32
    %dma_start3A_97 = tpu.memref_slice %arg2[%dma_start3A_95, %dma_start3A_96] : memref<50176x128xf32, #tpu.memory_space<hbm>> -> memref<50176x128xf32, #tpu.memory_space<hbm>>
    tpu.enqueue_indirect_dma source(%dma_start3A_97 : memref<50176x128xf32, #tpu.memory_space<hbm>>) target(%arg8 : memref<64x128xf32, #tpu.memory_space<vmem>>) offsets(%dma_start3A_94 : memref<64xi32, #tpu.memory_space<vmem>>) semaphore(%arg10 : memref<!tpu.dma_semaphore, #tpu.memory_space<semaphore_mem>>)
    %scan3A_98 = arith.constant 0 : i32
    %scan3A_99 = arith.constant 20 : i32
    %scan3A_100 = arith.addi %scan3A_98, %scan3A_99 : i32
    %scan3A_101 = arith.constant 1 : i32
    scf.for %scan3A_152 = %scan3A_98 to %scan3A_100 step %scan3A_101  : i32 {
      %mul3A_153 = arith.constant 1 : i32
      %mul3A_154 = arith.muli %scan3A_152, %mul3A_153 : i32
      %add3A_155 = arith.constant 0 : i32
      %add3A_156 = arith.addi %add3A_155, %mul3A_154 : i32
      %mul3A_157 = arith.constant 2 : i32
      %mul3A_158 = arith.muli %mul3A_157, %add3A_156 : i32
      %mul3A_159 = arith.constant 2 : i32
      %mul3A_160 = arith.muli %mul3A_159, %add3A_156 : i32
      %add3A_161 = arith.constant 1 : i32
      %add3A_162 = arith.addi %mul3A_160, %add3A_161 : i32
      %scan3A_163 = arith.constant 0 : i32
      %scan3A_164 = arith.constant 4 : i32
      %scan3A_165 = arith.addi %scan3A_163, %scan3A_164 : i32
      %scan3A_166 = arith.constant 1 : i32
      scf.for %scan3A_217 = %scan3A_163 to %scan3A_165 step %scan3A_166  : i32 {
        %mul3A_218 = arith.constant 1 : i32
        %mul3A_219 = arith.muli %scan3A_217, %mul3A_218 : i32
        %add3A_220 = arith.constant 0 : i32
        %add3A_221 = arith.addi %add3A_220, %mul3A_219 : i32
        %mul3A_222 = arith.constant 16 : i32
        %mul3A_223 = arith.muli %add3A_221, %mul3A_222 : i32
        %add3A_224 = arith.constant 64 : i32
        %add3A_225 = arith.addi %add3A_224, %mul3A_223 : i32
        %get3A = arith.index_cast %mul3A_158 : i32 to index
        %get3A_226 = arith.index_cast %add3A_225 : i32 to index
        %get3A_227 = tpu.vector_load %arg6[%get3A, %get3A_226] {strides = array<i32>} : memref<40x128xi32, #tpu.memory_space<vmem>>, vector<1x16xi32>,
        %get3A_228 = vector.shape_cast %get3A_227 : vector<1x16xi32> to vector<16xi32>
        %ge3A = vector.broadcast %mul3A_79 : i32 to vector<16xi32>
        %ge3A_229 = arith.cmpi sge, %get3A_228, %ge3A : vector<16xi32>
        %add3A_230 = arith.constant 12544 : i32
        %add3A_231 = arith.addi %mul3A_79, %add3A_230 : i32
        %lt3A_232 = vector.broadcast %add3A_231 : i32 to vector<16xi32>
        %lt3A_233 = arith.cmpi slt, %get3A_228, %lt3A_232 : vector<16xi32>
        %and3A = arith.andi %ge3A_229, %lt3A_233 : vector<16xi1>
        %mul3A_234 = arith.constant 64 : i32
        %mul3A_235 = arith.muli %mul3A_158, %mul3A_234 : i32
        %mul3A_236 = arith.constant 16 : i32
        %mul3A_237 = arith.muli %add3A_221, %mul3A_236 : i32
        %add3A_238 = arith.addi %mul3A_235, %mul3A_237 : i32
        %iota3A = tpu.iota {dimensions = array<i32: 0>} : vector<16xi32>
        %add3A_239 = vector.broadcast %add3A_238 : i32 to vector<16xi32>
        %add3A_240 = arith.addi %add3A_239, %iota3A : vector<16xi32>
        %and3A_241 = arith.constant 255 : i32
        %and3A_242 = vector.broadcast %and3A_241 : i32 to vector<16xi32>
        %and3A_243 = arith.andi %add3A_240, %and3A_242 : vector<16xi32>
        %add3A_244 = arith.constant 12544 : i32
        %add3A_245 = vector.broadcast %add3A_244 : i32 to vector<16xi32>
        %add3A_246 = arith.addi %add3A_245, %and3A_243 : vector<16xi32>
        %sub3A = vector.broadcast %mul3A_79 : i32 to vector<16xi32>
        %sub3A_247 = arith.subi %get3A_228, %sub3A : vector<16xi32>
        %select_n3A = arith.select %and3A, %sub3A_247, %add3A_246 : vector<16xi1>, vector<16xi32>
        %mul3A_248 = arith.constant 16 : i32
        %mul3A_249 = arith.muli %add3A_221, %mul3A_248 : i32
        %swap3A = arith.constant 0 : i32
        %swap3A_250 = arith.index_cast %swap3A : i32 to index
        %swap3A_251 = arith.index_cast %mul3A_249 : i32 to index
        %swap3A_252 = tpu.vector_load %arg7[%swap3A_250, %swap3A_251] {strides = array<i32>} : memref<2x64xi32, #tpu.memory_space<vmem>>, vector<1x16xi32>,
        %swap3A_253 = vector.shape_cast %swap3A_252 : vector<1x16xi32> to vector<16xi32>
        %swap3A_254 = vector.shape_cast %select_n3A : vector<16xi32> to vector<1x16xi32>
        tpu.vector_store %arg7[%swap3A_250, %swap3A_251], %swap3A_254 {strides = array<i32>} : memref<2x64xi32, #tpu.memory_space<vmem>>, vector<1x16xi32>,
      }
      %scan3A_167 = arith.constant 4 : i32
      %gt3A = arith.constant 0 : i32
      %gt3A_168 = arith.cmpi sgt, %add3A_156, %gt3A : i32
      %convert_element_type3A = arith.extui %gt3A_168 : i1 to i32
      %cond3A = arith.constant 0 : i32
      %cond3A_169 = arith.cmpi ne, %convert_element_type3A, %cond3A : i32
      scf.if %cond3A_169 {
        %dma_wait3A_217 = arith.constant 0 : i32
        %dma_wait3A_218 = arith.constant 0 : i32
        %dma_wait3A_219 = tpu.memref_slice %arg2[%dma_wait3A_217, %dma_wait3A_218] : memref<50176x128xf32, #tpu.memory_space<hbm>> -> memref<64x128xf32, #tpu.memory_space<hbm>>
        %dma_wait3A_220 = arith.constant 0 : i32
        %dma_wait3A_221 = arith.constant 0 : i32
        %dma_wait3A_222 = tpu.memref_slice %arg2[%dma_wait3A_220, %dma_wait3A_221] : memref<50176x128xf32, #tpu.memory_space<hbm>> -> memref<64x128xf32, #tpu.memory_space<hbm>>
        tpu.wait_dma2 semaphore(%arg13 : memref<!tpu.dma_semaphore, #tpu.memory_space<semaphore_mem>>) src(%dma_wait3A_222 : memref<64x128xf32, #tpu.memory_space<hbm>>) dst(%arg9 : memref<64x128xf32, #tpu.memory_space<vmem>>)
      } else {
      }
      %dma_start3A_170 = arith.constant 0 : i32
      %dma_start3A_171 = tpu.memref_slice %arg6[%add3A_162, %dma_start3A_170] : memref<40x128xi32, #tpu.memory_space<vmem>> -> memref<1x64xi32, #tpu.memory_space<vmem>>
      %dma_start3A_172 = tpu.memref_squeeze %dma_start3A_171 : memref<1x64xi32, #tpu.memory_space<vmem>> -> memref<64xi32, #tpu.memory_space<vmem>>
      %dma_start3A_173 = arith.constant 0 : i32
      %dma_start3A_174 = arith.constant 0 : i32
      %dma_start3A_175 = tpu.memref_slice %arg2[%dma_start3A_173, %dma_start3A_174] : memref<50176x128xf32, #tpu.memory_space<hbm>> -> memref<50176x128xf32, #tpu.memory_space<hbm>>
      tpu.enqueue_indirect_dma source(%dma_start3A_175 : memref<50176x128xf32, #tpu.memory_space<hbm>>) target(%arg9 : memref<64x128xf32, #tpu.memory_space<vmem>>) offsets(%dma_start3A_172 : memref<64xi32, #tpu.memory_space<vmem>>) semaphore(%arg11 : memref<!tpu.dma_semaphore, #tpu.memory_space<semaphore_mem>>)
      %dma_wait3A_176 = arith.constant 0 : i32
      %dma_wait3A_177 = arith.constant 0 : i32
      %dma_wait3A_178 = tpu.memref_slice %arg2[%dma_wait3A_176, %dma_wait3A_177] : memref<50176x128xf32, #tpu.memory_space<hbm>> -> memref<64x128xf32, #tpu.memory_space<hbm>>
      %dma_wait3A_179 = arith.constant 0 : i32
      %dma_wait3A_180 = arith.constant 0 : i32
      %dma_wait3A_181 = tpu.memref_slice %arg2[%dma_wait3A_179, %dma_wait3A_180] : memref<50176x128xf32, #tpu.memory_space<hbm>> -> memref<64x128xf32, #tpu.memory_space<hbm>>
      tpu.wait_dma2 semaphore(%arg10 : memref<!tpu.dma_semaphore, #tpu.memory_space<semaphore_mem>>) src(%dma_wait3A_181 : memref<64x128xf32, #tpu.memory_space<hbm>>) dst(%arg8 : memref<64x128xf32, #tpu.memory_space<vmem>>)
      %dma_start3A_182 = arith.constant 0 : i32
      %dma_start3A_183 = arith.constant 0 : i32
      %dma_start3A_184 = tpu.memref_slice %arg7[%dma_start3A_182, %dma_start3A_183] : memref<2x64xi32, #tpu.memory_space<vmem>> -> memref<1x64xi32, #tpu.memory_space<vmem>>
      %dma_start3A_185 = tpu.memref_squeeze %dma_start3A_184 : memref<1x64xi32, #tpu.memory_space<vmem>> -> memref<64xi32, #tpu.memory_space<vmem>>
      %dma_start3A_186 = arith.constant 0 : i32
      %dma_start3A_187 = arith.constant 0 : i32
      %dma_start3A_188 = tpu.memref_slice %arg5[%dma_start3A_186, %dma_start3A_187] : memref<12800x128xf32, #tpu.memory_space<vmem_shared>> -> memref<12800x128xf32, #tpu.memory_space<vmem_shared>>
      tpu.enqueue_indirect_dma source(%arg8 : memref<64x128xf32, #tpu.memory_space<vmem>>) target(%dma_start3A_188 : memref<12800x128xf32, #tpu.memory_space<vmem_shared>>) offsets(%dma_start3A_185 : memref<64xi32, #tpu.memory_space<vmem>>) semaphore(%arg12 : memref<!tpu.dma_semaphore, #tpu.memory_space<semaphore_mem>>) {add = true}
      %scan3A_189 = arith.constant 0 : i32
      %scan3A_190 = arith.constant 4 : i32
      %scan3A_191 = arith.addi %scan3A_189, %scan3A_190 : i32
      %scan3A_192 = arith.constant 1 : i32
      scf.for %scan3A_217 = %scan3A_189 to %scan3A_191 step %scan3A_192  : i32 {
        %mul3A_218 = arith.constant 1 : i32
        %mul3A_219 = arith.muli %scan3A_217, %mul3A_218 : i32
        %add3A_220 = arith.constant 0 : i32
        %add3A_221 = arith.addi %add3A_220, %mul3A_219 : i32
        %mul3A_222 = arith.constant 16 : i32
        %mul3A_223 = arith.muli %add3A_221, %mul3A_222 : i32
        %add3A_224 = arith.constant 64 : i32
        %add3A_225 = arith.addi %add3A_224, %mul3A_223 : i32
        %get3A = arith.index_cast %add3A_162 : i32 to index
        %get3A_226 = arith.index_cast %add3A_225 : i32 to index
        %get3A_227 = tpu.vector_load %arg6[%get3A, %get3A_226] {strides = array<i32>} : memref<40x128xi32, #tpu.memory_space<vmem>>, vector<1x16xi32>,
        %get3A_228 = vector.shape_cast %get3A_227 : vector<1x16xi32> to vector<16xi32>
        %ge3A = vector.broadcast %mul3A_79 : i32 to vector<16xi32>
        %ge3A_229 = arith.cmpi sge, %get3A_228, %ge3A : vector<16xi32>
        %add3A_230 = arith.constant 12544 : i32
        %add3A_231 = arith.addi %mul3A_79, %add3A_230 : i32
        %lt3A_232 = vector.broadcast %add3A_231 : i32 to vector<16xi32>
        %lt3A_233 = arith.cmpi slt, %get3A_228, %lt3A_232 : vector<16xi32>
        %and3A = arith.andi %ge3A_229, %lt3A_233 : vector<16xi1>
        %mul3A_234 = arith.constant 64 : i32
        %mul3A_235 = arith.muli %add3A_162, %mul3A_234 : i32
        %mul3A_236 = arith.constant 16 : i32
        %mul3A_237 = arith.muli %add3A_221, %mul3A_236 : i32
        %add3A_238 = arith.addi %mul3A_235, %mul3A_237 : i32
        %iota3A = tpu.iota {dimensions = array<i32: 0>} : vector<16xi32>
        %add3A_239 = vector.broadcast %add3A_238 : i32 to vector<16xi32>
        %add3A_240 = arith.addi %add3A_239, %iota3A : vector<16xi32>
        %and3A_241 = arith.constant 255 : i32
        %and3A_242 = vector.broadcast %and3A_241 : i32 to vector<16xi32>
        %and3A_243 = arith.andi %add3A_240, %and3A_242 : vector<16xi32>
        %add3A_244 = arith.constant 12544 : i32
        %add3A_245 = vector.broadcast %add3A_244 : i32 to vector<16xi32>
        %add3A_246 = arith.addi %add3A_245, %and3A_243 : vector<16xi32>
        %sub3A = vector.broadcast %mul3A_79 : i32 to vector<16xi32>
        %sub3A_247 = arith.subi %get3A_228, %sub3A : vector<16xi32>
        %select_n3A = arith.select %and3A, %sub3A_247, %add3A_246 : vector<16xi1>, vector<16xi32>
        %mul3A_248 = arith.constant 16 : i32
        %mul3A_249 = arith.muli %add3A_221, %mul3A_248 : i32
        %swap3A = arith.constant 1 : i32
        %swap3A_250 = arith.index_cast %swap3A : i32 to index
        %swap3A_251 = arith.index_cast %mul3A_249 : i32 to index
        %swap3A_252 = tpu.vector_load %arg7[%swap3A_250, %swap3A_251] {strides = array<i32>} : memref<2x64xi32, #tpu.memory_space<vmem>>, vector<1x16xi32>,
        %swap3A_253 = vector.shape_cast %swap3A_252 : vector<1x16xi32> to vector<16xi32>
        %swap3A_254 = vector.shape_cast %select_n3A : vector<16xi32> to vector<1x16xi32>
        tpu.vector_store %arg7[%swap3A_250, %swap3A_251], %swap3A_254 {strides = array<i32>} : memref<2x64xi32, #tpu.memory_space<vmem>>, vector<1x16xi32>,
      }
      %scan3A_193 = arith.constant 4 : i32
      %dma_wait3A_194 = arith.constant 0 : i32
      %dma_wait3A_195 = arith.constant 0 : i32
      %dma_wait3A_196 = tpu.memref_slice %arg2[%dma_wait3A_194, %dma_wait3A_195] : memref<50176x128xf32, #tpu.memory_space<hbm>> -> memref<64x128xf32, #tpu.memory_space<hbm>>
      %dma_wait3A_197 = arith.constant 0 : i32
      %dma_wait3A_198 = arith.constant 0 : i32
      %dma_wait3A_199 = tpu.memref_slice %arg2[%dma_wait3A_197, %dma_wait3A_198] : memref<50176x128xf32, #tpu.memory_space<hbm>> -> memref<64x128xf32, #tpu.memory_space<hbm>>
      tpu.wait_dma2 semaphore(%arg12 : memref<!tpu.dma_semaphore, #tpu.memory_space<semaphore_mem>>) src(%dma_wait3A_199 : memref<64x128xf32, #tpu.memory_space<hbm>>) dst(%arg8 : memref<64x128xf32, #tpu.memory_space<vmem>>)
      %lt3A = arith.constant 19 : i32
      %lt3A_200 = arith.cmpi slt, %add3A_156, %lt3A : i32
      %convert_element_type3A_201 = arith.extui %lt3A_200 : i1 to i32
      %cond3A_202 = arith.constant 0 : i32
      %cond3A_203 = arith.cmpi ne, %convert_element_type3A_201, %cond3A_202 : i32
      scf.if %cond3A_203 {
        %add3A_217 = arith.constant 2 : i32
        %add3A_218 = arith.addi %mul3A_158, %add3A_217 : i32
        %dma_start3A_219 = arith.constant 0 : i32
        %dma_start3A_220 = tpu.memref_slice %arg6[%add3A_218, %dma_start3A_219] : memref<40x128xi32, #tpu.memory_space<vmem>> -> memref<1x64xi32, #tpu.memory_space<vmem>>
        %dma_start3A_221 = tpu.memref_squeeze %dma_start3A_220 : memref<1x64xi32, #tpu.memory_space<vmem>> -> memref<64xi32, #tpu.memory_space<vmem>>
        %dma_start3A_222 = arith.constant 0 : i32
        %dma_start3A_223 = arith.constant 0 : i32
        %dma_start3A_224 = tpu.memref_slice %arg2[%dma_start3A_222, %dma_start3A_223] : memref<50176x128xf32, #tpu.memory_space<hbm>> -> memref<50176x128xf32, #tpu.memory_space<hbm>>
        tpu.enqueue_indirect_dma source(%dma_start3A_224 : memref<50176x128xf32, #tpu.memory_space<hbm>>) target(%arg8 : memref<64x128xf32, #tpu.memory_space<vmem>>) offsets(%dma_start3A_221 : memref<64xi32, #tpu.memory_space<vmem>>) semaphore(%arg10 : memref<!tpu.dma_semaphore, #tpu.memory_space<semaphore_mem>>)
      } else {
      }
      %dma_wait3A_204 = arith.constant 0 : i32
      %dma_wait3A_205 = arith.constant 0 : i32
      %dma_wait3A_206 = tpu.memref_slice %arg2[%dma_wait3A_204, %dma_wait3A_205] : memref<50176x128xf32, #tpu.memory_space<hbm>> -> memref<64x128xf32, #tpu.memory_space<hbm>>
      %dma_wait3A_207 = arith.constant 0 : i32
      %dma_wait3A_208 = arith.constant 0 : i32
      %dma_wait3A_209 = tpu.memref_slice %arg2[%dma_wait3A_207, %dma_wait3A_208] : memref<50176x128xf32, #tpu.memory_space<hbm>> -> memref<64x128xf32, #tpu.memory_space<hbm>>
      tpu.wait_dma2 semaphore(%arg11 : memref<!tpu.dma_semaphore, #tpu.memory_space<semaphore_mem>>) src(%dma_wait3A_209 : memref<64x128xf32, #tpu.memory_space<hbm>>) dst(%arg9 : memref<64x128xf32, #tpu.memory_space<vmem>>)
      %dma_start3A_210 = arith.constant 1 : i32
      %dma_start3A_211 = arith.constant 0 : i32
      %dma_start3A_212 = tpu.memref_slice %arg7[%dma_start3A_210, %dma_start3A_211] : memref<2x64xi32, #tpu.memory_space<vmem>> -> memref<1x64xi32, #tpu.memory_space<vmem>>
      %dma_start3A_213 = tpu.memref_squeeze %dma_start3A_212 : memref<1x64xi32, #tpu.memory_space<vmem>> -> memref<64xi32, #tpu.memory_space<vmem>>
      %dma_start3A_214 = arith.constant 0 : i32
      %dma_start3A_215 = arith.constant 0 : i32
      %dma_start3A_216 = tpu.memref_slice %arg5[%dma_start3A_214, %dma_start3A_215] : memref<12800x128xf32, #tpu.memory_space<vmem_shared>> -> memref<12800x128xf32, #tpu.memory_space<vmem_shared>>
      tpu.enqueue_indirect_dma source(%arg9 : memref<64x128xf32, #tpu.memory_space<vmem>>) target(%dma_start3A_216 : memref<12800x128xf32, #tpu.memory_space<vmem_shared>>) offsets(%dma_start3A_213 : memref<64xi32, #tpu.memory_space<vmem>>) semaphore(%arg13 : memref<!tpu.dma_semaphore, #tpu.memory_space<semaphore_mem>>) {add = true}
    }
    %scan3A_102 = arith.constant 20 : i32
    %dma_wait3A_103 = arith.constant 0 : i32
    %dma_wait3A_104 = arith.constant 0 : i32
    %dma_wait3A_105 = tpu.memref_slice %arg2[%dma_wait3A_103, %dma_wait3A_104] : memref<50176x128xf32, #tpu.memory_space<hbm>> -> memref<64x128xf32, #tpu.memory_space<hbm>>
    %dma_wait3A_106 = arith.constant 0 : i32
    %dma_wait3A_107 = arith.constant 0 : i32
    %dma_wait3A_108 = tpu.memref_slice %arg2[%dma_wait3A_106, %dma_wait3A_107] : memref<50176x128xf32, #tpu.memory_space<hbm>> -> memref<64x128xf32, #tpu.memory_space<hbm>>
    tpu.wait_dma2 semaphore(%arg13 : memref<!tpu.dma_semaphore, #tpu.memory_space<semaphore_mem>>) src(%dma_wait3A_108 : memref<64x128xf32, #tpu.memory_space<hbm>>) dst(%arg9 : memref<64x128xf32, #tpu.memory_space<vmem>>)
    "tpu.region"() ({
      %run_scoped3A = tpu.sem_alloc : memref<!tpu.dma_semaphore, #tpu.memory_space<semaphore_mem>>
      %dma_start3A_152 = arith.constant 40 : i32
      %dma_start3A_153 = arith.constant 0 : i32
      %dma_start3A_154 = tpu.memref_slice %arg3[%arg1, %dma_start3A_152, %dma_start3A_153] : memref<16x120x128xi32, #tpu.memory_space<hbm>> -> memref<1x40x128xi32, #tpu.memory_space<hbm>>
      %dma_start3A_155 = tpu.memref_squeeze %dma_start3A_154 : memref<1x40x128xi32, #tpu.memory_space<hbm>> -> memref<40x128xi32, #tpu.memory_space<hbm>>
      %dma_start3A_156 = arith.constant 40 : i32
      %dma_start3A_157 = arith.constant 0 : i32
      %dma_start3A_158 = tpu.memref_slice %arg3[%arg1, %dma_start3A_156, %dma_start3A_157] : memref<16x120x128xi32, #tpu.memory_space<hbm>> -> memref<1x40x128xi32, #tpu.memory_space<hbm>>
      %dma_start3A_159 = tpu.memref_squeeze %dma_start3A_158 : memref<1x40x128xi32, #tpu.memory_space<hbm>> -> memref<40x128xi32, #tpu.memory_space<hbm>>
      tpu.enqueue_dma source(%dma_start3A_159 : memref<40x128xi32, #tpu.memory_space<hbm>>) target(%arg6 : memref<40x128xi32, #tpu.memory_space<vmem>>) target_semaphore(%run_scoped3A : memref<!tpu.dma_semaphore, #tpu.memory_space<semaphore_mem>>)
      %dma_wait3A_160 = arith.constant 40 : i32
      %dma_wait3A_161 = arith.constant 0 : i32
      %dma_wait3A_162 = tpu.memref_slice %arg3[%arg1, %dma_wait3A_160, %dma_wait3A_161] : memref<16x120x128xi32, #tpu.memory_space<hbm>> -> memref<1x40x128xi32, #tpu.memory_space<hbm>>
      %dma_wait3A_163 = tpu.memref_squeeze %dma_wait3A_162 : memref<1x40x128xi32, #tpu.memory_space<hbm>> -> memref<40x128xi32, #tpu.memory_space<hbm>>
      %dma_wait3A_164 = arith.constant 40 : i32
      %dma_wait3A_165 = arith.constant 0 : i32
      %dma_wait3A_166 = tpu.memref_slice %arg3[%arg1, %dma_wait3A_164, %dma_wait3A_165] : memref<16x120x128xi32, #tpu.memory_space<hbm>> -> memref<1x40x128xi32, #tpu.memory_space<hbm>>
      %dma_wait3A_167 = tpu.memref_squeeze %dma_wait3A_166 : memref<1x40x128xi32, #tpu.memory_space<hbm>> -> memref<40x128xi32, #tpu.memory_space<hbm>>
      tpu.wait_dma2 semaphore(%run_scoped3A : memref<!tpu.dma_semaphore, #tpu.memory_space<semaphore_mem>>) src(%dma_wait3A_167 : memref<40x128xi32, #tpu.memory_space<hbm>>) dst(%arg6 : memref<40x128xi32, #tpu.memory_space<vmem>>)
      tpu.yield
    }) : () -> ()
    %dma_start3A_109 = arith.constant 0 : i32
    %dma_start3A_110 = arith.constant 0 : i32
    %dma_start3A_111 = tpu.memref_slice %arg6[%dma_start3A_109, %dma_start3A_110] : memref<40x128xi32, #tpu.memory_space<vmem>> -> memref<1x64xi32, #tpu.memory_space<vmem>>
    %dma_start3A_112 = tpu.memref_squeeze %dma_start3A_111 : memref<1x64xi32, #tpu.memory_space<vmem>> -> memref<64xi32, #tpu.memory_space<vmem>>
    %dma_start3A_113 = arith.constant 0 : i32
    %dma_start3A_114 = arith.constant 0 : i32
    %dma_start3A_115 = tpu.memref_slice %arg2[%dma_start3A_113, %dma_start3A_114] : memref<50176x128xf32, #tpu.memory_space<hbm>> -> memref<50176x128xf32, #tpu.memory_space<hbm>>
    tpu.enqueue_indirect_dma source(%dma_start3A_115 : memref<50176x128xf32, #tpu.memory_space<hbm>>) target(%arg8 : memref<64x128xf32, #tpu.memory_space<vmem>>) offsets(%dma_start3A_112 : memref<64xi32, #tpu.memory_space<vmem>>) semaphore(%arg10 : memref<!tpu.dma_semaphore, #tpu.memory_space<semaphore_mem>>)
    %scan3A_116 = arith.constant 0 : i32
    %scan3A_117 = arith.constant 20 : i32
    %scan3A_118 = arith.addi %scan3A_116, %scan3A_117 : i32
    %scan3A_119 = arith.constant 1 : i32
    scf.for %scan3A_152 = %scan3A_116 to %scan3A_118 step %scan3A_119  : i32 {
      %mul3A_153 = arith.constant 1 : i32
      %mul3A_154 = arith.muli %scan3A_152, %mul3A_153 : i32
      %add3A_155 = arith.constant 0 : i32
      %add3A_156 = arith.addi %add3A_155, %mul3A_154 : i32
      %mul3A_157 = arith.constant 2 : i32
      %mul3A_158 = arith.muli %mul3A_157, %add3A_156 : i32
      %mul3A_159 = arith.constant 2 : i32
      %mul3A_160 = arith.muli %mul3A_159, %add3A_156 : i32
      %add3A_161 = arith.constant 1 : i32
      %add3A_162 = arith.addi %mul3A_160, %add3A_161 : i32
      %scan3A_163 = arith.constant 0 : i32
      %scan3A_164 = arith.constant 4 : i32
      %scan3A_165 = arith.addi %scan3A_163, %scan3A_164 : i32
      %scan3A_166 = arith.constant 1 : i32
      scf.for %scan3A_217 = %scan3A_163 to %scan3A_165 step %scan3A_166  : i32 {
        %mul3A_218 = arith.constant 1 : i32
        %mul3A_219 = arith.muli %scan3A_217, %mul3A_218 : i32
        %add3A_220 = arith.constant 0 : i32
        %add3A_221 = arith.addi %add3A_220, %mul3A_219 : i32
        %mul3A_222 = arith.constant 16 : i32
        %mul3A_223 = arith.muli %add3A_221, %mul3A_222 : i32
        %add3A_224 = arith.constant 64 : i32
        %add3A_225 = arith.addi %add3A_224, %mul3A_223 : i32
        %get3A = arith.index_cast %mul3A_158 : i32 to index
        %get3A_226 = arith.index_cast %add3A_225 : i32 to index
        %get3A_227 = tpu.vector_load %arg6[%get3A, %get3A_226] {strides = array<i32>} : memref<40x128xi32, #tpu.memory_space<vmem>>, vector<1x16xi32>,
        %get3A_228 = vector.shape_cast %get3A_227 : vector<1x16xi32> to vector<16xi32>
        %ge3A = vector.broadcast %mul3A_79 : i32 to vector<16xi32>
        %ge3A_229 = arith.cmpi sge, %get3A_228, %ge3A : vector<16xi32>
        %add3A_230 = arith.constant 12544 : i32
        %add3A_231 = arith.addi %mul3A_79, %add3A_230 : i32
        %lt3A_232 = vector.broadcast %add3A_231 : i32 to vector<16xi32>
        %lt3A_233 = arith.cmpi slt, %get3A_228, %lt3A_232 : vector<16xi32>
        %and3A = arith.andi %ge3A_229, %lt3A_233 : vector<16xi1>
        %mul3A_234 = arith.constant 64 : i32
        %mul3A_235 = arith.muli %mul3A_158, %mul3A_234 : i32
        %mul3A_236 = arith.constant 16 : i32
        %mul3A_237 = arith.muli %add3A_221, %mul3A_236 : i32
        %add3A_238 = arith.addi %mul3A_235, %mul3A_237 : i32
        %iota3A = tpu.iota {dimensions = array<i32: 0>} : vector<16xi32>
        %add3A_239 = vector.broadcast %add3A_238 : i32 to vector<16xi32>
        %add3A_240 = arith.addi %add3A_239, %iota3A : vector<16xi32>
        %and3A_241 = arith.constant 255 : i32
        %and3A_242 = vector.broadcast %and3A_241 : i32 to vector<16xi32>
        %and3A_243 = arith.andi %add3A_240, %and3A_242 : vector<16xi32>
        %add3A_244 = arith.constant 12544 : i32
        %add3A_245 = vector.broadcast %add3A_244 : i32 to vector<16xi32>
        %add3A_246 = arith.addi %add3A_245, %and3A_243 : vector<16xi32>
        %sub3A = vector.broadcast %mul3A_79 : i32 to vector<16xi32>
        %sub3A_247 = arith.subi %get3A_228, %sub3A : vector<16xi32>
        %select_n3A = arith.select %and3A, %sub3A_247, %add3A_246 : vector<16xi1>, vector<16xi32>
        %mul3A_248 = arith.constant 16 : i32
        %mul3A_249 = arith.muli %add3A_221, %mul3A_248 : i32
        %swap3A = arith.constant 0 : i32
        %swap3A_250 = arith.index_cast %swap3A : i32 to index
        %swap3A_251 = arith.index_cast %mul3A_249 : i32 to index
        %swap3A_252 = tpu.vector_load %arg7[%swap3A_250, %swap3A_251] {strides = array<i32>} : memref<2x64xi32, #tpu.memory_space<vmem>>, vector<1x16xi32>,
        %swap3A_253 = vector.shape_cast %swap3A_252 : vector<1x16xi32> to vector<16xi32>
        %swap3A_254 = vector.shape_cast %select_n3A : vector<16xi32> to vector<1x16xi32>
        tpu.vector_store %arg7[%swap3A_250, %swap3A_251], %swap3A_254 {strides = array<i32>} : memref<2x64xi32, #tpu.memory_space<vmem>>, vector<1x16xi32>,
      }
      %scan3A_167 = arith.constant 4 : i32
      %gt3A = arith.constant 0 : i32
      %gt3A_168 = arith.cmpi sgt, %add3A_156, %gt3A : i32
      %convert_element_type3A = arith.extui %gt3A_168 : i1 to i32
      %cond3A = arith.constant 0 : i32
      %cond3A_169 = arith.cmpi ne, %convert_element_type3A, %cond3A : i32
      scf.if %cond3A_169 {
        %dma_wait3A_217 = arith.constant 0 : i32
        %dma_wait3A_218 = arith.constant 0 : i32
        %dma_wait3A_219 = tpu.memref_slice %arg2[%dma_wait3A_217, %dma_wait3A_218] : memref<50176x128xf32, #tpu.memory_space<hbm>> -> memref<64x128xf32, #tpu.memory_space<hbm>>
        %dma_wait3A_220 = arith.constant 0 : i32
        %dma_wait3A_221 = arith.constant 0 : i32
        %dma_wait3A_222 = tpu.memref_slice %arg2[%dma_wait3A_220, %dma_wait3A_221] : memref<50176x128xf32, #tpu.memory_space<hbm>> -> memref<64x128xf32, #tpu.memory_space<hbm>>
        tpu.wait_dma2 semaphore(%arg13 : memref<!tpu.dma_semaphore, #tpu.memory_space<semaphore_mem>>) src(%dma_wait3A_222 : memref<64x128xf32, #tpu.memory_space<hbm>>) dst(%arg9 : memref<64x128xf32, #tpu.memory_space<vmem>>)
      } else {
      }
      %dma_start3A_170 = arith.constant 0 : i32
      %dma_start3A_171 = tpu.memref_slice %arg6[%add3A_162, %dma_start3A_170] : memref<40x128xi32, #tpu.memory_space<vmem>> -> memref<1x64xi32, #tpu.memory_space<vmem>>
      %dma_start3A_172 = tpu.memref_squeeze %dma_start3A_171 : memref<1x64xi32, #tpu.memory_space<vmem>> -> memref<64xi32, #tpu.memory_space<vmem>>
      %dma_start3A_173 = arith.constant 0 : i32
      %dma_start3A_174 = arith.constant 0 : i32
      %dma_start3A_175 = tpu.memref_slice %arg2[%dma_start3A_173, %dma_start3A_174] : memref<50176x128xf32, #tpu.memory_space<hbm>> -> memref<50176x128xf32, #tpu.memory_space<hbm>>
      tpu.enqueue_indirect_dma source(%dma_start3A_175 : memref<50176x128xf32, #tpu.memory_space<hbm>>) target(%arg9 : memref<64x128xf32, #tpu.memory_space<vmem>>) offsets(%dma_start3A_172 : memref<64xi32, #tpu.memory_space<vmem>>) semaphore(%arg11 : memref<!tpu.dma_semaphore, #tpu.memory_space<semaphore_mem>>)
      %dma_wait3A_176 = arith.constant 0 : i32
      %dma_wait3A_177 = arith.constant 0 : i32
      %dma_wait3A_178 = tpu.memref_slice %arg2[%dma_wait3A_176, %dma_wait3A_177] : memref<50176x128xf32, #tpu.memory_space<hbm>> -> memref<64x128xf32, #tpu.memory_space<hbm>>
      %dma_wait3A_179 = arith.constant 0 : i32
      %dma_wait3A_180 = arith.constant 0 : i32
      %dma_wait3A_181 = tpu.memref_slice %arg2[%dma_wait3A_179, %dma_wait3A_180] : memref<50176x128xf32, #tpu.memory_space<hbm>> -> memref<64x128xf32, #tpu.memory_space<hbm>>
      tpu.wait_dma2 semaphore(%arg10 : memref<!tpu.dma_semaphore, #tpu.memory_space<semaphore_mem>>) src(%dma_wait3A_181 : memref<64x128xf32, #tpu.memory_space<hbm>>) dst(%arg8 : memref<64x128xf32, #tpu.memory_space<vmem>>)
      %dma_start3A_182 = arith.constant 0 : i32
      %dma_start3A_183 = arith.constant 0 : i32
      %dma_start3A_184 = tpu.memref_slice %arg7[%dma_start3A_182, %dma_start3A_183] : memref<2x64xi32, #tpu.memory_space<vmem>> -> memref<1x64xi32, #tpu.memory_space<vmem>>
      %dma_start3A_185 = tpu.memref_squeeze %dma_start3A_184 : memref<1x64xi32, #tpu.memory_space<vmem>> -> memref<64xi32, #tpu.memory_space<vmem>>
      %dma_start3A_186 = arith.constant 0 : i32
      %dma_start3A_187 = arith.constant 0 : i32
      %dma_start3A_188 = tpu.memref_slice %arg5[%dma_start3A_186, %dma_start3A_187] : memref<12800x128xf32, #tpu.memory_space<vmem_shared>> -> memref<12800x128xf32, #tpu.memory_space<vmem_shared>>
      tpu.enqueue_indirect_dma source(%arg8 : memref<64x128xf32, #tpu.memory_space<vmem>>) target(%dma_start3A_188 : memref<12800x128xf32, #tpu.memory_space<vmem_shared>>) offsets(%dma_start3A_185 : memref<64xi32, #tpu.memory_space<vmem>>) semaphore(%arg12 : memref<!tpu.dma_semaphore, #tpu.memory_space<semaphore_mem>>) {add = true}
      %scan3A_189 = arith.constant 0 : i32
      %scan3A_190 = arith.constant 4 : i32
      %scan3A_191 = arith.addi %scan3A_189, %scan3A_190 : i32
      %scan3A_192 = arith.constant 1 : i32
      scf.for %scan3A_217 = %scan3A_189 to %scan3A_191 step %scan3A_192  : i32 {
        %mul3A_218 = arith.constant 1 : i32
        %mul3A_219 = arith.muli %scan3A_217, %mul3A_218 : i32
        %add3A_220 = arith.constant 0 : i32
        %add3A_221 = arith.addi %add3A_220, %mul3A_219 : i32
        %mul3A_222 = arith.constant 16 : i32
        %mul3A_223 = arith.muli %add3A_221, %mul3A_222 : i32
        %add3A_224 = arith.constant 64 : i32
        %add3A_225 = arith.addi %add3A_224, %mul3A_223 : i32
        %get3A = arith.index_cast %add3A_162 : i32 to index
        %get3A_226 = arith.index_cast %add3A_225 : i32 to index
        %get3A_227 = tpu.vector_load %arg6[%get3A, %get3A_226] {strides = array<i32>} : memref<40x128xi32, #tpu.memory_space<vmem>>, vector<1x16xi32>,
        %get3A_228 = vector.shape_cast %get3A_227 : vector<1x16xi32> to vector<16xi32>
        %ge3A = vector.broadcast %mul3A_79 : i32 to vector<16xi32>
        %ge3A_229 = arith.cmpi sge, %get3A_228, %ge3A : vector<16xi32>
        %add3A_230 = arith.constant 12544 : i32
        %add3A_231 = arith.addi %mul3A_79, %add3A_230 : i32
        %lt3A_232 = vector.broadcast %add3A_231 : i32 to vector<16xi32>
        %lt3A_233 = arith.cmpi slt, %get3A_228, %lt3A_232 : vector<16xi32>
        %and3A = arith.andi %ge3A_229, %lt3A_233 : vector<16xi1>
        %mul3A_234 = arith.constant 64 : i32
        %mul3A_235 = arith.muli %add3A_162, %mul3A_234 : i32
        %mul3A_236 = arith.constant 16 : i32
        %mul3A_237 = arith.muli %add3A_221, %mul3A_236 : i32
        %add3A_238 = arith.addi %mul3A_235, %mul3A_237 : i32
        %iota3A = tpu.iota {dimensions = array<i32: 0>} : vector<16xi32>
        %add3A_239 = vector.broadcast %add3A_238 : i32 to vector<16xi32>
        %add3A_240 = arith.addi %add3A_239, %iota3A : vector<16xi32>
        %and3A_241 = arith.constant 255 : i32
        %and3A_242 = vector.broadcast %and3A_241 : i32 to vector<16xi32>
        %and3A_243 = arith.andi %add3A_240, %and3A_242 : vector<16xi32>
        %add3A_244 = arith.constant 12544 : i32
        %add3A_245 = vector.broadcast %add3A_244 : i32 to vector<16xi32>
        %add3A_246 = arith.addi %add3A_245, %and3A_243 : vector<16xi32>
        %sub3A = vector.broadcast %mul3A_79 : i32 to vector<16xi32>
        %sub3A_247 = arith.subi %get3A_228, %sub3A : vector<16xi32>
        %select_n3A = arith.select %and3A, %sub3A_247, %add3A_246 : vector<16xi1>, vector<16xi32>
        %mul3A_248 = arith.constant 16 : i32
        %mul3A_249 = arith.muli %add3A_221, %mul3A_248 : i32
        %swap3A = arith.constant 1 : i32
        %swap3A_250 = arith.index_cast %swap3A : i32 to index
        %swap3A_251 = arith.index_cast %mul3A_249 : i32 to index
        %swap3A_252 = tpu.vector_load %arg7[%swap3A_250, %swap3A_251] {strides = array<i32>} : memref<2x64xi32, #tpu.memory_space<vmem>>, vector<1x16xi32>,
        %swap3A_253 = vector.shape_cast %swap3A_252 : vector<1x16xi32> to vector<16xi32>
        %swap3A_254 = vector.shape_cast %select_n3A : vector<16xi32> to vector<1x16xi32>
        tpu.vector_store %arg7[%swap3A_250, %swap3A_251], %swap3A_254 {strides = array<i32>} : memref<2x64xi32, #tpu.memory_space<vmem>>, vector<1x16xi32>,
      }
      %scan3A_193 = arith.constant 4 : i32
      %dma_wait3A_194 = arith.constant 0 : i32
      %dma_wait3A_195 = arith.constant 0 : i32
      %dma_wait3A_196 = tpu.memref_slice %arg2[%dma_wait3A_194, %dma_wait3A_195] : memref<50176x128xf32, #tpu.memory_space<hbm>> -> memref<64x128xf32, #tpu.memory_space<hbm>>
      %dma_wait3A_197 = arith.constant 0 : i32
      %dma_wait3A_198 = arith.constant 0 : i32
      %dma_wait3A_199 = tpu.memref_slice %arg2[%dma_wait3A_197, %dma_wait3A_198] : memref<50176x128xf32, #tpu.memory_space<hbm>> -> memref<64x128xf32, #tpu.memory_space<hbm>>
      tpu.wait_dma2 semaphore(%arg12 : memref<!tpu.dma_semaphore, #tpu.memory_space<semaphore_mem>>) src(%dma_wait3A_199 : memref<64x128xf32, #tpu.memory_space<hbm>>) dst(%arg8 : memref<64x128xf32, #tpu.memory_space<vmem>>)
      %lt3A = arith.constant 19 : i32
      %lt3A_200 = arith.cmpi slt, %add3A_156, %lt3A : i32
      %convert_element_type3A_201 = arith.extui %lt3A_200 : i1 to i32
      %cond3A_202 = arith.constant 0 : i32
      %cond3A_203 = arith.cmpi ne, %convert_element_type3A_201, %cond3A_202 : i32
      scf.if %cond3A_203 {
        %add3A_217 = arith.constant 2 : i32
        %add3A_218 = arith.addi %mul3A_158, %add3A_217 : i32
        %dma_start3A_219 = arith.constant 0 : i32
        %dma_start3A_220 = tpu.memref_slice %arg6[%add3A_218, %dma_start3A_219] : memref<40x128xi32, #tpu.memory_space<vmem>> -> memref<1x64xi32, #tpu.memory_space<vmem>>
        %dma_start3A_221 = tpu.memref_squeeze %dma_start3A_220 : memref<1x64xi32, #tpu.memory_space<vmem>> -> memref<64xi32, #tpu.memory_space<vmem>>
        %dma_start3A_222 = arith.constant 0 : i32
        %dma_start3A_223 = arith.constant 0 : i32
        %dma_start3A_224 = tpu.memref_slice %arg2[%dma_start3A_222, %dma_start3A_223] : memref<50176x128xf32, #tpu.memory_space<hbm>> -> memref<50176x128xf32, #tpu.memory_space<hbm>>
        tpu.enqueue_indirect_dma source(%dma_start3A_224 : memref<50176x128xf32, #tpu.memory_space<hbm>>) target(%arg8 : memref<64x128xf32, #tpu.memory_space<vmem>>) offsets(%dma_start3A_221 : memref<64xi32, #tpu.memory_space<vmem>>) semaphore(%arg10 : memref<!tpu.dma_semaphore, #tpu.memory_space<semaphore_mem>>)
      } else {
      }
      %dma_wait3A_204 = arith.constant 0 : i32
      %dma_wait3A_205 = arith.constant 0 : i32
      %dma_wait3A_206 = tpu.memref_slice %arg2[%dma_wait3A_204, %dma_wait3A_205] : memref<50176x128xf32, #tpu.memory_space<hbm>> -> memref<64x128xf32, #tpu.memory_space<hbm>>
      %dma_wait3A_207 = arith.constant 0 : i32
      %dma_wait3A_208 = arith.constant 0 : i32
      %dma_wait3A_209 = tpu.memref_slice %arg2[%dma_wait3A_207, %dma_wait3A_208] : memref<50176x128xf32, #tpu.memory_space<hbm>> -> memref<64x128xf32, #tpu.memory_space<hbm>>
      tpu.wait_dma2 semaphore(%arg11 : memref<!tpu.dma_semaphore, #tpu.memory_space<semaphore_mem>>) src(%dma_wait3A_209 : memref<64x128xf32, #tpu.memory_space<hbm>>) dst(%arg9 : memref<64x128xf32, #tpu.memory_space<vmem>>)
      %dma_start3A_210 = arith.constant 1 : i32
      %dma_start3A_211 = arith.constant 0 : i32
      %dma_start3A_212 = tpu.memref_slice %arg7[%dma_start3A_210, %dma_start3A_211] : memref<2x64xi32, #tpu.memory_space<vmem>> -> memref<1x64xi32, #tpu.memory_space<vmem>>
      %dma_start3A_213 = tpu.memref_squeeze %dma_start3A_212 : memref<1x64xi32, #tpu.memory_space<vmem>> -> memref<64xi32, #tpu.memory_space<vmem>>
      %dma_start3A_214 = arith.constant 0 : i32
      %dma_start3A_215 = arith.constant 0 : i32
      %dma_start3A_216 = tpu.memref_slice %arg5[%dma_start3A_214, %dma_start3A_215] : memref<12800x128xf32, #tpu.memory_space<vmem_shared>> -> memref<12800x128xf32, #tpu.memory_space<vmem_shared>>
      tpu.enqueue_indirect_dma source(%arg9 : memref<64x128xf32, #tpu.memory_space<vmem>>) target(%dma_start3A_216 : memref<12800x128xf32, #tpu.memory_space<vmem_shared>>) offsets(%dma_start3A_213 : memref<64xi32, #tpu.memory_space<vmem>>) semaphore(%arg13 : memref<!tpu.dma_semaphore, #tpu.memory_space<semaphore_mem>>) {add = true}
    }
    %scan3A_120 = arith.constant 20 : i32
    %dma_wait3A_121 = arith.constant 0 : i32
    %dma_wait3A_122 = arith.constant 0 : i32
    %dma_wait3A_123 = tpu.memref_slice %arg2[%dma_wait3A_121, %dma_wait3A_122] : memref<50176x128xf32, #tpu.memory_space<hbm>> -> memref<64x128xf32, #tpu.memory_space<hbm>>
    %dma_wait3A_124 = arith.constant 0 : i32
    %dma_wait3A_125 = arith.constant 0 : i32
    %dma_wait3A_126 = tpu.memref_slice %arg2[%dma_wait3A_124, %dma_wait3A_125] : memref<50176x128xf32, #tpu.memory_space<hbm>> -> memref<64x128xf32, #tpu.memory_space<hbm>>
    tpu.wait_dma2 semaphore(%arg13 : memref<!tpu.dma_semaphore, #tpu.memory_space<semaphore_mem>>) src(%dma_wait3A_126 : memref<64x128xf32, #tpu.memory_space<hbm>>) dst(%arg9 : memref<64x128xf32, #tpu.memory_space<vmem>>)
    "tpu.region"() ({
      %run_scoped3A = tpu.sem_alloc : memref<!tpu.dma_semaphore, #tpu.memory_space<semaphore_mem>>
      %dma_start3A_152 = arith.constant 80 : i32
      %dma_start3A_153 = arith.constant 0 : i32
      %dma_start3A_154 = tpu.memref_slice %arg3[%arg1, %dma_start3A_152, %dma_start3A_153] : memref<16x120x128xi32, #tpu.memory_space<hbm>> -> memref<1x40x128xi32, #tpu.memory_space<hbm>>
      %dma_start3A_155 = tpu.memref_squeeze %dma_start3A_154 : memref<1x40x128xi32, #tpu.memory_space<hbm>> -> memref<40x128xi32, #tpu.memory_space<hbm>>
      %dma_start3A_156 = arith.constant 80 : i32
      %dma_start3A_157 = arith.constant 0 : i32
      %dma_start3A_158 = tpu.memref_slice %arg3[%arg1, %dma_start3A_156, %dma_start3A_157] : memref<16x120x128xi32, #tpu.memory_space<hbm>> -> memref<1x40x128xi32, #tpu.memory_space<hbm>>
      %dma_start3A_159 = tpu.memref_squeeze %dma_start3A_158 : memref<1x40x128xi32, #tpu.memory_space<hbm>> -> memref<40x128xi32, #tpu.memory_space<hbm>>
      tpu.enqueue_dma source(%dma_start3A_159 : memref<40x128xi32, #tpu.memory_space<hbm>>) target(%arg6 : memref<40x128xi32, #tpu.memory_space<vmem>>) target_semaphore(%run_scoped3A : memref<!tpu.dma_semaphore, #tpu.memory_space<semaphore_mem>>)
      %dma_wait3A_160 = arith.constant 80 : i32
      %dma_wait3A_161 = arith.constant 0 : i32
      %dma_wait3A_162 = tpu.memref_slice %arg3[%arg1, %dma_wait3A_160, %dma_wait3A_161] : memref<16x120x128xi32, #tpu.memory_space<hbm>> -> memref<1x40x128xi32, #tpu.memory_space<hbm>>
      %dma_wait3A_163 = tpu.memref_squeeze %dma_wait3A_162 : memref<1x40x128xi32, #tpu.memory_space<hbm>> -> memref<40x128xi32, #tpu.memory_space<hbm>>
      %dma_wait3A_164 = arith.constant 80 : i32
      %dma_wait3A_165 = arith.constant 0 : i32
      %dma_wait3A_166 = tpu.memref_slice %arg3[%arg1, %dma_wait3A_164, %dma_wait3A_165] : memref<16x120x128xi32, #tpu.memory_space<hbm>> -> memref<1x40x128xi32, #tpu.memory_space<hbm>>
      %dma_wait3A_167 = tpu.memref_squeeze %dma_wait3A_166 : memref<1x40x128xi32, #tpu.memory_space<hbm>> -> memref<40x128xi32, #tpu.memory_space<hbm>>
      tpu.wait_dma2 semaphore(%run_scoped3A : memref<!tpu.dma_semaphore, #tpu.memory_space<semaphore_mem>>) src(%dma_wait3A_167 : memref<40x128xi32, #tpu.memory_space<hbm>>) dst(%arg6 : memref<40x128xi32, #tpu.memory_space<vmem>>)
      tpu.yield
    }) : () -> ()
    %dma_start3A_127 = arith.constant 0 : i32
    %dma_start3A_128 = arith.constant 0 : i32
    %dma_start3A_129 = tpu.memref_slice %arg6[%dma_start3A_127, %dma_start3A_128] : memref<40x128xi32, #tpu.memory_space<vmem>> -> memref<1x64xi32, #tpu.memory_space<vmem>>
    %dma_start3A_130 = tpu.memref_squeeze %dma_start3A_129 : memref<1x64xi32, #tpu.memory_space<vmem>> -> memref<64xi32, #tpu.memory_space<vmem>>
    %dma_start3A_131 = arith.constant 0 : i32
    %dma_start3A_132 = arith.constant 0 : i32
    %dma_start3A_133 = tpu.memref_slice %arg2[%dma_start3A_131, %dma_start3A_132] : memref<50176x128xf32, #tpu.memory_space<hbm>> -> memref<50176x128xf32, #tpu.memory_space<hbm>>
    tpu.enqueue_indirect_dma source(%dma_start3A_133 : memref<50176x128xf32, #tpu.memory_space<hbm>>) target(%arg8 : memref<64x128xf32, #tpu.memory_space<vmem>>) offsets(%dma_start3A_130 : memref<64xi32, #tpu.memory_space<vmem>>) semaphore(%arg10 : memref<!tpu.dma_semaphore, #tpu.memory_space<semaphore_mem>>)
    %scan3A_134 = arith.constant 0 : i32
    %scan3A_135 = arith.constant 20 : i32
    %scan3A_136 = arith.addi %scan3A_134, %scan3A_135 : i32
    %scan3A_137 = arith.constant 1 : i32
    scf.for %scan3A_152 = %scan3A_134 to %scan3A_136 step %scan3A_137  : i32 {
      %mul3A_153 = arith.constant 1 : i32
      %mul3A_154 = arith.muli %scan3A_152, %mul3A_153 : i32
      %add3A_155 = arith.constant 0 : i32
      %add3A_156 = arith.addi %add3A_155, %mul3A_154 : i32
      %mul3A_157 = arith.constant 2 : i32
      %mul3A_158 = arith.muli %mul3A_157, %add3A_156 : i32
      %mul3A_159 = arith.constant 2 : i32
      %mul3A_160 = arith.muli %mul3A_159, %add3A_156 : i32
      %add3A_161 = arith.constant 1 : i32
      %add3A_162 = arith.addi %mul3A_160, %add3A_161 : i32
      %scan3A_163 = arith.constant 0 : i32
      %scan3A_164 = arith.constant 4 : i32
      %scan3A_165 = arith.addi %scan3A_163, %scan3A_164 : i32
      %scan3A_166 = arith.constant 1 : i32
      scf.for %scan3A_217 = %scan3A_163 to %scan3A_165 step %scan3A_166  : i32 {
        %mul3A_218 = arith.constant 1 : i32
        %mul3A_219 = arith.muli %scan3A_217, %mul3A_218 : i32
        %add3A_220 = arith.constant 0 : i32
        %add3A_221 = arith.addi %add3A_220, %mul3A_219 : i32
        %mul3A_222 = arith.constant 16 : i32
        %mul3A_223 = arith.muli %add3A_221, %mul3A_222 : i32
        %add3A_224 = arith.constant 64 : i32
        %add3A_225 = arith.addi %add3A_224, %mul3A_223 : i32
        %get3A = arith.index_cast %mul3A_158 : i32 to index
        %get3A_226 = arith.index_cast %add3A_225 : i32 to index
        %get3A_227 = tpu.vector_load %arg6[%get3A, %get3A_226] {strides = array<i32>} : memref<40x128xi32, #tpu.memory_space<vmem>>, vector<1x16xi32>,
        %get3A_228 = vector.shape_cast %get3A_227 : vector<1x16xi32> to vector<16xi32>
        %ge3A = vector.broadcast %mul3A_79 : i32 to vector<16xi32>
        %ge3A_229 = arith.cmpi sge, %get3A_228, %ge3A : vector<16xi32>
        %add3A_230 = arith.constant 12544 : i32
        %add3A_231 = arith.addi %mul3A_79, %add3A_230 : i32
        %lt3A_232 = vector.broadcast %add3A_231 : i32 to vector<16xi32>
        %lt3A_233 = arith.cmpi slt, %get3A_228, %lt3A_232 : vector<16xi32>
        %and3A = arith.andi %ge3A_229, %lt3A_233 : vector<16xi1>
        %mul3A_234 = arith.constant 64 : i32
        %mul3A_235 = arith.muli %mul3A_158, %mul3A_234 : i32
        %mul3A_236 = arith.constant 16 : i32
        %mul3A_237 = arith.muli %add3A_221, %mul3A_236 : i32
        %add3A_238 = arith.addi %mul3A_235, %mul3A_237 : i32
        %iota3A = tpu.iota {dimensions = array<i32: 0>} : vector<16xi32>
        %add3A_239 = vector.broadcast %add3A_238 : i32 to vector<16xi32>
        %add3A_240 = arith.addi %add3A_239, %iota3A : vector<16xi32>
        %and3A_241 = arith.constant 255 : i32
        %and3A_242 = vector.broadcast %and3A_241 : i32 to vector<16xi32>
        %and3A_243 = arith.andi %add3A_240, %and3A_242 : vector<16xi32>
        %add3A_244 = arith.constant 12544 : i32
        %add3A_245 = vector.broadcast %add3A_244 : i32 to vector<16xi32>
        %add3A_246 = arith.addi %add3A_245, %and3A_243 : vector<16xi32>
        %sub3A = vector.broadcast %mul3A_79 : i32 to vector<16xi32>
        %sub3A_247 = arith.subi %get3A_228, %sub3A : vector<16xi32>
        %select_n3A = arith.select %and3A, %sub3A_247, %add3A_246 : vector<16xi1>, vector<16xi32>
        %mul3A_248 = arith.constant 16 : i32
        %mul3A_249 = arith.muli %add3A_221, %mul3A_248 : i32
        %swap3A = arith.constant 0 : i32
        %swap3A_250 = arith.index_cast %swap3A : i32 to index
        %swap3A_251 = arith.index_cast %mul3A_249 : i32 to index
        %swap3A_252 = tpu.vector_load %arg7[%swap3A_250, %swap3A_251] {strides = array<i32>} : memref<2x64xi32, #tpu.memory_space<vmem>>, vector<1x16xi32>,
        %swap3A_253 = vector.shape_cast %swap3A_252 : vector<1x16xi32> to vector<16xi32>
        %swap3A_254 = vector.shape_cast %select_n3A : vector<16xi32> to vector<1x16xi32>
        tpu.vector_store %arg7[%swap3A_250, %swap3A_251], %swap3A_254 {strides = array<i32>} : memref<2x64xi32, #tpu.memory_space<vmem>>, vector<1x16xi32>,
      }
      %scan3A_167 = arith.constant 4 : i32
      %gt3A = arith.constant 0 : i32
      %gt3A_168 = arith.cmpi sgt, %add3A_156, %gt3A : i32
      %convert_element_type3A = arith.extui %gt3A_168 : i1 to i32
      %cond3A = arith.constant 0 : i32
      %cond3A_169 = arith.cmpi ne, %convert_element_type3A, %cond3A : i32
      scf.if %cond3A_169 {
        %dma_wait3A_217 = arith.constant 0 : i32
        %dma_wait3A_218 = arith.constant 0 : i32
        %dma_wait3A_219 = tpu.memref_slice %arg2[%dma_wait3A_217, %dma_wait3A_218] : memref<50176x128xf32, #tpu.memory_space<hbm>> -> memref<64x128xf32, #tpu.memory_space<hbm>>
        %dma_wait3A_220 = arith.constant 0 : i32
        %dma_wait3A_221 = arith.constant 0 : i32
        %dma_wait3A_222 = tpu.memref_slice %arg2[%dma_wait3A_220, %dma_wait3A_221] : memref<50176x128xf32, #tpu.memory_space<hbm>> -> memref<64x128xf32, #tpu.memory_space<hbm>>
        tpu.wait_dma2 semaphore(%arg13 : memref<!tpu.dma_semaphore, #tpu.memory_space<semaphore_mem>>) src(%dma_wait3A_222 : memref<64x128xf32, #tpu.memory_space<hbm>>) dst(%arg9 : memref<64x128xf32, #tpu.memory_space<vmem>>)
      } else {
      }
      %dma_start3A_170 = arith.constant 0 : i32
      %dma_start3A_171 = tpu.memref_slice %arg6[%add3A_162, %dma_start3A_170] : memref<40x128xi32, #tpu.memory_space<vmem>> -> memref<1x64xi32, #tpu.memory_space<vmem>>
      %dma_start3A_172 = tpu.memref_squeeze %dma_start3A_171 : memref<1x64xi32, #tpu.memory_space<vmem>> -> memref<64xi32, #tpu.memory_space<vmem>>
      %dma_start3A_173 = arith.constant 0 : i32
      %dma_start3A_174 = arith.constant 0 : i32
      %dma_start3A_175 = tpu.memref_slice %arg2[%dma_start3A_173, %dma_start3A_174] : memref<50176x128xf32, #tpu.memory_space<hbm>> -> memref<50176x128xf32, #tpu.memory_space<hbm>>
      tpu.enqueue_indirect_dma source(%dma_start3A_175 : memref<50176x128xf32, #tpu.memory_space<hbm>>) target(%arg9 : memref<64x128xf32, #tpu.memory_space<vmem>>) offsets(%dma_start3A_172 : memref<64xi32, #tpu.memory_space<vmem>>) semaphore(%arg11 : memref<!tpu.dma_semaphore, #tpu.memory_space<semaphore_mem>>)
      %dma_wait3A_176 = arith.constant 0 : i32
      %dma_wait3A_177 = arith.constant 0 : i32
      %dma_wait3A_178 = tpu.memref_slice %arg2[%dma_wait3A_176, %dma_wait3A_177] : memref<50176x128xf32, #tpu.memory_space<hbm>> -> memref<64x128xf32, #tpu.memory_space<hbm>>
      %dma_wait3A_179 = arith.constant 0 : i32
      %dma_wait3A_180 = arith.constant 0 : i32
      %dma_wait3A_181 = tpu.memref_slice %arg2[%dma_wait3A_179, %dma_wait3A_180] : memref<50176x128xf32, #tpu.memory_space<hbm>> -> memref<64x128xf32, #tpu.memory_space<hbm>>
      tpu.wait_dma2 semaphore(%arg10 : memref<!tpu.dma_semaphore, #tpu.memory_space<semaphore_mem>>) src(%dma_wait3A_181 : memref<64x128xf32, #tpu.memory_space<hbm>>) dst(%arg8 : memref<64x128xf32, #tpu.memory_space<vmem>>)
      %dma_start3A_182 = arith.constant 0 : i32
      %dma_start3A_183 = arith.constant 0 : i32
      %dma_start3A_184 = tpu.memref_slice %arg7[%dma_start3A_182, %dma_start3A_183] : memref<2x64xi32, #tpu.memory_space<vmem>> -> memref<1x64xi32, #tpu.memory_space<vmem>>
      %dma_start3A_185 = tpu.memref_squeeze %dma_start3A_184 : memref<1x64xi32, #tpu.memory_space<vmem>> -> memref<64xi32, #tpu.memory_space<vmem>>
      %dma_start3A_186 = arith.constant 0 : i32
      %dma_start3A_187 = arith.constant 0 : i32
      %dma_start3A_188 = tpu.memref_slice %arg5[%dma_start3A_186, %dma_start3A_187] : memref<12800x128xf32, #tpu.memory_space<vmem_shared>> -> memref<12800x128xf32, #tpu.memory_space<vmem_shared>>
      tpu.enqueue_indirect_dma source(%arg8 : memref<64x128xf32, #tpu.memory_space<vmem>>) target(%dma_start3A_188 : memref<12800x128xf32, #tpu.memory_space<vmem_shared>>) offsets(%dma_start3A_185 : memref<64xi32, #tpu.memory_space<vmem>>) semaphore(%arg12 : memref<!tpu.dma_semaphore, #tpu.memory_space<semaphore_mem>>) {add = true}
      %scan3A_189 = arith.constant 0 : i32
      %scan3A_190 = arith.constant 4 : i32
      %scan3A_191 = arith.addi %scan3A_189, %scan3A_190 : i32
      %scan3A_192 = arith.constant 1 : i32
      scf.for %scan3A_217 = %scan3A_189 to %scan3A_191 step %scan3A_192  : i32 {
        %mul3A_218 = arith.constant 1 : i32
        %mul3A_219 = arith.muli %scan3A_217, %mul3A_218 : i32
        %add3A_220 = arith.constant 0 : i32
        %add3A_221 = arith.addi %add3A_220, %mul3A_219 : i32
        %mul3A_222 = arith.constant 16 : i32
        %mul3A_223 = arith.muli %add3A_221, %mul3A_222 : i32
        %add3A_224 = arith.constant 64 : i32
        %add3A_225 = arith.addi %add3A_224, %mul3A_223 : i32
        %get3A = arith.index_cast %add3A_162 : i32 to index
        %get3A_226 = arith.index_cast %add3A_225 : i32 to index
        %get3A_227 = tpu.vector_load %arg6[%get3A, %get3A_226] {strides = array<i32>} : memref<40x128xi32, #tpu.memory_space<vmem>>, vector<1x16xi32>,
        %get3A_228 = vector.shape_cast %get3A_227 : vector<1x16xi32> to vector<16xi32>
        %ge3A = vector.broadcast %mul3A_79 : i32 to vector<16xi32>
        %ge3A_229 = arith.cmpi sge, %get3A_228, %ge3A : vector<16xi32>
        %add3A_230 = arith.constant 12544 : i32
        %add3A_231 = arith.addi %mul3A_79, %add3A_230 : i32
        %lt3A_232 = vector.broadcast %add3A_231 : i32 to vector<16xi32>
        %lt3A_233 = arith.cmpi slt, %get3A_228, %lt3A_232 : vector<16xi32>
        %and3A = arith.andi %ge3A_229, %lt3A_233 : vector<16xi1>
        %mul3A_234 = arith.constant 64 : i32
        %mul3A_235 = arith.muli %add3A_162, %mul3A_234 : i32
        %mul3A_236 = arith.constant 16 : i32
        %mul3A_237 = arith.muli %add3A_221, %mul3A_236 : i32
        %add3A_238 = arith.addi %mul3A_235, %mul3A_237 : i32
        %iota3A = tpu.iota {dimensions = array<i32: 0>} : vector<16xi32>
        %add3A_239 = vector.broadcast %add3A_238 : i32 to vector<16xi32>
        %add3A_240 = arith.addi %add3A_239, %iota3A : vector<16xi32>
        %and3A_241 = arith.constant 255 : i32
        %and3A_242 = vector.broadcast %and3A_241 : i32 to vector<16xi32>
        %and3A_243 = arith.andi %add3A_240, %and3A_242 : vector<16xi32>
        %add3A_244 = arith.constant 12544 : i32
        %add3A_245 = vector.broadcast %add3A_244 : i32 to vector<16xi32>
        %add3A_246 = arith.addi %add3A_245, %and3A_243 : vector<16xi32>
        %sub3A = vector.broadcast %mul3A_79 : i32 to vector<16xi32>
        %sub3A_247 = arith.subi %get3A_228, %sub3A : vector<16xi32>
        %select_n3A = arith.select %and3A, %sub3A_247, %add3A_246 : vector<16xi1>, vector<16xi32>
        %mul3A_248 = arith.constant 16 : i32
        %mul3A_249 = arith.muli %add3A_221, %mul3A_248 : i32
        %swap3A = arith.constant 1 : i32
        %swap3A_250 = arith.index_cast %swap3A : i32 to index
        %swap3A_251 = arith.index_cast %mul3A_249 : i32 to index
        %swap3A_252 = tpu.vector_load %arg7[%swap3A_250, %swap3A_251] {strides = array<i32>} : memref<2x64xi32, #tpu.memory_space<vmem>>, vector<1x16xi32>,
        %swap3A_253 = vector.shape_cast %swap3A_252 : vector<1x16xi32> to vector<16xi32>
        %swap3A_254 = vector.shape_cast %select_n3A : vector<16xi32> to vector<1x16xi32>
        tpu.vector_store %arg7[%swap3A_250, %swap3A_251], %swap3A_254 {strides = array<i32>} : memref<2x64xi32, #tpu.memory_space<vmem>>, vector<1x16xi32>,
      }
      %scan3A_193 = arith.constant 4 : i32
      %dma_wait3A_194 = arith.constant 0 : i32
      %dma_wait3A_195 = arith.constant 0 : i32
      %dma_wait3A_196 = tpu.memref_slice %arg2[%dma_wait3A_194, %dma_wait3A_195] : memref<50176x128xf32, #tpu.memory_space<hbm>> -> memref<64x128xf32, #tpu.memory_space<hbm>>
      %dma_wait3A_197 = arith.constant 0 : i32
      %dma_wait3A_198 = arith.constant 0 : i32
      %dma_wait3A_199 = tpu.memref_slice %arg2[%dma_wait3A_197, %dma_wait3A_198] : memref<50176x128xf32, #tpu.memory_space<hbm>> -> memref<64x128xf32, #tpu.memory_space<hbm>>
      tpu.wait_dma2 semaphore(%arg12 : memref<!tpu.dma_semaphore, #tpu.memory_space<semaphore_mem>>) src(%dma_wait3A_199 : memref<64x128xf32, #tpu.memory_space<hbm>>) dst(%arg8 : memref<64x128xf32, #tpu.memory_space<vmem>>)
      %lt3A = arith.constant 19 : i32
      %lt3A_200 = arith.cmpi slt, %add3A_156, %lt3A : i32
      %convert_element_type3A_201 = arith.extui %lt3A_200 : i1 to i32
      %cond3A_202 = arith.constant 0 : i32
      %cond3A_203 = arith.cmpi ne, %convert_element_type3A_201, %cond3A_202 : i32
      scf.if %cond3A_203 {
        %add3A_217 = arith.constant 2 : i32
        %add3A_218 = arith.addi %mul3A_158, %add3A_217 : i32
        %dma_start3A_219 = arith.constant 0 : i32
        %dma_start3A_220 = tpu.memref_slice %arg6[%add3A_218, %dma_start3A_219] : memref<40x128xi32, #tpu.memory_space<vmem>> -> memref<1x64xi32, #tpu.memory_space<vmem>>
        %dma_start3A_221 = tpu.memref_squeeze %dma_start3A_220 : memref<1x64xi32, #tpu.memory_space<vmem>> -> memref<64xi32, #tpu.memory_space<vmem>>
        %dma_start3A_222 = arith.constant 0 : i32
        %dma_start3A_223 = arith.constant 0 : i32
        %dma_start3A_224 = tpu.memref_slice %arg2[%dma_start3A_222, %dma_start3A_223] : memref<50176x128xf32, #tpu.memory_space<hbm>> -> memref<50176x128xf32, #tpu.memory_space<hbm>>
        tpu.enqueue_indirect_dma source(%dma_start3A_224 : memref<50176x128xf32, #tpu.memory_space<hbm>>) target(%arg8 : memref<64x128xf32, #tpu.memory_space<vmem>>) offsets(%dma_start3A_221 : memref<64xi32, #tpu.memory_space<vmem>>) semaphore(%arg10 : memref<!tpu.dma_semaphore, #tpu.memory_space<semaphore_mem>>)
      } else {
      }
      %dma_wait3A_204 = arith.constant 0 : i32
      %dma_wait3A_205 = arith.constant 0 : i32
      %dma_wait3A_206 = tpu.memref_slice %arg2[%dma_wait3A_204, %dma_wait3A_205] : memref<50176x128xf32, #tpu.memory_space<hbm>> -> memref<64x128xf32, #tpu.memory_space<hbm>>
      %dma_wait3A_207 = arith.constant 0 : i32
      %dma_wait3A_208 = arith.constant 0 : i32
      %dma_wait3A_209 = tpu.memref_slice %arg2[%dma_wait3A_207, %dma_wait3A_208] : memref<50176x128xf32, #tpu.memory_space<hbm>> -> memref<64x128xf32, #tpu.memory_space<hbm>>
      tpu.wait_dma2 semaphore(%arg11 : memref<!tpu.dma_semaphore, #tpu.memory_space<semaphore_mem>>) src(%dma_wait3A_209 : memref<64x128xf32, #tpu.memory_space<hbm>>) dst(%arg9 : memref<64x128xf32, #tpu.memory_space<vmem>>)
      %dma_start3A_210 = arith.constant 1 : i32
      %dma_start3A_211 = arith.constant 0 : i32
      %dma_start3A_212 = tpu.memref_slice %arg7[%dma_start3A_210, %dma_start3A_211] : memref<2x64xi32, #tpu.memory_space<vmem>> -> memref<1x64xi32, #tpu.memory_space<vmem>>
      %dma_start3A_213 = tpu.memref_squeeze %dma_start3A_212 : memref<1x64xi32, #tpu.memory_space<vmem>> -> memref<64xi32, #tpu.memory_space<vmem>>
      %dma_start3A_214 = arith.constant 0 : i32
      %dma_start3A_215 = arith.constant 0 : i32
      %dma_start3A_216 = tpu.memref_slice %arg5[%dma_start3A_214, %dma_start3A_215] : memref<12800x128xf32, #tpu.memory_space<vmem_shared>> -> memref<12800x128xf32, #tpu.memory_space<vmem_shared>>
      tpu.enqueue_indirect_dma source(%arg9 : memref<64x128xf32, #tpu.memory_space<vmem>>) target(%dma_start3A_216 : memref<12800x128xf32, #tpu.memory_space<vmem_shared>>) offsets(%dma_start3A_213 : memref<64xi32, #tpu.memory_space<vmem>>) semaphore(%arg13 : memref<!tpu.dma_semaphore, #tpu.memory_space<semaphore_mem>>) {add = true}
    }
    %scan3A_138 = arith.constant 20 : i32
    %dma_wait3A_139 = arith.constant 0 : i32
    %dma_wait3A_140 = arith.constant 0 : i32
    %dma_wait3A_141 = tpu.memref_slice %arg2[%dma_wait3A_139, %dma_wait3A_140] : memref<50176x128xf32, #tpu.memory_space<hbm>> -> memref<64x128xf32, #tpu.memory_space<hbm>>
    %dma_wait3A_142 = arith.constant 0 : i32
    %dma_wait3A_143 = arith.constant 0 : i32
    %dma_wait3A_144 = tpu.memref_slice %arg2[%dma_wait3A_142, %dma_wait3A_143] : memref<50176x128xf32, #tpu.memory_space<hbm>> -> memref<64x128xf32, #tpu.memory_space<hbm>>
    tpu.wait_dma2 semaphore(%arg13 : memref<!tpu.dma_semaphore, #tpu.memory_space<semaphore_mem>>) src(%dma_wait3A_144 : memref<64x128xf32, #tpu.memory_space<hbm>>) dst(%arg9 : memref<64x128xf32, #tpu.memory_space<vmem>>)
    %barrier3A_145 = arith.constant 0 : index
    tpu.barrier barrier_id(%barrier3A_145)
    %mul3A_146 = arith.constant 784 : i32
    %mul3A_147 = arith.muli %arg1, %mul3A_146 : i32
    %mul3A_148 = arith.constant 784 : i32
    %mul3A_149 = arith.muli %arg1, %mul3A_148 : i32
    %add3A_150 = arith.addi %mul3A_79, %mul3A_149 : i32
    "tpu.region"() ({
      %run_scoped3A = tpu.sem_alloc : memref<!tpu.dma_semaphore, #tpu.memory_space<semaphore_mem>>
      %dma_start3A_152 = arith.constant 0 : i32
      %dma_start3A_153 = tpu.memref_slice %arg4[%add3A_150, %dma_start3A_152] : memref<50176x128xf32, #tpu.memory_space<hbm>> -> memref<784x128xf32, #tpu.memory_space<hbm>>
      %dma_start3A_154 = arith.constant 0 : i32
      %dma_start3A_155 = tpu.memref_slice %arg5[%mul3A_147, %dma_start3A_154] : memref<12800x128xf32, #tpu.memory_space<vmem_shared>> -> memref<784x128xf32, #tpu.memory_space<vmem_shared>>
      tpu.enqueue_dma source(%dma_start3A_155 : memref<784x128xf32, #tpu.memory_space<vmem_shared>>) target(%dma_start3A_153 : memref<784x128xf32, #tpu.memory_space<hbm>>) target_semaphore(%run_scoped3A : memref<!tpu.dma_semaphore, #tpu.memory_space<semaphore_mem>>)
      %dma_wait3A_156 = arith.constant 0 : i32
      %dma_wait3A_157 = tpu.memref_slice %arg4[%add3A_150, %dma_wait3A_156] : memref<50176x128xf32, #tpu.memory_space<hbm>> -> memref<784x128xf32, #tpu.memory_space<hbm>>
      %dma_wait3A_158 = arith.constant 0 : i32
      %dma_wait3A_159 = tpu.memref_slice %arg5[%mul3A_147, %dma_wait3A_158] : memref<12800x128xf32, #tpu.memory_space<vmem_shared>> -> memref<784x128xf32, #tpu.memory_space<vmem_shared>>
      tpu.wait_dma2 semaphore(%run_scoped3A : memref<!tpu.dma_semaphore, #tpu.memory_space<semaphore_mem>>) src(%dma_wait3A_159 : memref<784x128xf32, #tpu.memory_space<vmem_shared>>) dst(%dma_wait3A_157 : memref<784x128xf32, #tpu.memory_space<hbm>>)
      tpu.yield
    }) : () -> ()
    %barrier3A_151 = arith.constant 0 : index
    tpu.barrier barrier_id(%barrier3A_151)
    return
  }
}

module attributes {stable_mosaic.version = 14 : i64} {
  func.func @_proj_body(%arg0: i32, %arg1: memref<10000x128xf32, #tpu.memory_space<vmem>>, %arg2: memref<128x128xf32, #tpu.memory_space<vmem>>, %arg3: memref<8x128xf32, #tpu.memory_space<vmem>>, %arg4: memref<10000x128xf32, #tpu.memory_space<vmem>>) attributes {dimension_semantics = [#tpu.dimension_semantics<arbitrary>], iteration_bounds = array<i64: 5>, scalar_prefetch = 0 : i64, scratch_operands = 0 : i64, tpu.core_type = #tpu.core_type<tc>, window_params = [{transform_indices = @transform_0, window_bounds = array<i64: 10000, 128>}, {pipeline_mode = #tpu.pipeline_mode<synchronous>, transform_indices = @transform_1, window_bounds = array<i64: 128, 128>}, {pipeline_mode = #tpu.pipeline_mode<synchronous>, transform_indices = @transform_2, window_bounds = array<i64: 8, 128>}, {transform_indices = @transform_3, window_bounds = array<i64: 10000, 128>}]} {
    %get3A = arith.constant 0 : index
    %get3A_0 = arith.constant 0 : index
    %get3A_1 = vector.load %arg1[%get3A, %get3A_0] : memref<10000x128xf32, #tpu.memory_space<vmem>>, vector<10000x128xf32>
    %get3A_2 = arith.constant 0 : index
    %get3A_3 = arith.constant 0 : index
    %get3A_4 = vector.load %arg2[%get3A_2, %get3A_3] : memref<128x128xf32, #tpu.memory_space<vmem>>, vector<128x128xf32>
    %dot_general3A = arith.constant dense<0.000000e+00> : vector<10000x128xf32>
    %dot_general3A_5 = tpu.matmul %get3A_1, %get3A_4, %dot_general3A {dimension_numbers = #tpu.dot_dimension_numbers<[1], [0], [0], [1], [0, 0, 1, 1], [], []>, transpose_lhs_hint = false} : vector<10000x128xf32>, vector<128x128xf32>, vector<10000x128xf32> -> vector<10000x128xf32>
    %get3A_6 = arith.constant 0 : index
    %get3A_7 = arith.constant 0 : index
    %get3A_8 = vector.load %arg3[%get3A_6, %get3A_7] : memref<8x128xf32, #tpu.memory_space<vmem>>, vector<1x128xf32>
    %add3A = vector.broadcast %get3A_8 : vector<1x128xf32> to vector<10000x128xf32>
    %add3A_9 = arith.addf %dot_general3A_5, %add3A : vector<10000x128xf32>
    %swap3A = arith.constant 0 : index
    %swap3A_10 = arith.constant 0 : index
    %swap3A_11 = vector.load %arg4[%swap3A, %swap3A_10] : memref<10000x128xf32, #tpu.memory_space<vmem>>, vector<10000x128xf32>
    tpu.vector_store %arg4[%swap3A, %swap3A_10], %add3A_9 {strides = array<i32>} : memref<10000x128xf32, #tpu.memory_space<vmem>>, vector<10000x128xf32>,
    return
  }
  func.func @transform_0(%arg0: i32) -> (i32, i32) {
    %c0_i32 = arith.constant 0 : i32
    %c0_i32_0 = arith.constant 0 : i32
    return %arg0, %c0_i32 : i32, i32
  }
  func.func @transform_1(%arg0: i32) -> (i32, i32) {
    %c0_i32 = arith.constant 0 : i32
    %c0_i32_0 = arith.constant 0 : i32
    %c0_i32_1 = arith.constant 0 : i32
    return %c0_i32, %c0_i32_0 : i32, i32
  }
  func.func @transform_2(%arg0: i32) -> (i32, i32) {
    %c0_i32 = arith.constant 0 : i32
    %c0_i32_0 = arith.constant 0 : i32
    %c0_i32_1 = arith.constant 0 : i32
    return %c0_i32, %c0_i32_0 : i32, i32
  }
  func.func @transform_3(%arg0: i32) -> (i32, i32) {
    %c0_i32 = arith.constant 0 : i32
    %c0_i32_0 = arith.constant 0 : i32
    return %arg0, %c0_i32 : i32, i32
  }
}

module attributes {stable_mosaic.version = 14 : i64} {
  func.func @_p1_body(%arg0: i32, %arg1: memref<1x1xf32, #tpu.memory_space<smem>>, %arg2: memref<10000x128xf32, #tpu.memory_space<vmem>>, %arg3: memref<10000x128xf32, #tpu.memory_space<vmem>>, %arg4: memref<128x128xf32, #tpu.memory_space<vmem>>, %arg5: memref<10000x128xf32, #tpu.memory_space<vmem>>, %arg6: memref<8x128xf32, #tpu.memory_space<vmem>>) attributes {dimension_semantics = [#tpu.dimension_semantics<arbitrary>], iteration_bounds = array<i64: 5>, scalar_prefetch = 0 : i64, scratch_operands = 0 : i64, tpu.core_type = #tpu.core_type<tc>, window_params = [{transform_indices = @transform_0, window_bounds = array<i64: 1, 1>}, {transform_indices = @transform_1, window_bounds = array<i64: 10000, 128>}, {transform_indices = @transform_2, window_bounds = array<i64: 10000, 128>}, {pipeline_mode = #tpu.pipeline_mode<synchronous>, transform_indices = @transform_3, window_bounds = array<i64: 128, 128>}, {transform_indices = @transform_4, window_bounds = array<i64: 10000, 128>}, {pipeline_mode = #tpu.pipeline_mode<synchronous>, transform_indices = @transform_5, window_bounds = array<i64: 8, 128>}]} {
    %get3A = arith.constant 0 : index
    %get3A_0 = arith.constant 0 : index
    %get3A_1 = memref.load %arg1[%get3A, %get3A_0] : memref<1x1xf32, #tpu.memory_space<smem>>
    %get3A_2 = arith.constant 0 : index
    %get3A_3 = arith.constant 0 : index
    %get3A_4 = vector.load %arg2[%get3A_2, %get3A_3] : memref<10000x128xf32, #tpu.memory_space<vmem>>, vector<10000x128xf32>
    %mul3A = vector.broadcast %get3A_1 : f32 to vector<10000x128xf32>
    %mul3A_5 = arith.mulf %mul3A, %get3A_4 : vector<10000x128xf32>
    %get3A_6 = arith.constant 0 : index
    %get3A_7 = arith.constant 0 : index
    %get3A_8 = vector.load %arg3[%get3A_6, %get3A_7] : memref<10000x128xf32, #tpu.memory_space<vmem>>, vector<10000x128xf32>
    %add3A = arith.addf %mul3A_5, %get3A_8 : vector<10000x128xf32>
    %get3A_9 = arith.constant 0 : index
    %get3A_10 = arith.constant 0 : index
    %get3A_11 = vector.load %arg4[%get3A_9, %get3A_10] : memref<128x128xf32, #tpu.memory_space<vmem>>, vector<128x128xf32>
    %dot_general3A = arith.constant dense<0.000000e+00> : vector<10000x128xf32>
    %dot_general3A_12 = tpu.matmul %add3A, %get3A_11, %dot_general3A {dimension_numbers = #tpu.dot_dimension_numbers<[1], [0], [0], [1], [0, 0, 1, 1], [], []>, transpose_lhs_hint = false} : vector<10000x128xf32>, vector<128x128xf32>, vector<10000x128xf32> -> vector<10000x128xf32>
    %swap3A = arith.constant 0 : index
    %swap3A_13 = arith.constant 0 : index
    %swap3A_14 = vector.load %arg5[%swap3A, %swap3A_13] : memref<10000x128xf32, #tpu.memory_space<vmem>>, vector<10000x128xf32>
    tpu.vector_store %arg5[%swap3A, %swap3A_13], %dot_general3A_12 {strides = array<i32>} : memref<10000x128xf32, #tpu.memory_space<vmem>>, vector<10000x128xf32>,
    %reduce_sum3A = arith.constant dense<0.000000e+00> : vector<128xf32>
    %reduce_sum3A_15 = vector.multi_reduction <add>, %dot_general3A_12, %reduce_sum3A [0] : vector<10000x128xf32> to vector<128xf32>
    %broadcast_in_dim3A = vector.shape_cast %reduce_sum3A_15 : vector<128xf32> to vector<1x128xf32>
    %mul3A_16 = arith.mulf %dot_general3A_12, %dot_general3A_12 : vector<10000x128xf32>
    %reduce_sum3A_17 = arith.constant dense<0.000000e+00> : vector<128xf32>
    %reduce_sum3A_18 = vector.multi_reduction <add>, %mul3A_16, %reduce_sum3A_17 [0] : vector<10000x128xf32> to vector<128xf32>
    %broadcast_in_dim3A_19 = vector.shape_cast %reduce_sum3A_18 : vector<128xf32> to vector<1x128xf32>
    %broadcast_in_dim3A_20 = arith.constant 0.000000e+00 : f32
    %broadcast_in_dim3A_21 = vector.broadcast %broadcast_in_dim3A_20 : f32 to vector<6x128xf32>
    %concatenate3A = tpu.concatenate %broadcast_in_dim3A, %broadcast_in_dim3A_19, %broadcast_in_dim3A_21 in 0 : vector<1x128xf32>, vector<1x128xf32>, vector<6x128xf32> -> vector<8x128xf32>
    %eq3A = arith.constant 0 : i32
    %eq3A_22 = arith.cmpi eq, %arg0, %eq3A : i32
    %convert_element_type3A = arith.extui %eq3A_22 : i1 to i32
    %cond3A = arith.constant 0 : i32
    %cond3A_23 = arith.cmpi ne, %convert_element_type3A, %cond3A : i32
    scf.if %cond3A_23 {
      %swap3A_28 = arith.constant 0 : index
      %swap3A_29 = arith.constant 0 : index
      %swap3A_30 = vector.load %arg6[%swap3A_28, %swap3A_29] : memref<8x128xf32, #tpu.memory_space<vmem>>, vector<8x128xf32>
      tpu.vector_store %arg6[%swap3A_28, %swap3A_29], %concatenate3A {strides = array<i32>} : memref<8x128xf32, #tpu.memory_space<vmem>>, vector<8x128xf32>,
    } else {
    }
    %gt3A = arith.constant 0 : i32
    %gt3A_24 = arith.cmpi sgt, %arg0, %gt3A : i32
    %convert_element_type3A_25 = arith.extui %gt3A_24 : i1 to i32
    %cond3A_26 = arith.constant 0 : i32
    %cond3A_27 = arith.cmpi ne, %convert_element_type3A_25, %cond3A_26 : i32
    scf.if %cond3A_27 {
      %get3A_28 = arith.constant 0 : index
      %get3A_29 = arith.constant 0 : index
      %get3A_30 = vector.load %arg6[%get3A_28, %get3A_29] : memref<8x128xf32, #tpu.memory_space<vmem>>, vector<8x128xf32>
      %add3A_31 = arith.addf %get3A_30, %concatenate3A : vector<8x128xf32>
      %swap3A_32 = arith.constant 0 : index
      %swap3A_33 = arith.constant 0 : index
      %swap3A_34 = vector.load %arg6[%swap3A_32, %swap3A_33] : memref<8x128xf32, #tpu.memory_space<vmem>>, vector<8x128xf32>
      tpu.vector_store %arg6[%swap3A_32, %swap3A_33], %add3A_31 {strides = array<i32>} : memref<8x128xf32, #tpu.memory_space<vmem>>, vector<8x128xf32>,
    } else {
    }
    return
  }
  func.func @transform_0(%arg0: i32) -> (i32, i32) {
    %c0_i32 = arith.constant 0 : i32
    %c0_i32_0 = arith.constant 0 : i32
    %c0_i32_1 = arith.constant 0 : i32
    return %c0_i32, %c0_i32_0 : i32, i32
  }
  func.func @transform_1(%arg0: i32) -> (i32, i32) {
    %c0_i32 = arith.constant 0 : i32
    %c0_i32_0 = arith.constant 0 : i32
    return %arg0, %c0_i32 : i32, i32
  }
  func.func @transform_2(%arg0: i32) -> (i32, i32) {
    %c0_i32 = arith.constant 0 : i32
    %c0_i32_0 = arith.constant 0 : i32
    return %arg0, %c0_i32 : i32, i32
  }
  func.func @transform_3(%arg0: i32) -> (i32, i32) {
    %c0_i32 = arith.constant 0 : i32
    %c0_i32_0 = arith.constant 0 : i32
    %c0_i32_1 = arith.constant 0 : i32
    return %c0_i32, %c0_i32_0 : i32, i32
  }
  func.func @transform_4(%arg0: i32) -> (i32, i32) {
    %c0_i32 = arith.constant 0 : i32
    %c0_i32_0 = arith.constant 0 : i32
    return %arg0, %c0_i32 : i32, i32
  }
  func.func @transform_5(%arg0: i32) -> (i32, i32) {
    %c0_i32 = arith.constant 0 : i32
    %c0_i32_0 = arith.constant 0 : i32
    %c0_i32_1 = arith.constant 0 : i32
    return %c0_i32, %c0_i32_0 : i32, i32
  }
}

module attributes {stable_mosaic.version = 14 : i64} {
  func.func @_p2_body(%arg0: i32, %arg1: memref<10000x128xf32, #tpu.memory_space<vmem>>, %arg2: memref<8x128xf32, #tpu.memory_space<vmem>>, %arg3: memref<8x128xf32, #tpu.memory_space<vmem>>, %arg4: memref<8x128xf32, #tpu.memory_space<vmem>>, %arg5: memref<128x128xf32, #tpu.memory_space<vmem>>, %arg6: memref<10000x128xf32, #tpu.memory_space<vmem>>, %arg7: memref<8x128xf32, #tpu.memory_space<vmem>>) attributes {dimension_semantics = [#tpu.dimension_semantics<arbitrary>], iteration_bounds = array<i64: 5>, scalar_prefetch = 0 : i64, scratch_operands = 0 : i64, tpu.core_type = #tpu.core_type<tc>, window_params = [{transform_indices = @transform_0, window_bounds = array<i64: 10000, 128>}, {pipeline_mode = #tpu.pipeline_mode<synchronous>, transform_indices = @transform_1, window_bounds = array<i64: 8, 128>}, {pipeline_mode = #tpu.pipeline_mode<synchronous>, transform_indices = @transform_2, window_bounds = array<i64: 8, 128>}, {pipeline_mode = #tpu.pipeline_mode<synchronous>, transform_indices = @transform_3, window_bounds = array<i64: 8, 128>}, {pipeline_mode = #tpu.pipeline_mode<synchronous>, transform_indices = @transform_4, window_bounds = array<i64: 128, 128>}, {transform_indices = @transform_5, window_bounds = array<i64: 10000, 128>}, {pipeline_mode = #tpu.pipeline_mode<synchronous>, transform_indices = @transform_6, window_bounds = array<i64: 8, 128>}]} {
    %get3A = arith.constant 0 : index
    %get3A_0 = arith.constant 0 : index
    %get3A_1 = vector.load %arg2[%get3A, %get3A_0] : memref<8x128xf32, #tpu.memory_space<vmem>>, vector<1x128xf32>
    %mul3A = arith.constant 2.000000e-05 : f32
    %mul3A_2 = vector.broadcast %mul3A : f32 to vector<1x128xf32>
    %mul3A_3 = arith.mulf %get3A_1, %mul3A_2 : vector<1x128xf32>
    %get3A_4 = arith.constant 1 : index
    %get3A_5 = arith.constant 0 : index
    %get3A_6 = vector.load %arg2[%get3A_4, %get3A_5] : memref<8x128xf32, #tpu.memory_space<vmem>>, vector<1x128xf32>
    %mul3A_7 = arith.constant 2.000000e-05 : f32
    %mul3A_8 = vector.broadcast %mul3A_7 : f32 to vector<1x128xf32>
    %mul3A_9 = arith.mulf %get3A_6, %mul3A_8 : vector<1x128xf32>
    %mul3A_10 = arith.mulf %mul3A_3, %mul3A_3 : vector<1x128xf32>
    %sub3A = arith.subf %mul3A_9, %mul3A_10 : vector<1x128xf32>
    %get3A_11 = arith.constant 0 : index
    %get3A_12 = arith.constant 0 : index
    %get3A_13 = vector.load %arg3[%get3A_11, %get3A_12] : memref<8x128xf32, #tpu.memory_space<vmem>>, vector<1x128xf32>
    %add3A = arith.constant 9.99999974E-6 : f32
    %add3A_14 = vector.broadcast %add3A : f32 to vector<1x128xf32>
    %add3A_15 = arith.addf %sub3A, %add3A_14 : vector<1x128xf32>
    %rsqrt3A = math.rsqrt %add3A_15 : vector<1x128xf32>
    %mul3A_16 = arith.mulf %get3A_13, %rsqrt3A : vector<1x128xf32>
    %get3A_17 = arith.constant 0 : index
    %get3A_18 = arith.constant 0 : index
    %get3A_19 = vector.load %arg4[%get3A_17, %get3A_18] : memref<8x128xf32, #tpu.memory_space<vmem>>, vector<1x128xf32>
    %mul3A_20 = arith.mulf %mul3A_3, %mul3A_16 : vector<1x128xf32>
    %sub3A_21 = arith.subf %get3A_19, %mul3A_20 : vector<1x128xf32>
    %get3A_22 = arith.constant 0 : index
    %get3A_23 = arith.constant 0 : index
    %get3A_24 = vector.load %arg1[%get3A_22, %get3A_23] : memref<10000x128xf32, #tpu.memory_space<vmem>>, vector<10000x128xf32>
    %mul3A_25 = vector.broadcast %mul3A_16 : vector<1x128xf32> to vector<10000x128xf32>
    %mul3A_26 = arith.mulf %get3A_24, %mul3A_25 : vector<10000x128xf32>
    %add3A_27 = vector.broadcast %sub3A_21 : vector<1x128xf32> to vector<10000x128xf32>
    %add3A_28 = arith.addf %mul3A_26, %add3A_27 : vector<10000x128xf32>
    %max3A = arith.constant 0.000000e+00 : f32
    %max3A_29 = vector.broadcast %max3A : f32 to vector<10000x128xf32>
    %max3A_30 = arith.maximumf %add3A_28, %max3A_29 : vector<10000x128xf32>
    %get3A_31 = arith.constant 0 : index
    %get3A_32 = arith.constant 0 : index
    %get3A_33 = vector.load %arg5[%get3A_31, %get3A_32] : memref<128x128xf32, #tpu.memory_space<vmem>>, vector<128x128xf32>
    %dot_general3A = arith.constant dense<0.000000e+00> : vector<10000x128xf32>
    %dot_general3A_34 = tpu.matmul %max3A_30, %get3A_33, %dot_general3A {dimension_numbers = #tpu.dot_dimension_numbers<[1], [0], [0], [1], [0, 0, 1, 1], [], []>, transpose_lhs_hint = false} : vector<10000x128xf32>, vector<128x128xf32>, vector<10000x128xf32> -> vector<10000x128xf32>
    %swap3A = arith.constant 0 : index
    %swap3A_35 = arith.constant 0 : index
    %swap3A_36 = vector.load %arg6[%swap3A, %swap3A_35] : memref<10000x128xf32, #tpu.memory_space<vmem>>, vector<10000x128xf32>
    tpu.vector_store %arg6[%swap3A, %swap3A_35], %dot_general3A_34 {strides = array<i32>} : memref<10000x128xf32, #tpu.memory_space<vmem>>, vector<10000x128xf32>,
    %reduce_sum3A = arith.constant dense<0.000000e+00> : vector<128xf32>
    %reduce_sum3A_37 = vector.multi_reduction <add>, %dot_general3A_34, %reduce_sum3A [0] : vector<10000x128xf32> to vector<128xf32>
    %broadcast_in_dim3A = vector.shape_cast %reduce_sum3A_37 : vector<128xf32> to vector<1x128xf32>
    %mul3A_38 = arith.mulf %dot_general3A_34, %dot_general3A_34 : vector<10000x128xf32>
    %reduce_sum3A_39 = arith.constant dense<0.000000e+00> : vector<128xf32>
    %reduce_sum3A_40 = vector.multi_reduction <add>, %mul3A_38, %reduce_sum3A_39 [0] : vector<10000x128xf32> to vector<128xf32>
    %broadcast_in_dim3A_41 = vector.shape_cast %reduce_sum3A_40 : vector<128xf32> to vector<1x128xf32>
    %broadcast_in_dim3A_42 = arith.constant 0.000000e+00 : f32
    %broadcast_in_dim3A_43 = vector.broadcast %broadcast_in_dim3A_42 : f32 to vector<6x128xf32>
    %concatenate3A = tpu.concatenate %broadcast_in_dim3A, %broadcast_in_dim3A_41, %broadcast_in_dim3A_43 in 0 : vector<1x128xf32>, vector<1x128xf32>, vector<6x128xf32> -> vector<8x128xf32>
    %eq3A = arith.constant 0 : i32
    %eq3A_44 = arith.cmpi eq, %arg0, %eq3A : i32
    %convert_element_type3A = arith.extui %eq3A_44 : i1 to i32
    %cond3A = arith.constant 0 : i32
    %cond3A_45 = arith.cmpi ne, %convert_element_type3A, %cond3A : i32
    scf.if %cond3A_45 {
      %swap3A_50 = arith.constant 0 : index
      %swap3A_51 = arith.constant 0 : index
      %swap3A_52 = vector.load %arg7[%swap3A_50, %swap3A_51] : memref<8x128xf32, #tpu.memory_space<vmem>>, vector<8x128xf32>
      tpu.vector_store %arg7[%swap3A_50, %swap3A_51], %concatenate3A {strides = array<i32>} : memref<8x128xf32, #tpu.memory_space<vmem>>, vector<8x128xf32>,
    } else {
    }
    %gt3A = arith.constant 0 : i32
    %gt3A_46 = arith.cmpi sgt, %arg0, %gt3A : i32
    %convert_element_type3A_47 = arith.extui %gt3A_46 : i1 to i32
    %cond3A_48 = arith.constant 0 : i32
    %cond3A_49 = arith.cmpi ne, %convert_element_type3A_47, %cond3A_48 : i32
    scf.if %cond3A_49 {
      %get3A_50 = arith.constant 0 : index
      %get3A_51 = arith.constant 0 : index
      %get3A_52 = vector.load %arg7[%get3A_50, %get3A_51] : memref<8x128xf32, #tpu.memory_space<vmem>>, vector<8x128xf32>
      %add3A_53 = arith.addf %get3A_52, %concatenate3A : vector<8x128xf32>
      %swap3A_54 = arith.constant 0 : index
      %swap3A_55 = arith.constant 0 : index
      %swap3A_56 = vector.load %arg7[%swap3A_54, %swap3A_55] : memref<8x128xf32, #tpu.memory_space<vmem>>, vector<8x128xf32>
      tpu.vector_store %arg7[%swap3A_54, %swap3A_55], %add3A_53 {strides = array<i32>} : memref<8x128xf32, #tpu.memory_space<vmem>>, vector<8x128xf32>,
    } else {
    }
    return
  }
  func.func @transform_0(%arg0: i32) -> (i32, i32) {
    %c0_i32 = arith.constant 0 : i32
    %c0_i32_0 = arith.constant 0 : i32
    return %arg0, %c0_i32 : i32, i32
  }
  func.func @transform_1(%arg0: i32) -> (i32, i32) {
    %c0_i32 = arith.constant 0 : i32
    %c0_i32_0 = arith.constant 0 : i32
    %c0_i32_1 = arith.constant 0 : i32
    return %c0_i32, %c0_i32_0 : i32, i32
  }
  func.func @transform_2(%arg0: i32) -> (i32, i32) {
    %c0_i32 = arith.constant 0 : i32
    %c0_i32_0 = arith.constant 0 : i32
    %c0_i32_1 = arith.constant 0 : i32
    return %c0_i32, %c0_i32_0 : i32, i32
  }
  func.func @transform_3(%arg0: i32) -> (i32, i32) {
    %c0_i32 = arith.constant 0 : i32
    %c0_i32_0 = arith.constant 0 : i32
    %c0_i32_1 = arith.constant 0 : i32
    return %c0_i32, %c0_i32_0 : i32, i32
  }
  func.func @transform_4(%arg0: i32) -> (i32, i32) {
    %c0_i32 = arith.constant 0 : i32
    %c0_i32_0 = arith.constant 0 : i32
    %c0_i32_1 = arith.constant 0 : i32
    return %c0_i32, %c0_i32_0 : i32, i32
  }
  func.func @transform_5(%arg0: i32) -> (i32, i32) {
    %c0_i32 = arith.constant 0 : i32
    %c0_i32_0 = arith.constant 0 : i32
    return %arg0, %c0_i32 : i32, i32
  }
  func.func @transform_6(%arg0: i32) -> (i32, i32) {
    %c0_i32 = arith.constant 0 : i32
    %c0_i32_0 = arith.constant 0 : i32
    %c0_i32_1 = arith.constant 0 : i32
    return %c0_i32, %c0_i32_0 : i32, i32
  }
}

module attributes {stable_mosaic.version = 14 : i64} {
  func.func @_combine_body(%arg0: i32, %arg1: memref<1x1xf32, #tpu.memory_space<smem>>, %arg2: memref<10000x128xf32, #tpu.memory_space<vmem>>, %arg3: memref<10000x128xf32, #tpu.memory_space<vmem>>, %arg4: memref<8x128xf32, #tpu.memory_space<vmem>>, %arg5: memref<8x128xf32, #tpu.memory_space<vmem>>, %arg6: memref<8x128xf32, #tpu.memory_space<vmem>>, %arg7: memref<10000x128xf32, #tpu.memory_space<vmem>>) attributes {dimension_semantics = [#tpu.dimension_semantics<arbitrary>], iteration_bounds = array<i64: 5>, scalar_prefetch = 0 : i64, scratch_operands = 0 : i64, tpu.core_type = #tpu.core_type<tc>, window_params = [{transform_indices = @transform_0, window_bounds = array<i64: 1, 1>}, {transform_indices = @transform_1, window_bounds = array<i64: 10000, 128>}, {transform_indices = @transform_2, window_bounds = array<i64: 10000, 128>}, {pipeline_mode = #tpu.pipeline_mode<synchronous>, transform_indices = @transform_3, window_bounds = array<i64: 8, 128>}, {pipeline_mode = #tpu.pipeline_mode<synchronous>, transform_indices = @transform_4, window_bounds = array<i64: 8, 128>}, {pipeline_mode = #tpu.pipeline_mode<synchronous>, transform_indices = @transform_5, window_bounds = array<i64: 8, 128>}, {transform_indices = @transform_6, window_bounds = array<i64: 10000, 128>}]} {
    %get3A = arith.constant 0 : index
    %get3A_0 = arith.constant 0 : index
    %get3A_1 = vector.load %arg4[%get3A, %get3A_0] : memref<8x128xf32, #tpu.memory_space<vmem>>, vector<1x128xf32>
    %mul3A = arith.constant 2.000000e-05 : f32
    %mul3A_2 = vector.broadcast %mul3A : f32 to vector<1x128xf32>
    %mul3A_3 = arith.mulf %get3A_1, %mul3A_2 : vector<1x128xf32>
    %get3A_4 = arith.constant 1 : index
    %get3A_5 = arith.constant 0 : index
    %get3A_6 = vector.load %arg4[%get3A_4, %get3A_5] : memref<8x128xf32, #tpu.memory_space<vmem>>, vector<1x128xf32>
    %mul3A_7 = arith.constant 2.000000e-05 : f32
    %mul3A_8 = vector.broadcast %mul3A_7 : f32 to vector<1x128xf32>
    %mul3A_9 = arith.mulf %get3A_6, %mul3A_8 : vector<1x128xf32>
    %mul3A_10 = arith.mulf %mul3A_3, %mul3A_3 : vector<1x128xf32>
    %sub3A = arith.subf %mul3A_9, %mul3A_10 : vector<1x128xf32>
    %get3A_11 = arith.constant 0 : index
    %get3A_12 = arith.constant 0 : index
    %get3A_13 = vector.load %arg5[%get3A_11, %get3A_12] : memref<8x128xf32, #tpu.memory_space<vmem>>, vector<1x128xf32>
    %add3A = arith.constant 9.99999974E-6 : f32
    %add3A_14 = vector.broadcast %add3A : f32 to vector<1x128xf32>
    %add3A_15 = arith.addf %sub3A, %add3A_14 : vector<1x128xf32>
    %rsqrt3A = math.rsqrt %add3A_15 : vector<1x128xf32>
    %mul3A_16 = arith.mulf %get3A_13, %rsqrt3A : vector<1x128xf32>
    %get3A_17 = arith.constant 0 : index
    %get3A_18 = arith.constant 0 : index
    %get3A_19 = vector.load %arg6[%get3A_17, %get3A_18] : memref<8x128xf32, #tpu.memory_space<vmem>>, vector<1x128xf32>
    %mul3A_20 = arith.mulf %mul3A_3, %mul3A_16 : vector<1x128xf32>
    %sub3A_21 = arith.subf %get3A_19, %mul3A_20 : vector<1x128xf32>
    %get3A_22 = arith.constant 0 : index
    %get3A_23 = arith.constant 0 : index
    %get3A_24 = vector.load %arg2[%get3A_22, %get3A_23] : memref<10000x128xf32, #tpu.memory_space<vmem>>, vector<10000x128xf32>
    %get3A_25 = arith.constant 0 : index
    %get3A_26 = arith.constant 0 : index
    %get3A_27 = vector.load %arg3[%get3A_25, %get3A_26] : memref<10000x128xf32, #tpu.memory_space<vmem>>, vector<10000x128xf32>
    %mul3A_28 = vector.broadcast %mul3A_16 : vector<1x128xf32> to vector<10000x128xf32>
    %mul3A_29 = arith.mulf %get3A_27, %mul3A_28 : vector<10000x128xf32>
    %add3A_30 = arith.addf %get3A_24, %mul3A_29 : vector<10000x128xf32>
    %add3A_31 = vector.broadcast %sub3A_21 : vector<1x128xf32> to vector<10000x128xf32>
    %add3A_32 = arith.addf %add3A_30, %add3A_31 : vector<10000x128xf32>
    %gt3A = arith.constant 0.000000e+00 : f32
    %gt3A_33 = vector.broadcast %gt3A : f32 to vector<10000x128xf32>
    %gt3A_34 = arith.cmpf ogt, %add3A_32, %gt3A_33 : vector<10000x128xf32>
    %get3A_35 = arith.constant 0 : index
    %get3A_36 = arith.constant 0 : index
    %get3A_37 = memref.load %arg1[%get3A_35, %get3A_36] : memref<1x1xf32, #tpu.memory_space<smem>>
    %mul3A_38 = vector.broadcast %get3A_37 : f32 to vector<10000x128xf32>
    %mul3A_39 = arith.mulf %mul3A_38, %add3A_32 : vector<10000x128xf32>
    %select_n3A = arith.select %gt3A_34, %add3A_32, %mul3A_39 : vector<10000x128xi1>, vector<10000x128xf32>
    %swap3A = arith.constant 0 : index
    %swap3A_40 = arith.constant 0 : index
    %swap3A_41 = vector.load %arg7[%swap3A, %swap3A_40] : memref<10000x128xf32, #tpu.memory_space<vmem>>, vector<10000x128xf32>
    tpu.vector_store %arg7[%swap3A, %swap3A_40], %select_n3A {strides = array<i32>} : memref<10000x128xf32, #tpu.memory_space<vmem>>, vector<10000x128xf32>,
    return
  }
  func.func @transform_0(%arg0: i32) -> (i32, i32) {
    %c0_i32 = arith.constant 0 : i32
    %c0_i32_0 = arith.constant 0 : i32
    %c0_i32_1 = arith.constant 0 : i32
    return %c0_i32, %c0_i32_0 : i32, i32
  }
  func.func @transform_1(%arg0: i32) -> (i32, i32) {
    %c0_i32 = arith.constant 0 : i32
    %c0_i32_0 = arith.constant 0 : i32
    return %arg0, %c0_i32 : i32, i32
  }
  func.func @transform_2(%arg0: i32) -> (i32, i32) {
    %c0_i32 = arith.constant 0 : i32
    %c0_i32_0 = arith.constant 0 : i32
    return %arg0, %c0_i32 : i32, i32
  }
  func.func @transform_3(%arg0: i32) -> (i32, i32) {
    %c0_i32 = arith.constant 0 : i32
    %c0_i32_0 = arith.constant 0 : i32
    %c0_i32_1 = arith.constant 0 : i32
    return %c0_i32, %c0_i32_0 : i32, i32
  }
  func.func @transform_4(%arg0: i32) -> (i32, i32) {
    %c0_i32 = arith.constant 0 : i32
    %c0_i32_0 = arith.constant 0 : i32
    %c0_i32_1 = arith.constant 0 : i32
    return %c0_i32, %c0_i32_0 : i32, i32
  }
  func.func @transform_5(%arg0: i32) -> (i32, i32) {
    %c0_i32 = arith.constant 0 : i32
    %c0_i32_0 = arith.constant 0 : i32
    %c0_i32_1 = arith.constant 0 : i32
    return %c0_i32, %c0_i32_0 : i32, i32
  }
  func.func @transform_6(%arg0: i32) -> (i32, i32) {
    %c0_i32 = arith.constant 0 : i32
    %c0_i32_0 = arith.constant 0 : i32
    return %arg0, %c0_i32 : i32, i32
  }
}

module attributes {stable_mosaic.version = 14 : i64} {
  func.func @_combine_body(%arg0: i32, %arg1: memref<1x1xf32, #tpu.memory_space<smem>>, %arg2: memref<10000x128xf32, #tpu.memory_space<vmem>>, %arg3: memref<10000x128xf32, #tpu.memory_space<vmem>>, %arg4: memref<8x128xf32, #tpu.memory_space<vmem>>, %arg5: memref<8x128xf32, #tpu.memory_space<vmem>>, %arg6: memref<8x128xf32, #tpu.memory_space<vmem>>, %arg7: memref<10000x128xf32, #tpu.memory_space<vmem>>) attributes {dimension_semantics = [#tpu.dimension_semantics<arbitrary>], iteration_bounds = array<i64: 5>, scalar_prefetch = 0 : i64, scratch_operands = 0 : i64, tpu.core_type = #tpu.core_type<tc>, window_params = [{transform_indices = @transform_0, window_bounds = array<i64: 1, 1>}, {transform_indices = @transform_1, window_bounds = array<i64: 10000, 128>}, {transform_indices = @transform_2, window_bounds = array<i64: 10000, 128>}, {pipeline_mode = #tpu.pipeline_mode<synchronous>, transform_indices = @transform_3, window_bounds = array<i64: 8, 128>}, {pipeline_mode = #tpu.pipeline_mode<synchronous>, transform_indices = @transform_4, window_bounds = array<i64: 8, 128>}, {pipeline_mode = #tpu.pipeline_mode<synchronous>, transform_indices = @transform_5, window_bounds = array<i64: 8, 128>}, {transform_indices = @transform_6, window_bounds = array<i64: 10000, 128>}]} {
    %get3A = arith.constant 0 : index
    %get3A_0 = arith.constant 0 : index
    %get3A_1 = vector.load %arg4[%get3A, %get3A_0] : memref<8x128xf32, #tpu.memory_space<vmem>>, vector<1x128xf32>
    %mul3A = arith.constant 2.000000e-05 : f32
    %mul3A_2 = vector.broadcast %mul3A : f32 to vector<1x128xf32>
    %mul3A_3 = arith.mulf %get3A_1, %mul3A_2 : vector<1x128xf32>
    %get3A_4 = arith.constant 1 : index
    %get3A_5 = arith.constant 0 : index
    %get3A_6 = vector.load %arg4[%get3A_4, %get3A_5] : memref<8x128xf32, #tpu.memory_space<vmem>>, vector<1x128xf32>
    %mul3A_7 = arith.constant 2.000000e-05 : f32
    %mul3A_8 = vector.broadcast %mul3A_7 : f32 to vector<1x128xf32>
    %mul3A_9 = arith.mulf %get3A_6, %mul3A_8 : vector<1x128xf32>
    %mul3A_10 = arith.mulf %mul3A_3, %mul3A_3 : vector<1x128xf32>
    %sub3A = arith.subf %mul3A_9, %mul3A_10 : vector<1x128xf32>
    %get3A_11 = arith.constant 0 : index
    %get3A_12 = arith.constant 0 : index
    %get3A_13 = vector.load %arg5[%get3A_11, %get3A_12] : memref<8x128xf32, #tpu.memory_space<vmem>>, vector<1x128xf32>
    %add3A = arith.constant 9.99999974E-6 : f32
    %add3A_14 = vector.broadcast %add3A : f32 to vector<1x128xf32>
    %add3A_15 = arith.addf %sub3A, %add3A_14 : vector<1x128xf32>
    %rsqrt3A = math.rsqrt %add3A_15 : vector<1x128xf32>
    %mul3A_16 = arith.mulf %get3A_13, %rsqrt3A : vector<1x128xf32>
    %get3A_17 = arith.constant 0 : index
    %get3A_18 = arith.constant 0 : index
    %get3A_19 = vector.load %arg6[%get3A_17, %get3A_18] : memref<8x128xf32, #tpu.memory_space<vmem>>, vector<1x128xf32>
    %mul3A_20 = arith.mulf %mul3A_3, %mul3A_16 : vector<1x128xf32>
    %sub3A_21 = arith.subf %get3A_19, %mul3A_20 : vector<1x128xf32>
    %get3A_22 = arith.constant 0 : index
    %get3A_23 = arith.constant 0 : index
    %get3A_24 = vector.load %arg2[%get3A_22, %get3A_23] : memref<10000x128xf32, #tpu.memory_space<vmem>>, vector<10000x128xf32>
    %get3A_25 = arith.constant 0 : index
    %get3A_26 = arith.constant 0 : index
    %get3A_27 = vector.load %arg3[%get3A_25, %get3A_26] : memref<10000x128xf32, #tpu.memory_space<vmem>>, vector<10000x128xf32>
    %mul3A_28 = vector.broadcast %mul3A_16 : vector<1x128xf32> to vector<10000x128xf32>
    %mul3A_29 = arith.mulf %get3A_27, %mul3A_28 : vector<10000x128xf32>
    %add3A_30 = arith.addf %get3A_24, %mul3A_29 : vector<10000x128xf32>
    %add3A_31 = vector.broadcast %sub3A_21 : vector<1x128xf32> to vector<10000x128xf32>
    %add3A_32 = arith.addf %add3A_30, %add3A_31 : vector<10000x128xf32>
    %swap3A = arith.constant 0 : index
    %swap3A_33 = arith.constant 0 : index
    %swap3A_34 = vector.load %arg7[%swap3A, %swap3A_33] : memref<10000x128xf32, #tpu.memory_space<vmem>>, vector<10000x128xf32>
    tpu.vector_store %arg7[%swap3A, %swap3A_33], %add3A_32 {strides = array<i32>} : memref<10000x128xf32, #tpu.memory_space<vmem>>, vector<10000x128xf32>,
    return
  }
  func.func @transform_0(%arg0: i32) -> (i32, i32) {
    %c0_i32 = arith.constant 0 : i32
    %c0_i32_0 = arith.constant 0 : i32
    %c0_i32_1 = arith.constant 0 : i32
    return %c0_i32, %c0_i32_0 : i32, i32
  }
  func.func @transform_1(%arg0: i32) -> (i32, i32) {
    %c0_i32 = arith.constant 0 : i32
    %c0_i32_0 = arith.constant 0 : i32
    return %arg0, %c0_i32 : i32, i32
  }
  func.func @transform_2(%arg0: i32) -> (i32, i32) {
    %c0_i32 = arith.constant 0 : i32
    %c0_i32_0 = arith.constant 0 : i32
    return %arg0, %c0_i32 : i32, i32
  }
  func.func @transform_3(%arg0: i32) -> (i32, i32) {
    %c0_i32 = arith.constant 0 : i32
    %c0_i32_0 = arith.constant 0 : i32
    %c0_i32_1 = arith.constant 0 : i32
    return %c0_i32, %c0_i32_0 : i32, i32
  }
  func.func @transform_4(%arg0: i32) -> (i32, i32) {
    %c0_i32 = arith.constant 0 : i32
    %c0_i32_0 = arith.constant 0 : i32
    %c0_i32_1 = arith.constant 0 : i32
    return %c0_i32, %c0_i32_0 : i32, i32
  }
  func.func @transform_5(%arg0: i32) -> (i32, i32) {
    %c0_i32 = arith.constant 0 : i32
    %c0_i32_0 = arith.constant 0 : i32
    %c0_i32_1 = arith.constant 0 : i32
    return %c0_i32, %c0_i32_0 : i32, i32
  }
  func.func @transform_6(%arg0: i32) -> (i32, i32) {
    %c0_i32 = arith.constant 0 : i32
    %c0_i32_0 = arith.constant 0 : i32
    return %arg0, %c0_i32 : i32, i32
  }
}

module attributes {stable_mosaic.version = 14 : i64} {
  func.func @_out_body(%arg0: i32, %arg1: memref<10000x128xf32, #tpu.memory_space<vmem>>, %arg2: memref<128x128xf32, #tpu.memory_space<vmem>>, %arg3: memref<8x128xf32, #tpu.memory_space<vmem>>, %arg4: memref<128x128xf32, #tpu.memory_space<vmem>>, %arg5: memref<8x128xf32, #tpu.memory_space<vmem>>, %arg6: memref<10000x128xf32, #tpu.memory_space<vmem>>) attributes {dimension_semantics = [#tpu.dimension_semantics<arbitrary>], iteration_bounds = array<i64: 5>, scalar_prefetch = 0 : i64, scratch_operands = 0 : i64, tpu.core_type = #tpu.core_type<tc>, window_params = [{transform_indices = @transform_0, window_bounds = array<i64: 10000, 128>}, {pipeline_mode = #tpu.pipeline_mode<synchronous>, transform_indices = @transform_1, window_bounds = array<i64: 128, 128>}, {pipeline_mode = #tpu.pipeline_mode<synchronous>, transform_indices = @transform_2, window_bounds = array<i64: 8, 128>}, {pipeline_mode = #tpu.pipeline_mode<synchronous>, transform_indices = @transform_3, window_bounds = array<i64: 128, 128>}, {pipeline_mode = #tpu.pipeline_mode<synchronous>, transform_indices = @transform_4, window_bounds = array<i64: 8, 128>}, {transform_indices = @transform_5, window_bounds = array<i64: 10000, 128>}]} {
    %get3A = arith.constant 0 : index
    %get3A_0 = arith.constant 0 : index
    %get3A_1 = vector.load %arg1[%get3A, %get3A_0] : memref<10000x128xf32, #tpu.memory_space<vmem>>, vector<10000x128xf32>
    %get3A_2 = arith.constant 0 : index
    %get3A_3 = arith.constant 0 : index
    %get3A_4 = vector.load %arg2[%get3A_2, %get3A_3] : memref<128x128xf32, #tpu.memory_space<vmem>>, vector<128x128xf32>
    %dot_general3A = arith.constant dense<0.000000e+00> : vector<10000x128xf32>
    %dot_general3A_5 = tpu.matmul %get3A_1, %get3A_4, %dot_general3A {dimension_numbers = #tpu.dot_dimension_numbers<[1], [0], [0], [1], [0, 0, 1, 1], [], []>, transpose_lhs_hint = false} : vector<10000x128xf32>, vector<128x128xf32>, vector<10000x128xf32> -> vector<10000x128xf32>
    %get3A_6 = arith.constant 0 : index
    %get3A_7 = arith.constant 0 : index
    %get3A_8 = vector.load %arg3[%get3A_6, %get3A_7] : memref<8x128xf32, #tpu.memory_space<vmem>>, vector<1x128xf32>
    %add3A = vector.broadcast %get3A_8 : vector<1x128xf32> to vector<10000x128xf32>
    %add3A_9 = arith.addf %dot_general3A_5, %add3A : vector<10000x128xf32>
    %max3A = arith.constant 0.000000e+00 : f32
    %max3A_10 = vector.broadcast %max3A : f32 to vector<10000x128xf32>
    %max3A_11 = arith.maximumf %add3A_9, %max3A_10 : vector<10000x128xf32>
    %get3A_12 = arith.constant 0 : index
    %get3A_13 = arith.constant 0 : index
    %get3A_14 = vector.load %arg4[%get3A_12, %get3A_13] : memref<128x128xf32, #tpu.memory_space<vmem>>, vector<128x128xf32>
    %dot_general3A_15 = arith.constant dense<0.000000e+00> : vector<10000x128xf32>
    %dot_general3A_16 = tpu.matmul %max3A_11, %get3A_14, %dot_general3A_15 {dimension_numbers = #tpu.dot_dimension_numbers<[1], [0], [0], [1], [0, 0, 1, 1], [], []>, transpose_lhs_hint = false} : vector<10000x128xf32>, vector<128x128xf32>, vector<10000x128xf32> -> vector<10000x128xf32>
    %get3A_17 = arith.constant 0 : index
    %get3A_18 = arith.constant 0 : index
    %get3A_19 = vector.load %arg5[%get3A_17, %get3A_18] : memref<8x128xf32, #tpu.memory_space<vmem>>, vector<1x128xf32>
    %add3A_20 = vector.broadcast %get3A_19 : vector<1x128xf32> to vector<10000x128xf32>
    %add3A_21 = arith.addf %dot_general3A_16, %add3A_20 : vector<10000x128xf32>
    %swap3A = arith.constant 0 : index
    %swap3A_22 = arith.constant 0 : index
    %swap3A_23 = vector.load %arg6[%swap3A, %swap3A_22] : memref<10000x128xf32, #tpu.memory_space<vmem>>, vector<10000x128xf32>
    tpu.vector_store %arg6[%swap3A, %swap3A_22], %add3A_21 {strides = array<i32>} : memref<10000x128xf32, #tpu.memory_space<vmem>>, vector<10000x128xf32>,
    return
  }
  func.func @transform_0(%arg0: i32) -> (i32, i32) {
    %c0_i32 = arith.constant 0 : i32
    %c0_i32_0 = arith.constant 0 : i32
    return %arg0, %c0_i32 : i32, i32
  }
  func.func @transform_1(%arg0: i32) -> (i32, i32) {
    %c0_i32 = arith.constant 0 : i32
    %c0_i32_0 = arith.constant 0 : i32
    %c0_i32_1 = arith.constant 0 : i32
    return %c0_i32, %c0_i32_0 : i32, i32
  }
  func.func @transform_2(%arg0: i32) -> (i32, i32) {
    %c0_i32 = arith.constant 0 : i32
    %c0_i32_0 = arith.constant 0 : i32
    %c0_i32_1 = arith.constant 0 : i32
    return %c0_i32, %c0_i32_0 : i32, i32
  }
  func.func @transform_3(%arg0: i32) -> (i32, i32) {
    %c0_i32 = arith.constant 0 : i32
    %c0_i32_0 = arith.constant 0 : i32
    %c0_i32_1 = arith.constant 0 : i32
    return %c0_i32, %c0_i32_0 : i32, i32
  }
  func.func @transform_4(%arg0: i32) -> (i32, i32) {
    %c0_i32 = arith.constant 0 : i32
    %c0_i32_0 = arith.constant 0 : i32
    %c0_i32_1 = arith.constant 0 : i32
    return %c0_i32, %c0_i32_0 : i32, i32
  }
  func.func @transform_5(%arg0: i32) -> (i32, i32) {
    %c0_i32 = arith.constant 0 : i32
    %c0_i32_0 = arith.constant 0 : i32
    return %arg0, %c0_i32 : i32, i32
  }
}

</mosaic_0001>

<sc_bundles>
// kernel: kernel.12.cloned.1.call-start
scs
__scs_entry_jumppad:
0x0: {  	(pc) =	sbr.rel $0x88, $3  }
0x1: {  	(tag) =	ssettag $0x0;
	lr =	simm.s32 $0x1  }
0x2: {  	[smem:$0x3F91] =	sst lr;
	_ =	strace $0xD0000000  }
0x3: {  	_ = 	snop  }
0x4: {  	_ = 	snop  }
0x5: {  	_ = 	snop  }
0x6: {  	_ = 	snop  }
0x7: {  	_ = 	snop  }
__scs_overlays_trampoline_lowered:
0x8: {  	[smem:$0x3FA0] =	sst s0  }
0x9: {  	[smem:$0x3FA1] =	sst s1  }
0xa: {  	[smem:$0x3FA2] =	sst s2  }
0xb: {  	[smem:$0x3FA3] =	sst s3  }
0xc: {  	[smem:$0x3FA4] =	sst s4  }
0xd: {  	[smem:$0x3FA5] =	sst s5  }
0xe: {  	[smem:$0x3FA6] =	sst s6  }
0xf: {  	[smem:$0x3FA7] =	sst s7  }
0x10: {  	[smem:$0x3FA8] =	sst s8  }
0x11: {  	[smem:$0x3FA9] =	sst s9;
	s0 =	simm.s32 @!p0 $0x0  }
0x12: {  	s1 =	sld [smem:$0x3F8F];
	s0 =	simm.s32 @p0 $0x1  }
0x13: {  	[smem:$0x3FAA] =	sst s0;
	s0 =	simm.s32 @!p1 $0x0  }
0x14: {  	s2 =	sld [smem:$0x3F8E];
	s0 =	simm.s32 @p1 $0x1  }
0x15: {  	[smem:$0x3FAB] =	sst s0;
	s0 =	simm.s32 @!p2 $0x0  }
0x16: {  	s3 =	sld [smem:$0x3FDB];
	s0 =	simm.s32 @p2 $0x1  }
0x17: {  	s4 =	simm.s32 $0x1BF5;
	[smem:$0x3FAD] =	sst s0  }
0x18: {  	s0 =	sld [smem:$0x3F90];
	_ =	swait.ge [sflag:s4], $0x0  }
0x19: {  	s7 =	sld [smem:$0x3F91]  }
0x1a: {  	s8 =	sadd.s32 $0xFFFFE003, lr  }
0x1b: {  	s9 =	sadd.s32 $0xFFFFFEF7, lr;
	s5 =	simm.s32 $0xFFFFFFFF;
	p2 =	slt.u32 s8, $0xFFFFF086  }
0x1c: {  	p1 =	slt.u32 s9, $0xF7A;
	s5 =	simm.s32 @!p2 $0x0  }
0x1d: {  	s5 =	simm.s32 @p1 $0x1;
	p0 =	seq.s32 s7, s2  }
0x1e: {  	s7 =	smul.u32 @!p0 $0xF7A, s2;
	p2 =	seq.s32 @!p0 s5, $0x0  }
0x1f: {  	s9 =	smul.u32 $0xF7A, s1;
	s8 =	simm.s32 @!p0 $0x1BF5;
	p2 =	por !p2, p0  }
0x20: {  	[sflag:s8] =	ssyncset.s32 @!p0 $0xFFFFF086;
	s6 =	sadd.s32 @!p0 s3, s7;
	s7 =	simm.s32 @!p0 $0x108  }
0x21: {  	s3 =	sadd.s32 s3, s9;
	s6 =	sadd.s32 @!p0 $0x88, s6;
	s7 =	simm.s32 @p2 $0x1082  }
0x22: {  	[simem:s7], [sflag:s8] =	dma.local @!p0 [hbm:s6], $0xF7A  }
0x23: {  	s9 =	sor.u32 $0xD0000000, s2;
	s6 =	simm.s32 $0x108;
	_ =	swait.ge @!p0 [sflag:s8], $0x0  }
0x24: {  	s3 =	sadd.s32 $0x88, s3;
	s6 =	simm.s32 @!p1 $0x1082;
	[sflag:s4] =	ssyncset.s32 $0xFFFFF086  }
0x25: {  	[simem:s6], [sflag:s4] =	dma.local [hbm:s3], $0xF7A  }
0x26: {  	[smem:$0x3F91] =	sst s1;
	(tag) =	ssettag s2;
	_ =	strace s9  }
0x27: {  	s1 =	sld [smem:$0x3FA1]  }
0x28: {  	s2 =	sld [smem:$0x3FA2]  }
0x29: {  	s4 =	sld [smem:$0x3FA4]  }
0x2a: {  	p0 =	seq.s32 s5, $0x0;
	s5 =	sld [smem:$0x3FA5]  }
0x2b: {  	s6 =	sld [smem:$0x3FA6]  }
0x2c: {  	s7 =	sld [smem:$0x3FA7]  }
0x2d: {  	s3 =	simm.s32 $0x108;
	s8 =	sld [smem:$0x3FA8]  }
0x2e: {  	s3 =	simm.s32 @!p0 $0x1082;
	s9 =	sld [smem:$0x3FA9]  }
0x2f: {  	lr =	sadd.s32 s0, s3;
	s0 =	sld [smem:$0x3FA0]  }
0x30: {  	s3 =	sld [smem:$0x3FA3]  }
0x31: {  	[smem:$0x3FAC] =	sst s10  }
0x32: {  	s10 =	sld [smem:$0x3FAA];
	_ =	sdelay $0x3  }
0x33: {  	p0 =	seq.s32 s10, $0x1;
	s10 =	sld [smem:$0x3FAC];
	_ =	sdelay $0x3  }
0x34: {  	[smem:$0x3FAC] =	sst s10  }
0x35: {  	s10 =	sld [smem:$0x3FAB];
	_ =	sdelay $0x3  }
0x36: {  	p1 =	seq.s32 s10, $0x1;
	s10 =	sld [smem:$0x3FAC];
	_ =	sdelay $0x3  }
0x37: {  	[smem:$0x3FAC] =	sst s10  }
0x38: {  	s10 =	sld [smem:$0x3FAD]  }
0x39: {  	_ = 	snop;
	(pc) =	sbr.ind lr, $3  }
0x3a: {  	_ = 	snop  }
0x3b: {  	_ = 	snop  }
0x3c: {  	p2 =	seq.s32 s10, $0x1;
	s10 =	sld [smem:$0x3FAC]  }
0x3d: {  	_ =	shalt  }
0x3e: {  	_ =	shalt  }
0x3f: {  	_ =	shalt  }
0x40: {  	_ =	shalt  }
0x41: {  	_ =	shalt  }
0x42: {  	_ =	shalt  }
0x43: {  	_ =	shalt  }
0x44: {  	_ =	shalt  }
0x45: {  	_ =	shalt  }
0x46: {  	_ =	shalt  }
0x47: {  	_ =	shalt  }
0x48: {  	_ =	shalt  }
0x49: {  	_ =	shalt  }
0x4a: {  	_ =	shalt  }
0x4b: {  	_ =	shalt  }
0x4c: {  	_ =	shalt  }
0x4d: {  	_ =	shalt  }
0x4e: {  	_ =	shalt  }
0x4f: {  	_ =	shalt  }
0x50: {  	_ =	shalt  }
0x51: {  	_ =	shalt  }
0x52: {  	_ =	shalt  }
0x53: {  	_ =	shalt  }
0x54: {  	_ =	shalt  }
0x55: {  	_ =	shalt  }
0x56: {  	_ =	shalt  }
0x57: {  	_ =	shalt  }
0x58: {  	_ =	shalt  }
0x59: {  	_ =	shalt  }
0x5a: {  	_ =	shalt  }
0x5b: {  	_ =	shalt  }
0x5c: {  	_ =	shalt  }
0x5d: {  	_ =	shalt  }
0x5e: {  	_ =	shalt  }
0x5f: {  	_ =	shalt  }
0x60: {  	_ =	shalt  }
0x61: {  	_ =	shalt  }
0x62: {  	_ =	shalt  }
0x63: {  	_ =	shalt  }
0x64: {  	_ =	shalt  }
0x65: {  	_ =	shalt  }
0x66: {  	_ =	shalt  }
0x67: {  	_ =	shalt  }
0x68: {  	_ =	shalt  }
0x69: {  	_ =	shalt  }
0x6a: {  	_ =	shalt  }
0x6b: {  	_ =	shalt  }
0x6c: {  	_ =	shalt  }
0x6d: {  	_ =	shalt  }
0x6e: {  	_ =	shalt  }
0x6f: {  	_ =	shalt  }
0x70: {  	_ =	shalt  }
0x71: {  	_ =	shalt  }
0x72: {  	_ =	shalt  }
0x73: {  	_ =	shalt  }
0x74: {  	_ =	shalt  }
0x75: {  	_ =	shalt  }
0x76: {  	_ =	shalt  }
0x77: {  	_ =	shalt  }
0x78: {  	_ =	shalt  }
0x79: {  	_ =	shalt  }
0x7a: {  	_ =	shalt  }
0x7b: {  	_ =	shalt  }
0x7c: {  	_ =	shalt  }
0x7d: {  	_ =	shalt  }
0x7e: {  	_ =	shalt  }
0x7f: {  	_ =	shalt  }
0x80: {  	_ =	shalt  }
0x81: {  	_ =	shalt  }
0x82: {  	_ =	shalt  }
0x83: {  	_ =	shalt  }
0x84: {  	_ =	shalt  }
0x85: {  	_ =	shalt  }
0x86: {  	_ =	shalt  }
0x87: {  	_ =	shalt  }
.Lfunc_end0:
.L_simem_size_0:
called_computation_lowered:
.L_overlay_start_0:
0x88: {  	s2 =	sld [smem:$0x3FD9]  }
0x89: {  	s3 =	sld [smem:$0x3FFE];
	_ =	sdelay $0x1  }
0x8a: {  	s1 =	srdreg.scid  }
0x8b: {  	s0 =	sand.u32 $0x1, s1  }
0x8c: {  	s16 =	sshll.u32 s0, $0xA;
	s2 =	sadd.s32 s3, s2  }
0x8d: {  	s2 =	sadd.s32 s2, s16  }
0x8e: {  	[smem:$0x3FB8] =	sst s2  }
0x8f: {  	_ = 	snop  }
0x90: {  	(tm) =	ssettm $0x1  }
0x91: {  	s17 =	sld [smem:$0x3FFB];
	_ =	sdelay $0x3  }
0x92: {  	_ =	strace s17  }
0x93: {  	s2 =	sld [smem:$0x3FFC];
	_ =	sdelay $0x3  }
0x94: {  	_ =	strace s2  }
0x95: {  	s2 =	sld [smem:$0x3FFD];
	_ =	sdelay $0x3  }
0x96: {  	_ =	strace s2  }
0x97: {  	_ =	strace $0x8FFFFFFF  }
0x98: {  	s18 =	sld [smem:$0x3FDB];
	_ =	sdelay $0x1  }
0x99: {  	s19 =	simm.s32 $_scs_section_size  }
0x9a: {  	s4 =	simm.s32 $_size__tile_overlayer_lowered;
	s5 =	simm.s32 $_tile_overlayer_lowered  }
0x9b: {  	s22 =	simm.s32 $0x1BFF;
	s21 =	sshll.u32 s5, $0x1;
	s2 =	sadd.s32 s19, s18  }
0x9c: {  	s6 =	simm.s32 $0x0;
	s20 =	sshll.u32 s4, $0x1;
	s4 =	sadd.s32 s21, s2  }
0x9d: {  	[timem:s6], [sflag:s22] =	dma.local [hbm:s4], s20  }
0x9e: {  	_ =	swait.ge [sflag:s22], s20  }
0x9f: {  	s3 =	ssub.s32 $0x0, s20;
	[sflag:s22] =	ssyncset.done $0x0  }
0xa0: {  	[sflag:s22] =	ssyncadd.s32 s3;
	_ =	sdelay $0x1  }
0xa1: {  	s23 =	simm.s32 $0x1B8B  }
0xa2: {  	_ =	swait.ge [sflag:s23], $0x1  }
0xa3: {  	[sflag:s23] =	ssyncset.done $0x0  }
0xa4: {  	s25 =	simm.s32 $0x1B8E;
	s24 =	sld [smem:$0x3FFE];
	[sflag:s23] =	ssyncadd.s32 $0xFFFFFFFF  }
0xa5: {  	s26 =	simm.s32 $execute0_lowered;
	[smem:$0x3FD2] =	sst s25  }
0xa6: {  	s4 =	sshll.u32 s26, $0x1;
	_ =	strace $0x80000046;
	[dreg:$0x1] =	wrdreg $0xFFFFFFFF  }
0xa7: {  	s28 =	simm.s32 $_size_execute0_lowered;
	s2 =	sadd.s32 s2, s4;
	[dreg:$0x0] =	wrdreg $0x0  }
0xa8: {  	s4 =	sshll.u32 s28, $0x1;
	[dreg:$0x2] =	wrdreg s2  }
0xa9: {  	[dreg:$0x3] =	wrdreg s4  }
0xaa: {  	[dreg:$0x4] =	wrdreg $0xC0  }
0xab: {  	_ =	task [dreg:s6], $0x5FFFF  }
0xac: {  	[dreg:$0x1] =	wrdreg $0xFFFFFFFF  }
0xad: {  	[dreg:$0x0] =	wrdreg $0x60  }
0xae: {  	[dreg:$0x2] =	wrdreg s24  }
0xaf: {  	[dreg:$0x3] =	wrdreg $0x0  }
0xb0: {  	[dreg:$0x4] =	wrdreg $0x9  }
0xb1: {  	_ =	task.clear_ibuf [dreg:s6], $0x5FFFF;
	_ =	strace $0x90000046  }
0xb2: {  	s29 =	simm.s32 $0x9;
	_ =	strace $0x80000048  }
0xb3: {  	_ =	swait.ge [sflag:s29], $0x1  }
0xb4: {  	[sflag:s29] =	ssyncadd.s32 $0xFFFFFFFF  }
0xb5: {  	_ =	strace $0x90000048  }
0xb6: {  	_ =	sfence  }
0xb7: {  	s30 =	sld [smem:$0x0];
	_ =	sdelay $0x2  }
0xb8: {  	s31 =	sshll.u32 s1, $0xD;
	s1 =	sshrl.u32 s1, $0x2  }
0xb9: {  	s3 =	sand.u32 $0x4000, s31;
	s1 =	sadd.s32 s1, s30  }
0xba: {  	s0 =	sor.u32 s3, s0;
	s1 =	sshll.u32 s1, $0x11  }
0xbb: {  	s0 =	sor.u32 s1, s0  }
0xbc: {  	s0 =	sadd.s32 $0x8F2B, s0  }
0xbd: {  	[sflag:s0] =	ssyncadd.remote.s32 $0x1  }
0xbe: {  	_ =	sfence.sel $0xFFFF  }
0xbf: {  	[dreg:$0x0] =	wrdreg $0xFFFFFFFF;
	(pc) =	sbr.abs _section_cstart, $3  }
0xc0: {  	[dreg:$0x1] =	wrdreg $0xFFFFFFFF  }
0xc1: {  	_ =	task.clear_ibuf [dreg:s6], $0x2FFFF;
	_ =	strace $0x9FFFFFFF  }
0xc2: {  	(tm) =	ssettm $0x7FFFFFFF  }
0xc3: {  	_ =	shalt  }
tec
execute0_lowered:
.L_overlay_start_1:
0x0: {  	(tag) =	ssettag $0x1  }
0x1: {  	s5 =	rddreg [dreg:$0x0]  }
0x2: {  	s2 =	rddreg [dreg:$0x1]  }
0x3: {  	s0 =	rddreg [dreg:$0x2]  }
0x4: {  	s3 =	simm.s32 $0x0;
	s1 =	stileid.u32;
	s7 =	srdreg.scid  }
0x5: {  	s14 =	simm.s32 $0x19000;
	s15 =	simm.s32 $0x40;
	s16 =	simm.s32 $0x1C500  }
0x6: {  	s19 =	simm.s32 $0x3;
	s21 =	simm.s32 $0x1A480;
	s22 =	simm.s32 $0x4  }
0x7: {  	[smem:$0x7FF] =	sst s3;
	s6 =	smul.u32 $0x3C00, s1;
	s4 =	sadd.s32 $0x9000, s5  }
0x8: {  	s7 =	sand.u32 $0x1, s7;
	s9 =	smul.u32 $0x310, s1;
	s10 =	sadd.s32 $0xCD000, s5  }
0x9: {  	s12 =	smul.u32 $0x62000, s1;
	_ =	strace $0x80000047;
	s28 =	ssub.s32 $0x2, s7  }
0xa: {  	s17 =	smul.u32 $0x6200, s7;
	s6 =	sshrl.u32 s6, $0x3;
	s29 =	sshrl.u32 s28, $0x1  }
0xb: {  	s30 =	sshrl.u32 s12, $0x2;
	s8 =	sadd.s32 s6, s5;
	s11 =	ssub.s32 s28, s29  }
0xc: {  	s18 =	sadd.s32 $0x3100, s17;
	s31 =	sadd.s32 s9, s17;
	s20 =	sadd.s32 $0x6200, s17  }
0xd: {  	v0 =	vmov s17;
	s17 =	simm.s32 $0x1;
	s5 =	sadd.s32 $0x1800, s8;
	s6 =	sadd.s32 $0x1A80, s8  }
0xe: {  	s7 =	sadd.s32 $0x1D00, s8;
	s9 =	sadd.s32 s9, s18;
	s8 =	sadd.s32 s30, s2  }
0xf: {  	s12 =	sshll.u32 s31, $0x4;
	s11 =	smax.u32 s11, $0x1;
	v1 =	vmov s18;
	s18 =	simm.s32 $0x1A400  }
0x10: {  	v2 =	vmov s20;
	s20 =	simm.s32 $0x2;
	s13 =	sshll.u32 s9, $0x4;
	s9 =	sadd.s32 s10, s12  }
0x11: {  	v3 =	vimm.f32 $0.0e+00;
	v4 =	vlaneseq.u32;
	s12 =	simm.s32 $0x1A500;
	s10 =	sadd.s32 s10, s13;
	s13 =	simm.s32 $0x5  }
.LBB2_1:
0x12: {  	s23 =	simm.s32 $0x0;
	s24 =	simm.s32 $0x200  }
.LBB2_2:
0x13: {  	p0 =	sne.s32 s24, $0x3600;
	[tilespmem:s23+$0x1A570] =	vst v3  }
0x14: {  	[tilespmem:s23+$0x1A500] =	vst v3  }
0x15: {  	[tilespmem:s23+$0x1A510] =	vst v3  }
.Ltmp0:
0x16: {  	[tilespmem:s23+$0x1A520] =	vst v3;
	(pc) =	sbr.rel @p0 .LBB2_2-.Ltmp0, $4  }
0x17: {  	[tilespmem:s23+$0x1A530] =	vst v3  }
0x18: {  	[tilespmem:s23+$0x1A540] =	vst v3  }
0x19: {  	[tilespmem:s23+$0x1A550] =	vst v3  }
0x1a: {  	[tilespmem:s23+$0x1A560] =	vst v3;
	s23 =	sshra.s32 s24, $0x2;
	s24 =	sadd.s32 $0x200, s24  }
0x1b: {  	[tilespmem:s23+$0x1A570] =	vst v3  }
0x1c: {  	[tilespmem:s23+$0x1A500] =	vst v3  }
0x1d: {  	[tilespmem:s23+$0x1A510] =	vst v3  }
0x1e: {  	[tilespmem:s23+$0x1A520] =	vst v3  }
0x1f: {  	[tilespmem:s23+$0x1A530] =	vst v3  }
0x20: {  	[tilespmem:s23+$0x1A540] =	vst v3  }
0x21: {  	[tilespmem:s23+$0x1A550] =	vst v3  }
0x22: {  	[tilespmem:s23+$0x1A560] =	vst v3;
	s31 =	sadd.s32 $0x0, s8  }
0x23: {  	[spmem:s31] =	stream.linear.scatter [tilespmem:s12], [sflag:$0x5], $0xE00, $0x38;
	[tilespmem:$0x1E500] =	vst v63  }
0x24: {  	s23 =	simm.s32 $0x3800;
	_ =	swait.ge [sflag:s13], $0xE00  }
.LBB2_4:
0x25: {  	s24 =	sshra.s32 s23, $0x2;
	[sflag:s13] =	ssyncset.done $0x0;
	p0 =	sne.s32 s23, $0x5E800  }
.Ltmp1:
0x26: {  	s24 =	sadd.s32 s24, s8;
	[sflag:s13] =	ssyncadd.s32 $0xFFFFF200;
	(pc) =	sbr.rel @p0 .LBB2_4-.Ltmp1, $3  }
0x27: {  	[spmem:s24] =	stream.linear.scatter [tilespmem:s12], [sflag:$0x5], $0xE00, $0x38;
	[tilespmem:$0x1E500] =	vst v63  }
0x28: {  	s23 =	sadd.s32 $0x3800, s23;
	_ =	sdelay $0x1  }
0x29: {  	_ =	swait.ge [sflag:s13], $0xE00  }
0x2a: {  	[sflag:s13] =	ssyncset.done $0x0  }
0x2b: {  	[sflag:s13] =	ssyncadd.s32 $0xFFFFF200  }
0x2c: {  	s24 =	simm.s32 $0x0;
	[bflag:$0x0] =	sbarrier.arrive $0xFFFF  }
0x2d: {  	[tilespmem:s14], [sflag:$0x5] =	stream.linear.gather [hbm4b:s5+s24], $0x1400, $0x38;
	[tilespmem:$0x1E500] =	vst v63  }
0x2e: {  	_ =	swait.ge [sflag:s13], $0x1400  }
0x2f: {  	[sflag:s13] =	ssyncset.done $0x0  }
0x30: {  	s23 =	simm.s32 $0x0;
	[sflag:s13] =	ssyncadd.s32 $0xFFFFEC00  }
0x31: {  	[tilespmem:s12], [sflag:$0x1] =	stream.indirect.gather [hbm4b:s4+s15], $0x80, s14, s15, $0xb8;
	[tilespmem:$0x1E500] =	vst v63  }
0x32: {  	v5 =	vld [tilespmem:s23+$0x19040];
	_ =	sdelay $0x3  }
0x33: {  	v6 =	vor.u32 s24, v4  }
0x34: {  	v6 =	vand.u32 $0x8F, v6;
	vm0 =	vge.s32 v5, v0;
	vm1 =	vlt.s32 v5, v1  }
0x35: {  	v6 =	vor.u32 $0x3100, v6;
	v5 =	vsub.s32 v5, v0;
	vm0 =	vmand vm0, vm1  }
0x36: {  	v5 =	vsel vm0, v5, v6  }
0x37: {  	[tilespmem:$0x1A400] =	vst v5  }
0x38: {  	v5 =	vld [tilespmem:s23+$0x19050];
	_ =	sdelay $0x2  }
0x39: {  	s30 =	simm.s32 $0x10  }
0x3a: {  	v6 =	vor.u32 s30, v4  }
0x3b: {  	v6 =	vand.u32 $0x9F, v6;
	vm14 =	vge.s32 v5, v0;
	vm15 =	vlt.s32 v5, v1  }
0x3c: {  	v6 =	vor.u32 $0x3100, v6;
	v5 =	vsub.s32 v5, v0;
	vm0 =	vmand vm14, vm15  }
0x3d: {  	v5 =	vsel vm0, v5, v6  }
0x3e: {  	[tilespmem:$0x1A410] =	vst v5  }
0x3f: {  	v5 =	vld [tilespmem:s23+$0x19060];
	_ =	sdelay $0x2  }
0x40: {  	s31 =	simm.s32 $0x20  }
0x41: {  	v6 =	vor.u32 s31, v4  }
0x42: {  	v6 =	vand.u32 $0xAF, v6;
	vm4 =	vge.s32 v5, v0;
	vm5 =	vlt.s32 v5, v1  }
0x43: {  	v6 =	vor.u32 $0x3100, v6;
	v5 =	vsub.s32 v5, v0;
	vm0 =	vmand vm4, vm5  }
0x44: {  	v5 =	vsel vm0, v5, v6  }
0x45: {  	[tilespmem:$0x1A420] =	vst v5  }
0x46: {  	v5 =	vld [tilespmem:s23+$0x19070];
	_ =	sdelay $0x2  }
0x47: {  	s25 =	simm.s32 $0x30  }
0x48: {  	v6 =	vor.u32 s25, v4  }
0x49: {  	v6 =	vand.u32 $0xBF, v6;
	vm6 =	vge.s32 v5, v0;
	vm7 =	vlt.s32 v5, v1  }
0x4a: {  	v6 =	vor.u32 $0x3100, v6;
	v5 =	vsub.s32 v5, v0;
	vm0 =	vmand vm6, vm7  }
0x4b: {  	p0 =	por $0x1, $0x1;
	v5 =	vsel vm0, v5, v6  }
0x4c: {  	s24 =	simm.s32 @!p0 $0x4;
	[tilespmem:$0x1A430] =	vst v5  }
0x4d: {  	_ =	swait.ge @!p0 [sflag:s24], $0x2000  }
0x4e: {  	[sflag:s24] =	ssyncset.done @!p0 $0x0  }
0x4f: {  	s26 =	simm.s32 $0x19080;
	[sflag:s24] =	ssyncadd.s32 @!p0 $0xFFFFE000  }
0x50: {  	[tilespmem:s16], [sflag:$0x2] =	stream.indirect.gather [hbm4b:s4+s15], $0x80, s26, s15, $0xb8;
	[tilespmem:$0x1E500] =	vst v63  }
0x51: {  	_ =	swait.ge [sflag:s17], $0x2000  }
0x52: {  	[sflag:s17] =	ssyncset.done $0x0  }
0x53: {  	[sflag:s17] =	ssyncadd.s32 $0xFFFFE000  }
0x54: {  	[spmem:s2] =	stream.indirect.scatter.add.f32 [tilespmem:s12], [sflag:$0x3], $0x80, s18, s15, $0xb8;
	[tilespmem:$0x1E500] =	vst v63  }
0x55: {  	v5 =	vld [tilespmem:s23+$0x190C0];
	_ =	sdelay $0x2  }
0x56: {  	s28 =	simm.s32 $0x40  }
0x57: {  	v6 =	vor.u32 s28, v4  }
0x58: {  	v6 =	vand.u32 $0xCF, v6;
	vm8 =	vge.s32 v5, v0;
	vm9 =	vlt.s32 v5, v1  }
0x59: {  	v6 =	vor.u32 $0x3100, v6;
	v5 =	vsub.s32 v5, v0;
	vm0 =	vmand vm8, vm9  }
0x5a: {  	v5 =	vsel vm0, v5, v6  }
0x5b: {  	[tilespmem:$0x1A480] =	vst v5  }
0x5c: {  	v5 =	vld [tilespmem:s23+$0x190D0];
	_ =	sdelay $0x2  }
0x5d: {  	s29 =	simm.s32 $0x50  }
0x5e: {  	v6 =	vor.u32 s29, v4  }
0x5f: {  	v6 =	vand.u32 $0xDF, v6;
	vm10 =	vge.s32 v5, v0;
	vm11 =	vlt.s32 v5, v1  }
0x60: {  	v6 =	vor.u32 $0x3100, v6;
	v5 =	vsub.s32 v5, v0;
	vm0 =	vmand vm10, vm11  }
0x61: {  	v5 =	vsel vm0, v5, v6  }
0x62: {  	[tilespmem:$0x1A490] =	vst v5  }
0x63: {  	v5 =	vld [tilespmem:s23+$0x190E0];
	_ =	sdelay $0x2  }
0x64: {  	s30 =	simm.s32 $0x60  }
0x65: {  	v6 =	vor.u32 s30, v4  }
0x66: {  	v6 =	vand.u32 $0xEF, v6;
	vm12 =	vge.s32 v5, v0;
	vm13 =	vlt.s32 v5, v1  }
0x67: {  	v6 =	vor.u32 $0x3100, v6;
	v5 =	vsub.s32 v5, v0;
	vm0 =	vmand vm12, vm13  }
0x68: {  	v5 =	vsel vm0, v5, v6  }
0x69: {  	[tilespmem:$0x1A4A0] =	vst v5  }
0x6a: {  	v5 =	vld [tilespmem:s23+$0x190F0];
	_ =	sdelay $0x2  }
0x6b: {  	s31 =	simm.s32 $0x70  }
0x6c: {  	v6 =	vor.u32 s31, v4  }
0x6d: {  	v6 =	vand.u32 $0xFF, v6;
	vm14 =	vge.s32 v5, v0;
	vm15 =	vlt.s32 v5, v1  }
0x6e: {  	v6 =	vor.u32 $0x3100, v6;
	v5 =	vsub.s32 v5, v0;
	vm0 =	vmand vm14, vm15  }
0x6f: {  	v5 =	vsel vm0, v5, v6  }
0x70: {  	[tilespmem:$0x1A4B0] =	vst v5  }
0x71: {  	p0 =	por $0x0, $0x0;
	_ =	swait.ge [sflag:s19], $0x2000  }
0x72: {  	s24 =	simm.s32 @!p0 $0x19100;
	[sflag:s19] =	ssyncset.done $0x0  }
0x73: {  	s25 =	simm.s32 @!p0 $0x40;
	s23 =	simm.s32 @!p0 $0x1A500;
	[sflag:s19] =	ssyncadd.s32 $0xFFFFE000  }
0x74: {  	[tilespmem:s23], [sflag:$0x1] =	stream.indirect.gather @!p0 [hbm4b:s4+s25], $0x80, s24, s25, $0xb8;
	[tilespmem:$0x1E500] =	vst v63  }
0x75: {  	_ =	swait.ge [sflag:s20], $0x2000  }
0x76: {  	[sflag:s20] =	ssyncset.done $0x0  }
0x77: {  	s23 =	simm.s32 $0x400;
	s24 =	simm.s32 $0x80;
	[sflag:s20] =	ssyncadd.s32 $0xFFFFE000  }
.LBB2_6:
0x78: {  	[spmem:s2] =	stream.indirect.scatter.add.f32 [tilespmem:s16], [sflag:$0x4], $0x80, s21, s15, $0xb8;
	[tilespmem:$0x1E500] =	vst v63  }
0x79: {  	s26 =	sshra.s32 s23, $0x2;
	s25 =	smov.u32 s23;
	s23 =	sadd.s32 $0x400, s23  }
0x7a: {  	p0 =	sne.s32 s23, $0x5000;
	v5 =	vld [tilespmem:s26+$0x19040];
	_ =	sdelay $0x3  }
0x7b: {  	v6 =	vor.u32 s24, v4  }
0x7c: {  	v6 =	vand.u32 $0x8F, v6;
	vm0 =	vge.s32 v5, v0;
	vm1 =	vlt.s32 v5, v1  }
0x7d: {  	v6 =	vor.u32 $0x3100, v6;
	v5 =	vsub.s32 v5, v0;
	vm0 =	vmand vm0, vm1  }
0x7e: {  	v5 =	vsel vm0, v5, v6  }
0x7f: {  	[tilespmem:$0x1A400] =	vst v5  }
0x80: {  	v5 =	vld [tilespmem:s26+$0x19050];
	_ =	sdelay $0x2  }
0x81: {  	s28 =	sadd.s32 $0x10, s24  }
0x82: {  	v6 =	vor.u32 s28, v4  }
0x83: {  	v6 =	vand.u32 $0x9F, v6;
	vm0 =	vge.s32 v5, v0;
	vm1 =	vlt.s32 v5, v1  }
0x84: {  	v6 =	vor.u32 $0x3100, v6;
	v5 =	vsub.s32 v5, v0;
	vm0 =	vmand vm0, vm1  }
0x85: {  	v5 =	vsel vm0, v5, v6  }
0x86: {  	[tilespmem:$0x1A410] =	vst v5  }
0x87: {  	v5 =	vld [tilespmem:s26+$0x19060];
	_ =	sdelay $0x2  }
0x88: {  	s28 =	sadd.s32 $0x20, s24  }
0x89: {  	v6 =	vor.u32 s28, v4  }
0x8a: {  	v6 =	vand.u32 $0xAF, v6;
	vm0 =	vge.s32 v5, v0;
	vm1 =	vlt.s32 v5, v1  }
0x8b: {  	v6 =	vor.u32 $0x3100, v6;
	v5 =	vsub.s32 v5, v0;
	vm0 =	vmand vm0, vm1  }
0x8c: {  	v5 =	vsel vm0, v5, v6  }
0x8d: {  	[tilespmem:$0x1A420] =	vst v5  }
0x8e: {  	v5 =	vld [tilespmem:s26+$0x19070];
	_ =	sdelay $0x2  }
0x8f: {  	s28 =	sadd.s32 $0x30, s24  }
0x90: {  	v6 =	vor.u32 s28, v4  }
0x91: {  	v6 =	vand.u32 $0xBF, v6;
	vm0 =	vge.s32 v5, v0;
	vm1 =	vlt.s32 v5, v1  }
0x92: {  	v6 =	vor.u32 $0x3100, v6;
	v5 =	vsub.s32 v5, v0;
	vm0 =	vmand vm0, vm1  }
0x93: {  	p1 =	seq.s32 s25, $0x0;
	v5 =	vsel vm0, v5, v6  }
0x94: {  	s28 =	simm.s32 @!p1 $0x4;
	[tilespmem:$0x1A430] =	vst v5  }
0x95: {  	_ =	swait.ge @!p1 [sflag:s28], $0x2000  }
0x96: {  	[sflag:s28] =	ssyncset.done @!p1 $0x0  }
0x97: {  	[sflag:s28] =	ssyncadd.s32 @!p1 $0xFFFFE000;
	s28 =	sadd.s32 $0x19080, s26  }
0x98: {  	[tilespmem:s16], [sflag:$0x2] =	stream.indirect.gather [hbm4b:s4+s15], $0x80, s28, s15, $0xb8;
	[tilespmem:$0x1E500] =	vst v63  }
0x99: {  	_ =	swait.ge [sflag:s17], $0x2000  }
0x9a: {  	[sflag:s17] =	ssyncset.done $0x0  }
0x9b: {  	[sflag:s17] =	ssyncadd.s32 $0xFFFFE000  }
0x9c: {  	[spmem:s2] =	stream.indirect.scatter.add.f32 [tilespmem:s12], [sflag:$0x3], $0x80, s18, s15, $0xb8;
	[tilespmem:$0x1E500] =	vst v63  }
0x9d: {  	v5 =	vld [tilespmem:s26+$0x190C0];
	_ =	sdelay $0x2  }
0x9e: {  	s28 =	sadd.s32 $0x40, s24  }
0x9f: {  	v6 =	vor.u32 s28, v4  }
0xa0: {  	v6 =	vand.u32 $0xCF, v6;
	vm0 =	vge.s32 v5, v0;
	vm1 =	vlt.s32 v5, v1  }
0xa1: {  	v6 =	vor.u32 $0x3100, v6;
	v5 =	vsub.s32 v5, v0;
	vm0 =	vmand vm0, vm1  }
0xa2: {  	v5 =	vsel vm0, v5, v6  }
0xa3: {  	[tilespmem:$0x1A480] =	vst v5  }
0xa4: {  	v5 =	vld [tilespmem:s26+$0x190D0];
	_ =	sdelay $0x2  }
0xa5: {  	s28 =	sadd.s32 $0x50, s24  }
0xa6: {  	v6 =	vor.u32 s28, v4  }
0xa7: {  	v6 =	vand.u32 $0xDF, v6;
	vm0 =	vge.s32 v5, v0;
	vm1 =	vlt.s32 v5, v1  }
0xa8: {  	v6 =	vor.u32 $0x3100, v6;
	v5 =	vsub.s32 v5, v0;
	vm0 =	vmand vm0, vm1  }
0xa9: {  	v5 =	vsel vm0, v5, v6  }
0xaa: {  	[tilespmem:$0x1A490] =	vst v5  }
0xab: {  	v5 =	vld [tilespmem:s26+$0x190E0];
	_ =	sdelay $0x2  }
0xac: {  	s28 =	sadd.s32 $0x60, s24  }
0xad: {  	v6 =	vor.u32 s28, v4  }
0xae: {  	v6 =	vand.u32 $0xEF, v6;
	vm0 =	vge.s32 v5, v0;
	vm1 =	vlt.s32 v5, v1  }
0xaf: {  	v6 =	vor.u32 $0x3100, v6;
	v5 =	vsub.s32 v5, v0;
	vm0 =	vmand vm0, vm1  }
0xb0: {  	v5 =	vsel vm0, v5, v6  }
0xb1: {  	[tilespmem:$0x1A4A0] =	vst v5  }
0xb2: {  	v5 =	vld [tilespmem:s26+$0x190F0];
	_ =	sdelay $0x2  }
0xb3: {  	s26 =	sadd.s32 $0x70, s24  }
0xb4: {  	v6 =	vor.u32 s26, v4  }
0xb5: {  	v6 =	vand.u32 $0xFF, v6;
	vm0 =	vge.s32 v5, v0;
	vm1 =	vlt.s32 v5, v1  }
0xb6: {  	v6 =	vor.u32 $0x3100, v6;
	v5 =	vsub.s32 v5, v0;
	vm0 =	vmand vm0, vm1  }
0xb7: {  	v5 =	vsel vm0, v5, v6  }
0xb8: {  	p1 =	seq.s32 s25, $0x4C00;
	[tilespmem:$0x1A4B0] =	vst v5  }
0xb9: {  	s25 =	sshra.s32 @!p1 s25, $0x2;
	_ =	swait.ge [sflag:s19], $0x2000  }
0xba: {  	s25 =	sadd.s32 @!p1 $0x19100, s25;
	s26 =	simm.s32 @!p1 $0x1A500;
	[sflag:s19] =	ssyncset.done $0x0  }
.Ltmp2:
0xbb: {  	s28 =	simm.s32 @!p1 $0x40;
	[sflag:s19] =	ssyncadd.s32 $0xFFFFE000;
	(pc) =	sbr.rel @p0 .LBB2_6-.Ltmp2, $4  }
0xbc: {  	[tilespmem:s26], [sflag:$0x1] =	stream.indirect.gather @!p1 [hbm4b:s4+s28], $0x80, s25, s28, $0xb8;
	[tilespmem:$0x1E500] =	vst v63  }
0xbd: {  	_ =	swait.ge [sflag:s20], $0x2000  }
0xbe: {  	[sflag:s20] =	ssyncset.done $0x0  }
0xbf: {  	s24 =	sadd.s32 $0x80, s24;
	[sflag:s20] =	ssyncadd.s32 $0xFFFFE000  }
0xc0: {  	[spmem:s2] =	stream.indirect.scatter.add.f32 [tilespmem:s16], [sflag:$0x4], $0x80, s21, s15, $0xb8;
	[tilespmem:$0x1E500] =	vst v63  }
0xc1: {  	_ =	swait.ge [sflag:s22], $0x2000  }
0xc2: {  	[sflag:s22] =	ssyncset.done $0x0  }
0xc3: {  	s24 =	simm.s32 $0x0;
	[sflag:s22] =	ssyncadd.s32 $0xFFFFE000  }
0xc4: {  	[tilespmem:s14], [sflag:$0x5] =	stream.linear.gather [hbm4b:s6+s24], $0x1400, $0x38;
	[tilespmem:$0x1E500] =	vst v63  }
0xc5: {  	_ =	swait.ge [sflag:s13], $0x1400  }
0xc6: {  	[sflag:s13] =	ssyncset.done $0x0  }
0xc7: {  	s23 =	simm.s32 $0x0;
	[sflag:s13] =	ssyncadd.s32 $0xFFFFEC00  }
0xc8: {  	[tilespmem:s12], [sflag:$0x1] =	stream.indirect.gather [hbm4b:s4+s15], $0x80, s14, s15, $0xb8;
	[tilespmem:$0x1E500] =	vst v63  }
0xc9: {  	v5 =	vld [tilespmem:s23+$0x19040];
	_ =	sdelay $0x3  }
0xca: {  	v6 =	vor.u32 s24, v4  }
0xcb: {  	v6 =	vand.u32 $0x8F, v6;
	vm0 =	vge.s32 v5, v0;
	vm1 =	vlt.s32 v5, v1  }
0xcc: {  	v6 =	vor.u32 $0x3100, v6;
	v5 =	vsub.s32 v5, v0;
	vm0 =	vmand vm0, vm1  }
0xcd: {  	v5 =	vsel vm0, v5, v6  }
0xce: {  	[tilespmem:$0x1A400] =	vst v5  }
0xcf: {  	v5 =	vld [tilespmem:s23+$0x19050];
	_ =	sdelay $0x2  }
0xd0: {  	s30 =	simm.s32 $0x10  }
0xd1: {  	v6 =	vor.u32 s30, v4  }
0xd2: {  	v6 =	vand.u32 $0x9F, v6;
	vm14 =	vge.s32 v5, v0;
	vm15 =	vlt.s32 v5, v1  }
0xd3: {  	v6 =	vor.u32 $0x3100, v6;
	v5 =	vsub.s32 v5, v0;
	vm0 =	vmand vm14, vm15  }
0xd4: {  	v5 =	vsel vm0, v5, v6  }
0xd5: {  	[tilespmem:$0x1A410] =	vst v5  }
0xd6: {  	v5 =	vld [tilespmem:s23+$0x19060];
	_ =	sdelay $0x2  }
0xd7: {  	s31 =	simm.s32 $0x20  }
0xd8: {  	v6 =	vor.u32 s31, v4  }
0xd9: {  	v6 =	vand.u32 $0xAF, v6;
	vm4 =	vge.s32 v5, v0;
	vm5 =	vlt.s32 v5, v1  }
0xda: {  	v6 =	vor.u32 $0x3100, v6;
	v5 =	vsub.s32 v5, v0;
	vm0 =	vmand vm4, vm5  }
0xdb: {  	v5 =	vsel vm0, v5, v6  }
0xdc: {  	[tilespmem:$0x1A420] =	vst v5  }
0xdd: {  	v5 =	vld [tilespmem:s23+$0x19070];
	_ =	sdelay $0x2  }
0xde: {  	s25 =	simm.s32 $0x30  }
0xdf: {  	v6 =	vor.u32 s25, v4  }
0xe0: {  	v6 =	vand.u32 $0xBF, v6;
	vm6 =	vge.s32 v5, v0;
	vm7 =	vlt.s32 v5, v1  }
0xe1: {  	v6 =	vor.u32 $0x3100, v6;
	v5 =	vsub.s32 v5, v0;
	vm0 =	vmand vm6, vm7  }
0xe2: {  	p0 =	por $0x1, $0x1;
	v5 =	vsel vm0, v5, v6  }
0xe3: {  	s24 =	simm.s32 @!p0 $0x4;
	[tilespmem:$0x1A430] =	vst v5  }
0xe4: {  	_ =	swait.ge @!p0 [sflag:s24], $0x2000  }
0xe5: {  	[sflag:s24] =	ssyncset.done @!p0 $0x0  }
0xe6: {  	s26 =	simm.s32 $0x19080;
	[sflag:s24] =	ssyncadd.s32 @!p0 $0xFFFFE000  }
0xe7: {  	[tilespmem:s16], [sflag:$0x2] =	stream.indirect.gather [hbm4b:s4+s15], $0x80, s26, s15, $0xb8;
	[tilespmem:$0x1E500] =	vst v63  }
0xe8: {  	_ =	swait.ge [sflag:s17], $0x2000  }
0xe9: {  	[sflag:s17] =	ssyncset.done $0x0  }
0xea: {  	[sflag:s17] =	ssyncadd.s32 $0xFFFFE000  }
0xeb: {  	[spmem:s2] =	stream.indirect.scatter.add.f32 [tilespmem:s12], [sflag:$0x3], $0x80, s18, s15, $0xb8;
	[tilespmem:$0x1E500] =	vst v63  }
0xec: {  	v5 =	vld [tilespmem:s23+$0x190C0];
	_ =	sdelay $0x2  }
0xed: {  	s28 =	simm.s32 $0x40  }
0xee: {  	v6 =	vor.u32 s28, v4  }
0xef: {  	v6 =	vand.u32 $0xCF, v6;
	vm8 =	vge.s32 v5, v0;
	vm9 =	vlt.s32 v5, v1  }
0xf0: {  	v6 =	vor.u32 $0x3100, v6;
	v5 =	vsub.s32 v5, v0;
	vm0 =	vmand vm8, vm9  }
0xf1: {  	v5 =	vsel vm0, v5, v6  }
0xf2: {  	[tilespmem:$0x1A480] =	vst v5  }
0xf3: {  	v5 =	vld [tilespmem:s23+$0x190D0];
	_ =	sdelay $0x2  }
0xf4: {  	s29 =	simm.s32 $0x50  }
0xf5: {  	v6 =	vor.u32 s29, v4  }
0xf6: {  	v6 =	vand.u32 $0xDF, v6;
	vm10 =	vge.s32 v5, v0;
	vm11 =	vlt.s32 v5, v1  }
0xf7: {  	v6 =	vor.u32 $0x3100, v6;
	v5 =	vsub.s32 v5, v0;
	vm0 =	vmand vm10, vm11  }
0xf8: {  	v5 =	vsel vm0, v5, v6  }
0xf9: {  	[tilespmem:$0x1A490] =	vst v5  }
0xfa: {  	v5 =	vld [tilespmem:s23+$0x190E0];
	_ =	sdelay $0x2  }
0xfb: {  	s30 =	simm.s32 $0x60  }
0xfc: {  	v6 =	vor.u32 s30, v4  }
0xfd: {  	v6 =	vand.u32 $0xEF, v6;
	vm12 =	vge.s32 v5, v0;
	vm13 =	vlt.s32 v5, v1  }
0xfe: {  	v6 =	vor.u32 $0x3100, v6;
	v5 =	vsub.s32 v5, v0;
	vm0 =	vmand vm12, vm13  }
0xff: {  	v5 =	vsel vm0, v5, v6  }
0x100: {  	[tilespmem:$0x1A4A0] =	vst v5  }
0x101: {  	v5 =	vld [tilespmem:s23+$0x190F0];
	_ =	sdelay $0x2  }
0x102: {  	s31 =	simm.s32 $0x70  }
0x103: {  	v6 =	vor.u32 s31, v4  }
0x104: {  	v6 =	vand.u32 $0xFF, v6;
	vm14 =	vge.s32 v5, v0;
	vm15 =	vlt.s32 v5, v1  }
0x105: {  	v6 =	vor.u32 $0x3100, v6;
	v5 =	vsub.s32 v5, v0;
	vm0 =	vmand vm14, vm15  }
0x106: {  	v5 =	vsel vm0, v5, v6  }
0x107: {  	[tilespmem:$0x1A4B0] =	vst v5  }
0x108: {  	p0 =	por $0x0, $0x0;
	_ =	swait.ge [sflag:s19], $0x2000  }
0x109: {  	s24 =	simm.s32 @!p0 $0x19100;
	[sflag:s19] =	ssyncset.done $0x0  }
0x10a: {  	s25 =	simm.s32 @!p0 $0x40;
	s23 =	simm.s32 @!p0 $0x1A500;
	[sflag:s19] =	ssyncadd.s32 $0xFFFFE000  }
0x10b: {  	[tilespmem:s23], [sflag:$0x1] =	stream.indirect.gather @!p0 [hbm4b:s4+s25], $0x80, s24, s25, $0xb8;
	[tilespmem:$0x1E500] =	vst v63  }
0x10c: {  	_ =	swait.ge [sflag:s20], $0x2000  }
0x10d: {  	[sflag:s20] =	ssyncset.done $0x0  }
0x10e: {  	s23 =	simm.s32 $0x400;
	s24 =	simm.s32 $0x80;
	[sflag:s20] =	ssyncadd.s32 $0xFFFFE000  }
.LBB2_8:
0x10f: {  	[spmem:s2] =	stream.indirect.scatter.add.f32 [tilespmem:s16], [sflag:$0x4], $0x80, s21, s15, $0xb8;
	[tilespmem:$0x1E500] =	vst v63  }
0x110: {  	s26 =	sshra.s32 s23, $0x2;
	s25 =	smov.u32 s23;
	s23 =	sadd.s32 $0x400, s23  }
0x111: {  	p0 =	sne.s32 s23, $0x5000;
	v5 =	vld [tilespmem:s26+$0x19040];
	_ =	sdelay $0x3  }
0x112: {  	v6 =	vor.u32 s24, v4  }
0x113: {  	v6 =	vand.u32 $0x8F, v6;
	vm0 =	vge.s32 v5, v0;
	vm1 =	vlt.s32 v5, v1  }
0x114: {  	v6 =	vor.u32 $0x3100, v6;
	v5 =	vsub.s32 v5, v0;
	vm0 =	vmand vm0, vm1  }
0x115: {  	v5 =	vsel vm0, v5, v6  }
0x116: {  	[tilespmem:$0x1A400] =	vst v5  }
0x117: {  	v5 =	vld [tilespmem:s26+$0x19050];
	_ =	sdelay $0x2  }
0x118: {  	s28 =	sadd.s32 $0x10, s24  }
0x119: {  	v6 =	vor.u32 s28, v4  }
0x11a: {  	v6 =	vand.u32 $0x9F, v6;
	vm0 =	vge.s32 v5, v0;
	vm1 =	vlt.s32 v5, v1  }
0x11b: {  	v6 =	vor.u32 $0x3100, v6;
	v5 =	vsub.s32 v5, v0;
	vm0 =	vmand vm0, vm1  }
0x11c: {  	v5 =	vsel vm0, v5, v6  }
0x11d: {  	[tilespmem:$0x1A410] =	vst v5  }
0x11e: {  	v5 =	vld [tilespmem:s26+$0x19060];
	_ =	sdelay $0x2  }
0x11f: {  	s28 =	sadd.s32 $0x20, s24  }
0x120: {  	v6 =	vor.u32 s28, v4  }
0x121: {  	v6 =	vand.u32 $0xAF, v6;
	vm0 =	vge.s32 v5, v0;
	vm1 =	vlt.s32 v5, v1  }
0x122: {  	v6 =	vor.u32 $0x3100, v6;
	v5 =	vsub.s32 v5, v0;
	vm0 =	vmand vm0, vm1  }
0x123: {  	v5 =	vsel vm0, v5, v6  }
0x124: {  	[tilespmem:$0x1A420] =	vst v5  }
0x125: {  	v5 =	vld [tilespmem:s26+$0x19070];
	_ =	sdelay $0x2  }
0x126: {  	s28 =	sadd.s32 $0x30, s24  }
0x127: {  	v6 =	vor.u32 s28, v4  }
0x128: {  	v6 =	vand.u32 $0xBF, v6;
	vm0 =	vge.s32 v5, v0;
	vm1 =	vlt.s32 v5, v1  }
0x129: {  	v6 =	vor.u32 $0x3100, v6;
	v5 =	vsub.s32 v5, v0;
	vm0 =	vmand vm0, vm1  }
0x12a: {  	p1 =	seq.s32 s25, $0x0;
	v5 =	vsel vm0, v5, v6  }
0x12b: {  	s28 =	simm.s32 @!p1 $0x4;
	[tilespmem:$0x1A430] =	vst v5  }
0x12c: {  	_ =	swait.ge @!p1 [sflag:s28], $0x2000  }
0x12d: {  	[sflag:s28] =	ssyncset.done @!p1 $0x0  }
0x12e: {  	[sflag:s28] =	ssyncadd.s32 @!p1 $0xFFFFE000;
	s28 =	sadd.s32 $0x19080, s26  }
0x12f: {  	[tilespmem:s16], [sflag:$0x2] =	stream.indirect.gather [hbm4b:s4+s15], $0x80, s28, s15, $0xb8;
	[tilespmem:$0x1E500] =	vst v63  }
0x130: {  	_ =	swait.ge [sflag:s17], $0x2000  }
0x131: {  	[sflag:s17] =	ssyncset.done $0x0  }
0x132: {  	[sflag:s17] =	ssyncadd.s32 $0xFFFFE000  }
0x133: {  	[spmem:s2] =	stream.indirect.scatter.add.f32 [tilespmem:s12], [sflag:$0x3], $0x80, s18, s15, $0xb8;
	[tilespmem:$0x1E500] =	vst v63  }
0x134: {  	v5 =	vld [tilespmem:s26+$0x190C0];
	_ =	sdelay $0x2  }
0x135: {  	s28 =	sadd.s32 $0x40, s24  }
0x136: {  	v6 =	vor.u32 s28, v4  }
0x137: {  	v6 =	vand.u32 $0xCF, v6;
	vm0 =	vge.s32 v5, v0;
	vm1 =	vlt.s32 v5, v1  }
0x138: {  	v6 =	vor.u32 $0x3100, v6;
	v5 =	vsub.s32 v5, v0;
	vm0 =	vmand vm0, vm1  }
0x139: {  	v5 =	vsel vm0, v5, v6  }
0x13a: {  	[tilespmem:$0x1A480] =	vst v5  }
0x13b: {  	v5 =	vld [tilespmem:s26+$0x190D0];
	_ =	sdelay $0x2  }
0x13c: {  	s28 =	sadd.s32 $0x50, s24  }
0x13d: {  	v6 =	vor.u32 s28, v4  }
0x13e: {  	v6 =	vand.u32 $0xDF, v6;
	vm0 =	vge.s32 v5, v0;
	vm1 =	vlt.s32 v5, v1  }
0x13f: {  	v6 =	vor.u32 $0x3100, v6;
	v5 =	vsub.s32 v5, v0;
	vm0 =	vmand vm0, vm1  }
0x140: {  	v5 =	vsel vm0, v5, v6  }
0x141: {  	[tilespmem:$0x1A490] =	vst v5  }
0x142: {  	v5 =	vld [tilespmem:s26+$0x190E0];
	_ =	sdelay $0x2  }
0x143: {  	s28 =	sadd.s32 $0x60, s24  }
0x144: {  	v6 =	vor.u32 s28, v4  }
0x145: {  	v6 =	vand.u32 $0xEF, v6;
	vm0 =	vge.s32 v5, v0;
	vm1 =	vlt.s32 v5, v1  }
0x146: {  	v6 =	vor.u32 $0x3100, v6;
	v5 =	vsub.s32 v5, v0;
	vm0 =	vmand vm0, vm1  }
0x147: {  	v5 =	vsel vm0, v5, v6  }
0x148: {  	[tilespmem:$0x1A4A0] =	vst v5  }
0x149: {  	v5 =	vld [tilespmem:s26+$0x190F0];
	_ =	sdelay $0x2  }
0x14a: {  	s26 =	sadd.s32 $0x70, s24  }
0x14b: {  	v6 =	vor.u32 s26, v4  }
0x14c: {  	v6 =	vand.u32 $0xFF, v6;
	vm0 =	vge.s32 v5, v0;
	vm1 =	vlt.s32 v5, v1  }
0x14d: {  	v6 =	vor.u32 $0x3100, v6;
	v5 =	vsub.s32 v5, v0;
	vm0 =	vmand vm0, vm1  }
0x14e: {  	v5 =	vsel vm0, v5, v6  }
0x14f: {  	p1 =	seq.s32 s25, $0x4C00;
	[tilespmem:$0x1A4B0] =	vst v5  }
0x150: {  	s25 =	sshra.s32 @!p1 s25, $0x2;
	_ =	swait.ge [sflag:s19], $0x2000  }
0x151: {  	s25 =	sadd.s32 @!p1 $0x19100, s25;
	s26 =	simm.s32 @!p1 $0x1A500;
	[sflag:s19] =	ssyncset.done $0x0  }
.Ltmp3:
0x152: {  	s28 =	simm.s32 @!p1 $0x40;
	[sflag:s19] =	ssyncadd.s32 $0xFFFFE000;
	(pc) =	sbr.rel @p0 .LBB2_8-.Ltmp3, $4  }
0x153: {  	[tilespmem:s26], [sflag:$0x1] =	stream.indirect.gather @!p1 [hbm4b:s4+s28], $0x80, s25, s28, $0xb8;
	[tilespmem:$0x1E500] =	vst v63  }
0x154: {  	_ =	swait.ge [sflag:s20], $0x2000  }
0x155: {  	[sflag:s20] =	ssyncset.done $0x0  }
0x156: {  	s24 =	sadd.s32 $0x80, s24;
	[sflag:s20] =	ssyncadd.s32 $0xFFFFE000  }
0x157: {  	[spmem:s2] =	stream.indirect.scatter.add.f32 [tilespmem:s16], [sflag:$0x4], $0x80, s21, s15, $0xb8;
	[tilespmem:$0x1E500] =	vst v63  }
0x158: {  	_ =	swait.ge [sflag:s22], $0x2000  }
0x159: {  	[sflag:s22] =	ssyncset.done $0x0  }
0x15a: {  	s24 =	simm.s32 $0x0;
	[sflag:s22] =	ssyncadd.s32 $0xFFFFE000  }
0x15b: {  	[tilespmem:s14], [sflag:$0x5] =	stream.linear.gather [hbm4b:s7+s24], $0x1400, $0x38;
	[tilespmem:$0x1E500] =	vst v63  }
0x15c: {  	_ =	swait.ge [sflag:s13], $0x1400  }
0x15d: {  	[sflag:s13] =	ssyncset.done $0x0  }
0x15e: {  	s23 =	simm.s32 $0x0;
	[sflag:s13] =	ssyncadd.s32 $0xFFFFEC00  }
0x15f: {  	[tilespmem:s12], [sflag:$0x1] =	stream.indirect.gather [hbm4b:s4+s15], $0x80, s14, s15, $0xb8;
	[tilespmem:$0x1E500] =	vst v63  }
0x160: {  	v5 =	vld [tilespmem:s23+$0x19040];
	_ =	sdelay $0x3  }
0x161: {  	v6 =	vor.u32 s24, v4  }
0x162: {  	v6 =	vand.u32 $0x8F, v6;
	vm0 =	vge.s32 v5, v0;
	vm1 =	vlt.s32 v5, v1  }
0x163: {  	v6 =	vor.u32 $0x3100, v6;
	v5 =	vsub.s32 v5, v0;
	vm0 =	vmand vm0, vm1  }
0x164: {  	v5 =	vsel vm0, v5, v6  }
0x165: {  	[tilespmem:$0x1A400] =	vst v5  }
0x166: {  	v5 =	vld [tilespmem:s23+$0x19050];
	_ =	sdelay $0x2  }
0x167: {  	s30 =	simm.s32 $0x10  }
0x168: {  	v6 =	vor.u32 s30, v4  }
0x169: {  	v6 =	vand.u32 $0x9F, v6;
	vm14 =	vge.s32 v5, v0;
	vm15 =	vlt.s32 v5, v1  }
0x16a: {  	v6 =	vor.u32 $0x3100, v6;
	v5 =	vsub.s32 v5, v0;
	vm0 =	vmand vm14, vm15  }
0x16b: {  	v5 =	vsel vm0, v5, v6  }
0x16c: {  	[tilespmem:$0x1A410] =	vst v5  }
0x16d: {  	v5 =	vld [tilespmem:s23+$0x19060];
	_ =	sdelay $0x2  }
0x16e: {  	s31 =	simm.s32 $0x20  }
0x16f: {  	v6 =	vor.u32 s31, v4  }
0x170: {  	v6 =	vand.u32 $0xAF, v6;
	vm4 =	vge.s32 v5, v0;
	vm5 =	vlt.s32 v5, v1  }
0x171: {  	v6 =	vor.u32 $0x3100, v6;
	v5 =	vsub.s32 v5, v0;
	vm0 =	vmand vm4, vm5  }
0x172: {  	v5 =	vsel vm0, v5, v6  }
0x173: {  	[tilespmem:$0x1A420] =	vst v5  }
0x174: {  	v5 =	vld [tilespmem:s23+$0x19070];
	_ =	sdelay $0x2  }
0x175: {  	s25 =	simm.s32 $0x30  }
0x176: {  	v6 =	vor.u32 s25, v4  }
0x177: {  	v6 =	vand.u32 $0xBF, v6;
	vm6 =	vge.s32 v5, v0;
	vm7 =	vlt.s32 v5, v1  }
0x178: {  	v6 =	vor.u32 $0x3100, v6;
	v5 =	vsub.s32 v5, v0;
	vm0 =	vmand vm6, vm7  }
0x179: {  	p0 =	por $0x1, $0x1;
	v5 =	vsel vm0, v5, v6  }
0x17a: {  	s24 =	simm.s32 @!p0 $0x4;
	[tilespmem:$0x1A430] =	vst v5  }
0x17b: {  	_ =	swait.ge @!p0 [sflag:s24], $0x2000  }
0x17c: {  	[sflag:s24] =	ssyncset.done @!p0 $0x0  }
0x17d: {  	s26 =	simm.s32 $0x19080;
	[sflag:s24] =	ssyncadd.s32 @!p0 $0xFFFFE000  }
0x17e: {  	[tilespmem:s16], [sflag:$0x2] =	stream.indirect.gather [hbm4b:s4+s15], $0x80, s26, s15, $0xb8;
	[tilespmem:$0x1E500] =	vst v63  }
0x17f: {  	_ =	swait.ge [sflag:s17], $0x2000  }
0x180: {  	[sflag:s17] =	ssyncset.done $0x0  }
0x181: {  	[sflag:s17] =	ssyncadd.s32 $0xFFFFE000  }
0x182: {  	[spmem:s2] =	stream.indirect.scatter.add.f32 [tilespmem:s12], [sflag:$0x3], $0x80, s18, s15, $0xb8;
	[tilespmem:$0x1E500] =	vst v63  }
0x183: {  	v5 =	vld [tilespmem:s23+$0x190C0];
	_ =	sdelay $0x2  }
0x184: {  	s28 =	simm.s32 $0x40  }
0x185: {  	v6 =	vor.u32 s28, v4  }
0x186: {  	v6 =	vand.u32 $0xCF, v6;
	vm8 =	vge.s32 v5, v0;
	vm9 =	vlt.s32 v5, v1  }
0x187: {  	v6 =	vor.u32 $0x3100, v6;
	v5 =	vsub.s32 v5, v0;
	vm0 =	vmand vm8, vm9  }
0x188: {  	v5 =	vsel vm0, v5, v6  }
0x189: {  	[tilespmem:$0x1A480] =	vst v5  }
0x18a: {  	v5 =	vld [tilespmem:s23+$0x190D0];
	_ =	sdelay $0x2  }
0x18b: {  	s29 =	simm.s32 $0x50  }
0x18c: {  	v6 =	vor.u32 s29, v4  }
0x18d: {  	v6 =	vand.u32 $0xDF, v6;
	vm10 =	vge.s32 v5, v0;
	vm11 =	vlt.s32 v5, v1  }
0x18e: {  	v6 =	vor.u32 $0x3100, v6;
	v5 =	vsub.s32 v5, v0;
	vm0 =	vmand vm10, vm11  }
0x18f: {  	v5 =	vsel vm0, v5, v6  }
0x190: {  	[tilespmem:$0x1A490] =	vst v5  }
0x191: {  	v5 =	vld [tilespmem:s23+$0x190E0];
	_ =	sdelay $0x2  }
0x192: {  	s30 =	simm.s32 $0x60  }
0x193: {  	v6 =	vor.u32 s30, v4  }
0x194: {  	v6 =	vand.u32 $0xEF, v6;
	vm12 =	vge.s32 v5, v0;
	vm13 =	vlt.s32 v5, v1  }
0x195: {  	v6 =	vor.u32 $0x3100, v6;
	v5 =	vsub.s32 v5, v0;
	vm0 =	vmand vm12, vm13  }
0x196: {  	v5 =	vsel vm0, v5, v6  }
0x197: {  	[tilespmem:$0x1A4A0] =	vst v5  }
0x198: {  	v5 =	vld [tilespmem:s23+$0x190F0];
	_ =	sdelay $0x2  }
0x199: {  	s31 =	simm.s32 $0x70  }
0x19a: {  	v6 =	vor.u32 s31, v4  }
0x19b: {  	v6 =	vand.u32 $0xFF, v6;
	vm14 =	vge.s32 v5, v0;
	vm15 =	vlt.s32 v5, v1  }
0x19c: {  	v6 =	vor.u32 $0x3100, v6;
	v5 =	vsub.s32 v5, v0;
	vm0 =	vmand vm14, vm15  }
0x19d: {  	v5 =	vsel vm0, v5, v6  }
0x19e: {  	[tilespmem:$0x1A4B0] =	vst v5  }
0x19f: {  	p0 =	por $0x0, $0x0;
	_ =	swait.ge [sflag:s19], $0x2000  }
0x1a0: {  	s24 =	simm.s32 @!p0 $0x19100;
	[sflag:s19] =	ssyncset.done $0x0  }
0x1a1: {  	s25 =	simm.s32 @!p0 $0x40;
	s23 =	simm.s32 @!p0 $0x1A500;
	[sflag:s19] =	ssyncadd.s32 $0xFFFFE000  }
0x1a2: {  	[tilespmem:s23], [sflag:$0x1] =	stream.indirect.gather @!p0 [hbm4b:s4+s25], $0x80, s24, s25, $0xb8;
	[tilespmem:$0x1E500] =	vst v63  }
0x1a3: {  	_ =	swait.ge [sflag:s20], $0x2000  }
0x1a4: {  	[sflag:s20] =	ssyncset.done $0x0  }
0x1a5: {  	s23 =	simm.s32 $0x400;
	s24 =	simm.s32 $0x80;
	[sflag:s20] =	ssyncadd.s32 $0xFFFFE000  }
.LBB2_10:
0x1a6: {  	[spmem:s2] =	stream.indirect.scatter.add.f32 [tilespmem:s16], [sflag:$0x4], $0x80, s21, s15, $0xb8;
	[tilespmem:$0x1E500] =	vst v63  }
0x1a7: {  	s26 =	sshra.s32 s23, $0x2;
	s25 =	smov.u32 s23;
	s23 =	sadd.s32 $0x400, s23  }
0x1a8: {  	p0 =	sne.s32 s23, $0x5000;
	v5 =	vld [tilespmem:s26+$0x19040];
	_ =	sdelay $0x3  }
0x1a9: {  	v6 =	vor.u32 s24, v4  }
0x1aa: {  	v6 =	vand.u32 $0x8F, v6;
	vm0 =	vge.s32 v5, v0;
	vm1 =	vlt.s32 v5, v1  }
0x1ab: {  	v6 =	vor.u32 $0x3100, v6;
	v5 =	vsub.s32 v5, v0;
	vm0 =	vmand vm0, vm1  }
0x1ac: {  	v5 =	vsel vm0, v5, v6  }
0x1ad: {  	[tilespmem:$0x1A400] =	vst v5  }
0x1ae: {  	v5 =	vld [tilespmem:s26+$0x19050];
	_ =	sdelay $0x2  }
0x1af: {  	s28 =	sadd.s32 $0x10, s24  }
0x1b0: {  	v6 =	vor.u32 s28, v4  }
0x1b1: {  	v6 =	vand.u32 $0x9F, v6;
	vm0 =	vge.s32 v5, v0;
	vm1 =	vlt.s32 v5, v1  }
0x1b2: {  	v6 =	vor.u32 $0x3100, v6;
	v5 =	vsub.s32 v5, v0;
	vm0 =	vmand vm0, vm1  }
0x1b3: {  	v5 =	vsel vm0, v5, v6  }
0x1b4: {  	[tilespmem:$0x1A410] =	vst v5  }
0x1b5: {  	v5 =	vld [tilespmem:s26+$0x19060];
	_ =	sdelay $0x2  }
0x1b6: {  	s28 =	sadd.s32 $0x20, s24  }
0x1b7: {  	v6 =	vor.u32 s28, v4  }
0x1b8: {  	v6 =	vand.u32 $0xAF, v6;
	vm0 =	vge.s32 v5, v0;
	vm1 =	vlt.s32 v5, v1  }
0x1b9: {  	v6 =	vor.u32 $0x3100, v6;
	v5 =	vsub.s32 v5, v0;
	vm0 =	vmand vm0, vm1  }
0x1ba: {  	v5 =	vsel vm0, v5, v6  }
0x1bb: {  	[tilespmem:$0x1A420] =	vst v5  }
0x1bc: {  	v5 =	vld [tilespmem:s26+$0x19070];
	_ =	sdelay $0x2  }
0x1bd: {  	s28 =	sadd.s32 $0x30, s24  }
0x1be: {  	v6 =	vor.u32 s28, v4  }
0x1bf: {  	v6 =	vand.u32 $0xBF, v6;
	vm0 =	vge.s32 v5, v0;
	vm1 =	vlt.s32 v5, v1  }
0x1c0: {  	v6 =	vor.u32 $0x3100, v6;
	v5 =	vsub.s32 v5, v0;
	vm0 =	vmand vm0, vm1  }
0x1c1: {  	p1 =	seq.s32 s25, $0x0;
	v5 =	vsel vm0, v5, v6  }
0x1c2: {  	s28 =	simm.s32 @!p1 $0x4;
	[tilespmem:$0x1A430] =	vst v5  }
0x1c3: {  	_ =	swait.ge @!p1 [sflag:s28], $0x2000  }
0x1c4: {  	[sflag:s28] =	ssyncset.done @!p1 $0x0  }
0x1c5: {  	[sflag:s28] =	ssyncadd.s32 @!p1 $0xFFFFE000;
	s28 =	sadd.s32 $0x19080, s26  }
0x1c6: {  	[tilespmem:s16], [sflag:$0x2] =	stream.indirect.gather [hbm4b:s4+s15], $0x80, s28, s15, $0xb8;
	[tilespmem:$0x1E500] =	vst v63  }
0x1c7: {  	_ =	swait.ge [sflag:s17], $0x2000  }
0x1c8: {  	[sflag:s17] =	ssyncset.done $0x0  }
0x1c9: {  	[sflag:s17] =	ssyncadd.s32 $0xFFFFE000  }
0x1ca: {  	[spmem:s2] =	stream.indirect.scatter.add.f32 [tilespmem:s12], [sflag:$0x3], $0x80, s18, s15, $0xb8;
	[tilespmem:$0x1E500] =	vst v63  }
0x1cb: {  	v5 =	vld [tilespmem:s26+$0x190C0];
	_ =	sdelay $0x2  }
0x1cc: {  	s28 =	sadd.s32 $0x40, s24  }
0x1cd: {  	v6 =	vor.u32 s28, v4  }
0x1ce: {  	v6 =	vand.u32 $0xCF, v6;
	vm0 =	vge.s32 v5, v0;
	vm1 =	vlt.s32 v5, v1  }
0x1cf: {  	v6 =	vor.u32 $0x3100, v6;
	v5 =	vsub.s32 v5, v0;
	vm0 =	vmand vm0, vm1  }
0x1d0: {  	v5 =	vsel vm0, v5, v6  }
0x1d1: {  	[tilespmem:$0x1A480] =	vst v5  }
0x1d2: {  	v5 =	vld [tilespmem:s26+$0x190D0];
	_ =	sdelay $0x2  }
0x1d3: {  	s28 =	sadd.s32 $0x50, s24  }
0x1d4: {  	v6 =	vor.u32 s28, v4  }
0x1d5: {  	v6 =	vand.u32 $0xDF, v6;
	vm0 =	vge.s32 v5, v0;
	vm1 =	vlt.s32 v5, v1  }
0x1d6: {  	v6 =	vor.u32 $0x3100, v6;
	v5 =	vsub.s32 v5, v0;
	vm0 =	vmand vm0, vm1  }
0x1d7: {  	v5 =	vsel vm0, v5, v6  }
0x1d8: {  	[tilespmem:$0x1A490] =	vst v5  }
0x1d9: {  	v5 =	vld [tilespmem:s26+$0x190E0];
	_ =	sdelay $0x2  }
0x1da: {  	s28 =	sadd.s32 $0x60, s24  }
0x1db: {  	v6 =	vor.u32 s28, v4  }
0x1dc: {  	v6 =	vand.u32 $0xEF, v6;
	vm0 =	vge.s32 v5, v0;
	vm1 =	vlt.s32 v5, v1  }
0x1dd: {  	v6 =	vor.u32 $0x3100, v6;
	v5 =	vsub.s32 v5, v0;
	vm0 =	vmand vm0, vm1  }
0x1de: {  	v5 =	vsel vm0, v5, v6  }
0x1df: {  	[tilespmem:$0x1A4A0] =	vst v5  }
0x1e0: {  	v5 =	vld [tilespmem:s26+$0x190F0];
	_ =	sdelay $0x2  }
0x1e1: {  	s26 =	sadd.s32 $0x70, s24  }
0x1e2: {  	v6 =	vor.u32 s26, v4  }
0x1e3: {  	v6 =	vand.u32 $0xFF, v6;
	vm0 =	vge.s32 v5, v0;
	vm1 =	vlt.s32 v5, v1  }
0x1e4: {  	v6 =	vor.u32 $0x3100, v6;
	v5 =	vsub.s32 v5, v0;
	vm0 =	vmand vm0, vm1  }
0x1e5: {  	v5 =	vsel vm0, v5, v6  }
0x1e6: {  	p1 =	seq.s32 s25, $0x4C00;
	[tilespmem:$0x1A4B0] =	vst v5  }
0x1e7: {  	s25 =	sshra.s32 @!p1 s25, $0x2;
	_ =	swait.ge [sflag:s19], $0x2000  }
0x1e8: {  	s25 =	sadd.s32 @!p1 $0x19100, s25;
	s26 =	simm.s32 @!p1 $0x1A500;
	[sflag:s19] =	ssyncset.done $0x0  }
.Ltmp4:
0x1e9: {  	s28 =	simm.s32 @!p1 $0x40;
	[sflag:s19] =	ssyncadd.s32 $0xFFFFE000;
	(pc) =	sbr.rel @p0 .LBB2_10-.Ltmp4, $4  }
0x1ea: {  	[tilespmem:s26], [sflag:$0x1] =	stream.indirect.gather @!p1 [hbm4b:s4+s28], $0x80, s25, s28, $0xb8;
	[tilespmem:$0x1E500] =	vst v63  }
0x1eb: {  	_ =	swait.ge [sflag:s20], $0x2000  }
0x1ec: {  	[sflag:s20] =	ssyncset.done $0x0  }
0x1ed: {  	s24 =	sadd.s32 $0x80, s24;
	[sflag:s20] =	ssyncadd.s32 $0xFFFFE000  }
0x1ee: {  	[spmem:s2] =	stream.indirect.scatter.add.f32 [tilespmem:s16], [sflag:$0x4], $0x80, s21, s15, $0xb8;
	[tilespmem:$0x1E500] =	vst v63  }
0x1ef: {  	_ =	swait.ge [sflag:s22], $0x2000  }
0x1f0: {  	[sflag:s22] =	ssyncset.done $0x0  }
0x1f1: {  	s23 =	sshll.u32 s1, $0x6;
	[sflag:s22] =	ssyncadd.s32 $0xFFFFE000  }
0x1f2: {  	s24 =	sshrl.u32 s8, $0x3;
	s23 =	sor.u32 $0x1C05, s23;
	[bflag:$0x0] =	sbarrier.arrive $0xFFFF  }
0x1f3: {  	[hbm:s9], [sflag:s23] =	dma.local [spmem:s24], $0x3100  }
0x1f4: {  	_ =	swait.ge [sflag:s13], $0x3100  }
0x1f5: {  	[sflag:s13] =	ssyncset.done $0x0  }
0x1f6: {  	[sflag:s13] =	ssyncadd.s32 $0xFFFFCF00  }
0x1f7: {  	s25 =	simm.s32 $0x0;
	s26 =	simm.s32 $0x200;
	[bflag:$0x0] =	sbarrier.arrive $0xFFFF  }
.LBB2_12:
0x1f8: {  	p0 =	sne.s32 s26, $0x3600;
	[tilespmem:s25+$0x1A570] =	vst v3  }
0x1f9: {  	[tilespmem:s25+$0x1A500] =	vst v3  }
0x1fa: {  	[tilespmem:s25+$0x1A510] =	vst v3  }
.Ltmp5:
0x1fb: {  	[tilespmem:s25+$0x1A520] =	vst v3;
	(pc) =	sbr.rel @p0 .LBB2_12-.Ltmp5, $4  }
0x1fc: {  	[tilespmem:s25+$0x1A530] =	vst v3  }
0x1fd: {  	[tilespmem:s25+$0x1A540] =	vst v3  }
0x1fe: {  	[tilespmem:s25+$0x1A550] =	vst v3  }
0x1ff: {  	[tilespmem:s25+$0x1A560] =	vst v3;
	s25 =	sshra.s32 s26, $0x2;
	s26 =	sadd.s32 $0x200, s26  }
0x200: {  	[tilespmem:s25+$0x1A570] =	vst v3  }
0x201: {  	[tilespmem:s25+$0x1A500] =	vst v3  }
0x202: {  	[tilespmem:s25+$0x1A510] =	vst v3  }
0x203: {  	[tilespmem:s25+$0x1A520] =	vst v3  }
0x204: {  	[tilespmem:s25+$0x1A530] =	vst v3  }
0x205: {  	[tilespmem:s25+$0x1A540] =	vst v3  }
0x206: {  	[tilespmem:s25+$0x1A550] =	vst v3  }
0x207: {  	[tilespmem:s25+$0x1A560] =	vst v3;
	s31 =	sadd.s32 $0x0, s8  }
0x208: {  	[spmem:s31] =	stream.linear.scatter [tilespmem:s12], [sflag:$0x5], $0xE00, $0x38;
	[tilespmem:$0x1E500] =	vst v63  }
0x209: {  	s25 =	simm.s32 $0x3800;
	_ =	swait.ge [sflag:s13], $0xE00  }
.LBB2_14:
0x20a: {  	s26 =	sshra.s32 s25, $0x2;
	[sflag:s13] =	ssyncset.done $0x0;
	p0 =	sne.s32 s25, $0x5E800  }
.Ltmp6:
0x20b: {  	s26 =	sadd.s32 s26, s8;
	[sflag:s13] =	ssyncadd.s32 $0xFFFFF200;
	(pc) =	sbr.rel @p0 .LBB2_14-.Ltmp6, $3  }
0x20c: {  	[spmem:s26] =	stream.linear.scatter [tilespmem:s12], [sflag:$0x5], $0xE00, $0x38;
	[tilespmem:$0x1E500] =	vst v63  }
0x20d: {  	s25 =	sadd.s32 $0x3800, s25;
	_ =	sdelay $0x1  }
0x20e: {  	_ =	swait.ge [sflag:s13], $0xE00  }
0x20f: {  	[sflag:s13] =	ssyncset.done $0x0  }
0x210: {  	[sflag:s13] =	ssyncadd.s32 $0xFFFFF200  }
0x211: {  	s26 =	simm.s32 $0x0;
	[bflag:$0x0] =	sbarrier.arrive $0xFFFF  }
0x212: {  	[tilespmem:s14], [sflag:$0x5] =	stream.linear.gather [hbm4b:s5+s26], $0x1400, $0x38;
	[tilespmem:$0x1E500] =	vst v63  }
0x213: {  	_ =	swait.ge [sflag:s13], $0x1400  }
0x214: {  	[sflag:s13] =	ssyncset.done $0x0  }
0x215: {  	s25 =	simm.s32 $0x0;
	[sflag:s13] =	ssyncadd.s32 $0xFFFFEC00  }
0x216: {  	[tilespmem:s12], [sflag:$0x1] =	stream.indirect.gather [hbm4b:s4+s15], $0x80, s14, s15, $0xb8;
	[tilespmem:$0x1E500] =	vst v63  }
0x217: {  	v5 =	vld [tilespmem:s25+$0x19040];
	_ =	sdelay $0x3  }
0x218: {  	v6 =	vor.u32 s26, v4  }
0x219: {  	v6 =	vand.u32 $0x8F, v6;
	vm0 =	vge.s32 v5, v1;
	vm1 =	vlt.s32 v5, v2  }
0x21a: {  	v6 =	vor.u32 $0x3100, v6;
	v5 =	vsub.s32 v5, v1;
	vm0 =	vmand vm0, vm1  }
0x21b: {  	v5 =	vsel vm0, v5, v6  }
0x21c: {  	[tilespmem:$0x1A400] =	vst v5  }
0x21d: {  	v5 =	vld [tilespmem:s25+$0x19050];
	_ =	sdelay $0x2  }
0x21e: {  	s28 =	simm.s32 $0x10  }
0x21f: {  	v6 =	vor.u32 s28, v4  }
0x220: {  	v6 =	vand.u32 $0x9F, v6;
	vm14 =	vge.s32 v5, v1;
	vm15 =	vlt.s32 v5, v2  }
0x221: {  	v6 =	vor.u32 $0x3100, v6;
	v5 =	vsub.s32 v5, v1;
	vm0 =	vmand vm14, vm15  }
0x222: {  	v5 =	vsel vm0, v5, v6  }
0x223: {  	[tilespmem:$0x1A410] =	vst v5  }
0x224: {  	v5 =	vld [tilespmem:s25+$0x19060];
	_ =	sdelay $0x2  }
0x225: {  	s29 =	simm.s32 $0x20  }
0x226: {  	v6 =	vor.u32 s29, v4  }
0x227: {  	v6 =	vand.u32 $0xAF, v6;
	vm4 =	vge.s32 v5, v1;
	vm5 =	vlt.s32 v5, v2  }
0x228: {  	v6 =	vor.u32 $0x3100, v6;
	v5 =	vsub.s32 v5, v1;
	vm0 =	vmand vm4, vm5  }
0x229: {  	v5 =	vsel vm0, v5, v6  }
0x22a: {  	[tilespmem:$0x1A420] =	vst v5  }
0x22b: {  	v5 =	vld [tilespmem:s25+$0x19070];
	_ =	sdelay $0x2  }
0x22c: {  	s30 =	simm.s32 $0x30  }
0x22d: {  	v6 =	vor.u32 s30, v4  }
0x22e: {  	v6 =	vand.u32 $0xBF, v6;
	vm6 =	vge.s32 v5, v1;
	vm7 =	vlt.s32 v5, v2  }
0x22f: {  	v6 =	vor.u32 $0x3100, v6;
	v5 =	vsub.s32 v5, v1;
	vm0 =	vmand vm6, vm7  }
0x230: {  	p0 =	por $0x1, $0x1;
	v5 =	vsel vm0, v5, v6  }
0x231: {  	s26 =	simm.s32 @!p0 $0x4;
	[tilespmem:$0x1A430] =	vst v5  }
0x232: {  	_ =	swait.ge @!p0 [sflag:s26], $0x2000  }
0x233: {  	[sflag:s26] =	ssyncset.done @!p0 $0x0  }
0x234: {  	s31 =	simm.s32 $0x19080;
	[sflag:s26] =	ssyncadd.s32 @!p0 $0xFFFFE000  }
0x235: {  	[tilespmem:s16], [sflag:$0x2] =	stream.indirect.gather [hbm4b:s4+s15], $0x80, s31, s15, $0xb8;
	[tilespmem:$0x1E500] =	vst v63  }
0x236: {  	_ =	swait.ge [sflag:s17], $0x2000  }
0x237: {  	[sflag:s17] =	ssyncset.done $0x0  }
0x238: {  	[sflag:s17] =	ssyncadd.s32 $0xFFFFE000  }
0x239: {  	[spmem:s2] =	stream.indirect.scatter.add.f32 [tilespmem:s12], [sflag:$0x3], $0x80, s18, s15, $0xb8;
	[tilespmem:$0x1E500] =	vst v63  }
0x23a: {  	v5 =	vld [tilespmem:s25+$0x190C0];
	_ =	sdelay $0x2  }
0x23b: {  	s28 =	simm.s32 $0x40  }
0x23c: {  	v6 =	vor.u32 s28, v4  }
0x23d: {  	v6 =	vand.u32 $0xCF, v6;
	vm8 =	vge.s32 v5, v1;
	vm9 =	vlt.s32 v5, v2  }
0x23e: {  	v6 =	vor.u32 $0x3100, v6;
	v5 =	vsub.s32 v5, v1;
	vm0 =	vmand vm8, vm9  }
0x23f: {  	v5 =	vsel vm0, v5, v6  }
0x240: {  	[tilespmem:$0x1A480] =	vst v5  }
0x241: {  	v5 =	vld [tilespmem:s25+$0x190D0];
	_ =	sdelay $0x2  }
0x242: {  	s29 =	simm.s32 $0x50  }
0x243: {  	v6 =	vor.u32 s29, v4  }
0x244: {  	v6 =	vand.u32 $0xDF, v6;
	vm10 =	vge.s32 v5, v1;
	vm11 =	vlt.s32 v5, v2  }
0x245: {  	v6 =	vor.u32 $0x3100, v6;
	v5 =	vsub.s32 v5, v1;
	vm0 =	vmand vm10, vm11  }
0x246: {  	v5 =	vsel vm0, v5, v6  }
0x247: {  	[tilespmem:$0x1A490] =	vst v5  }
0x248: {  	v5 =	vld [tilespmem:s25+$0x190E0];
	_ =	sdelay $0x2  }
0x249: {  	s30 =	simm.s32 $0x60  }
0x24a: {  	v6 =	vor.u32 s30, v4  }
0x24b: {  	v6 =	vand.u32 $0xEF, v6;
	vm12 =	vge.s32 v5, v1;
	vm13 =	vlt.s32 v5, v2  }
0x24c: {  	v6 =	vor.u32 $0x3100, v6;
	v5 =	vsub.s32 v5, v1;
	vm0 =	vmand vm12, vm13  }
0x24d: {  	v5 =	vsel vm0, v5, v6  }
0x24e: {  	[tilespmem:$0x1A4A0] =	vst v5  }
0x24f: {  	v5 =	vld [tilespmem:s25+$0x190F0];
	_ =	sdelay $0x2  }
0x250: {  	s31 =	simm.s32 $0x70  }
0x251: {  	v6 =	vor.u32 s31, v4  }
0x252: {  	v6 =	vand.u32 $0xFF, v6;
	vm14 =	vge.s32 v5, v1;
	vm15 =	vlt.s32 v5, v2  }
0x253: {  	v6 =	vor.u32 $0x3100, v6;
	v5 =	vsub.s32 v5, v1;
	vm0 =	vmand vm14, vm15  }
0x254: {  	v5 =	vsel vm0, v5, v6  }
0x255: {  	[tilespmem:$0x1A4B0] =	vst v5  }
0x256: {  	p0 =	por $0x0, $0x0;
	_ =	swait.ge [sflag:s19], $0x2000  }
0x257: {  	s26 =	simm.s32 @!p0 $0x19100;
	[sflag:s19] =	ssyncset.done $0x0  }
0x258: {  	s28 =	simm.s32 @!p0 $0x40;
	s25 =	simm.s32 @!p0 $0x1A500;
	[sflag:s19] =	ssyncadd.s32 $0xFFFFE000  }
0x259: {  	[tilespmem:s25], [sflag:$0x1] =	stream.indirect.gather @!p0 [hbm4b:s4+s28], $0x80, s26, s28, $0xb8;
	[tilespmem:$0x1E500] =	vst v63  }
0x25a: {  	_ =	swait.ge [sflag:s20], $0x2000  }
0x25b: {  	[sflag:s20] =	ssyncset.done $0x0  }
0x25c: {  	s25 =	simm.s32 $0x400;
	s26 =	simm.s32 $0x80;
	[sflag:s20] =	ssyncadd.s32 $0xFFFFE000  }
.LBB2_16:
0x25d: {  	[spmem:s2] =	stream.indirect.scatter.add.f32 [tilespmem:s16], [sflag:$0x4], $0x80, s21, s15, $0xb8;
	[tilespmem:$0x1E500] =	vst v63  }
0x25e: {  	s29 =	sshra.s32 s25, $0x2;
	s28 =	smov.u32 s25;
	s25 =	sadd.s32 $0x400, s25  }
0x25f: {  	p0 =	sne.s32 s25, $0x5000;
	v5 =	vld [tilespmem:s29+$0x19040];
	_ =	sdelay $0x3  }
0x260: {  	v6 =	vor.u32 s26, v4  }
0x261: {  	v6 =	vand.u32 $0x8F, v6;
	vm0 =	vge.s32 v5, v1;
	vm1 =	vlt.s32 v5, v2  }
0x262: {  	v6 =	vor.u32 $0x3100, v6;
	v5 =	vsub.s32 v5, v1;
	vm0 =	vmand vm0, vm1  }
0x263: {  	v5 =	vsel vm0, v5, v6  }
0x264: {  	[tilespmem:$0x1A400] =	vst v5  }
0x265: {  	v5 =	vld [tilespmem:s29+$0x19050];
	_ =	sdelay $0x2  }
0x266: {  	s30 =	sadd.s32 $0x10, s26  }
0x267: {  	v6 =	vor.u32 s30, v4  }
0x268: {  	v6 =	vand.u32 $0x9F, v6;
	vm0 =	vge.s32 v5, v1;
	vm1 =	vlt.s32 v5, v2  }
0x269: {  	v6 =	vor.u32 $0x3100, v6;
	v5 =	vsub.s32 v5, v1;
	vm0 =	vmand vm0, vm1  }
0x26a: {  	v5 =	vsel vm0, v5, v6  }
0x26b: {  	[tilespmem:$0x1A410] =	vst v5  }
0x26c: {  	v5 =	vld [tilespmem:s29+$0x19060];
	_ =	sdelay $0x2  }
0x26d: {  	s30 =	sadd.s32 $0x20, s26  }
0x26e: {  	v6 =	vor.u32 s30, v4  }
0x26f: {  	v6 =	vand.u32 $0xAF, v6;
	vm0 =	vge.s32 v5, v1;
	vm1 =	vlt.s32 v5, v2  }
0x270: {  	v6 =	vor.u32 $0x3100, v6;
	v5 =	vsub.s32 v5, v1;
	vm0 =	vmand vm0, vm1  }
0x271: {  	v5 =	vsel vm0, v5, v6  }
0x272: {  	[tilespmem:$0x1A420] =	vst v5  }
0x273: {  	v5 =	vld [tilespmem:s29+$0x19070];
	_ =	sdelay $0x2  }
0x274: {  	s30 =	sadd.s32 $0x30, s26  }
0x275: {  	v6 =	vor.u32 s30, v4  }
0x276: {  	v6 =	vand.u32 $0xBF, v6;
	vm0 =	vge.s32 v5, v1;
	vm1 =	vlt.s32 v5, v2  }
0x277: {  	v6 =	vor.u32 $0x3100, v6;
	v5 =	vsub.s32 v5, v1;
	vm0 =	vmand vm0, vm1  }
0x278: {  	p1 =	seq.s32 s28, $0x0;
	v5 =	vsel vm0, v5, v6  }
0x279: {  	s30 =	simm.s32 @!p1 $0x4;
	[tilespmem:$0x1A430] =	vst v5  }
0x27a: {  	_ =	swait.ge @!p1 [sflag:s30], $0x2000  }
0x27b: {  	[sflag:s30] =	ssyncset.done @!p1 $0x0  }
0x27c: {  	[sflag:s30] =	ssyncadd.s32 @!p1 $0xFFFFE000;
	s30 =	sadd.s32 $0x19080, s29  }
0x27d: {  	[tilespmem:s16], [sflag:$0x2] =	stream.indirect.gather [hbm4b:s4+s15], $0x80, s30, s15, $0xb8;
	[tilespmem:$0x1E500] =	vst v63  }
0x27e: {  	_ =	swait.ge [sflag:s17], $0x2000  }
0x27f: {  	[sflag:s17] =	ssyncset.done $0x0  }
0x280: {  	[sflag:s17] =	ssyncadd.s32 $0xFFFFE000  }
0x281: {  	[spmem:s2] =	stream.indirect.scatter.add.f32 [tilespmem:s12], [sflag:$0x3], $0x80, s18, s15, $0xb8;
	[tilespmem:$0x1E500] =	vst v63  }
0x282: {  	v5 =	vld [tilespmem:s29+$0x190C0];
	_ =	sdelay $0x2  }
0x283: {  	s30 =	sadd.s32 $0x40, s26  }
0x284: {  	v6 =	vor.u32 s30, v4  }
0x285: {  	v6 =	vand.u32 $0xCF, v6;
	vm0 =	vge.s32 v5, v1;
	vm1 =	vlt.s32 v5, v2  }
0x286: {  	v6 =	vor.u32 $0x3100, v6;
	v5 =	vsub.s32 v5, v1;
	vm0 =	vmand vm0, vm1  }
0x287: {  	v5 =	vsel vm0, v5, v6  }
0x288: {  	[tilespmem:$0x1A480] =	vst v5  }
0x289: {  	v5 =	vld [tilespmem:s29+$0x190D0];
	_ =	sdelay $0x2  }
0x28a: {  	s30 =	sadd.s32 $0x50, s26  }
0x28b: {  	v6 =	vor.u32 s30, v4  }
0x28c: {  	v6 =	vand.u32 $0xDF, v6;
	vm0 =	vge.s32 v5, v1;
	vm1 =	vlt.s32 v5, v2  }
0x28d: {  	v6 =	vor.u32 $0x3100, v6;
	v5 =	vsub.s32 v5, v1;
	vm0 =	vmand vm0, vm1  }
0x28e: {  	v5 =	vsel vm0, v5, v6  }
0x28f: {  	[tilespmem:$0x1A490] =	vst v5  }
0x290: {  	v5 =	vld [tilespmem:s29+$0x190E0];
	_ =	sdelay $0x2  }
0x291: {  	s30 =	sadd.s32 $0x60, s26  }
0x292: {  	v6 =	vor.u32 s30, v4  }
0x293: {  	v6 =	vand.u32 $0xEF, v6;
	vm0 =	vge.s32 v5, v1;
	vm1 =	vlt.s32 v5, v2  }
0x294: {  	v6 =	vor.u32 $0x3100, v6;
	v5 =	vsub.s32 v5, v1;
	vm0 =	vmand vm0, vm1  }
0x295: {  	v5 =	vsel vm0, v5, v6  }
0x296: {  	[tilespmem:$0x1A4A0] =	vst v5  }
0x297: {  	v5 =	vld [tilespmem:s29+$0x190F0];
	_ =	sdelay $0x2  }
0x298: {  	s29 =	sadd.s32 $0x70, s26  }
0x299: {  	v6 =	vor.u32 s29, v4  }
0x29a: {  	v6 =	vand.u32 $0xFF, v6;
	vm0 =	vge.s32 v5, v1;
	vm1 =	vlt.s32 v5, v2  }
0x29b: {  	v6 =	vor.u32 $0x3100, v6;
	v5 =	vsub.s32 v5, v1;
	vm0 =	vmand vm0, vm1  }
0x29c: {  	v5 =	vsel vm0, v5, v6  }
0x29d: {  	p1 =	seq.s32 s28, $0x4C00;
	[tilespmem:$0x1A4B0] =	vst v5  }
0x29e: {  	s28 =	sshra.s32 @!p1 s28, $0x2;
	_ =	swait.ge [sflag:s19], $0x2000  }
0x29f: {  	s28 =	sadd.s32 @!p1 $0x19100, s28;
	s29 =	simm.s32 @!p1 $0x1A500;
	[sflag:s19] =	ssyncset.done $0x0  }
.Ltmp7:
0x2a0: {  	s30 =	simm.s32 @!p1 $0x40;
	[sflag:s19] =	ssyncadd.s32 $0xFFFFE000;
	(pc) =	sbr.rel @p0 .LBB2_16-.Ltmp7, $4  }
0x2a1: {  	[tilespmem:s29], [sflag:$0x1] =	stream.indirect.gather @!p1 [hbm4b:s4+s30], $0x80, s28, s30, $0xb8;
	[tilespmem:$0x1E500] =	vst v63  }
0x2a2: {  	_ =	swait.ge [sflag:s20], $0x2000  }
0x2a3: {  	[sflag:s20] =	ssyncset.done $0x0  }
0x2a4: {  	s26 =	sadd.s32 $0x80, s26;
	[sflag:s20] =	ssyncadd.s32 $0xFFFFE000  }
0x2a5: {  	[spmem:s2] =	stream.indirect.scatter.add.f32 [tilespmem:s16], [sflag:$0x4], $0x80, s21, s15, $0xb8;
	[tilespmem:$0x1E500] =	vst v63  }
0x2a6: {  	_ =	swait.ge [sflag:s22], $0x2000  }
0x2a7: {  	[sflag:s22] =	ssyncset.done $0x0  }
0x2a8: {  	s26 =	simm.s32 $0x0;
	[sflag:s22] =	ssyncadd.s32 $0xFFFFE000  }
0x2a9: {  	[tilespmem:s14], [sflag:$0x5] =	stream.linear.gather [hbm4b:s6+s26], $0x1400, $0x38;
	[tilespmem:$0x1E500] =	vst v63  }
0x2aa: {  	_ =	swait.ge [sflag:s13], $0x1400  }
0x2ab: {  	[sflag:s13] =	ssyncset.done $0x0  }
0x2ac: {  	s25 =	simm.s32 $0x0;
	[sflag:s13] =	ssyncadd.s32 $0xFFFFEC00  }
0x2ad: {  	[tilespmem:s12], [sflag:$0x1] =	stream.indirect.gather [hbm4b:s4+s15], $0x80, s14, s15, $0xb8;
	[tilespmem:$0x1E500] =	vst v63  }
0x2ae: {  	v5 =	vld [tilespmem:s25+$0x19040];
	_ =	sdelay $0x3  }
0x2af: {  	v6 =	vor.u32 s26, v4  }
0x2b0: {  	v6 =	vand.u32 $0x8F, v6;
	vm0 =	vge.s32 v5, v1;
	vm1 =	vlt.s32 v5, v2  }
0x2b1: {  	v6 =	vor.u32 $0x3100, v6;
	v5 =	vsub.s32 v5, v1;
	vm0 =	vmand vm0, vm1  }
0x2b2: {  	v5 =	vsel vm0, v5, v6  }
0x2b3: {  	[tilespmem:$0x1A400] =	vst v5  }
0x2b4: {  	v5 =	vld [tilespmem:s25+$0x19050];
	_ =	sdelay $0x2  }
0x2b5: {  	s28 =	simm.s32 $0x10  }
0x2b6: {  	v6 =	vor.u32 s28, v4  }
0x2b7: {  	v6 =	vand.u32 $0x9F, v6;
	vm14 =	vge.s32 v5, v1;
	vm15 =	vlt.s32 v5, v2  }
0x2b8: {  	v6 =	vor.u32 $0x3100, v6;
	v5 =	vsub.s32 v5, v1;
	vm0 =	vmand vm14, vm15  }
0x2b9: {  	v5 =	vsel vm0, v5, v6  }
0x2ba: {  	[tilespmem:$0x1A410] =	vst v5  }
0x2bb: {  	v5 =	vld [tilespmem:s25+$0x19060];
	_ =	sdelay $0x2  }
0x2bc: {  	s29 =	simm.s32 $0x20  }
0x2bd: {  	v6 =	vor.u32 s29, v4  }
0x2be: {  	v6 =	vand.u32 $0xAF, v6;
	vm4 =	vge.s32 v5, v1;
	vm5 =	vlt.s32 v5, v2  }
0x2bf: {  	v6 =	vor.u32 $0x3100, v6;
	v5 =	vsub.s32 v5, v1;
	vm0 =	vmand vm4, vm5  }
0x2c0: {  	v5 =	vsel vm0, v5, v6  }
0x2c1: {  	[tilespmem:$0x1A420] =	vst v5  }
0x2c2: {  	v5 =	vld [tilespmem:s25+$0x19070];
	_ =	sdelay $0x2  }
0x2c3: {  	s30 =	simm.s32 $0x30  }
0x2c4: {  	v6 =	vor.u32 s30, v4  }
0x2c5: {  	v6 =	vand.u32 $0xBF, v6;
	vm6 =	vge.s32 v5, v1;
	vm7 =	vlt.s32 v5, v2  }
0x2c6: {  	v6 =	vor.u32 $0x3100, v6;
	v5 =	vsub.s32 v5, v1;
	vm0 =	vmand vm6, vm7  }
0x2c7: {  	p0 =	por $0x1, $0x1;
	v5 =	vsel vm0, v5, v6  }
0x2c8: {  	s26 =	simm.s32 @!p0 $0x4;
	[tilespmem:$0x1A430] =	vst v5  }
0x2c9: {  	_ =	swait.ge @!p0 [sflag:s26], $0x2000  }
0x2ca: {  	[sflag:s26] =	ssyncset.done @!p0 $0x0  }
0x2cb: {  	s31 =	simm.s32 $0x19080;
	[sflag:s26] =	ssyncadd.s32 @!p0 $0xFFFFE000  }
0x2cc: {  	[tilespmem:s16], [sflag:$0x2] =	stream.indirect.gather [hbm4b:s4+s15], $0x80, s31, s15, $0xb8;
	[tilespmem:$0x1E500] =	vst v63  }
0x2cd: {  	_ =	swait.ge [sflag:s17], $0x2000  }
0x2ce: {  	[sflag:s17] =	ssyncset.done $0x0  }
0x2cf: {  	[sflag:s17] =	ssyncadd.s32 $0xFFFFE000  }
0x2d0: {  	[spmem:s2] =	stream.indirect.scatter.add.f32 [tilespmem:s12], [sflag:$0x3], $0x80, s18, s15, $0xb8;
	[tilespmem:$0x1E500] =	vst v63  }
0x2d1: {  	v5 =	vld [tilespmem:s25+$0x190C0];
	_ =	sdelay $0x2  }
0x2d2: {  	s28 =	simm.s32 $0x40  }
0x2d3: {  	v6 =	vor.u32 s28, v4  }
0x2d4: {  	v6 =	vand.u32 $0xCF, v6;
	vm8 =	vge.s32 v5, v1;
	vm9 =	vlt.s32 v5, v2  }
0x2d5: {  	v6 =	vor.u32 $0x3100, v6;
	v5 =	vsub.s32 v5, v1;
	vm0 =	vmand vm8, vm9  }
0x2d6: {  	v5 =	vsel vm0, v5, v6  }
0x2d7: {  	[tilespmem:$0x1A480] =	vst v5  }
0x2d8: {  	v5 =	vld [tilespmem:s25+$0x190D0];
	_ =	sdelay $0x2  }
0x2d9: {  	s29 =	simm.s32 $0x50  }
0x2da: {  	v6 =	vor.u32 s29, v4  }
0x2db: {  	v6 =	vand.u32 $0xDF, v6;
	vm10 =	vge.s32 v5, v1;
	vm11 =	vlt.s32 v5, v2  }
0x2dc: {  	v6 =	vor.u32 $0x3100, v6;
	v5 =	vsub.s32 v5, v1;
	vm0 =	vmand vm10, vm11  }
0x2dd: {  	v5 =	vsel vm0, v5, v6  }
0x2de: {  	[tilespmem:$0x1A490] =	vst v5  }
0x2df: {  	v5 =	vld [tilespmem:s25+$0x190E0];
	_ =	sdelay $0x2  }
0x2e0: {  	s30 =	simm.s32 $0x60  }
0x2e1: {  	v6 =	vor.u32 s30, v4  }
0x2e2: {  	v6 =	vand.u32 $0xEF, v6;
	vm12 =	vge.s32 v5, v1;
	vm13 =	vlt.s32 v5, v2  }
0x2e3: {  	v6 =	vor.u32 $0x3100, v6;
	v5 =	vsub.s32 v5, v1;
	vm0 =	vmand vm12, vm13  }
0x2e4: {  	v5 =	vsel vm0, v5, v6  }
0x2e5: {  	[tilespmem:$0x1A4A0] =	vst v5  }
0x2e6: {  	v5 =	vld [tilespmem:s25+$0x190F0];
	_ =	sdelay $0x2  }
0x2e7: {  	s31 =	simm.s32 $0x70  }
0x2e8: {  	v6 =	vor.u32 s31, v4  }
0x2e9: {  	v6 =	vand.u32 $0xFF, v6;
	vm14 =	vge.s32 v5, v1;
	vm15 =	vlt.s32 v5, v2  }
0x2ea: {  	v6 =	vor.u32 $0x3100, v6;
	v5 =	vsub.s32 v5, v1;
	vm0 =	vmand vm14, vm15  }
0x2eb: {  	v5 =	vsel vm0, v5, v6  }
0x2ec: {  	[tilespmem:$0x1A4B0] =	vst v5  }
0x2ed: {  	p0 =	por $0x0, $0x0;
	_ =	swait.ge [sflag:s19], $0x2000  }
0x2ee: {  	s26 =	simm.s32 @!p0 $0x19100;
	[sflag:s19] =	ssyncset.done $0x0  }
0x2ef: {  	s28 =	simm.s32 @!p0 $0x40;
	s25 =	simm.s32 @!p0 $0x1A500;
	[sflag:s19] =	ssyncadd.s32 $0xFFFFE000  }
0x2f0: {  	[tilespmem:s25], [sflag:$0x1] =	stream.indirect.gather @!p0 [hbm4b:s4+s28], $0x80, s26, s28, $0xb8;
	[tilespmem:$0x1E500] =	vst v63  }
0x2f1: {  	_ =	swait.ge [sflag:s20], $0x2000  }
0x2f2: {  	[sflag:s20] =	ssyncset.done $0x0  }
0x2f3: {  	s25 =	simm.s32 $0x400;
	s26 =	simm.s32 $0x80;
	[sflag:s20] =	ssyncadd.s32 $0xFFFFE000  }
.LBB2_18:
0x2f4: {  	[spmem:s2] =	stream.indirect.scatter.add.f32 [tilespmem:s16], [sflag:$0x4], $0x80, s21, s15, $0xb8;
	[tilespmem:$0x1E500] =	vst v63  }
0x2f5: {  	s29 =	sshra.s32 s25, $0x2;
	s28 =	smov.u32 s25;
	s25 =	sadd.s32 $0x400, s25  }
0x2f6: {  	p0 =	sne.s32 s25, $0x5000;
	v5 =	vld [tilespmem:s29+$0x19040];
	_ =	sdelay $0x3  }
0x2f7: {  	v6 =	vor.u32 s26, v4  }
0x2f8: {  	v6 =	vand.u32 $0x8F, v6;
	vm0 =	vge.s32 v5, v1;
	vm1 =	vlt.s32 v5, v2  }
0x2f9: {  	v6 =	vor.u32 $0x3100, v6;
	v5 =	vsub.s32 v5, v1;
	vm0 =	vmand vm0, vm1  }
0x2fa: {  	v5 =	vsel vm0, v5, v6  }
0x2fb: {  	[tilespmem:$0x1A400] =	vst v5  }
0x2fc: {  	v5 =	vld [tilespmem:s29+$0x19050];
	_ =	sdelay $0x2  }
0x2fd: {  	s30 =	sadd.s32 $0x10, s26  }
0x2fe: {  	v6 =	vor.u32 s30, v4  }
0x2ff: {  	v6 =	vand.u32 $0x9F, v6;
	vm0 =	vge.s32 v5, v1;
	vm1 =	vlt.s32 v5, v2  }
0x300: {  	v6 =	vor.u32 $0x3100, v6;
	v5 =	vsub.s32 v5, v1;
	vm0 =	vmand vm0, vm1  }
0x301: {  	v5 =	vsel vm0, v5, v6  }
0x302: {  	[tilespmem:$0x1A410] =	vst v5  }
0x303: {  	v5 =	vld [tilespmem:s29+$0x19060];
	_ =	sdelay $0x2  }
0x304: {  	s30 =	sadd.s32 $0x20, s26  }
0x305: {  	v6 =	vor.u32 s30, v4  }
0x306: {  	v6 =	vand.u32 $0xAF, v6;
	vm0 =	vge.s32 v5, v1;
	vm1 =	vlt.s32 v5, v2  }
0x307: {  	v6 =	vor.u32 $0x3100, v6;
	v5 =	vsub.s32 v5, v1;
	vm0 =	vmand vm0, vm1  }
0x308: {  	v5 =	vsel vm0, v5, v6  }
0x309: {  	[tilespmem:$0x1A420] =	vst v5  }
0x30a: {  	v5 =	vld [tilespmem:s29+$0x19070];
	_ =	sdelay $0x2  }
0x30b: {  	s30 =	sadd.s32 $0x30, s26  }
0x30c: {  	v6 =	vor.u32 s30, v4  }
0x30d: {  	v6 =	vand.u32 $0xBF, v6;
	vm0 =	vge.s32 v5, v1;
	vm1 =	vlt.s32 v5, v2  }
0x30e: {  	v6 =	vor.u32 $0x3100, v6;
	v5 =	vsub.s32 v5, v1;
	vm0 =	vmand vm0, vm1  }
0x30f: {  	p1 =	seq.s32 s28, $0x0;
	v5 =	vsel vm0, v5, v6  }
0x310: {  	s30 =	simm.s32 @!p1 $0x4;
	[tilespmem:$0x1A430] =	vst v5  }
0x311: {  	_ =	swait.ge @!p1 [sflag:s30], $0x2000  }
0x312: {  	[sflag:s30] =	ssyncset.done @!p1 $0x0  }
0x313: {  	[sflag:s30] =	ssyncadd.s32 @!p1 $0xFFFFE000;
	s30 =	sadd.s32 $0x19080, s29  }
0x314: {  	[tilespmem:s16], [sflag:$0x2] =	stream.indirect.gather [hbm4b:s4+s15], $0x80, s30, s15, $0xb8;
	[tilespmem:$0x1E500] =	vst v63  }
0x315: {  	_ =	swait.ge [sflag:s17], $0x2000  }
0x316: {  	[sflag:s17] =	ssyncset.done $0x0  }
0x317: {  	[sflag:s17] =	ssyncadd.s32 $0xFFFFE000  }
0x318: {  	[spmem:s2] =	stream.indirect.scatter.add.f32 [tilespmem:s12], [sflag:$0x3], $0x80, s18, s15, $0xb8;
	[tilespmem:$0x1E500] =	vst v63  }
0x319: {  	v5 =	vld [tilespmem:s29+$0x190C0];
	_ =	sdelay $0x2  }
0x31a: {  	s30 =	sadd.s32 $0x40, s26  }
0x31b: {  	v6 =	vor.u32 s30, v4  }
0x31c: {  	v6 =	vand.u32 $0xCF, v6;
	vm0 =	vge.s32 v5, v1;
	vm1 =	vlt.s32 v5, v2  }
0x31d: {  	v6 =	vor.u32 $0x3100, v6;
	v5 =	vsub.s32 v5, v1;
	vm0 =	vmand vm0, vm1  }
0x31e: {  	v5 =	vsel vm0, v5, v6  }
0x31f: {  	[tilespmem:$0x1A480] =	vst v5  }
0x320: {  	v5 =	vld [tilespmem:s29+$0x190D0];
	_ =	sdelay $0x2  }
0x321: {  	s30 =	sadd.s32 $0x50, s26  }
0x322: {  	v6 =	vor.u32 s30, v4  }
0x323: {  	v6 =	vand.u32 $0xDF, v6;
	vm0 =	vge.s32 v5, v1;
	vm1 =	vlt.s32 v5, v2  }
0x324: {  	v6 =	vor.u32 $0x3100, v6;
	v5 =	vsub.s32 v5, v1;
	vm0 =	vmand vm0, vm1  }
0x325: {  	v5 =	vsel vm0, v5, v6  }
0x326: {  	[tilespmem:$0x1A490] =	vst v5  }
0x327: {  	v5 =	vld [tilespmem:s29+$0x190E0];
	_ =	sdelay $0x2  }
0x328: {  	s30 =	sadd.s32 $0x60, s26  }
0x329: {  	v6 =	vor.u32 s30, v4  }
0x32a: {  	v6 =	vand.u32 $0xEF, v6;
	vm0 =	vge.s32 v5, v1;
	vm1 =	vlt.s32 v5, v2  }
0x32b: {  	v6 =	vor.u32 $0x3100, v6;
	v5 =	vsub.s32 v5, v1;
	vm0 =	vmand vm0, vm1  }
0x32c: {  	v5 =	vsel vm0, v5, v6  }
0x32d: {  	[tilespmem:$0x1A4A0] =	vst v5  }
0x32e: {  	v5 =	vld [tilespmem:s29+$0x190F0];
	_ =	sdelay $0x2  }
0x32f: {  	s29 =	sadd.s32 $0x70, s26  }
0x330: {  	v6 =	vor.u32 s29, v4  }
0x331: {  	v6 =	vand.u32 $0xFF, v6;
	vm0 =	vge.s32 v5, v1;
	vm1 =	vlt.s32 v5, v2  }
0x332: {  	v6 =	vor.u32 $0x3100, v6;
	v5 =	vsub.s32 v5, v1;
	vm0 =	vmand vm0, vm1  }
0x333: {  	v5 =	vsel vm0, v5, v6  }
0x334: {  	p1 =	seq.s32 s28, $0x4C00;
	[tilespmem:$0x1A4B0] =	vst v5  }
0x335: {  	s28 =	sshra.s32 @!p1 s28, $0x2;
	_ =	swait.ge [sflag:s19], $0x2000  }
0x336: {  	s28 =	sadd.s32 @!p1 $0x19100, s28;
	s29 =	simm.s32 @!p1 $0x1A500;
	[sflag:s19] =	ssyncset.done $0x0  }
.Ltmp8:
0x337: {  	s30 =	simm.s32 @!p1 $0x40;
	[sflag:s19] =	ssyncadd.s32 $0xFFFFE000;
	(pc) =	sbr.rel @p0 .LBB2_18-.Ltmp8, $4  }
0x338: {  	[tilespmem:s29], [sflag:$0x1] =	stream.indirect.gather @!p1 [hbm4b:s4+s30], $0x80, s28, s30, $0xb8;
	[tilespmem:$0x1E500] =	vst v63  }
0x339: {  	_ =	swait.ge [sflag:s20], $0x2000  }
0x33a: {  	[sflag:s20] =	ssyncset.done $0x0  }
0x33b: {  	s26 =	sadd.s32 $0x80, s26;
	[sflag:s20] =	ssyncadd.s32 $0xFFFFE000  }
0x33c: {  	[spmem:s2] =	stream.indirect.scatter.add.f32 [tilespmem:s16], [sflag:$0x4], $0x80, s21, s15, $0xb8;
	[tilespmem:$0x1E500] =	vst v63  }
0x33d: {  	_ =	swait.ge [sflag:s22], $0x2000  }
0x33e: {  	[sflag:s22] =	ssyncset.done $0x0  }
0x33f: {  	s26 =	simm.s32 $0x0;
	[sflag:s22] =	ssyncadd.s32 $0xFFFFE000  }
0x340: {  	[tilespmem:s14], [sflag:$0x5] =	stream.linear.gather [hbm4b:s7+s26], $0x1400, $0x38;
	[tilespmem:$0x1E500] =	vst v63  }
0x341: {  	_ =	swait.ge [sflag:s13], $0x1400  }
0x342: {  	[sflag:s13] =	ssyncset.done $0x0  }
0x343: {  	s25 =	simm.s32 $0x0;
	[sflag:s13] =	ssyncadd.s32 $0xFFFFEC00  }
0x344: {  	[tilespmem:s12], [sflag:$0x1] =	stream.indirect.gather [hbm4b:s4+s15], $0x80, s14, s15, $0xb8;
	[tilespmem:$0x1E500] =	vst v63  }
0x345: {  	v5 =	vld [tilespmem:s25+$0x19040];
	_ =	sdelay $0x3  }
0x346: {  	v6 =	vor.u32 s26, v4  }
0x347: {  	v6 =	vand.u32 $0x8F, v6;
	vm0 =	vge.s32 v5, v1;
	vm1 =	vlt.s32 v5, v2  }
0x348: {  	v6 =	vor.u32 $0x3100, v6;
	v5 =	vsub.s32 v5, v1;
	vm0 =	vmand vm0, vm1  }
0x349: {  	v5 =	vsel vm0, v5, v6  }
0x34a: {  	[tilespmem:$0x1A400] =	vst v5  }
0x34b: {  	v5 =	vld [tilespmem:s25+$0x19050];
	_ =	sdelay $0x2  }
0x34c: {  	s28 =	simm.s32 $0x10  }
0x34d: {  	v6 =	vor.u32 s28, v4  }
0x34e: {  	v6 =	vand.u32 $0x9F, v6;
	vm14 =	vge.s32 v5, v1;
	vm15 =	vlt.s32 v5, v2  }
0x34f: {  	v6 =	vor.u32 $0x3100, v6;
	v5 =	vsub.s32 v5, v1;
	vm0 =	vmand vm14, vm15  }
0x350: {  	v5 =	vsel vm0, v5, v6  }
0x351: {  	[tilespmem:$0x1A410] =	vst v5  }
0x352: {  	v5 =	vld [tilespmem:s25+$0x19060];
	_ =	sdelay $0x2  }
0x353: {  	s29 =	simm.s32 $0x20  }
0x354: {  	v6 =	vor.u32 s29, v4  }
0x355: {  	v6 =	vand.u32 $0xAF, v6;
	vm4 =	vge.s32 v5, v1;
	vm5 =	vlt.s32 v5, v2  }
0x356: {  	v6 =	vor.u32 $0x3100, v6;
	v5 =	vsub.s32 v5, v1;
	vm0 =	vmand vm4, vm5  }
0x357: {  	v5 =	vsel vm0, v5, v6  }
0x358: {  	[tilespmem:$0x1A420] =	vst v5  }
0x359: {  	v5 =	vld [tilespmem:s25+$0x19070];
	_ =	sdelay $0x2  }
0x35a: {  	s30 =	simm.s32 $0x30  }
0x35b: {  	v6 =	vor.u32 s30, v4  }
0x35c: {  	v6 =	vand.u32 $0xBF, v6;
	vm6 =	vge.s32 v5, v1;
	vm7 =	vlt.s32 v5, v2  }
0x35d: {  	v6 =	vor.u32 $0x3100, v6;
	v5 =	vsub.s32 v5, v1;
	vm0 =	vmand vm6, vm7  }
0x35e: {  	p0 =	por $0x1, $0x1;
	v5 =	vsel vm0, v5, v6  }
0x35f: {  	s26 =	simm.s32 @!p0 $0x4;
	[tilespmem:$0x1A430] =	vst v5  }
0x360: {  	_ =	swait.ge @!p0 [sflag:s26], $0x2000  }
0x361: {  	[sflag:s26] =	ssyncset.done @!p0 $0x0  }
0x362: {  	s31 =	simm.s32 $0x19080;
	[sflag:s26] =	ssyncadd.s32 @!p0 $0xFFFFE000  }
0x363: {  	[tilespmem:s16], [sflag:$0x2] =	stream.indirect.gather [hbm4b:s4+s15], $0x80, s31, s15, $0xb8;
	[tilespmem:$0x1E500] =	vst v63  }
0x364: {  	_ =	swait.ge [sflag:s17], $0x2000  }
0x365: {  	[sflag:s17] =	ssyncset.done $0x0  }
0x366: {  	[sflag:s17] =	ssyncadd.s32 $0xFFFFE000  }
0x367: {  	[spmem:s2] =	stream.indirect.scatter.add.f32 [tilespmem:s12], [sflag:$0x3], $0x80, s18, s15, $0xb8;
	[tilespmem:$0x1E500] =	vst v63  }
0x368: {  	v5 =	vld [tilespmem:s25+$0x190C0];
	_ =	sdelay $0x2  }
0x369: {  	s28 =	simm.s32 $0x40  }
0x36a: {  	v6 =	vor.u32 s28, v4  }
0x36b: {  	v6 =	vand.u32 $0xCF, v6;
	vm8 =	vge.s32 v5, v1;
	vm9 =	vlt.s32 v5, v2  }
0x36c: {  	v6 =	vor.u32 $0x3100, v6;
	v5 =	vsub.s32 v5, v1;
	vm0 =	vmand vm8, vm9  }
0x36d: {  	v5 =	vsel vm0, v5, v6  }
0x36e: {  	[tilespmem:$0x1A480] =	vst v5  }
0x36f: {  	v5 =	vld [tilespmem:s25+$0x190D0];
	_ =	sdelay $0x2  }
0x370: {  	s29 =	simm.s32 $0x50  }
0x371: {  	v6 =	vor.u32 s29, v4  }
0x372: {  	v6 =	vand.u32 $0xDF, v6;
	vm10 =	vge.s32 v5, v1;
	vm11 =	vlt.s32 v5, v2  }
0x373: {  	v6 =	vor.u32 $0x3100, v6;
	v5 =	vsub.s32 v5, v1;
	vm0 =	vmand vm10, vm11  }
0x374: {  	v5 =	vsel vm0, v5, v6  }
0x375: {  	[tilespmem:$0x1A490] =	vst v5  }
0x376: {  	v5 =	vld [tilespmem:s25+$0x190E0];
	_ =	sdelay $0x2  }
0x377: {  	s30 =	simm.s32 $0x60  }
0x378: {  	v6 =	vor.u32 s30, v4  }
0x379: {  	v6 =	vand.u32 $0xEF, v6;
	vm12 =	vge.s32 v5, v1;
	vm13 =	vlt.s32 v5, v2  }
0x37a: {  	v6 =	vor.u32 $0x3100, v6;
	v5 =	vsub.s32 v5, v1;
	vm0 =	vmand vm12, vm13  }
0x37b: {  	v5 =	vsel vm0, v5, v6  }
0x37c: {  	[tilespmem:$0x1A4A0] =	vst v5  }
0x37d: {  	v5 =	vld [tilespmem:s25+$0x190F0];
	_ =	sdelay $0x2  }
0x37e: {  	s31 =	simm.s32 $0x70  }
0x37f: {  	v6 =	vor.u32 s31, v4  }
0x380: {  	v6 =	vand.u32 $0xFF, v6;
	vm14 =	vge.s32 v5, v1;
	vm15 =	vlt.s32 v5, v2  }
0x381: {  	v6 =	vor.u32 $0x3100, v6;
	v5 =	vsub.s32 v5, v1;
	vm0 =	vmand vm14, vm15  }
0x382: {  	v5 =	vsel vm0, v5, v6  }
0x383: {  	[tilespmem:$0x1A4B0] =	vst v5  }
0x384: {  	p0 =	por $0x0, $0x0;
	_ =	swait.ge [sflag:s19], $0x2000  }
0x385: {  	s26 =	simm.s32 @!p0 $0x19100;
	[sflag:s19] =	ssyncset.done $0x0  }
0x386: {  	s28 =	simm.s32 @!p0 $0x40;
	s25 =	simm.s32 @!p0 $0x1A500;
	[sflag:s19] =	ssyncadd.s32 $0xFFFFE000  }
0x387: {  	[tilespmem:s25], [sflag:$0x1] =	stream.indirect.gather @!p0 [hbm4b:s4+s28], $0x80, s26, s28, $0xb8;
	[tilespmem:$0x1E500] =	vst v63  }
0x388: {  	_ =	swait.ge [sflag:s20], $0x2000  }
0x389: {  	[sflag:s20] =	ssyncset.done $0x0  }
0x38a: {  	s25 =	simm.s32 $0x400;
	s26 =	simm.s32 $0x80;
	[sflag:s20] =	ssyncadd.s32 $0xFFFFE000  }
.LBB2_20:
0x38b: {  	[spmem:s2] =	stream.indirect.scatter.add.f32 [tilespmem:s16], [sflag:$0x4], $0x80, s21, s15, $0xb8;
	[tilespmem:$0x1E500] =	vst v63  }
0x38c: {  	s29 =	sshra.s32 s25, $0x2;
	s28 =	smov.u32 s25;
	s25 =	sadd.s32 $0x400, s25  }
0x38d: {  	p0 =	sne.s32 s25, $0x5000;
	v5 =	vld [tilespmem:s29+$0x19040];
	_ =	sdelay $0x3  }
0x38e: {  	v6 =	vor.u32 s26, v4  }
0x38f: {  	v6 =	vand.u32 $0x8F, v6;
	vm0 =	vge.s32 v5, v1;
	vm1 =	vlt.s32 v5, v2  }
0x390: {  	v6 =	vor.u32 $0x3100, v6;
	v5 =	vsub.s32 v5, v1;
	vm0 =	vmand vm0, vm1  }
0x391: {  	v5 =	vsel vm0, v5, v6  }
0x392: {  	[tilespmem:$0x1A400] =	vst v5  }
0x393: {  	v5 =	vld [tilespmem:s29+$0x19050];
	_ =	sdelay $0x2  }
0x394: {  	s30 =	sadd.s32 $0x10, s26  }
0x395: {  	v6 =	vor.u32 s30, v4  }
0x396: {  	v6 =	vand.u32 $0x9F, v6;
	vm0 =	vge.s32 v5, v1;
	vm1 =	vlt.s32 v5, v2  }
0x397: {  	v6 =	vor.u32 $0x3100, v6;
	v5 =	vsub.s32 v5, v1;
	vm0 =	vmand vm0, vm1  }
0x398: {  	v5 =	vsel vm0, v5, v6  }
0x399: {  	[tilespmem:$0x1A410] =	vst v5  }
0x39a: {  	v5 =	vld [tilespmem:s29+$0x19060];
	_ =	sdelay $0x2  }
0x39b: {  	s30 =	sadd.s32 $0x20, s26  }
0x39c: {  	v6 =	vor.u32 s30, v4  }
0x39d: {  	v6 =	vand.u32 $0xAF, v6;
	vm0 =	vge.s32 v5, v1;
	vm1 =	vlt.s32 v5, v2  }
0x39e: {  	v6 =	vor.u32 $0x3100, v6;
	v5 =	vsub.s32 v5, v1;
	vm0 =	vmand vm0, vm1  }
0x39f: {  	v5 =	vsel vm0, v5, v6  }
0x3a0: {  	[tilespmem:$0x1A420] =	vst v5  }
0x3a1: {  	v5 =	vld [tilespmem:s29+$0x19070];
	_ =	sdelay $0x2  }
0x3a2: {  	s30 =	sadd.s32 $0x30, s26  }
0x3a3: {  	v6 =	vor.u32 s30, v4  }
0x3a4: {  	v6 =	vand.u32 $0xBF, v6;
	vm0 =	vge.s32 v5, v1;
	vm1 =	vlt.s32 v5, v2  }
0x3a5: {  	v6 =	vor.u32 $0x3100, v6;
	v5 =	vsub.s32 v5, v1;
	vm0 =	vmand vm0, vm1  }
0x3a6: {  	p1 =	seq.s32 s28, $0x0;
	v5 =	vsel vm0, v5, v6  }
0x3a7: {  	s30 =	simm.s32 @!p1 $0x4;
	[tilespmem:$0x1A430] =	vst v5  }
0x3a8: {  	_ =	swait.ge @!p1 [sflag:s30], $0x2000  }
0x3a9: {  	[sflag:s30] =	ssyncset.done @!p1 $0x0  }
0x3aa: {  	[sflag:s30] =	ssyncadd.s32 @!p1 $0xFFFFE000;
	s30 =	sadd.s32 $0x19080, s29  }
0x3ab: {  	[tilespmem:s16], [sflag:$0x2] =	stream.indirect.gather [hbm4b:s4+s15], $0x80, s30, s15, $0xb8;
	[tilespmem:$0x1E500] =	vst v63  }
0x3ac: {  	_ =	swait.ge [sflag:s17], $0x2000  }
0x3ad: {  	[sflag:s17] =	ssyncset.done $0x0  }
0x3ae: {  	[sflag:s17] =	ssyncadd.s32 $0xFFFFE000  }
0x3af: {  	[spmem:s2] =	stream.indirect.scatter.add.f32 [tilespmem:s12], [sflag:$0x3], $0x80, s18, s15, $0xb8;
	[tilespmem:$0x1E500] =	vst v63  }
0x3b0: {  	v5 =	vld [tilespmem:s29+$0x190C0];
	_ =	sdelay $0x2  }
0x3b1: {  	s30 =	sadd.s32 $0x40, s26  }
0x3b2: {  	v6 =	vor.u32 s30, v4  }
0x3b3: {  	v6 =	vand.u32 $0xCF, v6;
	vm0 =	vge.s32 v5, v1;
	vm1 =	vlt.s32 v5, v2  }
0x3b4: {  	v6 =	vor.u32 $0x3100, v6;
	v5 =	vsub.s32 v5, v1;
	vm0 =	vmand vm0, vm1  }
0x3b5: {  	v5 =	vsel vm0, v5, v6  }
0x3b6: {  	[tilespmem:$0x1A480] =	vst v5  }
0x3b7: {  	v5 =	vld [tilespmem:s29+$0x190D0];
	_ =	sdelay $0x2  }
0x3b8: {  	s30 =	sadd.s32 $0x50, s26  }
0x3b9: {  	v6 =	vor.u32 s30, v4  }
0x3ba: {  	v6 =	vand.u32 $0xDF, v6;
	vm0 =	vge.s32 v5, v1;
	vm1 =	vlt.s32 v5, v2  }
0x3bb: {  	v6 =	vor.u32 $0x3100, v6;
	v5 =	vsub.s32 v5, v1;
	vm0 =	vmand vm0, vm1  }
0x3bc: {  	v5 =	vsel vm0, v5, v6  }
0x3bd: {  	[tilespmem:$0x1A490] =	vst v5  }
0x3be: {  	v5 =	vld [tilespmem:s29+$0x190E0];
	_ =	sdelay $0x2  }
0x3bf: {  	s30 =	sadd.s32 $0x60, s26  }
0x3c0: {  	v6 =	vor.u32 s30, v4  }
0x3c1: {  	v6 =	vand.u32 $0xEF, v6;
	vm0 =	vge.s32 v5, v1;
	vm1 =	vlt.s32 v5, v2  }
0x3c2: {  	v6 =	vor.u32 $0x3100, v6;
	v5 =	vsub.s32 v5, v1;
	vm0 =	vmand vm0, vm1  }
0x3c3: {  	v5 =	vsel vm0, v5, v6  }
0x3c4: {  	[tilespmem:$0x1A4A0] =	vst v5  }
0x3c5: {  	v5 =	vld [tilespmem:s29+$0x190F0];
	_ =	sdelay $0x2  }
0x3c6: {  	s29 =	sadd.s32 $0x70, s26  }
0x3c7: {  	v6 =	vor.u32 s29, v4  }
0x3c8: {  	v6 =	vand.u32 $0xFF, v6;
	vm0 =	vge.s32 v5, v1;
	vm1 =	vlt.s32 v5, v2  }
0x3c9: {  	v6 =	vor.u32 $0x3100, v6;
	v5 =	vsub.s32 v5, v1;
	vm0 =	vmand vm0, vm1  }
0x3ca: {  	v5 =	vsel vm0, v5, v6  }
0x3cb: {  	p1 =	seq.s32 s28, $0x4C00;
	[tilespmem:$0x1A4B0] =	vst v5  }
0x3cc: {  	s28 =	sshra.s32 @!p1 s28, $0x2;
	_ =	swait.ge [sflag:s19], $0x2000  }
0x3cd: {  	s28 =	sadd.s32 @!p1 $0x19100, s28;
	s29 =	simm.s32 @!p1 $0x1A500;
	[sflag:s19] =	ssyncset.done $0x0  }
.Ltmp9:
0x3ce: {  	s30 =	simm.s32 @!p1 $0x40;
	[sflag:s19] =	ssyncadd.s32 $0xFFFFE000;
	(pc) =	sbr.rel @p0 .LBB2_20-.Ltmp9, $4  }
0x3cf: {  	[tilespmem:s29], [sflag:$0x1] =	stream.indirect.gather @!p1 [hbm4b:s4+s30], $0x80, s28, s30, $0xb8;
	[tilespmem:$0x1E500] =	vst v63  }
0x3d0: {  	_ =	swait.ge [sflag:s20], $0x2000  }
0x3d1: {  	[sflag:s20] =	ssyncset.done $0x0  }
0x3d2: {  	s26 =	sadd.s32 $0x80, s26;
	[sflag:s20] =	ssyncadd.s32 $0xFFFFE000  }
0x3d3: {  	[spmem:s2] =	stream.indirect.scatter.add.f32 [tilespmem:s16], [sflag:$0x4], $0x80, s21, s15, $0xb8;
	[tilespmem:$0x1E500] =	vst v63  }
0x3d4: {  	_ =	swait.ge [sflag:s22], $0x2000  }
0x3d5: {  	[sflag:s22] =	ssyncset.done $0x0  }
0x3d6: {  	s3 =	sadd.s32 $0x1, s3;
	[sflag:s22] =	ssyncadd.s32 $0xFFFFE000  }
0x3d7: {  	p0 =	sne.s32 s3, s11;
	[bflag:$0x0] =	sbarrier.arrive $0xFFFF  }
0x3d8: {  	[hbm:s10], [sflag:s23] =	dma.local [spmem:s24], $0x3100  }
.Ltmp10:
0x3d9: {  	_ =	swait.ge [sflag:s13], $0x3100;
	(pc) =	sbr.rel @p0 .LBB2_1-.Ltmp10, $3  }
0x3da: {  	[sflag:s13] =	ssyncset.done $0x0  }
0x3db: {  	[sflag:s13] =	ssyncadd.s32 $0xFFFFCF00  }
0x3dc: {  	[bflag:$0x0] =	sbarrier.arrive $0xFFFF;
	_ =	sdelay $0x1  }
0x3dd: {  	_ =	sfence.sel $0x180000  }
0x3de: {  	[bflag:$0x0] =	sbarrier.arrive $0xFFFF  }
0x3df: {  	p0 =	sne.s32 s1, $0x0;
	_ =	strace $0x90000047  }
0x3e0: {  	s0 =	sadd.s32 @!p0 $0x100000, s0;
	[bflag:$0x2] =	sbarrier.arrive $0xFFFF  }
0x3e1: {  	[sflag:s0] =	ssyncadd.tile.s32 @!p0 $0x1;
	_ =	shalt  }
.Lfunc_end2:
_tile_overlayer_lowered:
.L_overlay_start_2:
0x3e2: {  	(tag) =	ssettag $0x2  }
0x3e3: {  	s0 =	rddreg [dreg:$0x0];
	s2 =	stileid.u32  }
0x3e4: {  	s1 =	rddreg [dreg:$0x1];
	p0 =	sne.s32 s2, $0x0  }
0x3e5: {  	s3 =	rddreg [dreg:$0x2];
	[bflag:$0x3] =	sbarrier.arrive $0xFFFF;
	s2 =	simm.s32 @!p0 $0x1C05  }
0x3e6: {  	[timem:s3], [sflag:s2] =	dma.local @!p0 [hbm:s0], s1  }
0x3e7: {  	s0 =	simm.s32 @!p0 $0x5  }
0x3e8: {  	_ =	swait.ge @!p0 [sflag:s0], s1  }
0x3e9: {  	s1 =	ssub.s32 @!p0 $0x0, s1;
	[sflag:s0] =	ssyncset.done @!p0 $0x0  }
0x3ea: {  	[sflag:s0] =	ssyncadd.s32 @!p0 s1  }
0x3eb: {  	[bflag:$0x3] =	sbarrier.arrive $0xFFFF  }
0x3ec: {  	_ =	shalt  }

// kernel: kernel.15.cloned.1.call-start
scs
__scs_entry_jumppad:
0x0: {  	(pc) =	sbr.rel $0x88, $3  }
0x1: {  	(tag) =	ssettag $0x0;
	lr =	simm.s32 $0x1  }
0x2: {  	[smem:$0x3F91] =	sst lr;
	_ =	strace $0xD0000000  }
0x3: {  	_ = 	snop  }
0x4: {  	_ = 	snop  }
0x5: {  	_ = 	snop  }
0x6: {  	_ = 	snop  }
0x7: {  	_ = 	snop  }
__scs_overlays_trampoline_lowered:
0x8: {  	[smem:$0x3FA0] =	sst s0  }
0x9: {  	[smem:$0x3FA1] =	sst s1  }
0xa: {  	[smem:$0x3FA2] =	sst s2  }
0xb: {  	[smem:$0x3FA3] =	sst s3  }
0xc: {  	[smem:$0x3FA4] =	sst s4  }
0xd: {  	[smem:$0x3FA5] =	sst s5  }
0xe: {  	[smem:$0x3FA6] =	sst s6  }
0xf: {  	[smem:$0x3FA7] =	sst s7  }
0x10: {  	[smem:$0x3FA8] =	sst s8  }
0x11: {  	[smem:$0x3FA9] =	sst s9;
	s0 =	simm.s32 @!p0 $0x0  }
0x12: {  	s1 =	sld [smem:$0x3F8F];
	s0 =	simm.s32 @p0 $0x1  }
0x13: {  	[smem:$0x3FAA] =	sst s0;
	s0 =	simm.s32 @!p1 $0x0  }
0x14: {  	s2 =	sld [smem:$0x3F8E];
	s0 =	simm.s32 @p1 $0x1  }
0x15: {  	[smem:$0x3FAB] =	sst s0;
	s0 =	simm.s32 @!p2 $0x0  }
0x16: {  	s3 =	sld [smem:$0x3FDB];
	s0 =	simm.s32 @p2 $0x1  }
0x17: {  	s4 =	simm.s32 $0x1BF5;
	[smem:$0x3FAD] =	sst s0  }
0x18: {  	s0 =	sld [smem:$0x3F90];
	_ =	swait.ge [sflag:s4], $0x0  }
0x19: {  	s7 =	sld [smem:$0x3F91]  }
0x1a: {  	s8 =	sadd.s32 $0xFFFFE003, lr  }
0x1b: {  	s9 =	sadd.s32 $0xFFFFFEF7, lr;
	s5 =	simm.s32 $0xFFFFFFFF;
	p2 =	slt.u32 s8, $0xFFFFF086  }
0x1c: {  	p1 =	slt.u32 s9, $0xF7A;
	s5 =	simm.s32 @!p2 $0x0  }
0x1d: {  	s5 =	simm.s32 @p1 $0x1;
	p0 =	seq.s32 s7, s2  }
0x1e: {  	s7 =	smul.u32 @!p0 $0xF7A, s2;
	p2 =	seq.s32 @!p0 s5, $0x0  }
0x1f: {  	s9 =	smul.u32 $0xF7A, s1;
	s8 =	simm.s32 @!p0 $0x1BF5;
	p2 =	por !p2, p0  }
0x20: {  	[sflag:s8] =	ssyncset.s32 @!p0 $0xFFFFF086;
	s6 =	sadd.s32 @!p0 s3, s7;
	s7 =	simm.s32 @!p0 $0x108  }
0x21: {  	s3 =	sadd.s32 s3, s9;
	s6 =	sadd.s32 @!p0 $0x88, s6;
	s7 =	simm.s32 @p2 $0x1082  }
0x22: {  	[simem:s7], [sflag:s8] =	dma.local @!p0 [hbm:s6], $0xF7A  }
0x23: {  	s9 =	sor.u32 $0xD0000000, s2;
	s6 =	simm.s32 $0x108;
	_ =	swait.ge @!p0 [sflag:s8], $0x0  }
0x24: {  	s3 =	sadd.s32 $0x88, s3;
	s6 =	simm.s32 @!p1 $0x1082;
	[sflag:s4] =	ssyncset.s32 $0xFFFFF086  }
0x25: {  	[simem:s6], [sflag:s4] =	dma.local [hbm:s3], $0xF7A  }
0x26: {  	[smem:$0x3F91] =	sst s1;
	(tag) =	ssettag s2;
	_ =	strace s9  }
0x27: {  	s1 =	sld [smem:$0x3FA1]  }
0x28: {  	s2 =	sld [smem:$0x3FA2]  }
0x29: {  	s4 =	sld [smem:$0x3FA4]  }
0x2a: {  	p0 =	seq.s32 s5, $0x0;
	s5 =	sld [smem:$0x3FA5]  }
0x2b: {  	s6 =	sld [smem:$0x3FA6]  }
0x2c: {  	s7 =	sld [smem:$0x3FA7]  }
0x2d: {  	s3 =	simm.s32 $0x108;
	s8 =	sld [smem:$0x3FA8]  }
0x2e: {  	s3 =	simm.s32 @!p0 $0x1082;
	s9 =	sld [smem:$0x3FA9]  }
0x2f: {  	lr =	sadd.s32 s0, s3;
	s0 =	sld [smem:$0x3FA0]  }
0x30: {  	s3 =	sld [smem:$0x3FA3]  }
0x31: {  	[smem:$0x3FAC] =	sst s10  }
0x32: {  	s10 =	sld [smem:$0x3FAA];
	_ =	sdelay $0x3  }
0x33: {  	p0 =	seq.s32 s10, $0x1;
	s10 =	sld [smem:$0x3FAC];
	_ =	sdelay $0x3  }
0x34: {  	[smem:$0x3FAC] =	sst s10  }
0x35: {  	s10 =	sld [smem:$0x3FAB];
	_ =	sdelay $0x3  }
0x36: {  	p1 =	seq.s32 s10, $0x1;
	s10 =	sld [smem:$0x3FAC];
	_ =	sdelay $0x3  }
0x37: {  	[smem:$0x3FAC] =	sst s10  }
0x38: {  	s10 =	sld [smem:$0x3FAD]  }
0x39: {  	_ = 	snop;
	(pc) =	sbr.ind lr, $3  }
0x3a: {  	_ = 	snop  }
0x3b: {  	_ = 	snop  }
0x3c: {  	p2 =	seq.s32 s10, $0x1;
	s10 =	sld [smem:$0x3FAC]  }
0x3d: {  	_ =	shalt  }
0x3e: {  	_ =	shalt  }
0x3f: {  	_ =	shalt  }
0x40: {  	_ =	shalt  }
0x41: {  	_ =	shalt  }
0x42: {  	_ =	shalt  }
0x43: {  	_ =	shalt  }
0x44: {  	_ =	shalt  }
0x45: {  	_ =	shalt  }
0x46: {  	_ =	shalt  }
0x47: {  	_ =	shalt  }
0x48: {  	_ =	shalt  }
0x49: {  	_ =	shalt  }
0x4a: {  	_ =	shalt  }
0x4b: {  	_ =	shalt  }
0x4c: {  	_ =	shalt  }
0x4d: {  	_ =	shalt  }
0x4e: {  	_ =	shalt  }
0x4f: {  	_ =	shalt  }
0x50: {  	_ =	shalt  }
0x51: {  	_ =	shalt  }
0x52: {  	_ =	shalt  }
0x53: {  	_ =	shalt  }
0x54: {  	_ =	shalt  }
0x55: {  	_ =	shalt  }
0x56: {  	_ =	shalt  }
0x57: {  	_ =	shalt  }
0x58: {  	_ =	shalt  }
0x59: {  	_ =	shalt  }
0x5a: {  	_ =	shalt  }
0x5b: {  	_ =	shalt  }
0x5c: {  	_ =	shalt  }
0x5d: {  	_ =	shalt  }
0x5e: {  	_ =	shalt  }
0x5f: {  	_ =	shalt  }
0x60: {  	_ =	shalt  }
0x61: {  	_ =	shalt  }
0x62: {  	_ =	shalt  }
0x63: {  	_ =	shalt  }
0x64: {  	_ =	shalt  }
0x65: {  	_ =	shalt  }
0x66: {  	_ =	shalt  }
0x67: {  	_ =	shalt  }
0x68: {  	_ =	shalt  }
0x69: {  	_ =	shalt  }
0x6a: {  	_ =	shalt  }
0x6b: {  	_ =	shalt  }
0x6c: {  	_ =	shalt  }
0x6d: {  	_ =	shalt  }
0x6e: {  	_ =	shalt  }
0x6f: {  	_ =	shalt  }
0x70: {  	_ =	shalt  }
0x71: {  	_ =	shalt  }
0x72: {  	_ =	shalt  }
0x73: {  	_ =	shalt  }
0x74: {  	_ =	shalt  }
0x75: {  	_ =	shalt  }
0x76: {  	_ =	shalt  }
0x77: {  	_ =	shalt  }
0x78: {  	_ =	shalt  }
0x79: {  	_ =	shalt  }
0x7a: {  	_ =	shalt  }
0x7b: {  	_ =	shalt  }
0x7c: {  	_ =	shalt  }
0x7d: {  	_ =	shalt  }
0x7e: {  	_ =	shalt  }
0x7f: {  	_ =	shalt  }
0x80: {  	_ =	shalt  }
0x81: {  	_ =	shalt  }
0x82: {  	_ =	shalt  }
0x83: {  	_ =	shalt  }
0x84: {  	_ =	shalt  }
0x85: {  	_ =	shalt  }
0x86: {  	_ =	shalt  }
0x87: {  	_ =	shalt  }
.Lfunc_end0:
.L_simem_size_0:
called_computation.1_lowered:
.L_overlay_start_0:
0x88: {  	s2 =	sld [smem:$0x3FD9]  }
0x89: {  	s3 =	sld [smem:$0x3FFE];
	_ =	sdelay $0x1  }
0x8a: {  	s1 =	srdreg.scid  }
0x8b: {  	s0 =	sand.u32 $0x1, s1  }
0x8c: {  	s16 =	sshll.u32 s0, $0xA;
	s2 =	sadd.s32 s3, s2  }
0x8d: {  	s2 =	sadd.s32 s2, s16  }
0x8e: {  	[smem:$0x3FB8] =	sst s2  }
0x8f: {  	_ = 	snop  }
0x90: {  	(tm) =	ssettm $0x1  }
0x91: {  	s17 =	sld [smem:$0x3FFB];
	_ =	sdelay $0x3  }
0x92: {  	_ =	strace s17  }
0x93: {  	s2 =	sld [smem:$0x3FFC];
	_ =	sdelay $0x3  }
0x94: {  	_ =	strace s2  }
0x95: {  	s2 =	sld [smem:$0x3FFD];
	_ =	sdelay $0x3  }
0x96: {  	_ =	strace s2  }
0x97: {  	_ =	strace $0x8FFFFFFF  }
0x98: {  	s18 =	sld [smem:$0x3FDB];
	_ =	sdelay $0x1  }
0x99: {  	s19 =	simm.s32 $_scs_section_size  }
0x9a: {  	s4 =	simm.s32 $_size__tile_overlayer_lowered;
	s5 =	simm.s32 $_tile_overlayer_lowered  }
0x9b: {  	s22 =	simm.s32 $0x1BFF;
	s21 =	sshll.u32 s5, $0x1;
	s2 =	sadd.s32 s19, s18  }
0x9c: {  	s6 =	simm.s32 $0x0;
	s20 =	sshll.u32 s4, $0x1;
	s4 =	sadd.s32 s21, s2  }
0x9d: {  	[timem:s6], [sflag:s22] =	dma.local [hbm:s4], s20  }
0x9e: {  	_ =	swait.ge [sflag:s22], s20  }
0x9f: {  	s3 =	ssub.s32 $0x0, s20;
	[sflag:s22] =	ssyncset.done $0x0  }
0xa0: {  	[sflag:s22] =	ssyncadd.s32 s3;
	_ =	sdelay $0x1  }
0xa1: {  	s23 =	simm.s32 $0x1B8B  }
0xa2: {  	_ =	swait.ge [sflag:s23], $0x1  }
0xa3: {  	[sflag:s23] =	ssyncset.done $0x0  }
0xa4: {  	s25 =	simm.s32 $0x1B8E;
	s24 =	sld [smem:$0x3FFE];
	[sflag:s23] =	ssyncadd.s32 $0xFFFFFFFF  }
0xa5: {  	s26 =	simm.s32 $execute0_lowered;
	[smem:$0x3FD2] =	sst s25  }
0xa6: {  	s4 =	sshll.u32 s26, $0x1;
	_ =	strace $0x80000049;
	[dreg:$0x1] =	wrdreg $0xFFFFFFFF  }
0xa7: {  	s28 =	simm.s32 $_size_execute0_lowered;
	s2 =	sadd.s32 s2, s4;
	[dreg:$0x0] =	wrdreg $0x0  }
0xa8: {  	s4 =	sshll.u32 s28, $0x1;
	[dreg:$0x2] =	wrdreg s2  }
0xa9: {  	[dreg:$0x3] =	wrdreg s4  }
0xaa: {  	[dreg:$0x4] =	wrdreg $0xC0  }
0xab: {  	_ =	task [dreg:s6], $0x5FFFF  }
0xac: {  	[dreg:$0x1] =	wrdreg $0xFFFFFFFF  }
0xad: {  	[dreg:$0x0] =	wrdreg $0x60  }
0xae: {  	[dreg:$0x2] =	wrdreg s24  }
0xaf: {  	[dreg:$0x3] =	wrdreg $0x0  }
0xb0: {  	[dreg:$0x4] =	wrdreg $0x9  }
0xb1: {  	_ =	task.clear_ibuf [dreg:s6], $0x5FFFF;
	_ =	strace $0x90000049  }
0xb2: {  	s29 =	simm.s32 $0x9;
	_ =	strace $0x8000004B  }
0xb3: {  	_ =	swait.ge [sflag:s29], $0x1  }
0xb4: {  	[sflag:s29] =	ssyncadd.s32 $0xFFFFFFFF  }
0xb5: {  	_ =	strace $0x9000004B  }
0xb6: {  	_ =	sfence  }
0xb7: {  	s30 =	sld [smem:$0x0];
	_ =	sdelay $0x2  }
0xb8: {  	s31 =	sshll.u32 s1, $0xD;
	s1 =	sshrl.u32 s1, $0x2  }
0xb9: {  	s3 =	sand.u32 $0x4000, s31;
	s1 =	sadd.s32 s1, s30  }
0xba: {  	s0 =	sor.u32 s3, s0;
	s1 =	sshll.u32 s1, $0x11  }
0xbb: {  	s0 =	sor.u32 s1, s0  }
0xbc: {  	s0 =	sadd.s32 $0x8F2B, s0  }
0xbd: {  	[sflag:s0] =	ssyncadd.remote.s32 $0x1  }
0xbe: {  	_ =	sfence.sel $0xFFFF  }
0xbf: {  	[dreg:$0x0] =	wrdreg $0xFFFFFFFF;
	(pc) =	sbr.abs _section_cstart, $3  }
0xc0: {  	[dreg:$0x1] =	wrdreg $0xFFFFFFFF  }
0xc1: {  	_ =	task.clear_ibuf [dreg:s6], $0x2FFFF;
	_ =	strace $0x9FFFFFFF  }
0xc2: {  	(tm) =	ssettm $0x7FFFFFFF  }
0xc3: {  	_ =	shalt  }
tec
execute0_lowered:
.L_overlay_start_1:
0x0: {  	(tag) =	ssettag $0x1  }
0x1: {  	s5 =	rddreg [dreg:$0x0]  }
0x2: {  	s2 =	rddreg [dreg:$0x1]  }
0x3: {  	s0 =	rddreg [dreg:$0x2]  }
0x4: {  	s3 =	simm.s32 $0x0;
	s1 =	stileid.u32;
	s7 =	srdreg.scid  }
0x5: {  	s14 =	simm.s32 $0x19000;
	s15 =	simm.s32 $0x40;
	s16 =	simm.s32 $0x1C500  }
0x6: {  	s19 =	simm.s32 $0x3;
	s21 =	simm.s32 $0x1A480;
	s22 =	simm.s32 $0x4  }
0x7: {  	[smem:$0x7FF] =	sst s3;
	s6 =	smul.u32 $0x3C00, s1;
	s4 =	sadd.s32 $0x191400, s5  }
0x8: {  	s7 =	sand.u32 $0x1, s7;
	s9 =	smul.u32 $0x310, s1;
	s10 =	sadd.s32 $0x9000, s5  }
0x9: {  	s12 =	smul.u32 $0x62000, s1;
	_ =	strace $0x8000004A;
	s28 =	ssub.s32 $0x2, s7  }
0xa: {  	s17 =	smul.u32 $0x6200, s7;
	s6 =	sshrl.u32 s6, $0x3;
	s29 =	sshrl.u32 s28, $0x1  }
0xb: {  	s30 =	sshrl.u32 s12, $0x2;
	s8 =	sadd.s32 s6, s5;
	s11 =	ssub.s32 s28, s29  }
0xc: {  	s18 =	sadd.s32 $0x3100, s17;
	s31 =	sadd.s32 s9, s17;
	s20 =	sadd.s32 $0x6200, s17  }
0xd: {  	v0 =	vmov s17;
	s17 =	simm.s32 $0x1;
	s5 =	sadd.s32 $0x1800, s8;
	s6 =	sadd.s32 $0x1A80, s8  }
0xe: {  	s7 =	sadd.s32 $0x1D00, s8;
	s9 =	sadd.s32 s9, s18;
	s8 =	sadd.s32 s30, s2  }
0xf: {  	s12 =	sshll.u32 s31, $0x4;
	s11 =	smax.u32 s11, $0x1;
	v1 =	vmov s18;
	s18 =	simm.s32 $0x1A400  }
0x10: {  	v2 =	vmov s20;
	s20 =	simm.s32 $0x2;
	s13 =	sshll.u32 s9, $0x4;
	s9 =	sadd.s32 s10, s12  }
0x11: {  	v3 =	vimm.f32 $0.0e+00;
	v4 =	vlaneseq.u32;
	s12 =	simm.s32 $0x1A500;
	s10 =	sadd.s32 s10, s13;
	s13 =	simm.s32 $0x5  }
.LBB2_1:
0x12: {  	s23 =	simm.s32 $0x0;
	s24 =	simm.s32 $0x200  }
.LBB2_2:
0x13: {  	p0 =	sne.s32 s24, $0x3600;
	[tilespmem:s23+$0x1A570] =	vst v3  }
0x14: {  	[tilespmem:s23+$0x1A500] =	vst v3  }
0x15: {  	[tilespmem:s23+$0x1A510] =	vst v3  }
.Ltmp0:
0x16: {  	[tilespmem:s23+$0x1A520] =	vst v3;
	(pc) =	sbr.rel @p0 .LBB2_2-.Ltmp0, $4  }
0x17: {  	[tilespmem:s23+$0x1A530] =	vst v3  }
0x18: {  	[tilespmem:s23+$0x1A540] =	vst v3  }
0x19: {  	[tilespmem:s23+$0x1A550] =	vst v3  }
0x1a: {  	[tilespmem:s23+$0x1A560] =	vst v3;
	s23 =	sshra.s32 s24, $0x2;
	s24 =	sadd.s32 $0x200, s24  }
0x1b: {  	[tilespmem:s23+$0x1A570] =	vst v3  }
0x1c: {  	[tilespmem:s23+$0x1A500] =	vst v3  }
0x1d: {  	[tilespmem:s23+$0x1A510] =	vst v3  }
0x1e: {  	[tilespmem:s23+$0x1A520] =	vst v3  }
0x1f: {  	[tilespmem:s23+$0x1A530] =	vst v3  }
0x20: {  	[tilespmem:s23+$0x1A540] =	vst v3  }
0x21: {  	[tilespmem:s23+$0x1A550] =	vst v3  }
0x22: {  	[tilespmem:s23+$0x1A560] =	vst v3;
	s31 =	sadd.s32 $0x0, s8  }
0x23: {  	[spmem:s31] =	stream.linear.scatter [tilespmem:s12], [sflag:$0x5], $0xE00, $0x38;
	[tilespmem:$0x1E500] =	vst v63  }
0x24: {  	s23 =	simm.s32 $0x3800;
	_ =	swait.ge [sflag:s13], $0xE00  }
.LBB2_4:
0x25: {  	s24 =	sshra.s32 s23, $0x2;
	[sflag:s13] =	ssyncset.done $0x0;
	p0 =	sne.s32 s23, $0x5E800  }
.Ltmp1:
0x26: {  	s24 =	sadd.s32 s24, s8;
	[sflag:s13] =	ssyncadd.s32 $0xFFFFF200;
	(pc) =	sbr.rel @p0 .LBB2_4-.Ltmp1, $3  }
0x27: {  	[spmem:s24] =	stream.linear.scatter [tilespmem:s12], [sflag:$0x5], $0xE00, $0x38;
	[tilespmem:$0x1E500] =	vst v63  }
0x28: {  	s23 =	sadd.s32 $0x3800, s23;
	_ =	sdelay $0x1  }
0x29: {  	_ =	swait.ge [sflag:s13], $0xE00  }
0x2a: {  	[sflag:s13] =	ssyncset.done $0x0  }
0x2b: {  	[sflag:s13] =	ssyncadd.s32 $0xFFFFF200  }
0x2c: {  	s24 =	simm.s32 $0x0;
	[bflag:$0x0] =	sbarrier.arrive $0xFFFF  }
0x2d: {  	[tilespmem:s14], [sflag:$0x5] =	stream.linear.gather [hbm4b:s5+s24], $0x1400, $0x38;
	[tilespmem:$0x1E500] =	vst v63  }
0x2e: {  	_ =	swait.ge [sflag:s13], $0x1400  }
0x2f: {  	[sflag:s13] =	ssyncset.done $0x0  }
0x30: {  	s23 =	simm.s32 $0x0;
	[sflag:s13] =	ssyncadd.s32 $0xFFFFEC00  }
0x31: {  	[tilespmem:s12], [sflag:$0x1] =	stream.indirect.gather [hbm4b:s4+s15], $0x80, s14, s15, $0xb8;
	[tilespmem:$0x1E500] =	vst v63  }
0x32: {  	v5 =	vld [tilespmem:s23+$0x19040];
	_ =	sdelay $0x3  }
0x33: {  	v6 =	vor.u32 s24, v4  }
0x34: {  	v6 =	vand.u32 $0x8F, v6;
	vm0 =	vge.s32 v5, v0;
	vm1 =	vlt.s32 v5, v1  }
0x35: {  	v6 =	vor.u32 $0x3100, v6;
	v5 =	vsub.s32 v5, v0;
	vm0 =	vmand vm0, vm1  }
0x36: {  	v5 =	vsel vm0, v5, v6  }
0x37: {  	[tilespmem:$0x1A400] =	vst v5  }
0x38: {  	v5 =	vld [tilespmem:s23+$0x19050];
	_ =	sdelay $0x2  }
0x39: {  	s30 =	simm.s32 $0x10  }
0x3a: {  	v6 =	vor.u32 s30, v4  }
0x3b: {  	v6 =	vand.u32 $0x9F, v6;
	vm14 =	vge.s32 v5, v0;
	vm15 =	vlt.s32 v5, v1  }
0x3c: {  	v6 =	vor.u32 $0x3100, v6;
	v5 =	vsub.s32 v5, v0;
	vm0 =	vmand vm14, vm15  }
0x3d: {  	v5 =	vsel vm0, v5, v6  }
0x3e: {  	[tilespmem:$0x1A410] =	vst v5  }
0x3f: {  	v5 =	vld [tilespmem:s23+$0x19060];
	_ =	sdelay $0x2  }
0x40: {  	s31 =	simm.s32 $0x20  }
0x41: {  	v6 =	vor.u32 s31, v4  }
0x42: {  	v6 =	vand.u32 $0xAF, v6;
	vm4 =	vge.s32 v5, v0;
	vm5 =	vlt.s32 v5, v1  }
0x43: {  	v6 =	vor.u32 $0x3100, v6;
	v5 =	vsub.s32 v5, v0;
	vm0 =	vmand vm4, vm5  }
0x44: {  	v5 =	vsel vm0, v5, v6  }
0x45: {  	[tilespmem:$0x1A420] =	vst v5  }
0x46: {  	v5 =	vld [tilespmem:s23+$0x19070];
	_ =	sdelay $0x2  }
0x47: {  	s25 =	simm.s32 $0x30  }
0x48: {  	v6 =	vor.u32 s25, v4  }
0x49: {  	v6 =	vand.u32 $0xBF, v6;
	vm6 =	vge.s32 v5, v0;
	vm7 =	vlt.s32 v5, v1  }
0x4a: {  	v6 =	vor.u32 $0x3100, v6;
	v5 =	vsub.s32 v5, v0;
	vm0 =	vmand vm6, vm7  }
0x4b: {  	p0 =	por $0x1, $0x1;
	v5 =	vsel vm0, v5, v6  }
0x4c: {  	s24 =	simm.s32 @!p0 $0x4;
	[tilespmem:$0x1A430] =	vst v5  }
0x4d: {  	_ =	swait.ge @!p0 [sflag:s24], $0x2000  }
0x4e: {  	[sflag:s24] =	ssyncset.done @!p0 $0x0  }
0x4f: {  	s26 =	simm.s32 $0x19080;
	[sflag:s24] =	ssyncadd.s32 @!p0 $0xFFFFE000  }
0x50: {  	[tilespmem:s16], [sflag:$0x2] =	stream.indirect.gather [hbm4b:s4+s15], $0x80, s26, s15, $0xb8;
	[tilespmem:$0x1E500] =	vst v63  }
0x51: {  	_ =	swait.ge [sflag:s17], $0x2000  }
0x52: {  	[sflag:s17] =	ssyncset.done $0x0  }
0x53: {  	[sflag:s17] =	ssyncadd.s32 $0xFFFFE000  }
0x54: {  	[spmem:s2] =	stream.indirect.scatter.add.f32 [tilespmem:s12], [sflag:$0x3], $0x80, s18, s15, $0xb8;
	[tilespmem:$0x1E500] =	vst v63  }
0x55: {  	v5 =	vld [tilespmem:s23+$0x190C0];
	_ =	sdelay $0x2  }
0x56: {  	s28 =	simm.s32 $0x40  }
0x57: {  	v6 =	vor.u32 s28, v4  }
0x58: {  	v6 =	vand.u32 $0xCF, v6;
	vm8 =	vge.s32 v5, v0;
	vm9 =	vlt.s32 v5, v1  }
0x59: {  	v6 =	vor.u32 $0x3100, v6;
	v5 =	vsub.s32 v5, v0;
	vm0 =	vmand vm8, vm9  }
0x5a: {  	v5 =	vsel vm0, v5, v6  }
0x5b: {  	[tilespmem:$0x1A480] =	vst v5  }
0x5c: {  	v5 =	vld [tilespmem:s23+$0x190D0];
	_ =	sdelay $0x2  }
0x5d: {  	s29 =	simm.s32 $0x50  }
0x5e: {  	v6 =	vor.u32 s29, v4  }
0x5f: {  	v6 =	vand.u32 $0xDF, v6;
	vm10 =	vge.s32 v5, v0;
	vm11 =	vlt.s32 v5, v1  }
0x60: {  	v6 =	vor.u32 $0x3100, v6;
	v5 =	vsub.s32 v5, v0;
	vm0 =	vmand vm10, vm11  }
0x61: {  	v5 =	vsel vm0, v5, v6  }
0x62: {  	[tilespmem:$0x1A490] =	vst v5  }
0x63: {  	v5 =	vld [tilespmem:s23+$0x190E0];
	_ =	sdelay $0x2  }
0x64: {  	s30 =	simm.s32 $0x60  }
0x65: {  	v6 =	vor.u32 s30, v4  }
0x66: {  	v6 =	vand.u32 $0xEF, v6;
	vm12 =	vge.s32 v5, v0;
	vm13 =	vlt.s32 v5, v1  }
0x67: {  	v6 =	vor.u32 $0x3100, v6;
	v5 =	vsub.s32 v5, v0;
	vm0 =	vmand vm12, vm13  }
0x68: {  	v5 =	vsel vm0, v5, v6  }
0x69: {  	[tilespmem:$0x1A4A0] =	vst v5  }
0x6a: {  	v5 =	vld [tilespmem:s23+$0x190F0];
	_ =	sdelay $0x2  }
0x6b: {  	s31 =	simm.s32 $0x70  }
0x6c: {  	v6 =	vor.u32 s31, v4  }
0x6d: {  	v6 =	vand.u32 $0xFF, v6;
	vm14 =	vge.s32 v5, v0;
	vm15 =	vlt.s32 v5, v1  }
0x6e: {  	v6 =	vor.u32 $0x3100, v6;
	v5 =	vsub.s32 v5, v0;
	vm0 =	vmand vm14, vm15  }
0x6f: {  	v5 =	vsel vm0, v5, v6  }
0x70: {  	[tilespmem:$0x1A4B0] =	vst v5  }
0x71: {  	p0 =	por $0x0, $0x0;
	_ =	swait.ge [sflag:s19], $0x2000  }
0x72: {  	s24 =	simm.s32 @!p0 $0x19100;
	[sflag:s19] =	ssyncset.done $0x0  }
0x73: {  	s25 =	simm.s32 @!p0 $0x40;
	s23 =	simm.s32 @!p0 $0x1A500;
	[sflag:s19] =	ssyncadd.s32 $0xFFFFE000  }
0x74: {  	[tilespmem:s23], [sflag:$0x1] =	stream.indirect.gather @!p0 [hbm4b:s4+s25], $0x80, s24, s25, $0xb8;
	[tilespmem:$0x1E500] =	vst v63  }
0x75: {  	_ =	swait.ge [sflag:s20], $0x2000  }
0x76: {  	[sflag:s20] =	ssyncset.done $0x0  }
0x77: {  	s23 =	simm.s32 $0x400;
	s24 =	simm.s32 $0x80;
	[sflag:s20] =	ssyncadd.s32 $0xFFFFE000  }
.LBB2_6:
0x78: {  	[spmem:s2] =	stream.indirect.scatter.add.f32 [tilespmem:s16], [sflag:$0x4], $0x80, s21, s15, $0xb8;
	[tilespmem:$0x1E500] =	vst v63  }
0x79: {  	s26 =	sshra.s32 s23, $0x2;
	s25 =	smov.u32 s23;
	s23 =	sadd.s32 $0x400, s23  }
0x7a: {  	p0 =	sne.s32 s23, $0x5000;
	v5 =	vld [tilespmem:s26+$0x19040];
	_ =	sdelay $0x3  }
0x7b: {  	v6 =	vor.u32 s24, v4  }
0x7c: {  	v6 =	vand.u32 $0x8F, v6;
	vm0 =	vge.s32 v5, v0;
	vm1 =	vlt.s32 v5, v1  }
0x7d: {  	v6 =	vor.u32 $0x3100, v6;
	v5 =	vsub.s32 v5, v0;
	vm0 =	vmand vm0, vm1  }
0x7e: {  	v5 =	vsel vm0, v5, v6  }
0x7f: {  	[tilespmem:$0x1A400] =	vst v5  }
0x80: {  	v5 =	vld [tilespmem:s26+$0x19050];
	_ =	sdelay $0x2  }
0x81: {  	s28 =	sadd.s32 $0x10, s24  }
0x82: {  	v6 =	vor.u32 s28, v4  }
0x83: {  	v6 =	vand.u32 $0x9F, v6;
	vm0 =	vge.s32 v5, v0;
	vm1 =	vlt.s32 v5, v1  }
0x84: {  	v6 =	vor.u32 $0x3100, v6;
	v5 =	vsub.s32 v5, v0;
	vm0 =	vmand vm0, vm1  }
0x85: {  	v5 =	vsel vm0, v5, v6  }
0x86: {  	[tilespmem:$0x1A410] =	vst v5  }
0x87: {  	v5 =	vld [tilespmem:s26+$0x19060];
	_ =	sdelay $0x2  }
0x88: {  	s28 =	sadd.s32 $0x20, s24  }
0x89: {  	v6 =	vor.u32 s28, v4  }
0x8a: {  	v6 =	vand.u32 $0xAF, v6;
	vm0 =	vge.s32 v5, v0;
	vm1 =	vlt.s32 v5, v1  }
0x8b: {  	v6 =	vor.u32 $0x3100, v6;
	v5 =	vsub.s32 v5, v0;
	vm0 =	vmand vm0, vm1  }
0x8c: {  	v5 =	vsel vm0, v5, v6  }
0x8d: {  	[tilespmem:$0x1A420] =	vst v5  }
0x8e: {  	v5 =	vld [tilespmem:s26+$0x19070];
	_ =	sdelay $0x2  }
0x8f: {  	s28 =	sadd.s32 $0x30, s24  }
0x90: {  	v6 =	vor.u32 s28, v4  }
0x91: {  	v6 =	vand.u32 $0xBF, v6;
	vm0 =	vge.s32 v5, v0;
	vm1 =	vlt.s32 v5, v1  }
0x92: {  	v6 =	vor.u32 $0x3100, v6;
	v5 =	vsub.s32 v5, v0;
	vm0 =	vmand vm0, vm1  }
0x93: {  	p1 =	seq.s32 s25, $0x0;
	v5 =	vsel vm0, v5, v6  }
0x94: {  	s28 =	simm.s32 @!p1 $0x4;
	[tilespmem:$0x1A430] =	vst v5  }
0x95: {  	_ =	swait.ge @!p1 [sflag:s28], $0x2000  }
0x96: {  	[sflag:s28] =	ssyncset.done @!p1 $0x0  }
0x97: {  	[sflag:s28] =	ssyncadd.s32 @!p1 $0xFFFFE000;
	s28 =	sadd.s32 $0x19080, s26  }
0x98: {  	[tilespmem:s16], [sflag:$0x2] =	stream.indirect.gather [hbm4b:s4+s15], $0x80, s28, s15, $0xb8;
	[tilespmem:$0x1E500] =	vst v63  }
0x99: {  	_ =	swait.ge [sflag:s17], $0x2000  }
0x9a: {  	[sflag:s17] =	ssyncset.done $0x0  }
0x9b: {  	[sflag:s17] =	ssyncadd.s32 $0xFFFFE000  }
0x9c: {  	[spmem:s2] =	stream.indirect.scatter.add.f32 [tilespmem:s12], [sflag:$0x3], $0x80, s18, s15, $0xb8;
	[tilespmem:$0x1E500] =	vst v63  }
0x9d: {  	v5 =	vld [tilespmem:s26+$0x190C0];
	_ =	sdelay $0x2  }
0x9e: {  	s28 =	sadd.s32 $0x40, s24  }
0x9f: {  	v6 =	vor.u32 s28, v4  }
0xa0: {  	v6 =	vand.u32 $0xCF, v6;
	vm0 =	vge.s32 v5, v0;
	vm1 =	vlt.s32 v5, v1  }
0xa1: {  	v6 =	vor.u32 $0x3100, v6;
	v5 =	vsub.s32 v5, v0;
	vm0 =	vmand vm0, vm1  }
0xa2: {  	v5 =	vsel vm0, v5, v6  }
0xa3: {  	[tilespmem:$0x1A480] =	vst v5  }
0xa4: {  	v5 =	vld [tilespmem:s26+$0x190D0];
	_ =	sdelay $0x2  }
0xa5: {  	s28 =	sadd.s32 $0x50, s24  }
0xa6: {  	v6 =	vor.u32 s28, v4  }
0xa7: {  	v6 =	vand.u32 $0xDF, v6;
	vm0 =	vge.s32 v5, v0;
	vm1 =	vlt.s32 v5, v1  }
0xa8: {  	v6 =	vor.u32 $0x3100, v6;
	v5 =	vsub.s32 v5, v0;
	vm0 =	vmand vm0, vm1  }
0xa9: {  	v5 =	vsel vm0, v5, v6  }
0xaa: {  	[tilespmem:$0x1A490] =	vst v5  }
0xab: {  	v5 =	vld [tilespmem:s26+$0x190E0];
	_ =	sdelay $0x2  }
0xac: {  	s28 =	sadd.s32 $0x60, s24  }
0xad: {  	v6 =	vor.u32 s28, v4  }
0xae: {  	v6 =	vand.u32 $0xEF, v6;
	vm0 =	vge.s32 v5, v0;
	vm1 =	vlt.s32 v5, v1  }
0xaf: {  	v6 =	vor.u32 $0x3100, v6;
	v5 =	vsub.s32 v5, v0;
	vm0 =	vmand vm0, vm1  }
0xb0: {  	v5 =	vsel vm0, v5, v6  }
0xb1: {  	[tilespmem:$0x1A4A0] =	vst v5  }
0xb2: {  	v5 =	vld [tilespmem:s26+$0x190F0];
	_ =	sdelay $0x2  }
0xb3: {  	s26 =	sadd.s32 $0x70, s24  }
0xb4: {  	v6 =	vor.u32 s26, v4  }
0xb5: {  	v6 =	vand.u32 $0xFF, v6;
	vm0 =	vge.s32 v5, v0;
	vm1 =	vlt.s32 v5, v1  }
0xb6: {  	v6 =	vor.u32 $0x3100, v6;
	v5 =	vsub.s32 v5, v0;
	vm0 =	vmand vm0, vm1  }
0xb7: {  	v5 =	vsel vm0, v5, v6  }
0xb8: {  	p1 =	seq.s32 s25, $0x4C00;
	[tilespmem:$0x1A4B0] =	vst v5  }
0xb9: {  	s25 =	sshra.s32 @!p1 s25, $0x2;
	_ =	swait.ge [sflag:s19], $0x2000  }
0xba: {  	s25 =	sadd.s32 @!p1 $0x19100, s25;
	s26 =	simm.s32 @!p1 $0x1A500;
	[sflag:s19] =	ssyncset.done $0x0  }
.Ltmp2:
0xbb: {  	s28 =	simm.s32 @!p1 $0x40;
	[sflag:s19] =	ssyncadd.s32 $0xFFFFE000;
	(pc) =	sbr.rel @p0 .LBB2_6-.Ltmp2, $4  }
0xbc: {  	[tilespmem:s26], [sflag:$0x1] =	stream.indirect.gather @!p1 [hbm4b:s4+s28], $0x80, s25, s28, $0xb8;
	[tilespmem:$0x1E500] =	vst v63  }
0xbd: {  	_ =	swait.ge [sflag:s20], $0x2000  }
0xbe: {  	[sflag:s20] =	ssyncset.done $0x0  }
0xbf: {  	s24 =	sadd.s32 $0x80, s24;
	[sflag:s20] =	ssyncadd.s32 $0xFFFFE000  }
0xc0: {  	[spmem:s2] =	stream.indirect.scatter.add.f32 [tilespmem:s16], [sflag:$0x4], $0x80, s21, s15, $0xb8;
	[tilespmem:$0x1E500] =	vst v63  }
0xc1: {  	_ =	swait.ge [sflag:s22], $0x2000  }
0xc2: {  	[sflag:s22] =	ssyncset.done $0x0  }
0xc3: {  	s24 =	simm.s32 $0x0;
	[sflag:s22] =	ssyncadd.s32 $0xFFFFE000  }
0xc4: {  	[tilespmem:s14], [sflag:$0x5] =	stream.linear.gather [hbm4b:s6+s24], $0x1400, $0x38;
	[tilespmem:$0x1E500] =	vst v63  }
0xc5: {  	_ =	swait.ge [sflag:s13], $0x1400  }
0xc6: {  	[sflag:s13] =	ssyncset.done $0x0  }
0xc7: {  	s23 =	simm.s32 $0x0;
	[sflag:s13] =	ssyncadd.s32 $0xFFFFEC00  }
0xc8: {  	[tilespmem:s12], [sflag:$0x1] =	stream.indirect.gather [hbm4b:s4+s15], $0x80, s14, s15, $0xb8;
	[tilespmem:$0x1E500] =	vst v63  }
0xc9: {  	v5 =	vld [tilespmem:s23+$0x19040];
	_ =	sdelay $0x3  }
0xca: {  	v6 =	vor.u32 s24, v4  }
0xcb: {  	v6 =	vand.u32 $0x8F, v6;
	vm0 =	vge.s32 v5, v0;
	vm1 =	vlt.s32 v5, v1  }
0xcc: {  	v6 =	vor.u32 $0x3100, v6;
	v5 =	vsub.s32 v5, v0;
	vm0 =	vmand vm0, vm1  }
0xcd: {  	v5 =	vsel vm0, v5, v6  }
0xce: {  	[tilespmem:$0x1A400] =	vst v5  }
0xcf: {  	v5 =	vld [tilespmem:s23+$0x19050];
	_ =	sdelay $0x2  }
0xd0: {  	s30 =	simm.s32 $0x10  }
0xd1: {  	v6 =	vor.u32 s30, v4  }
0xd2: {  	v6 =	vand.u32 $0x9F, v6;
	vm14 =	vge.s32 v5, v0;
	vm15 =	vlt.s32 v5, v1  }
0xd3: {  	v6 =	vor.u32 $0x3100, v6;
	v5 =	vsub.s32 v5, v0;
	vm0 =	vmand vm14, vm15  }
0xd4: {  	v5 =	vsel vm0, v5, v6  }
0xd5: {  	[tilespmem:$0x1A410] =	vst v5  }
0xd6: {  	v5 =	vld [tilespmem:s23+$0x19060];
	_ =	sdelay $0x2  }
0xd7: {  	s31 =	simm.s32 $0x20  }
0xd8: {  	v6 =	vor.u32 s31, v4  }
0xd9: {  	v6 =	vand.u32 $0xAF, v6;
	vm4 =	vge.s32 v5, v0;
	vm5 =	vlt.s32 v5, v1  }
0xda: {  	v6 =	vor.u32 $0x3100, v6;
	v5 =	vsub.s32 v5, v0;
	vm0 =	vmand vm4, vm5  }
0xdb: {  	v5 =	vsel vm0, v5, v6  }
0xdc: {  	[tilespmem:$0x1A420] =	vst v5  }
0xdd: {  	v5 =	vld [tilespmem:s23+$0x19070];
	_ =	sdelay $0x2  }
0xde: {  	s25 =	simm.s32 $0x30  }
0xdf: {  	v6 =	vor.u32 s25, v4  }
0xe0: {  	v6 =	vand.u32 $0xBF, v6;
	vm6 =	vge.s32 v5, v0;
	vm7 =	vlt.s32 v5, v1  }
0xe1: {  	v6 =	vor.u32 $0x3100, v6;
	v5 =	vsub.s32 v5, v0;
	vm0 =	vmand vm6, vm7  }
0xe2: {  	p0 =	por $0x1, $0x1;
	v5 =	vsel vm0, v5, v6  }
0xe3: {  	s24 =	simm.s32 @!p0 $0x4;
	[tilespmem:$0x1A430] =	vst v5  }
0xe4: {  	_ =	swait.ge @!p0 [sflag:s24], $0x2000  }
0xe5: {  	[sflag:s24] =	ssyncset.done @!p0 $0x0  }
0xe6: {  	s26 =	simm.s32 $0x19080;
	[sflag:s24] =	ssyncadd.s32 @!p0 $0xFFFFE000  }
0xe7: {  	[tilespmem:s16], [sflag:$0x2] =	stream.indirect.gather [hbm4b:s4+s15], $0x80, s26, s15, $0xb8;
	[tilespmem:$0x1E500] =	vst v63  }
0xe8: {  	_ =	swait.ge [sflag:s17], $0x2000  }
0xe9: {  	[sflag:s17] =	ssyncset.done $0x0  }
0xea: {  	[sflag:s17] =	ssyncadd.s32 $0xFFFFE000  }
0xeb: {  	[spmem:s2] =	stream.indirect.scatter.add.f32 [tilespmem:s12], [sflag:$0x3], $0x80, s18, s15, $0xb8;
	[tilespmem:$0x1E500] =	vst v63  }
0xec: {  	v5 =	vld [tilespmem:s23+$0x190C0];
	_ =	sdelay $0x2  }
0xed: {  	s28 =	simm.s32 $0x40  }
0xee: {  	v6 =	vor.u32 s28, v4  }
0xef: {  	v6 =	vand.u32 $0xCF, v6;
	vm8 =	vge.s32 v5, v0;
	vm9 =	vlt.s32 v5, v1  }
0xf0: {  	v6 =	vor.u32 $0x3100, v6;
	v5 =	vsub.s32 v5, v0;
	vm0 =	vmand vm8, vm9  }
0xf1: {  	v5 =	vsel vm0, v5, v6  }
0xf2: {  	[tilespmem:$0x1A480] =	vst v5  }
0xf3: {  	v5 =	vld [tilespmem:s23+$0x190D0];
	_ =	sdelay $0x2  }
0xf4: {  	s29 =	simm.s32 $0x50  }
0xf5: {  	v6 =	vor.u32 s29, v4  }
0xf6: {  	v6 =	vand.u32 $0xDF, v6;
	vm10 =	vge.s32 v5, v0;
	vm11 =	vlt.s32 v5, v1  }
0xf7: {  	v6 =	vor.u32 $0x3100, v6;
	v5 =	vsub.s32 v5, v0;
	vm0 =	vmand vm10, vm11  }
0xf8: {  	v5 =	vsel vm0, v5, v6  }
0xf9: {  	[tilespmem:$0x1A490] =	vst v5  }
0xfa: {  	v5 =	vld [tilespmem:s23+$0x190E0];
	_ =	sdelay $0x2  }
0xfb: {  	s30 =	simm.s32 $0x60  }
0xfc: {  	v6 =	vor.u32 s30, v4  }
0xfd: {  	v6 =	vand.u32 $0xEF, v6;
	vm12 =	vge.s32 v5, v0;
	vm13 =	vlt.s32 v5, v1  }
0xfe: {  	v6 =	vor.u32 $0x3100, v6;
	v5 =	vsub.s32 v5, v0;
	vm0 =	vmand vm12, vm13  }
0xff: {  	v5 =	vsel vm0, v5, v6  }
0x100: {  	[tilespmem:$0x1A4A0] =	vst v5  }
0x101: {  	v5 =	vld [tilespmem:s23+$0x190F0];
	_ =	sdelay $0x2  }
0x102: {  	s31 =	simm.s32 $0x70  }
0x103: {  	v6 =	vor.u32 s31, v4  }
0x104: {  	v6 =	vand.u32 $0xFF, v6;
	vm14 =	vge.s32 v5, v0;
	vm15 =	vlt.s32 v5, v1  }
0x105: {  	v6 =	vor.u32 $0x3100, v6;
	v5 =	vsub.s32 v5, v0;
	vm0 =	vmand vm14, vm15  }
0x106: {  	v5 =	vsel vm0, v5, v6  }
0x107: {  	[tilespmem:$0x1A4B0] =	vst v5  }
0x108: {  	p0 =	por $0x0, $0x0;
	_ =	swait.ge [sflag:s19], $0x2000  }
0x109: {  	s24 =	simm.s32 @!p0 $0x19100;
	[sflag:s19] =	ssyncset.done $0x0  }
0x10a: {  	s25 =	simm.s32 @!p0 $0x40;
	s23 =	simm.s32 @!p0 $0x1A500;
	[sflag:s19] =	ssyncadd.s32 $0xFFFFE000  }
0x10b: {  	[tilespmem:s23], [sflag:$0x1] =	stream.indirect.gather @!p0 [hbm4b:s4+s25], $0x80, s24, s25, $0xb8;
	[tilespmem:$0x1E500] =	vst v63  }
0x10c: {  	_ =	swait.ge [sflag:s20], $0x2000  }
0x10d: {  	[sflag:s20] =	ssyncset.done $0x0  }
0x10e: {  	s23 =	simm.s32 $0x400;
	s24 =	simm.s32 $0x80;
	[sflag:s20] =	ssyncadd.s32 $0xFFFFE000  }
.LBB2_8:
0x10f: {  	[spmem:s2] =	stream.indirect.scatter.add.f32 [tilespmem:s16], [sflag:$0x4], $0x80, s21, s15, $0xb8;
	[tilespmem:$0x1E500] =	vst v63  }
0x110: {  	s26 =	sshra.s32 s23, $0x2;
	s25 =	smov.u32 s23;
	s23 =	sadd.s32 $0x400, s23  }
0x111: {  	p0 =	sne.s32 s23, $0x5000;
	v5 =	vld [tilespmem:s26+$0x19040];
	_ =	sdelay $0x3  }
0x112: {  	v6 =	vor.u32 s24, v4  }
0x113: {  	v6 =	vand.u32 $0x8F, v6;
	vm0 =	vge.s32 v5, v0;
	vm1 =	vlt.s32 v5, v1  }
0x114: {  	v6 =	vor.u32 $0x3100, v6;
	v5 =	vsub.s32 v5, v0;
	vm0 =	vmand vm0, vm1  }
0x115: {  	v5 =	vsel vm0, v5, v6  }
0x116: {  	[tilespmem:$0x1A400] =	vst v5  }
0x117: {  	v5 =	vld [tilespmem:s26+$0x19050];
	_ =	sdelay $0x2  }
0x118: {  	s28 =	sadd.s32 $0x10, s24  }
0x119: {  	v6 =	vor.u32 s28, v4  }
0x11a: {  	v6 =	vand.u32 $0x9F, v6;
	vm0 =	vge.s32 v5, v0;
	vm1 =	vlt.s32 v5, v1  }
0x11b: {  	v6 =	vor.u32 $0x3100, v6;
	v5 =	vsub.s32 v5, v0;
	vm0 =	vmand vm0, vm1  }
0x11c: {  	v5 =	vsel vm0, v5, v6  }
0x11d: {  	[tilespmem:$0x1A410] =	vst v5  }
0x11e: {  	v5 =	vld [tilespmem:s26+$0x19060];
	_ =	sdelay $0x2  }
0x11f: {  	s28 =	sadd.s32 $0x20, s24  }
0x120: {  	v6 =	vor.u32 s28, v4  }
0x121: {  	v6 =	vand.u32 $0xAF, v6;
	vm0 =	vge.s32 v5, v0;
	vm1 =	vlt.s32 v5, v1  }
0x122: {  	v6 =	vor.u32 $0x3100, v6;
	v5 =	vsub.s32 v5, v0;
	vm0 =	vmand vm0, vm1  }
0x123: {  	v5 =	vsel vm0, v5, v6  }
0x124: {  	[tilespmem:$0x1A420] =	vst v5  }
0x125: {  	v5 =	vld [tilespmem:s26+$0x19070];
	_ =	sdelay $0x2  }
0x126: {  	s28 =	sadd.s32 $0x30, s24  }
0x127: {  	v6 =	vor.u32 s28, v4  }
0x128: {  	v6 =	vand.u32 $0xBF, v6;
	vm0 =	vge.s32 v5, v0;
	vm1 =	vlt.s32 v5, v1  }
0x129: {  	v6 =	vor.u32 $0x3100, v6;
	v5 =	vsub.s32 v5, v0;
	vm0 =	vmand vm0, vm1  }
0x12a: {  	p1 =	seq.s32 s25, $0x0;
	v5 =	vsel vm0, v5, v6  }
0x12b: {  	s28 =	simm.s32 @!p1 $0x4;
	[tilespmem:$0x1A430] =	vst v5  }
0x12c: {  	_ =	swait.ge @!p1 [sflag:s28], $0x2000  }
0x12d: {  	[sflag:s28] =	ssyncset.done @!p1 $0x0  }
0x12e: {  	[sflag:s28] =	ssyncadd.s32 @!p1 $0xFFFFE000;
	s28 =	sadd.s32 $0x19080, s26  }
0x12f: {  	[tilespmem:s16], [sflag:$0x2] =	stream.indirect.gather [hbm4b:s4+s15], $0x80, s28, s15, $0xb8;
	[tilespmem:$0x1E500] =	vst v63  }
0x130: {  	_ =	swait.ge [sflag:s17], $0x2000  }
0x131: {  	[sflag:s17] =	ssyncset.done $0x0  }
0x132: {  	[sflag:s17] =	ssyncadd.s32 $0xFFFFE000  }
0x133: {  	[spmem:s2] =	stream.indirect.scatter.add.f32 [tilespmem:s12], [sflag:$0x3], $0x80, s18, s15, $0xb8;
	[tilespmem:$0x1E500] =	vst v63  }
0x134: {  	v5 =	vld [tilespmem:s26+$0x190C0];
	_ =	sdelay $0x2  }
0x135: {  	s28 =	sadd.s32 $0x40, s24  }
0x136: {  	v6 =	vor.u32 s28, v4  }
0x137: {  	v6 =	vand.u32 $0xCF, v6;
	vm0 =	vge.s32 v5, v0;
	vm1 =	vlt.s32 v5, v1  }
0x138: {  	v6 =	vor.u32 $0x3100, v6;
	v5 =	vsub.s32 v5, v0;
	vm0 =	vmand vm0, vm1  }
0x139: {  	v5 =	vsel vm0, v5, v6  }
0x13a: {  	[tilespmem:$0x1A480] =	vst v5  }
0x13b: {  	v5 =	vld [tilespmem:s26+$0x190D0];
	_ =	sdelay $0x2  }
0x13c: {  	s28 =	sadd.s32 $0x50, s24  }
0x13d: {  	v6 =	vor.u32 s28, v4  }
0x13e: {  	v6 =	vand.u32 $0xDF, v6;
	vm0 =	vge.s32 v5, v0;
	vm1 =	vlt.s32 v5, v1  }
0x13f: {  	v6 =	vor.u32 $0x3100, v6;
	v5 =	vsub.s32 v5, v0;
	vm0 =	vmand vm0, vm1  }
0x140: {  	v5 =	vsel vm0, v5, v6  }
0x141: {  	[tilespmem:$0x1A490] =	vst v5  }
0x142: {  	v5 =	vld [tilespmem:s26+$0x190E0];
	_ =	sdelay $0x2  }
0x143: {  	s28 =	sadd.s32 $0x60, s24  }
0x144: {  	v6 =	vor.u32 s28, v4  }
0x145: {  	v6 =	vand.u32 $0xEF, v6;
	vm0 =	vge.s32 v5, v0;
	vm1 =	vlt.s32 v5, v1  }
0x146: {  	v6 =	vor.u32 $0x3100, v6;
	v5 =	vsub.s32 v5, v0;
	vm0 =	vmand vm0, vm1  }
0x147: {  	v5 =	vsel vm0, v5, v6  }
0x148: {  	[tilespmem:$0x1A4A0] =	vst v5  }
0x149: {  	v5 =	vld [tilespmem:s26+$0x190F0];
	_ =	sdelay $0x2  }
0x14a: {  	s26 =	sadd.s32 $0x70, s24  }
0x14b: {  	v6 =	vor.u32 s26, v4  }
0x14c: {  	v6 =	vand.u32 $0xFF, v6;
	vm0 =	vge.s32 v5, v0;
	vm1 =	vlt.s32 v5, v1  }
0x14d: {  	v6 =	vor.u32 $0x3100, v6;
	v5 =	vsub.s32 v5, v0;
	vm0 =	vmand vm0, vm1  }
0x14e: {  	v5 =	vsel vm0, v5, v6  }
0x14f: {  	p1 =	seq.s32 s25, $0x4C00;
	[tilespmem:$0x1A4B0] =	vst v5  }
0x150: {  	s25 =	sshra.s32 @!p1 s25, $0x2;
	_ =	swait.ge [sflag:s19], $0x2000  }
0x151: {  	s25 =	sadd.s32 @!p1 $0x19100, s25;
	s26 =	simm.s32 @!p1 $0x1A500;
	[sflag:s19] =	ssyncset.done $0x0  }
.Ltmp3:
0x152: {  	s28 =	simm.s32 @!p1 $0x40;
	[sflag:s19] =	ssyncadd.s32 $0xFFFFE000;
	(pc) =	sbr.rel @p0 .LBB2_8-.Ltmp3, $4  }
0x153: {  	[tilespmem:s26], [sflag:$0x1] =	stream.indirect.gather @!p1 [hbm4b:s4+s28], $0x80, s25, s28, $0xb8;
	[tilespmem:$0x1E500] =	vst v63  }
0x154: {  	_ =	swait.ge [sflag:s20], $0x2000  }
0x155: {  	[sflag:s20] =	ssyncset.done $0x0  }
0x156: {  	s24 =	sadd.s32 $0x80, s24;
	[sflag:s20] =	ssyncadd.s32 $0xFFFFE000  }
0x157: {  	[spmem:s2] =	stream.indirect.scatter.add.f32 [tilespmem:s16], [sflag:$0x4], $0x80, s21, s15, $0xb8;
	[tilespmem:$0x1E500] =	vst v63  }
0x158: {  	_ =	swait.ge [sflag:s22], $0x2000  }
0x159: {  	[sflag:s22] =	ssyncset.done $0x0  }
0x15a: {  	s24 =	simm.s32 $0x0;
	[sflag:s22] =	ssyncadd.s32 $0xFFFFE000  }
0x15b: {  	[tilespmem:s14], [sflag:$0x5] =	stream.linear.gather [hbm4b:s7+s24], $0x1400, $0x38;
	[tilespmem:$0x1E500] =	vst v63  }
0x15c: {  	_ =	swait.ge [sflag:s13], $0x1400  }
0x15d: {  	[sflag:s13] =	ssyncset.done $0x0  }
0x15e: {  	s23 =	simm.s32 $0x0;
	[sflag:s13] =	ssyncadd.s32 $0xFFFFEC00  }
0x15f: {  	[tilespmem:s12], [sflag:$0x1] =	stream.indirect.gather [hbm4b:s4+s15], $0x80, s14, s15, $0xb8;
	[tilespmem:$0x1E500] =	vst v63  }
0x160: {  	v5 =	vld [tilespmem:s23+$0x19040];
	_ =	sdelay $0x3  }
0x161: {  	v6 =	vor.u32 s24, v4  }
0x162: {  	v6 =	vand.u32 $0x8F, v6;
	vm0 =	vge.s32 v5, v0;
	vm1 =	vlt.s32 v5, v1  }
0x163: {  	v6 =	vor.u32 $0x3100, v6;
	v5 =	vsub.s32 v5, v0;
	vm0 =	vmand vm0, vm1  }
0x164: {  	v5 =	vsel vm0, v5, v6  }
0x165: {  	[tilespmem:$0x1A400] =	vst v5  }
0x166: {  	v5 =	vld [tilespmem:s23+$0x19050];
	_ =	sdelay $0x2  }
0x167: {  	s30 =	simm.s32 $0x10  }
0x168: {  	v6 =	vor.u32 s30, v4  }
0x169: {  	v6 =	vand.u32 $0x9F, v6;
	vm14 =	vge.s32 v5, v0;
	vm15 =	vlt.s32 v5, v1  }
0x16a: {  	v6 =	vor.u32 $0x3100, v6;
	v5 =	vsub.s32 v5, v0;
	vm0 =	vmand vm14, vm15  }
0x16b: {  	v5 =	vsel vm0, v5, v6  }
0x16c: {  	[tilespmem:$0x1A410] =	vst v5  }
0x16d: {  	v5 =	vld [tilespmem:s23+$0x19060];
	_ =	sdelay $0x2  }
0x16e: {  	s31 =	simm.s32 $0x20  }
0x16f: {  	v6 =	vor.u32 s31, v4  }
0x170: {  	v6 =	vand.u32 $0xAF, v6;
	vm4 =	vge.s32 v5, v0;
	vm5 =	vlt.s32 v5, v1  }
0x171: {  	v6 =	vor.u32 $0x3100, v6;
	v5 =	vsub.s32 v5, v0;
	vm0 =	vmand vm4, vm5  }
0x172: {  	v5 =	vsel vm0, v5, v6  }
0x173: {  	[tilespmem:$0x1A420] =	vst v5  }
0x174: {  	v5 =	vld [tilespmem:s23+$0x19070];
	_ =	sdelay $0x2  }
0x175: {  	s25 =	simm.s32 $0x30  }
0x176: {  	v6 =	vor.u32 s25, v4  }
0x177: {  	v6 =	vand.u32 $0xBF, v6;
	vm6 =	vge.s32 v5, v0;
	vm7 =	vlt.s32 v5, v1  }
0x178: {  	v6 =	vor.u32 $0x3100, v6;
	v5 =	vsub.s32 v5, v0;
	vm0 =	vmand vm6, vm7  }
0x179: {  	p0 =	por $0x1, $0x1;
	v5 =	vsel vm0, v5, v6  }
0x17a: {  	s24 =	simm.s32 @!p0 $0x4;
	[tilespmem:$0x1A430] =	vst v5  }
0x17b: {  	_ =	swait.ge @!p0 [sflag:s24], $0x2000  }
0x17c: {  	[sflag:s24] =	ssyncset.done @!p0 $0x0  }
0x17d: {  	s26 =	simm.s32 $0x19080;
	[sflag:s24] =	ssyncadd.s32 @!p0 $0xFFFFE000  }
0x17e: {  	[tilespmem:s16], [sflag:$0x2] =	stream.indirect.gather [hbm4b:s4+s15], $0x80, s26, s15, $0xb8;
	[tilespmem:$0x1E500] =	vst v63  }
0x17f: {  	_ =	swait.ge [sflag:s17], $0x2000  }
0x180: {  	[sflag:s17] =	ssyncset.done $0x0  }
0x181: {  	[sflag:s17] =	ssyncadd.s32 $0xFFFFE000  }
0x182: {  	[spmem:s2] =	stream.indirect.scatter.add.f32 [tilespmem:s12], [sflag:$0x3], $0x80, s18, s15, $0xb8;
	[tilespmem:$0x1E500] =	vst v63  }
0x183: {  	v5 =	vld [tilespmem:s23+$0x190C0];
	_ =	sdelay $0x2  }
0x184: {  	s28 =	simm.s32 $0x40  }
0x185: {  	v6 =	vor.u32 s28, v4  }
0x186: {  	v6 =	vand.u32 $0xCF, v6;
	vm8 =	vge.s32 v5, v0;
	vm9 =	vlt.s32 v5, v1  }
0x187: {  	v6 =	vor.u32 $0x3100, v6;
	v5 =	vsub.s32 v5, v0;
	vm0 =	vmand vm8, vm9  }
0x188: {  	v5 =	vsel vm0, v5, v6  }
0x189: {  	[tilespmem:$0x1A480] =	vst v5  }
0x18a: {  	v5 =	vld [tilespmem:s23+$0x190D0];
	_ =	sdelay $0x2  }
0x18b: {  	s29 =	simm.s32 $0x50  }
0x18c: {  	v6 =	vor.u32 s29, v4  }
0x18d: {  	v6 =	vand.u32 $0xDF, v6;
	vm10 =	vge.s32 v5, v0;
	vm11 =	vlt.s32 v5, v1  }
0x18e: {  	v6 =	vor.u32 $0x3100, v6;
	v5 =	vsub.s32 v5, v0;
	vm0 =	vmand vm10, vm11  }
0x18f: {  	v5 =	vsel vm0, v5, v6  }
0x190: {  	[tilespmem:$0x1A490] =	vst v5  }
0x191: {  	v5 =	vld [tilespmem:s23+$0x190E0];
	_ =	sdelay $0x2  }
0x192: {  	s30 =	simm.s32 $0x60  }
0x193: {  	v6 =	vor.u32 s30, v4  }
0x194: {  	v6 =	vand.u32 $0xEF, v6;
	vm12 =	vge.s32 v5, v0;
	vm13 =	vlt.s32 v5, v1  }
0x195: {  	v6 =	vor.u32 $0x3100, v6;
	v5 =	vsub.s32 v5, v0;
	vm0 =	vmand vm12, vm13  }
0x196: {  	v5 =	vsel vm0, v5, v6  }
0x197: {  	[tilespmem:$0x1A4A0] =	vst v5  }
0x198: {  	v5 =	vld [tilespmem:s23+$0x190F0];
	_ =	sdelay $0x2  }
0x199: {  	s31 =	simm.s32 $0x70  }
0x19a: {  	v6 =	vor.u32 s31, v4  }
0x19b: {  	v6 =	vand.u32 $0xFF, v6;
	vm14 =	vge.s32 v5, v0;
	vm15 =	vlt.s32 v5, v1  }
0x19c: {  	v6 =	vor.u32 $0x3100, v6;
	v5 =	vsub.s32 v5, v0;
	vm0 =	vmand vm14, vm15  }
0x19d: {  	v5 =	vsel vm0, v5, v6  }
0x19e: {  	[tilespmem:$0x1A4B0] =	vst v5  }
0x19f: {  	p0 =	por $0x0, $0x0;
	_ =	swait.ge [sflag:s19], $0x2000  }
0x1a0: {  	s24 =	simm.s32 @!p0 $0x19100;
	[sflag:s19] =	ssyncset.done $0x0  }
0x1a1: {  	s25 =	simm.s32 @!p0 $0x40;
	s23 =	simm.s32 @!p0 $0x1A500;
	[sflag:s19] =	ssyncadd.s32 $0xFFFFE000  }
0x1a2: {  	[tilespmem:s23], [sflag:$0x1] =	stream.indirect.gather @!p0 [hbm4b:s4+s25], $0x80, s24, s25, $0xb8;
	[tilespmem:$0x1E500] =	vst v63  }
0x1a3: {  	_ =	swait.ge [sflag:s20], $0x2000  }
0x1a4: {  	[sflag:s20] =	ssyncset.done $0x0  }
0x1a5: {  	s23 =	simm.s32 $0x400;
	s24 =	simm.s32 $0x80;
	[sflag:s20] =	ssyncadd.s32 $0xFFFFE000  }
.LBB2_10:
0x1a6: {  	[spmem:s2] =	stream.indirect.scatter.add.f32 [tilespmem:s16], [sflag:$0x4], $0x80, s21, s15, $0xb8;
	[tilespmem:$0x1E500] =	vst v63  }
0x1a7: {  	s26 =	sshra.s32 s23, $0x2;
	s25 =	smov.u32 s23;
	s23 =	sadd.s32 $0x400, s23  }
0x1a8: {  	p0 =	sne.s32 s23, $0x5000;
	v5 =	vld [tilespmem:s26+$0x19040];
	_ =	sdelay $0x3  }
0x1a9: {  	v6 =	vor.u32 s24, v4  }
0x1aa: {  	v6 =	vand.u32 $0x8F, v6;
	vm0 =	vge.s32 v5, v0;
	vm1 =	vlt.s32 v5, v1  }
0x1ab: {  	v6 =	vor.u32 $0x3100, v6;
	v5 =	vsub.s32 v5, v0;
	vm0 =	vmand vm0, vm1  }
0x1ac: {  	v5 =	vsel vm0, v5, v6  }
0x1ad: {  	[tilespmem:$0x1A400] =	vst v5  }
0x1ae: {  	v5 =	vld [tilespmem:s26+$0x19050];
	_ =	sdelay $0x2  }
0x1af: {  	s28 =	sadd.s32 $0x10, s24  }
0x1b0: {  	v6 =	vor.u32 s28, v4  }
0x1b1: {  	v6 =	vand.u32 $0x9F, v6;
	vm0 =	vge.s32 v5, v0;
	vm1 =	vlt.s32 v5, v1  }
0x1b2: {  	v6 =	vor.u32 $0x3100, v6;
	v5 =	vsub.s32 v5, v0;
	vm0 =	vmand vm0, vm1  }
0x1b3: {  	v5 =	vsel vm0, v5, v6  }
0x1b4: {  	[tilespmem:$0x1A410] =	vst v5  }
0x1b5: {  	v5 =	vld [tilespmem:s26+$0x19060];
	_ =	sdelay $0x2  }
0x1b6: {  	s28 =	sadd.s32 $0x20, s24  }
0x1b7: {  	v6 =	vor.u32 s28, v4  }
0x1b8: {  	v6 =	vand.u32 $0xAF, v6;
	vm0 =	vge.s32 v5, v0;
	vm1 =	vlt.s32 v5, v1  }
0x1b9: {  	v6 =	vor.u32 $0x3100, v6;
	v5 =	vsub.s32 v5, v0;
	vm0 =	vmand vm0, vm1  }
0x1ba: {  	v5 =	vsel vm0, v5, v6  }
0x1bb: {  	[tilespmem:$0x1A420] =	vst v5  }
0x1bc: {  	v5 =	vld [tilespmem:s26+$0x19070];
	_ =	sdelay $0x2  }
0x1bd: {  	s28 =	sadd.s32 $0x30, s24  }
0x1be: {  	v6 =	vor.u32 s28, v4  }
0x1bf: {  	v6 =	vand.u32 $0xBF, v6;
	vm0 =	vge.s32 v5, v0;
	vm1 =	vlt.s32 v5, v1  }
0x1c0: {  	v6 =	vor.u32 $0x3100, v6;
	v5 =	vsub.s32 v5, v0;
	vm0 =	vmand vm0, vm1  }
0x1c1: {  	p1 =	seq.s32 s25, $0x0;
	v5 =	vsel vm0, v5, v6  }
0x1c2: {  	s28 =	simm.s32 @!p1 $0x4;
	[tilespmem:$0x1A430] =	vst v5  }
0x1c3: {  	_ =	swait.ge @!p1 [sflag:s28], $0x2000  }
0x1c4: {  	[sflag:s28] =	ssyncset.done @!p1 $0x0  }
0x1c5: {  	[sflag:s28] =	ssyncadd.s32 @!p1 $0xFFFFE000;
	s28 =	sadd.s32 $0x19080, s26  }
0x1c6: {  	[tilespmem:s16], [sflag:$0x2] =	stream.indirect.gather [hbm4b:s4+s15], $0x80, s28, s15, $0xb8;
	[tilespmem:$0x1E500] =	vst v63  }
0x1c7: {  	_ =	swait.ge [sflag:s17], $0x2000  }
0x1c8: {  	[sflag:s17] =	ssyncset.done $0x0  }
0x1c9: {  	[sflag:s17] =	ssyncadd.s32 $0xFFFFE000  }
0x1ca: {  	[spmem:s2] =	stream.indirect.scatter.add.f32 [tilespmem:s12], [sflag:$0x3], $0x80, s18, s15, $0xb8;
	[tilespmem:$0x1E500] =	vst v63  }
0x1cb: {  	v5 =	vld [tilespmem:s26+$0x190C0];
	_ =	sdelay $0x2  }
0x1cc: {  	s28 =	sadd.s32 $0x40, s24  }
0x1cd: {  	v6 =	vor.u32 s28, v4  }
0x1ce: {  	v6 =	vand.u32 $0xCF, v6;
	vm0 =	vge.s32 v5, v0;
	vm1 =	vlt.s32 v5, v1  }
0x1cf: {  	v6 =	vor.u32 $0x3100, v6;
	v5 =	vsub.s32 v5, v0;
	vm0 =	vmand vm0, vm1  }
0x1d0: {  	v5 =	vsel vm0, v5, v6  }
0x1d1: {  	[tilespmem:$0x1A480] =	vst v5  }
0x1d2: {  	v5 =	vld [tilespmem:s26+$0x190D0];
	_ =	sdelay $0x2  }
0x1d3: {  	s28 =	sadd.s32 $0x50, s24  }
0x1d4: {  	v6 =	vor.u32 s28, v4  }
0x1d5: {  	v6 =	vand.u32 $0xDF, v6;
	vm0 =	vge.s32 v5, v0;
	vm1 =	vlt.s32 v5, v1  }
0x1d6: {  	v6 =	vor.u32 $0x3100, v6;
	v5 =	vsub.s32 v5, v0;
	vm0 =	vmand vm0, vm1  }
0x1d7: {  	v5 =	vsel vm0, v5, v6  }
0x1d8: {  	[tilespmem:$0x1A490] =	vst v5  }
0x1d9: {  	v5 =	vld [tilespmem:s26+$0x190E0];
	_ =	sdelay $0x2  }
0x1da: {  	s28 =	sadd.s32 $0x60, s24  }
0x1db: {  	v6 =	vor.u32 s28, v4  }
0x1dc: {  	v6 =	vand.u32 $0xEF, v6;
	vm0 =	vge.s32 v5, v0;
	vm1 =	vlt.s32 v5, v1  }
0x1dd: {  	v6 =	vor.u32 $0x3100, v6;
	v5 =	vsub.s32 v5, v0;
	vm0 =	vmand vm0, vm1  }
0x1de: {  	v5 =	vsel vm0, v5, v6  }
0x1df: {  	[tilespmem:$0x1A4A0] =	vst v5  }
0x1e0: {  	v5 =	vld [tilespmem:s26+$0x190F0];
	_ =	sdelay $0x2  }
0x1e1: {  	s26 =	sadd.s32 $0x70, s24  }
0x1e2: {  	v6 =	vor.u32 s26, v4  }
0x1e3: {  	v6 =	vand.u32 $0xFF, v6;
	vm0 =	vge.s32 v5, v0;
	vm1 =	vlt.s32 v5, v1  }
0x1e4: {  	v6 =	vor.u32 $0x3100, v6;
	v5 =	vsub.s32 v5, v0;
	vm0 =	vmand vm0, vm1  }
0x1e5: {  	v5 =	vsel vm0, v5, v6  }
0x1e6: {  	p1 =	seq.s32 s25, $0x4C00;
	[tilespmem:$0x1A4B0] =	vst v5  }
0x1e7: {  	s25 =	sshra.s32 @!p1 s25, $0x2;
	_ =	swait.ge [sflag:s19], $0x2000  }
0x1e8: {  	s25 =	sadd.s32 @!p1 $0x19100, s25;
	s26 =	simm.s32 @!p1 $0x1A500;
	[sflag:s19] =	ssyncset.done $0x0  }
.Ltmp4:
0x1e9: {  	s28 =	simm.s32 @!p1 $0x40;
	[sflag:s19] =	ssyncadd.s32 $0xFFFFE000;
	(pc) =	sbr.rel @p0 .LBB2_10-.Ltmp4, $4  }
0x1ea: {  	[tilespmem:s26], [sflag:$0x1] =	stream.indirect.gather @!p1 [hbm4b:s4+s28], $0x80, s25, s28, $0xb8;
	[tilespmem:$0x1E500] =	vst v63  }
0x1eb: {  	_ =	swait.ge [sflag:s20], $0x2000  }
0x1ec: {  	[sflag:s20] =	ssyncset.done $0x0  }
0x1ed: {  	s24 =	sadd.s32 $0x80, s24;
	[sflag:s20] =	ssyncadd.s32 $0xFFFFE000  }
0x1ee: {  	[spmem:s2] =	stream.indirect.scatter.add.f32 [tilespmem:s16], [sflag:$0x4], $0x80, s21, s15, $0xb8;
	[tilespmem:$0x1E500] =	vst v63  }
0x1ef: {  	_ =	swait.ge [sflag:s22], $0x2000  }
0x1f0: {  	[sflag:s22] =	ssyncset.done $0x0  }
0x1f1: {  	s23 =	sshll.u32 s1, $0x6;
	[sflag:s22] =	ssyncadd.s32 $0xFFFFE000  }
0x1f2: {  	s24 =	sshrl.u32 s8, $0x3;
	s23 =	sor.u32 $0x1C05, s23;
	[bflag:$0x0] =	sbarrier.arrive $0xFFFF  }
0x1f3: {  	[hbm:s9], [sflag:s23] =	dma.local [spmem:s24], $0x3100  }
0x1f4: {  	_ =	swait.ge [sflag:s13], $0x3100  }
0x1f5: {  	[sflag:s13] =	ssyncset.done $0x0  }
0x1f6: {  	[sflag:s13] =	ssyncadd.s32 $0xFFFFCF00  }
0x1f7: {  	s25 =	simm.s32 $0x0;
	s26 =	simm.s32 $0x200;
	[bflag:$0x0] =	sbarrier.arrive $0xFFFF  }
.LBB2_12:
0x1f8: {  	p0 =	sne.s32 s26, $0x3600;
	[tilespmem:s25+$0x1A570] =	vst v3  }
0x1f9: {  	[tilespmem:s25+$0x1A500] =	vst v3  }
0x1fa: {  	[tilespmem:s25+$0x1A510] =	vst v3  }
.Ltmp5:
0x1fb: {  	[tilespmem:s25+$0x1A520] =	vst v3;
	(pc) =	sbr.rel @p0 .LBB2_12-.Ltmp5, $4  }
0x1fc: {  	[tilespmem:s25+$0x1A530] =	vst v3  }
0x1fd: {  	[tilespmem:s25+$0x1A540] =	vst v3  }
0x1fe: {  	[tilespmem:s25+$0x1A550] =	vst v3  }
0x1ff: {  	[tilespmem:s25+$0x1A560] =	vst v3;
	s25 =	sshra.s32 s26, $0x2;
	s26 =	sadd.s32 $0x200, s26  }
0x200: {  	[tilespmem:s25+$0x1A570] =	vst v3  }
0x201: {  	[tilespmem:s25+$0x1A500] =	vst v3  }
0x202: {  	[tilespmem:s25+$0x1A510] =	vst v3  }
0x203: {  	[tilespmem:s25+$0x1A520] =	vst v3  }
0x204: {  	[tilespmem:s25+$0x1A530] =	vst v3  }
0x205: {  	[tilespmem:s25+$0x1A540] =	vst v3  }
0x206: {  	[tilespmem:s25+$0x1A550] =	vst v3  }
0x207: {  	[tilespmem:s25+$0x1A560] =	vst v3;
	s31 =	sadd.s32 $0x0, s8  }
0x208: {  	[spmem:s31] =	stream.linear.scatter [tilespmem:s12], [sflag:$0x5], $0xE00, $0x38;
	[tilespmem:$0x1E500] =	vst v63  }
0x209: {  	s25 =	simm.s32 $0x3800;
	_ =	swait.ge [sflag:s13], $0xE00  }
.LBB2_14:
0x20a: {  	s26 =	sshra.s32 s25, $0x2;
	[sflag:s13] =	ssyncset.done $0x0;
	p0 =	sne.s32 s25, $0x5E800  }
.Ltmp6:
0x20b: {  	s26 =	sadd.s32 s26, s8;
	[sflag:s13] =	ssyncadd.s32 $0xFFFFF200;
	(pc) =	sbr.rel @p0 .LBB2_14-.Ltmp6, $3  }
0x20c: {  	[spmem:s26] =	stream.linear.scatter [tilespmem:s12], [sflag:$0x5], $0xE00, $0x38;
	[tilespmem:$0x1E500] =	vst v63  }
0x20d: {  	s25 =	sadd.s32 $0x3800, s25;
	_ =	sdelay $0x1  }
0x20e: {  	_ =	swait.ge [sflag:s13], $0xE00  }
0x20f: {  	[sflag:s13] =	ssyncset.done $0x0  }
0x210: {  	[sflag:s13] =	ssyncadd.s32 $0xFFFFF200  }
0x211: {  	s26 =	simm.s32 $0x0;
	[bflag:$0x0] =	sbarrier.arrive $0xFFFF  }
0x212: {  	[tilespmem:s14], [sflag:$0x5] =	stream.linear.gather [hbm4b:s5+s26], $0x1400, $0x38;
	[tilespmem:$0x1E500] =	vst v63  }
0x213: {  	_ =	swait.ge [sflag:s13], $0x1400  }
0x214: {  	[sflag:s13] =	ssyncset.done $0x0  }
0x215: {  	s25 =	simm.s32 $0x0;
	[sflag:s13] =	ssyncadd.s32 $0xFFFFEC00  }
0x216: {  	[tilespmem:s12], [sflag:$0x1] =	stream.indirect.gather [hbm4b:s4+s15], $0x80, s14, s15, $0xb8;
	[tilespmem:$0x1E500] =	vst v63  }
0x217: {  	v5 =	vld [tilespmem:s25+$0x19040];
	_ =	sdelay $0x3  }
0x218: {  	v6 =	vor.u32 s26, v4  }
0x219: {  	v6 =	vand.u32 $0x8F, v6;
	vm0 =	vge.s32 v5, v1;
	vm1 =	vlt.s32 v5, v2  }
0x21a: {  	v6 =	vor.u32 $0x3100, v6;
	v5 =	vsub.s32 v5, v1;
	vm0 =	vmand vm0, vm1  }
0x21b: {  	v5 =	vsel vm0, v5, v6  }
0x21c: {  	[tilespmem:$0x1A400] =	vst v5  }
0x21d: {  	v5 =	vld [tilespmem:s25+$0x19050];
	_ =	sdelay $0x2  }
0x21e: {  	s28 =	simm.s32 $0x10  }
0x21f: {  	v6 =	vor.u32 s28, v4  }
0x220: {  	v6 =	vand.u32 $0x9F, v6;
	vm14 =	vge.s32 v5, v1;
	vm15 =	vlt.s32 v5, v2  }
0x221: {  	v6 =	vor.u32 $0x3100, v6;
	v5 =	vsub.s32 v5, v1;
	vm0 =	vmand vm14, vm15  }
0x222: {  	v5 =	vsel vm0, v5, v6  }
0x223: {  	[tilespmem:$0x1A410] =	vst v5  }
0x224: {  	v5 =	vld [tilespmem:s25+$0x19060];
	_ =	sdelay $0x2  }
0x225: {  	s29 =	simm.s32 $0x20  }
0x226: {  	v6 =	vor.u32 s29, v4  }
0x227: {  	v6 =	vand.u32 $0xAF, v6;
	vm4 =	vge.s32 v5, v1;
	vm5 =	vlt.s32 v5, v2  }
0x228: {  	v6 =	vor.u32 $0x3100, v6;
	v5 =	vsub.s32 v5, v1;
	vm0 =	vmand vm4, vm5  }
0x229: {  	v5 =	vsel vm0, v5, v6  }
0x22a: {  	[tilespmem:$0x1A420] =	vst v5  }
0x22b: {  	v5 =	vld [tilespmem:s25+$0x19070];
	_ =	sdelay $0x2  }
0x22c: {  	s30 =	simm.s32 $0x30  }
0x22d: {  	v6 =	vor.u32 s30, v4  }
0x22e: {  	v6 =	vand.u32 $0xBF, v6;
	vm6 =	vge.s32 v5, v1;
	vm7 =	vlt.s32 v5, v2  }
0x22f: {  	v6 =	vor.u32 $0x3100, v6;
	v5 =	vsub.s32 v5, v1;
	vm0 =	vmand vm6, vm7  }
0x230: {  	p0 =	por $0x1, $0x1;
	v5 =	vsel vm0, v5, v6  }
0x231: {  	s26 =	simm.s32 @!p0 $0x4;
	[tilespmem:$0x1A430] =	vst v5  }
0x232: {  	_ =	swait.ge @!p0 [sflag:s26], $0x2000  }
0x233: {  	[sflag:s26] =	ssyncset.done @!p0 $0x0  }
0x234: {  	s31 =	simm.s32 $0x19080;
	[sflag:s26] =	ssyncadd.s32 @!p0 $0xFFFFE000  }
0x235: {  	[tilespmem:s16], [sflag:$0x2] =	stream.indirect.gather [hbm4b:s4+s15], $0x80, s31, s15, $0xb8;
	[tilespmem:$0x1E500] =	vst v63  }
0x236: {  	_ =	swait.ge [sflag:s17], $0x2000  }
0x237: {  	[sflag:s17] =	ssyncset.done $0x0  }
0x238: {  	[sflag:s17] =	ssyncadd.s32 $0xFFFFE000  }
0x239: {  	[spmem:s2] =	stream.indirect.scatter.add.f32 [tilespmem:s12], [sflag:$0x3], $0x80, s18, s15, $0xb8;
	[tilespmem:$0x1E500] =	vst v63  }
0x23a: {  	v5 =	vld [tilespmem:s25+$0x190C0];
	_ =	sdelay $0x2  }
0x23b: {  	s28 =	simm.s32 $0x40  }
0x23c: {  	v6 =	vor.u32 s28, v4  }
0x23d: {  	v6 =	vand.u32 $0xCF, v6;
	vm8 =	vge.s32 v5, v1;
	vm9 =	vlt.s32 v5, v2  }
0x23e: {  	v6 =	vor.u32 $0x3100, v6;
	v5 =	vsub.s32 v5, v1;
	vm0 =	vmand vm8, vm9  }
0x23f: {  	v5 =	vsel vm0, v5, v6  }
0x240: {  	[tilespmem:$0x1A480] =	vst v5  }
0x241: {  	v5 =	vld [tilespmem:s25+$0x190D0];
	_ =	sdelay $0x2  }
0x242: {  	s29 =	simm.s32 $0x50  }
0x243: {  	v6 =	vor.u32 s29, v4  }
0x244: {  	v6 =	vand.u32 $0xDF, v6;
	vm10 =	vge.s32 v5, v1;
	vm11 =	vlt.s32 v5, v2  }
0x245: {  	v6 =	vor.u32 $0x3100, v6;
	v5 =	vsub.s32 v5, v1;
	vm0 =	vmand vm10, vm11  }
0x246: {  	v5 =	vsel vm0, v5, v6  }
0x247: {  	[tilespmem:$0x1A490] =	vst v5  }
0x248: {  	v5 =	vld [tilespmem:s25+$0x190E0];
	_ =	sdelay $0x2  }
0x249: {  	s30 =	simm.s32 $0x60  }
0x24a: {  	v6 =	vor.u32 s30, v4  }
0x24b: {  	v6 =	vand.u32 $0xEF, v6;
	vm12 =	vge.s32 v5, v1;
	vm13 =	vlt.s32 v5, v2  }
0x24c: {  	v6 =	vor.u32 $0x3100, v6;
	v5 =	vsub.s32 v5, v1;
	vm0 =	vmand vm12, vm13  }
0x24d: {  	v5 =	vsel vm0, v5, v6  }
0x24e: {  	[tilespmem:$0x1A4A0] =	vst v5  }
0x24f: {  	v5 =	vld [tilespmem:s25+$0x190F0];
	_ =	sdelay $0x2  }
0x250: {  	s31 =	simm.s32 $0x70  }
0x251: {  	v6 =	vor.u32 s31, v4  }
0x252: {  	v6 =	vand.u32 $0xFF, v6;
	vm14 =	vge.s32 v5, v1;
	vm15 =	vlt.s32 v5, v2  }
0x253: {  	v6 =	vor.u32 $0x3100, v6;
	v5 =	vsub.s32 v5, v1;
	vm0 =	vmand vm14, vm15  }
0x254: {  	v5 =	vsel vm0, v5, v6  }
0x255: {  	[tilespmem:$0x1A4B0] =	vst v5  }
0x256: {  	p0 =	por $0x0, $0x0;
	_ =	swait.ge [sflag:s19], $0x2000  }
0x257: {  	s26 =	simm.s32 @!p0 $0x19100;
	[sflag:s19] =	ssyncset.done $0x0  }
0x258: {  	s28 =	simm.s32 @!p0 $0x40;
	s25 =	simm.s32 @!p0 $0x1A500;
	[sflag:s19] =	ssyncadd.s32 $0xFFFFE000  }
0x259: {  	[tilespmem:s25], [sflag:$0x1] =	stream.indirect.gather @!p0 [hbm4b:s4+s28], $0x80, s26, s28, $0xb8;
	[tilespmem:$0x1E500] =	vst v63  }
0x25a: {  	_ =	swait.ge [sflag:s20], $0x2000  }
0x25b: {  	[sflag:s20] =	ssyncset.done $0x0  }
0x25c: {  	s25 =	simm.s32 $0x400;
	s26 =	simm.s32 $0x80;
	[sflag:s20] =	ssyncadd.s32 $0xFFFFE000  }
.LBB2_16:
0x25d: {  	[spmem:s2] =	stream.indirect.scatter.add.f32 [tilespmem:s16], [sflag:$0x4], $0x80, s21, s15, $0xb8;
	[tilespmem:$0x1E500] =	vst v63  }
0x25e: {  	s29 =	sshra.s32 s25, $0x2;
	s28 =	smov.u32 s25;
	s25 =	sadd.s32 $0x400, s25  }
0x25f: {  	p0 =	sne.s32 s25, $0x5000;
	v5 =	vld [tilespmem:s29+$0x19040];
	_ =	sdelay $0x3  }
0x260: {  	v6 =	vor.u32 s26, v4  }
0x261: {  	v6 =	vand.u32 $0x8F, v6;
	vm0 =	vge.s32 v5, v1;
	vm1 =	vlt.s32 v5, v2  }
0x262: {  	v6 =	vor.u32 $0x3100, v6;
	v5 =	vsub.s32 v5, v1;
	vm0 =	vmand vm0, vm1  }
0x263: {  	v5 =	vsel vm0, v5, v6  }
0x264: {  	[tilespmem:$0x1A400] =	vst v5  }
0x265: {  	v5 =	vld [tilespmem:s29+$0x19050];
	_ =	sdelay $0x2  }
0x266: {  	s30 =	sadd.s32 $0x10, s26  }
0x267: {  	v6 =	vor.u32 s30, v4  }
0x268: {  	v6 =	vand.u32 $0x9F, v6;
	vm0 =	vge.s32 v5, v1;
	vm1 =	vlt.s32 v5, v2  }
0x269: {  	v6 =	vor.u32 $0x3100, v6;
	v5 =	vsub.s32 v5, v1;
	vm0 =	vmand vm0, vm1  }
0x26a: {  	v5 =	vsel vm0, v5, v6  }
0x26b: {  	[tilespmem:$0x1A410] =	vst v5  }
0x26c: {  	v5 =	vld [tilespmem:s29+$0x19060];
	_ =	sdelay $0x2  }
0x26d: {  	s30 =	sadd.s32 $0x20, s26  }
0x26e: {  	v6 =	vor.u32 s30, v4  }
0x26f: {  	v6 =	vand.u32 $0xAF, v6;
	vm0 =	vge.s32 v5, v1;
	vm1 =	vlt.s32 v5, v2  }
0x270: {  	v6 =	vor.u32 $0x3100, v6;
	v5 =	vsub.s32 v5, v1;
	vm0 =	vmand vm0, vm1  }
0x271: {  	v5 =	vsel vm0, v5, v6  }
0x272: {  	[tilespmem:$0x1A420] =	vst v5  }
0x273: {  	v5 =	vld [tilespmem:s29+$0x19070];
	_ =	sdelay $0x2  }
0x274: {  	s30 =	sadd.s32 $0x30, s26  }
0x275: {  	v6 =	vor.u32 s30, v4  }
0x276: {  	v6 =	vand.u32 $0xBF, v6;
	vm0 =	vge.s32 v5, v1;
	vm1 =	vlt.s32 v5, v2  }
0x277: {  	v6 =	vor.u32 $0x3100, v6;
	v5 =	vsub.s32 v5, v1;
	vm0 =	vmand vm0, vm1  }
0x278: {  	p1 =	seq.s32 s28, $0x0;
	v5 =	vsel vm0, v5, v6  }
0x279: {  	s30 =	simm.s32 @!p1 $0x4;
	[tilespmem:$0x1A430] =	vst v5  }
0x27a: {  	_ =	swait.ge @!p1 [sflag:s30], $0x2000  }
0x27b: {  	[sflag:s30] =	ssyncset.done @!p1 $0x0  }
0x27c: {  	[sflag:s30] =	ssyncadd.s32 @!p1 $0xFFFFE000;
	s30 =	sadd.s32 $0x19080, s29  }
0x27d: {  	[tilespmem:s16], [sflag:$0x2] =	stream.indirect.gather [hbm4b:s4+s15], $0x80, s30, s15, $0xb8;
	[tilespmem:$0x1E500] =	vst v63  }
0x27e: {  	_ =	swait.ge [sflag:s17], $0x2000  }
0x27f: {  	[sflag:s17] =	ssyncset.done $0x0  }
0x280: {  	[sflag:s17] =	ssyncadd.s32 $0xFFFFE000  }
0x281: {  	[spmem:s2] =	stream.indirect.scatter.add.f32 [tilespmem:s12], [sflag:$0x3], $0x80, s18, s15, $0xb8;
	[tilespmem:$0x1E500] =	vst v63  }
0x282: {  	v5 =	vld [tilespmem:s29+$0x190C0];
	_ =	sdelay $0x2  }
0x283: {  	s30 =	sadd.s32 $0x40, s26  }
0x284: {  	v6 =	vor.u32 s30, v4  }
0x285: {  	v6 =	vand.u32 $0xCF, v6;
	vm0 =	vge.s32 v5, v1;
	vm1 =	vlt.s32 v5, v2  }
0x286: {  	v6 =	vor.u32 $0x3100, v6;
	v5 =	vsub.s32 v5, v1;
	vm0 =	vmand vm0, vm1  }
0x287: {  	v5 =	vsel vm0, v5, v6  }
0x288: {  	[tilespmem:$0x1A480] =	vst v5  }
0x289: {  	v5 =	vld [tilespmem:s29+$0x190D0];
	_ =	sdelay $0x2  }
0x28a: {  	s30 =	sadd.s32 $0x50, s26  }
0x28b: {  	v6 =	vor.u32 s30, v4  }
0x28c: {  	v6 =	vand.u32 $0xDF, v6;
	vm0 =	vge.s32 v5, v1;
	vm1 =	vlt.s32 v5, v2  }
0x28d: {  	v6 =	vor.u32 $0x3100, v6;
	v5 =	vsub.s32 v5, v1;
	vm0 =	vmand vm0, vm1  }
0x28e: {  	v5 =	vsel vm0, v5, v6  }
0x28f: {  	[tilespmem:$0x1A490] =	vst v5  }
0x290: {  	v5 =	vld [tilespmem:s29+$0x190E0];
	_ =	sdelay $0x2  }
0x291: {  	s30 =	sadd.s32 $0x60, s26  }
0x292: {  	v6 =	vor.u32 s30, v4  }
0x293: {  	v6 =	vand.u32 $0xEF, v6;
	vm0 =	vge.s32 v5, v1;
	vm1 =	vlt.s32 v5, v2  }
0x294: {  	v6 =	vor.u32 $0x3100, v6;
	v5 =	vsub.s32 v5, v1;
	vm0 =	vmand vm0, vm1  }
0x295: {  	v5 =	vsel vm0, v5, v6  }
0x296: {  	[tilespmem:$0x1A4A0] =	vst v5  }
0x297: {  	v5 =	vld [tilespmem:s29+$0x190F0];
	_ =	sdelay $0x2  }
0x298: {  	s29 =	sadd.s32 $0x70, s26  }
0x299: {  	v6 =	vor.u32 s29, v4  }
0x29a: {  	v6 =	vand.u32 $0xFF, v6;
	vm0 =	vge.s32 v5, v1;
	vm1 =	vlt.s32 v5, v2  }
0x29b: {  	v6 =	vor.u32 $0x3100, v6;
	v5 =	vsub.s32 v5, v1;
	vm0 =	vmand vm0, vm1  }
0x29c: {  	v5 =	vsel vm0, v5, v6  }
0x29d: {  	p1 =	seq.s32 s28, $0x4C00;
	[tilespmem:$0x1A4B0] =	vst v5  }
0x29e: {  	s28 =	sshra.s32 @!p1 s28, $0x2;
	_ =	swait.ge [sflag:s19], $0x2000  }
0x29f: {  	s28 =	sadd.s32 @!p1 $0x19100, s28;
	s29 =	simm.s32 @!p1 $0x1A500;
	[sflag:s19] =	ssyncset.done $0x0  }
.Ltmp7:
0x2a0: {  	s30 =	simm.s32 @!p1 $0x40;
	[sflag:s19] =	ssyncadd.s32 $0xFFFFE000;
	(pc) =	sbr.rel @p0 .LBB2_16-.Ltmp7, $4  }
0x2a1: {  	[tilespmem:s29], [sflag:$0x1] =	stream.indirect.gather @!p1 [hbm4b:s4+s30], $0x80, s28, s30, $0xb8;
	[tilespmem:$0x1E500] =	vst v63  }
0x2a2: {  	_ =	swait.ge [sflag:s20], $0x2000  }
0x2a3: {  	[sflag:s20] =	ssyncset.done $0x0  }
0x2a4: {  	s26 =	sadd.s32 $0x80, s26;
	[sflag:s20] =	ssyncadd.s32 $0xFFFFE000  }
0x2a5: {  	[spmem:s2] =	stream.indirect.scatter.add.f32 [tilespmem:s16], [sflag:$0x4], $0x80, s21, s15, $0xb8;
	[tilespmem:$0x1E500] =	vst v63  }
0x2a6: {  	_ =	swait.ge [sflag:s22], $0x2000  }
0x2a7: {  	[sflag:s22] =	ssyncset.done $0x0  }
0x2a8: {  	s26 =	simm.s32 $0x0;
	[sflag:s22] =	ssyncadd.s32 $0xFFFFE000  }
0x2a9: {  	[tilespmem:s14], [sflag:$0x5] =	stream.linear.gather [hbm4b:s6+s26], $0x1400, $0x38;
	[tilespmem:$0x1E500] =	vst v63  }
0x2aa: {  	_ =	swait.ge [sflag:s13], $0x1400  }
0x2ab: {  	[sflag:s13] =	ssyncset.done $0x0  }
0x2ac: {  	s25 =	simm.s32 $0x0;
	[sflag:s13] =	ssyncadd.s32 $0xFFFFEC00  }
0x2ad: {  	[tilespmem:s12], [sflag:$0x1] =	stream.indirect.gather [hbm4b:s4+s15], $0x80, s14, s15, $0xb8;
	[tilespmem:$0x1E500] =	vst v63  }
0x2ae: {  	v5 =	vld [tilespmem:s25+$0x19040];
	_ =	sdelay $0x3  }
0x2af: {  	v6 =	vor.u32 s26, v4  }
0x2b0: {  	v6 =	vand.u32 $0x8F, v6;
	vm0 =	vge.s32 v5, v1;
	vm1 =	vlt.s32 v5, v2  }
0x2b1: {  	v6 =	vor.u32 $0x3100, v6;
	v5 =	vsub.s32 v5, v1;
	vm0 =	vmand vm0, vm1  }
0x2b2: {  	v5 =	vsel vm0, v5, v6  }
0x2b3: {  	[tilespmem:$0x1A400] =	vst v5  }
0x2b4: {  	v5 =	vld [tilespmem:s25+$0x19050];
	_ =	sdelay $0x2  }
0x2b5: {  	s28 =	simm.s32 $0x10  }
0x2b6: {  	v6 =	vor.u32 s28, v4  }
0x2b7: {  	v6 =	vand.u32 $0x9F, v6;
	vm14 =	vge.s32 v5, v1;
	vm15 =	vlt.s32 v5, v2  }
0x2b8: {  	v6 =	vor.u32 $0x3100, v6;
	v5 =	vsub.s32 v5, v1;
	vm0 =	vmand vm14, vm15  }
0x2b9: {  	v5 =	vsel vm0, v5, v6  }
0x2ba: {  	[tilespmem:$0x1A410] =	vst v5  }
0x2bb: {  	v5 =	vld [tilespmem:s25+$0x19060];
	_ =	sdelay $0x2  }
0x2bc: {  	s29 =	simm.s32 $0x20  }
0x2bd: {  	v6 =	vor.u32 s29, v4  }
0x2be: {  	v6 =	vand.u32 $0xAF, v6;
	vm4 =	vge.s32 v5, v1;
	vm5 =	vlt.s32 v5, v2  }
0x2bf: {  	v6 =	vor.u32 $0x3100, v6;
	v5 =	vsub.s32 v5, v1;
	vm0 =	vmand vm4, vm5  }
0x2c0: {  	v5 =	vsel vm0, v5, v6  }
0x2c1: {  	[tilespmem:$0x1A420] =	vst v5  }
0x2c2: {  	v5 =	vld [tilespmem:s25+$0x19070];
	_ =	sdelay $0x2  }
0x2c3: {  	s30 =	simm.s32 $0x30  }
0x2c4: {  	v6 =	vor.u32 s30, v4  }
0x2c5: {  	v6 =	vand.u32 $0xBF, v6;
	vm6 =	vge.s32 v5, v1;
	vm7 =	vlt.s32 v5, v2  }
0x2c6: {  	v6 =	vor.u32 $0x3100, v6;
	v5 =	vsub.s32 v5, v1;
	vm0 =	vmand vm6, vm7  }
0x2c7: {  	p0 =	por $0x1, $0x1;
	v5 =	vsel vm0, v5, v6  }
0x2c8: {  	s26 =	simm.s32 @!p0 $0x4;
	[tilespmem:$0x1A430] =	vst v5  }
0x2c9: {  	_ =	swait.ge @!p0 [sflag:s26], $0x2000  }
0x2ca: {  	[sflag:s26] =	ssyncset.done @!p0 $0x0  }
0x2cb: {  	s31 =	simm.s32 $0x19080;
	[sflag:s26] =	ssyncadd.s32 @!p0 $0xFFFFE000  }
0x2cc: {  	[tilespmem:s16], [sflag:$0x2] =	stream.indirect.gather [hbm4b:s4+s15], $0x80, s31, s15, $0xb8;
	[tilespmem:$0x1E500] =	vst v63  }
0x2cd: {  	_ =	swait.ge [sflag:s17], $0x2000  }
0x2ce: {  	[sflag:s17] =	ssyncset.done $0x0  }
0x2cf: {  	[sflag:s17] =	ssyncadd.s32 $0xFFFFE000  }
0x2d0: {  	[spmem:s2] =	stream.indirect.scatter.add.f32 [tilespmem:s12], [sflag:$0x3], $0x80, s18, s15, $0xb8;
	[tilespmem:$0x1E500] =	vst v63  }
0x2d1: {  	v5 =	vld [tilespmem:s25+$0x190C0];
	_ =	sdelay $0x2  }
0x2d2: {  	s28 =	simm.s32 $0x40  }
0x2d3: {  	v6 =	vor.u32 s28, v4  }
0x2d4: {  	v6 =	vand.u32 $0xCF, v6;
	vm8 =	vge.s32 v5, v1;
	vm9 =	vlt.s32 v5, v2  }
0x2d5: {  	v6 =	vor.u32 $0x3100, v6;
	v5 =	vsub.s32 v5, v1;
	vm0 =	vmand vm8, vm9  }
0x2d6: {  	v5 =	vsel vm0, v5, v6  }
0x2d7: {  	[tilespmem:$0x1A480] =	vst v5  }
0x2d8: {  	v5 =	vld [tilespmem:s25+$0x190D0];
	_ =	sdelay $0x2  }
0x2d9: {  	s29 =	simm.s32 $0x50  }
0x2da: {  	v6 =	vor.u32 s29, v4  }
0x2db: {  	v6 =	vand.u32 $0xDF, v6;
	vm10 =	vge.s32 v5, v1;
	vm11 =	vlt.s32 v5, v2  }
0x2dc: {  	v6 =	vor.u32 $0x3100, v6;
	v5 =	vsub.s32 v5, v1;
	vm0 =	vmand vm10, vm11  }
0x2dd: {  	v5 =	vsel vm0, v5, v6  }
0x2de: {  	[tilespmem:$0x1A490] =	vst v5  }
0x2df: {  	v5 =	vld [tilespmem:s25+$0x190E0];
	_ =	sdelay $0x2  }
0x2e0: {  	s30 =	simm.s32 $0x60  }
0x2e1: {  	v6 =	vor.u32 s30, v4  }
0x2e2: {  	v6 =	vand.u32 $0xEF, v6;
	vm12 =	vge.s32 v5, v1;
	vm13 =	vlt.s32 v5, v2  }
0x2e3: {  	v6 =	vor.u32 $0x3100, v6;
	v5 =	vsub.s32 v5, v1;
	vm0 =	vmand vm12, vm13  }
0x2e4: {  	v5 =	vsel vm0, v5, v6  }
0x2e5: {  	[tilespmem:$0x1A4A0] =	vst v5  }
0x2e6: {  	v5 =	vld [tilespmem:s25+$0x190F0];
	_ =	sdelay $0x2  }
0x2e7: {  	s31 =	simm.s32 $0x70  }
0x2e8: {  	v6 =	vor.u32 s31, v4  }
0x2e9: {  	v6 =	vand.u32 $0xFF, v6;
	vm14 =	vge.s32 v5, v1;
	vm15 =	vlt.s32 v5, v2  }
0x2ea: {  	v6 =	vor.u32 $0x3100, v6;
	v5 =	vsub.s32 v5, v1;
	vm0 =	vmand vm14, vm15  }
0x2eb: {  	v5 =	vsel vm0, v5, v6  }
0x2ec: {  	[tilespmem:$0x1A4B0] =	vst v5  }
0x2ed: {  	p0 =	por $0x0, $0x0;
	_ =	swait.ge [sflag:s19], $0x2000  }
0x2ee: {  	s26 =	simm.s32 @!p0 $0x19100;
	[sflag:s19] =	ssyncset.done $0x0  }
0x2ef: {  	s28 =	simm.s32 @!p0 $0x40;
	s25 =	simm.s32 @!p0 $0x1A500;
	[sflag:s19] =	ssyncadd.s32 $0xFFFFE000  }
0x2f0: {  	[tilespmem:s25], [sflag:$0x1] =	stream.indirect.gather @!p0 [hbm4b:s4+s28], $0x80, s26, s28, $0xb8;
	[tilespmem:$0x1E500] =	vst v63  }
0x2f1: {  	_ =	swait.ge [sflag:s20], $0x2000  }
0x2f2: {  	[sflag:s20] =	ssyncset.done $0x0  }
0x2f3: {  	s25 =	simm.s32 $0x400;
	s26 =	simm.s32 $0x80;
	[sflag:s20] =	ssyncadd.s32 $0xFFFFE000  }
.LBB2_18:
0x2f4: {  	[spmem:s2] =	stream.indirect.scatter.add.f32 [tilespmem:s16], [sflag:$0x4], $0x80, s21, s15, $0xb8;
	[tilespmem:$0x1E500] =	vst v63  }
0x2f5: {  	s29 =	sshra.s32 s25, $0x2;
	s28 =	smov.u32 s25;
	s25 =	sadd.s32 $0x400, s25  }
0x2f6: {  	p0 =	sne.s32 s25, $0x5000;
	v5 =	vld [tilespmem:s29+$0x19040];
	_ =	sdelay $0x3  }
0x2f7: {  	v6 =	vor.u32 s26, v4  }
0x2f8: {  	v6 =	vand.u32 $0x8F, v6;
	vm0 =	vge.s32 v5, v1;
	vm1 =	vlt.s32 v5, v2  }
0x2f9: {  	v6 =	vor.u32 $0x3100, v6;
	v5 =	vsub.s32 v5, v1;
	vm0 =	vmand vm0, vm1  }
0x2fa: {  	v5 =	vsel vm0, v5, v6  }
0x2fb: {  	[tilespmem:$0x1A400] =	vst v5  }
0x2fc: {  	v5 =	vld [tilespmem:s29+$0x19050];
	_ =	sdelay $0x2  }
0x2fd: {  	s30 =	sadd.s32 $0x10, s26  }
0x2fe: {  	v6 =	vor.u32 s30, v4  }
0x2ff: {  	v6 =	vand.u32 $0x9F, v6;
	vm0 =	vge.s32 v5, v1;
	vm1 =	vlt.s32 v5, v2  }
0x300: {  	v6 =	vor.u32 $0x3100, v6;
	v5 =	vsub.s32 v5, v1;
	vm0 =	vmand vm0, vm1  }
0x301: {  	v5 =	vsel vm0, v5, v6  }
0x302: {  	[tilespmem:$0x1A410] =	vst v5  }
0x303: {  	v5 =	vld [tilespmem:s29+$0x19060];
	_ =	sdelay $0x2  }
0x304: {  	s30 =	sadd.s32 $0x20, s26  }
0x305: {  	v6 =	vor.u32 s30, v4  }
0x306: {  	v6 =	vand.u32 $0xAF, v6;
	vm0 =	vge.s32 v5, v1;
	vm1 =	vlt.s32 v5, v2  }
0x307: {  	v6 =	vor.u32 $0x3100, v6;
	v5 =	vsub.s32 v5, v1;
	vm0 =	vmand vm0, vm1  }
0x308: {  	v5 =	vsel vm0, v5, v6  }
0x309: {  	[tilespmem:$0x1A420] =	vst v5  }
0x30a: {  	v5 =	vld [tilespmem:s29+$0x19070];
	_ =	sdelay $0x2  }
0x30b: {  	s30 =	sadd.s32 $0x30, s26  }
0x30c: {  	v6 =	vor.u32 s30, v4  }
0x30d: {  	v6 =	vand.u32 $0xBF, v6;
	vm0 =	vge.s32 v5, v1;
	vm1 =	vlt.s32 v5, v2  }
0x30e: {  	v6 =	vor.u32 $0x3100, v6;
	v5 =	vsub.s32 v5, v1;
	vm0 =	vmand vm0, vm1  }
0x30f: {  	p1 =	seq.s32 s28, $0x0;
	v5 =	vsel vm0, v5, v6  }
0x310: {  	s30 =	simm.s32 @!p1 $0x4;
	[tilespmem:$0x1A430] =	vst v5  }
0x311: {  	_ =	swait.ge @!p1 [sflag:s30], $0x2000  }
0x312: {  	[sflag:s30] =	ssyncset.done @!p1 $0x0  }
0x313: {  	[sflag:s30] =	ssyncadd.s32 @!p1 $0xFFFFE000;
	s30 =	sadd.s32 $0x19080, s29  }
0x314: {  	[tilespmem:s16], [sflag:$0x2] =	stream.indirect.gather [hbm4b:s4+s15], $0x80, s30, s15, $0xb8;
	[tilespmem:$0x1E500] =	vst v63  }
0x315: {  	_ =	swait.ge [sflag:s17], $0x2000  }
0x316: {  	[sflag:s17] =	ssyncset.done $0x0  }
0x317: {  	[sflag:s17] =	ssyncadd.s32 $0xFFFFE000  }
0x318: {  	[spmem:s2] =	stream.indirect.scatter.add.f32 [tilespmem:s12], [sflag:$0x3], $0x80, s18, s15, $0xb8;
	[tilespmem:$0x1E500] =	vst v63  }
0x319: {  	v5 =	vld [tilespmem:s29+$0x190C0];
	_ =	sdelay $0x2  }
0x31a: {  	s30 =	sadd.s32 $0x40, s26  }
0x31b: {  	v6 =	vor.u32 s30, v4  }
0x31c: {  	v6 =	vand.u32 $0xCF, v6;
	vm0 =	vge.s32 v5, v1;
	vm1 =	vlt.s32 v5, v2  }
0x31d: {  	v6 =	vor.u32 $0x3100, v6;
	v5 =	vsub.s32 v5, v1;
	vm0 =	vmand vm0, vm1  }
0x31e: {  	v5 =	vsel vm0, v5, v6  }
0x31f: {  	[tilespmem:$0x1A480] =	vst v5  }
0x320: {  	v5 =	vld [tilespmem:s29+$0x190D0];
	_ =	sdelay $0x2  }
0x321: {  	s30 =	sadd.s32 $0x50, s26  }
0x322: {  	v6 =	vor.u32 s30, v4  }
0x323: {  	v6 =	vand.u32 $0xDF, v6;
	vm0 =	vge.s32 v5, v1;
	vm1 =	vlt.s32 v5, v2  }
0x324: {  	v6 =	vor.u32 $0x3100, v6;
	v5 =	vsub.s32 v5, v1;
	vm0 =	vmand vm0, vm1  }
0x325: {  	v5 =	vsel vm0, v5, v6  }
0x326: {  	[tilespmem:$0x1A490] =	vst v5  }
0x327: {  	v5 =	vld [tilespmem:s29+$0x190E0];
	_ =	sdelay $0x2  }
0x328: {  	s30 =	sadd.s32 $0x60, s26  }
0x329: {  	v6 =	vor.u32 s30, v4  }
0x32a: {  	v6 =	vand.u32 $0xEF, v6;
	vm0 =	vge.s32 v5, v1;
	vm1 =	vlt.s32 v5, v2  }
0x32b: {  	v6 =	vor.u32 $0x3100, v6;
	v5 =	vsub.s32 v5, v1;
	vm0 =	vmand vm0, vm1  }
0x32c: {  	v5 =	vsel vm0, v5, v6  }
0x32d: {  	[tilespmem:$0x1A4A0] =	vst v5  }
0x32e: {  	v5 =	vld [tilespmem:s29+$0x190F0];
	_ =	sdelay $0x2  }
0x32f: {  	s29 =	sadd.s32 $0x70, s26  }
0x330: {  	v6 =	vor.u32 s29, v4  }
0x331: {  	v6 =	vand.u32 $0xFF, v6;
	vm0 =	vge.s32 v5, v1;
	vm1 =	vlt.s32 v5, v2  }
0x332: {  	v6 =	vor.u32 $0x3100, v6;
	v5 =	vsub.s32 v5, v1;
	vm0 =	vmand vm0, vm1  }
0x333: {  	v5 =	vsel vm0, v5, v6  }
0x334: {  	p1 =	seq.s32 s28, $0x4C00;
	[tilespmem:$0x1A4B0] =	vst v5  }
0x335: {  	s28 =	sshra.s32 @!p1 s28, $0x2;
	_ =	swait.ge [sflag:s19], $0x2000  }
0x336: {  	s28 =	sadd.s32 @!p1 $0x19100, s28;
	s29 =	simm.s32 @!p1 $0x1A500;
	[sflag:s19] =	ssyncset.done $0x0  }
.Ltmp8:
0x337: {  	s30 =	simm.s32 @!p1 $0x40;
	[sflag:s19] =	ssyncadd.s32 $0xFFFFE000;
	(pc) =	sbr.rel @p0 .LBB2_18-.Ltmp8, $4  }
0x338: {  	[tilespmem:s29], [sflag:$0x1] =	stream.indirect.gather @!p1 [hbm4b:s4+s30], $0x80, s28, s30, $0xb8;
	[tilespmem:$0x1E500] =	vst v63  }
0x339: {  	_ =	swait.ge [sflag:s20], $0x2000  }
0x33a: {  	[sflag:s20] =	ssyncset.done $0x0  }
0x33b: {  	s26 =	sadd.s32 $0x80, s26;
	[sflag:s20] =	ssyncadd.s32 $0xFFFFE000  }
0x33c: {  	[spmem:s2] =	stream.indirect.scatter.add.f32 [tilespmem:s16], [sflag:$0x4], $0x80, s21, s15, $0xb8;
	[tilespmem:$0x1E500] =	vst v63  }
0x33d: {  	_ =	swait.ge [sflag:s22], $0x2000  }
0x33e: {  	[sflag:s22] =	ssyncset.done $0x0  }
0x33f: {  	s26 =	simm.s32 $0x0;
	[sflag:s22] =	ssyncadd.s32 $0xFFFFE000  }
0x340: {  	[tilespmem:s14], [sflag:$0x5] =	stream.linear.gather [hbm4b:s7+s26], $0x1400, $0x38;
	[tilespmem:$0x1E500] =	vst v63  }
0x341: {  	_ =	swait.ge [sflag:s13], $0x1400  }
0x342: {  	[sflag:s13] =	ssyncset.done $0x0  }
0x343: {  	s25 =	simm.s32 $0x0;
	[sflag:s13] =	ssyncadd.s32 $0xFFFFEC00  }
0x344: {  	[tilespmem:s12], [sflag:$0x1] =	stream.indirect.gather [hbm4b:s4+s15], $0x80, s14, s15, $0xb8;
	[tilespmem:$0x1E500] =	vst v63  }
0x345: {  	v5 =	vld [tilespmem:s25+$0x19040];
	_ =	sdelay $0x3  }
0x346: {  	v6 =	vor.u32 s26, v4  }
0x347: {  	v6 =	vand.u32 $0x8F, v6;
	vm0 =	vge.s32 v5, v1;
	vm1 =	vlt.s32 v5, v2  }
0x348: {  	v6 =	vor.u32 $0x3100, v6;
	v5 =	vsub.s32 v5, v1;
	vm0 =	vmand vm0, vm1  }
0x349: {  	v5 =	vsel vm0, v5, v6  }
0x34a: {  	[tilespmem:$0x1A400] =	vst v5  }
0x34b: {  	v5 =	vld [tilespmem:s25+$0x19050];
	_ =	sdelay $0x2  }
0x34c: {  	s28 =	simm.s32 $0x10  }
0x34d: {  	v6 =	vor.u32 s28, v4  }
0x34e: {  	v6 =	vand.u32 $0x9F, v6;
	vm14 =	vge.s32 v5, v1;
	vm15 =	vlt.s32 v5, v2  }
0x34f: {  	v6 =	vor.u32 $0x3100, v6;
	v5 =	vsub.s32 v5, v1;
	vm0 =	vmand vm14, vm15  }
0x350: {  	v5 =	vsel vm0, v5, v6  }
0x351: {  	[tilespmem:$0x1A410] =	vst v5  }
0x352: {  	v5 =	vld [tilespmem:s25+$0x19060];
	_ =	sdelay $0x2  }
0x353: {  	s29 =	simm.s32 $0x20  }
0x354: {  	v6 =	vor.u32 s29, v4  }
0x355: {  	v6 =	vand.u32 $0xAF, v6;
	vm4 =	vge.s32 v5, v1;
	vm5 =	vlt.s32 v5, v2  }
0x356: {  	v6 =	vor.u32 $0x3100, v6;
	v5 =	vsub.s32 v5, v1;
	vm0 =	vmand vm4, vm5  }
0x357: {  	v5 =	vsel vm0, v5, v6  }
0x358: {  	[tilespmem:$0x1A420] =	vst v5  }
0x359: {  	v5 =	vld [tilespmem:s25+$0x19070];
	_ =	sdelay $0x2  }
0x35a: {  	s30 =	simm.s32 $0x30  }
0x35b: {  	v6 =	vor.u32 s30, v4  }
0x35c: {  	v6 =	vand.u32 $0xBF, v6;
	vm6 =	vge.s32 v5, v1;
	vm7 =	vlt.s32 v5, v2  }
0x35d: {  	v6 =	vor.u32 $0x3100, v6;
	v5 =	vsub.s32 v5, v1;
	vm0 =	vmand vm6, vm7  }
0x35e: {  	p0 =	por $0x1, $0x1;
	v5 =	vsel vm0, v5, v6  }
0x35f: {  	s26 =	simm.s32 @!p0 $0x4;
	[tilespmem:$0x1A430] =	vst v5  }
0x360: {  	_ =	swait.ge @!p0 [sflag:s26], $0x2000  }
0x361: {  	[sflag:s26] =	ssyncset.done @!p0 $0x0  }
0x362: {  	s31 =	simm.s32 $0x19080;
	[sflag:s26] =	ssyncadd.s32 @!p0 $0xFFFFE000  }
0x363: {  	[tilespmem:s16], [sflag:$0x2] =	stream.indirect.gather [hbm4b:s4+s15], $0x80, s31, s15, $0xb8;
	[tilespmem:$0x1E500] =	vst v63  }
0x364: {  	_ =	swait.ge [sflag:s17], $0x2000  }
0x365: {  	[sflag:s17] =	ssyncset.done $0x0  }
0x366: {  	[sflag:s17] =	ssyncadd.s32 $0xFFFFE000  }
0x367: {  	[spmem:s2] =	stream.indirect.scatter.add.f32 [tilespmem:s12], [sflag:$0x3], $0x80, s18, s15, $0xb8;
	[tilespmem:$0x1E500] =	vst v63  }
0x368: {  	v5 =	vld [tilespmem:s25+$0x190C0];
	_ =	sdelay $0x2  }
0x369: {  	s28 =	simm.s32 $0x40  }
0x36a: {  	v6 =	vor.u32 s28, v4  }
0x36b: {  	v6 =	vand.u32 $0xCF, v6;
	vm8 =	vge.s32 v5, v1;
	vm9 =	vlt.s32 v5, v2  }
0x36c: {  	v6 =	vor.u32 $0x3100, v6;
	v5 =	vsub.s32 v5, v1;
	vm0 =	vmand vm8, vm9  }
0x36d: {  	v5 =	vsel vm0, v5, v6  }
0x36e: {  	[tilespmem:$0x1A480] =	vst v5  }
0x36f: {  	v5 =	vld [tilespmem:s25+$0x190D0];
	_ =	sdelay $0x2  }
0x370: {  	s29 =	simm.s32 $0x50  }
0x371: {  	v6 =	vor.u32 s29, v4  }
0x372: {  	v6 =	vand.u32 $0xDF, v6;
	vm10 =	vge.s32 v5, v1;
	vm11 =	vlt.s32 v5, v2  }
0x373: {  	v6 =	vor.u32 $0x3100, v6;
	v5 =	vsub.s32 v5, v1;
	vm0 =	vmand vm10, vm11  }
0x374: {  	v5 =	vsel vm0, v5, v6  }
0x375: {  	[tilespmem:$0x1A490] =	vst v5  }
0x376: {  	v5 =	vld [tilespmem:s25+$0x190E0];
	_ =	sdelay $0x2  }
0x377: {  	s30 =	simm.s32 $0x60  }
0x378: {  	v6 =	vor.u32 s30, v4  }
0x379: {  	v6 =	vand.u32 $0xEF, v6;
	vm12 =	vge.s32 v5, v1;
	vm13 =	vlt.s32 v5, v2  }
0x37a: {  	v6 =	vor.u32 $0x3100, v6;
	v5 =	vsub.s32 v5, v1;
	vm0 =	vmand vm12, vm13  }
0x37b: {  	v5 =	vsel vm0, v5, v6  }
0x37c: {  	[tilespmem:$0x1A4A0] =	vst v5  }
0x37d: {  	v5 =	vld [tilespmem:s25+$0x190F0];
	_ =	sdelay $0x2  }
0x37e: {  	s31 =	simm.s32 $0x70  }
0x37f: {  	v6 =	vor.u32 s31, v4  }
0x380: {  	v6 =	vand.u32 $0xFF, v6;
	vm14 =	vge.s32 v5, v1;
	vm15 =	vlt.s32 v5, v2  }
0x381: {  	v6 =	vor.u32 $0x3100, v6;
	v5 =	vsub.s32 v5, v1;
	vm0 =	vmand vm14, vm15  }
0x382: {  	v5 =	vsel vm0, v5, v6  }
0x383: {  	[tilespmem:$0x1A4B0] =	vst v5  }
0x384: {  	p0 =	por $0x0, $0x0;
	_ =	swait.ge [sflag:s19], $0x2000  }
0x385: {  	s26 =	simm.s32 @!p0 $0x19100;
	[sflag:s19] =	ssyncset.done $0x0  }
0x386: {  	s28 =	simm.s32 @!p0 $0x40;
	s25 =	simm.s32 @!p0 $0x1A500;
	[sflag:s19] =	ssyncadd.s32 $0xFFFFE000  }
0x387: {  	[tilespmem:s25], [sflag:$0x1] =	stream.indirect.gather @!p0 [hbm4b:s4+s28], $0x80, s26, s28, $0xb8;
	[tilespmem:$0x1E500] =	vst v63  }
0x388: {  	_ =	swait.ge [sflag:s20], $0x2000  }
0x389: {  	[sflag:s20] =	ssyncset.done $0x0  }
0x38a: {  	s25 =	simm.s32 $0x400;
	s26 =	simm.s32 $0x80;
	[sflag:s20] =	ssyncadd.s32 $0xFFFFE000  }
.LBB2_20:
0x38b: {  	[spmem:s2] =	stream.indirect.scatter.add.f32 [tilespmem:s16], [sflag:$0x4], $0x80, s21, s15, $0xb8;
	[tilespmem:$0x1E500] =	vst v63  }
0x38c: {  	s29 =	sshra.s32 s25, $0x2;
	s28 =	smov.u32 s25;
	s25 =	sadd.s32 $0x400, s25  }
0x38d: {  	p0 =	sne.s32 s25, $0x5000;
	v5 =	vld [tilespmem:s29+$0x19040];
	_ =	sdelay $0x3  }
0x38e: {  	v6 =	vor.u32 s26, v4  }
0x38f: {  	v6 =	vand.u32 $0x8F, v6;
	vm0 =	vge.s32 v5, v1;
	vm1 =	vlt.s32 v5, v2  }
0x390: {  	v6 =	vor.u32 $0x3100, v6;
	v5 =	vsub.s32 v5, v1;
	vm0 =	vmand vm0, vm1  }
0x391: {  	v5 =	vsel vm0, v5, v6  }
0x392: {  	[tilespmem:$0x1A400] =	vst v5  }
0x393: {  	v5 =	vld [tilespmem:s29+$0x19050];
	_ =	sdelay $0x2  }
0x394: {  	s30 =	sadd.s32 $0x10, s26  }
0x395: {  	v6 =	vor.u32 s30, v4  }
0x396: {  	v6 =	vand.u32 $0x9F, v6;
	vm0 =	vge.s32 v5, v1;
	vm1 =	vlt.s32 v5, v2  }
0x397: {  	v6 =	vor.u32 $0x3100, v6;
	v5 =	vsub.s32 v5, v1;
	vm0 =	vmand vm0, vm1  }
0x398: {  	v5 =	vsel vm0, v5, v6  }
0x399: {  	[tilespmem:$0x1A410] =	vst v5  }
0x39a: {  	v5 =	vld [tilespmem:s29+$0x19060];
	_ =	sdelay $0x2  }
0x39b: {  	s30 =	sadd.s32 $0x20, s26  }
0x39c: {  	v6 =	vor.u32 s30, v4  }
0x39d: {  	v6 =	vand.u32 $0xAF, v6;
	vm0 =	vge.s32 v5, v1;
	vm1 =	vlt.s32 v5, v2  }
0x39e: {  	v6 =	vor.u32 $0x3100, v6;
	v5 =	vsub.s32 v5, v1;
	vm0 =	vmand vm0, vm1  }
0x39f: {  	v5 =	vsel vm0, v5, v6  }
0x3a0: {  	[tilespmem:$0x1A420] =	vst v5  }
0x3a1: {  	v5 =	vld [tilespmem:s29+$0x19070];
	_ =	sdelay $0x2  }
0x3a2: {  	s30 =	sadd.s32 $0x30, s26  }
0x3a3: {  	v6 =	vor.u32 s30, v4  }
0x3a4: {  	v6 =	vand.u32 $0xBF, v6;
	vm0 =	vge.s32 v5, v1;
	vm1 =	vlt.s32 v5, v2  }
0x3a5: {  	v6 =	vor.u32 $0x3100, v6;
	v5 =	vsub.s32 v5, v1;
	vm0 =	vmand vm0, vm1  }
0x3a6: {  	p1 =	seq.s32 s28, $0x0;
	v5 =	vsel vm0, v5, v6  }
0x3a7: {  	s30 =	simm.s32 @!p1 $0x4;
	[tilespmem:$0x1A430] =	vst v5  }
0x3a8: {  	_ =	swait.ge @!p1 [sflag:s30], $0x2000  }
0x3a9: {  	[sflag:s30] =	ssyncset.done @!p1 $0x0  }
0x3aa: {  	[sflag:s30] =	ssyncadd.s32 @!p1 $0xFFFFE000;
	s30 =	sadd.s32 $0x19080, s29  }
0x3ab: {  	[tilespmem:s16], [sflag:$0x2] =	stream.indirect.gather [hbm4b:s4+s15], $0x80, s30, s15, $0xb8;
	[tilespmem:$0x1E500] =	vst v63  }
0x3ac: {  	_ =	swait.ge [sflag:s17], $0x2000  }
0x3ad: {  	[sflag:s17] =	ssyncset.done $0x0  }
0x3ae: {  	[sflag:s17] =	ssyncadd.s32 $0xFFFFE000  }
0x3af: {  	[spmem:s2] =	stream.indirect.scatter.add.f32 [tilespmem:s12], [sflag:$0x3], $0x80, s18, s15, $0xb8;
	[tilespmem:$0x1E500] =	vst v63  }
0x3b0: {  	v5 =	vld [tilespmem:s29+$0x190C0];
	_ =	sdelay $0x2  }
0x3b1: {  	s30 =	sadd.s32 $0x40, s26  }
0x3b2: {  	v6 =	vor.u32 s30, v4  }
0x3b3: {  	v6 =	vand.u32 $0xCF, v6;
	vm0 =	vge.s32 v5, v1;
	vm1 =	vlt.s32 v5, v2  }
0x3b4: {  	v6 =	vor.u32 $0x3100, v6;
	v5 =	vsub.s32 v5, v1;
	vm0 =	vmand vm0, vm1  }
0x3b5: {  	v5 =	vsel vm0, v5, v6  }
0x3b6: {  	[tilespmem:$0x1A480] =	vst v5  }
0x3b7: {  	v5 =	vld [tilespmem:s29+$0x190D0];
	_ =	sdelay $0x2  }
0x3b8: {  	s30 =	sadd.s32 $0x50, s26  }
0x3b9: {  	v6 =	vor.u32 s30, v4  }
0x3ba: {  	v6 =	vand.u32 $0xDF, v6;
	vm0 =	vge.s32 v5, v1;
	vm1 =	vlt.s32 v5, v2  }
0x3bb: {  	v6 =	vor.u32 $0x3100, v6;
	v5 =	vsub.s32 v5, v1;
	vm0 =	vmand vm0, vm1  }
0x3bc: {  	v5 =	vsel vm0, v5, v6  }
0x3bd: {  	[tilespmem:$0x1A490] =	vst v5  }
0x3be: {  	v5 =	vld [tilespmem:s29+$0x190E0];
	_ =	sdelay $0x2  }
0x3bf: {  	s30 =	sadd.s32 $0x60, s26  }
0x3c0: {  	v6 =	vor.u32 s30, v4  }
0x3c1: {  	v6 =	vand.u32 $0xEF, v6;
	vm0 =	vge.s32 v5, v1;
	vm1 =	vlt.s32 v5, v2  }
0x3c2: {  	v6 =	vor.u32 $0x3100, v6;
	v5 =	vsub.s32 v5, v1;
	vm0 =	vmand vm0, vm1  }
0x3c3: {  	v5 =	vsel vm0, v5, v6  }
0x3c4: {  	[tilespmem:$0x1A4A0] =	vst v5  }
0x3c5: {  	v5 =	vld [tilespmem:s29+$0x190F0];
	_ =	sdelay $0x2  }
0x3c6: {  	s29 =	sadd.s32 $0x70, s26  }
0x3c7: {  	v6 =	vor.u32 s29, v4  }
0x3c8: {  	v6 =	vand.u32 $0xFF, v6;
	vm0 =	vge.s32 v5, v1;
	vm1 =	vlt.s32 v5, v2  }
0x3c9: {  	v6 =	vor.u32 $0x3100, v6;
	v5 =	vsub.s32 v5, v1;
	vm0 =	vmand vm0, vm1  }
0x3ca: {  	v5 =	vsel vm0, v5, v6  }
0x3cb: {  	p1 =	seq.s32 s28, $0x4C00;
	[tilespmem:$0x1A4B0] =	vst v5  }
0x3cc: {  	s28 =	sshra.s32 @!p1 s28, $0x2;
	_ =	swait.ge [sflag:s19], $0x2000  }
0x3cd: {  	s28 =	sadd.s32 @!p1 $0x19100, s28;
	s29 =	simm.s32 @!p1 $0x1A500;
	[sflag:s19] =	ssyncset.done $0x0  }
.Ltmp9:
0x3ce: {  	s30 =	simm.s32 @!p1 $0x40;
	[sflag:s19] =	ssyncadd.s32 $0xFFFFE000;
	(pc) =	sbr.rel @p0 .LBB2_20-.Ltmp9, $4  }
0x3cf: {  	[tilespmem:s29], [sflag:$0x1] =	stream.indirect.gather @!p1 [hbm4b:s4+s30], $0x80, s28, s30, $0xb8;
	[tilespmem:$0x1E500] =	vst v63  }
0x3d0: {  	_ =	swait.ge [sflag:s20], $0x2000  }
0x3d1: {  	[sflag:s20] =	ssyncset.done $0x0  }
0x3d2: {  	s26 =	sadd.s32 $0x80, s26;
	[sflag:s20] =	ssyncadd.s32 $0xFFFFE000  }
0x3d3: {  	[spmem:s2] =	stream.indirect.scatter.add.f32 [tilespmem:s16], [sflag:$0x4], $0x80, s21, s15, $0xb8;
	[tilespmem:$0x1E500] =	vst v63  }
0x3d4: {  	_ =	swait.ge [sflag:s22], $0x2000  }
0x3d5: {  	[sflag:s22] =	ssyncset.done $0x0  }
0x3d6: {  	s3 =	sadd.s32 $0x1, s3;
	[sflag:s22] =	ssyncadd.s32 $0xFFFFE000  }
0x3d7: {  	p0 =	sne.s32 s3, s11;
	[bflag:$0x0] =	sbarrier.arrive $0xFFFF  }
0x3d8: {  	[hbm:s10], [sflag:s23] =	dma.local [spmem:s24], $0x3100  }
.Ltmp10:
0x3d9: {  	_ =	swait.ge [sflag:s13], $0x3100;
	(pc) =	sbr.rel @p0 .LBB2_1-.Ltmp10, $3  }
0x3da: {  	[sflag:s13] =	ssyncset.done $0x0  }
0x3db: {  	[sflag:s13] =	ssyncadd.s32 $0xFFFFCF00  }
0x3dc: {  	[bflag:$0x0] =	sbarrier.arrive $0xFFFF;
	_ =	sdelay $0x1  }
0x3dd: {  	_ =	sfence.sel $0x180000  }
0x3de: {  	[bflag:$0x0] =	sbarrier.arrive $0xFFFF  }
0x3df: {  	p0 =	sne.s32 s1, $0x0;
	_ =	strace $0x9000004A  }
0x3e0: {  	s0 =	sadd.s32 @!p0 $0x100000, s0;
	[bflag:$0x2] =	sbarrier.arrive $0xFFFF  }
0x3e1: {  	[sflag:s0] =	ssyncadd.tile.s32 @!p0 $0x1;
	_ =	shalt  }
.Lfunc_end2:
_tile_overlayer_lowered:
.L_overlay_start_2:
0x3e2: {  	(tag) =	ssettag $0x2  }
0x3e3: {  	s0 =	rddreg [dreg:$0x0];
	s2 =	stileid.u32  }
0x3e4: {  	s1 =	rddreg [dreg:$0x1];
	p0 =	sne.s32 s2, $0x0  }
0x3e5: {  	s3 =	rddreg [dreg:$0x2];
	[bflag:$0x3] =	sbarrier.arrive $0xFFFF;
	s2 =	simm.s32 @!p0 $0x1C05  }
0x3e6: {  	[timem:s3], [sflag:s2] =	dma.local @!p0 [hbm:s0], s1  }
0x3e7: {  	s0 =	simm.s32 @!p0 $0x5  }
0x3e8: {  	_ =	swait.ge @!p0 [sflag:s0], s1  }
0x3e9: {  	s1 =	ssub.s32 @!p0 $0x0, s1;
	[sflag:s0] =	ssyncset.done @!p0 $0x0  }
0x3ea: {  	[sflag:s0] =	ssyncadd.s32 @!p0 s1  }
0x3eb: {  	[bflag:$0x3] =	sbarrier.arrive $0xFFFF  }
0x3ec: {  	_ =	shalt  }

</sc_bundles>
